<compile_context>
chip_gen: v7x
topology: tpu7x:2x2x1
jax: 0.10.2.dev20260603
libtpu: 0.0.44.dev20260713+nightly
codegen_flags: <defaults>
</compile_context>

<pallas_src>
import functools

import jax
import jax.numpy as jnp
from jax import lax
from jax.experimental import pallas as pl
from jax.experimental.pallas import tpu as pltpu
from jax.experimental.pallas import tpu_sc as plsc

N = 10000
E = 160000
D_IN = 256
D_HID = 512
D_OUT = 256

NC = 2
NS = 16
CH = 128
OPW = 16
E_PAD = 163840
CHUNKS = E_PAD // NS // CH
DEG_CHUNKS = E_PAD // (NC * NS) // CH
N_PAD = 10240
ROWS_PER_TILE = N_PAD // NS
N2 = NC * N_PAD

_MESH = plsc.VectorSubcoreMesh(core_axis_name="c", subcore_axis_name="s")


def _sc_deg_body(dstp, ones_hbm, zeros_hbm, deg_out, idx_v, ones_v, stage_v,
                 acc_sh, ssem, isem):
    c = lax.axis_index("c")
    s = lax.axis_index("s")
    off = c * N_PAD

    pltpu.sync_copy(ones_hbm, ones_v)
    pltpu.sync_copy(zeros_hbm, stage_v)
    for i in range(ROWS_PER_TILE // CH):
        pltpu.sync_copy(stage_v, acc_sh.at[pl.ds(s * ROWS_PER_TILE + i * CH, CH)])
    plsc.subcore_barrier()

    base = (c * NS + s) * (DEG_CHUNKS * CH)

    pltpu.sync_copy(dstp.at[pl.ds(base, CH)], idx_v.at[pl.ds(0, CH)])

    def chunk(j, carry):
        b = j % 2
        bn = (j + 1) % 2
        @pl.when(j > 0)
        def _():
            pltpu.make_async_copy(zeros_hbm, stage_v, ssem).wait()
            pltpu.make_async_copy(dstp.at[pl.ds(0, CH)],
                                  idx_v.at[pl.ds(0, CH)], isem).wait()
        for k in range(CH // OPW):
            didx = idx_v[pl.ds(b * CH + k * OPW, OPW)]
            pltpu.async_copy(ones_v, acc_sh.at[didx], ssem, add=True)
        @pl.when(j + 1 < DEG_CHUNKS)
        def _():
            pltpu.async_copy(dstp.at[pl.ds(base + (j + 1) * CH, CH)],
                             idx_v.at[pl.ds(bn * CH, CH)], isem)
        return carry

    lax.fori_loop(0, DEG_CHUNKS, chunk, 0)
    pltpu.make_async_copy(zeros_hbm, stage_v, ssem).wait()
    plsc.subcore_barrier()
    for i in range(ROWS_PER_TILE // CH):
        r = s * ROWS_PER_TILE + i * CH
        pltpu.sync_copy(acc_sh.at[pl.ds(r, CH)], stage_v)
        pltpu.sync_copy(stage_v, deg_out.at[pl.ds(off + r, CH)])


_sc_deg = pl.kernel(
    _sc_deg_body,
    out_type=jax.ShapeDtypeStruct((N2, 128), jnp.float32),
    mesh=_MESH,
    scratch_types=[
        pltpu.VMEM((2 * CH,), jnp.int32),
        pltpu.VMEM((OPW, 128), jnp.float32),
        pltpu.VMEM((CH, 128), jnp.float32),
        pltpu.VMEM_SHARED((N_PAD, 128), jnp.float32),
        pltpu.SemaphoreType.DMA,
        pltpu.SemaphoreType.DMA,
    ],
)


def _sc_agg_body(feat, srcp, dstp, zeros_hbm, out, src_v, dst_v, rows_v,
                 stage_v, acc_sh, gsem, ssem, isem):
    c = lax.axis_index("c")
    s = lax.axis_index("s")
    off = c * N_PAD

    for i in range(ROWS_PER_TILE // CH):
        pltpu.sync_copy(zeros_hbm,
                        acc_sh.at[pl.ds(s * ROWS_PER_TILE + i * CH, CH)])
    plsc.subcore_barrier()

    base = s * (CHUNKS * CH)

    def fire_gathers(j, b):
        for k in range(CH // OPW):
            sidx = src_v[pl.ds(b * CH + k * OPW, OPW)] + off
            pltpu.async_copy(feat.at[sidx],
                             rows_v.at[pl.ds(b * CH + k * OPW, OPW)], gsem)

    pltpu.sync_copy(srcp.at[pl.ds(base, CH)], src_v.at[pl.ds(0, CH)])
    pltpu.sync_copy(dstp.at[pl.ds(base, CH)], dst_v.at[pl.ds(0, CH)])
    fire_gathers(0, 0)
    pltpu.async_copy(srcp.at[pl.ds(base + CH, CH)], src_v.at[pl.ds(CH, CH)], isem)
    pltpu.async_copy(dstp.at[pl.ds(base + CH, CH)], dst_v.at[pl.ds(CH, CH)], isem)

    def chunk(j, carry):
        b = j % 2
        bn = (j + 1) % 2
        @pl.when(j > 0)
        def _():
            pltpu.make_async_copy(zeros_hbm, rows_v.at[pl.ds(0, CH)],
                                  ssem).wait()
        @pl.when(j + 1 < CHUNKS)
        def _():
            pltpu.make_async_copy(srcp.at[pl.ds(0, CH)],
                                  src_v.at[pl.ds(0, CH)], isem).wait()
            pltpu.make_async_copy(dstp.at[pl.ds(0, CH)],
                                  dst_v.at[pl.ds(0, CH)], isem).wait()
            fire_gathers(j + 1, bn)
        pltpu.make_async_copy(zeros_hbm, rows_v.at[pl.ds(0, CH)], gsem).wait()
        for k in range(CH // OPW):
            didx = dst_v[pl.ds(b * CH + k * OPW, OPW)]
            pltpu.async_copy(rows_v.at[pl.ds(b * CH + k * OPW, OPW)],
                             acc_sh.at[didx], ssem, add=True)
        @pl.when(j + 2 < CHUNKS)
        def _():
            pltpu.async_copy(srcp.at[pl.ds(base + (j + 2) * CH, CH)],
                             src_v.at[pl.ds(b * CH, CH)], isem)
            pltpu.async_copy(dstp.at[pl.ds(base + (j + 2) * CH, CH)],
                             dst_v.at[pl.ds(b * CH, CH)], isem)
        return carry

    lax.fori_loop(0, CHUNKS, chunk, 0)
    pltpu.make_async_copy(zeros_hbm, rows_v.at[pl.ds(0, CH)], ssem).wait()
    plsc.subcore_barrier()
    for i in range(ROWS_PER_TILE // 64):
        r = s * ROWS_PER_TILE + i * 64
        pltpu.sync_copy(acc_sh.at[pl.ds(r, 64)], stage_v)
        pltpu.sync_copy(stage_v, out.at[pl.ds(off + r, 64)])


_sc_agg = pl.kernel(
    _sc_agg_body,
    out_type=jax.ShapeDtypeStruct((N2, 128), jnp.float32),
    mesh=_MESH,
    scratch_types=[
        pltpu.VMEM((2 * CH,), jnp.int32),
        pltpu.VMEM((2 * CH,), jnp.int32),
        pltpu.VMEM((2 * CH, 128), jnp.float32),
        pltpu.VMEM((64, 128), jnp.float32),
        pltpu.VMEM_SHARED((N_PAD, 128), jnp.float32),
        pltpu.SemaphoreType.DMA,
        pltpu.SemaphoreType.DMA,
        pltpu.SemaphoreType.DMA,
    ],
)


_BA = 256


def _row_mask(i, b):
    rows = i * b + lax.broadcasted_iota(jnp.int32, (b, 1), 0)
    return rows < N


def _tc_pre_body(x_ref, deg_ref, xs_ref, degsum_ref):
    mask = _row_mask(pl.program_id(0), _BA)
    deg = deg_ref[0] + deg_ref[1]
    dinv = lax.rsqrt(deg[:, 0:1] + 1.0)
    xs = jnp.where(mask, x_ref[...] * dinv, 0.0)
    xs_ref[0] = xs[:, :128]
    xs_ref[1] = xs[:, 128:]
    degsum_ref[...] = deg[:, :16]


def _tc_mid_body(s1_ref, x_ref, deg_ref, w1_ref, b1_ref, w2_ref, b2_ref,
                 ys_ref, t_ref):
    mask = _row_mask(pl.program_id(0), _BA)
    dinv = lax.rsqrt(deg_ref[:, 0:1] + 1.0)
    x_blk = jnp.where(mask, x_ref[...], 0.0)
    s1 = jnp.concatenate([s1_ref[0], s1_ref[1]], axis=1)
    agg1 = dinv * s1 + (dinv * dinv) * x_blk
    h1 = jnp.maximum(
        jnp.dot(agg1, w1_ref[...], preferred_element_type=jnp.float32)
        + b1_ref[...], 0.0)
    y = jnp.dot(h1, w2_ref[...], preferred_element_type=jnp.float32)
    ys = jnp.where(mask, y * dinv, 0.0)
    ys_ref[0] = ys[:, :128]
    ys_ref[1] = ys[:, 128:]
    t_ref[...] = (dinv * dinv) * y + b2_ref[...]


def _tc_post_body(s2_ref, t_ref, deg_ref, o_ref):
    dinv = lax.rsqrt(deg_ref[:, 0:1] + 1.0)
    s2 = jnp.concatenate([s2_ref[0], s2_ref[1]], axis=1)
    o_ref[...] = dinv * s2 + t_ref[...]


def _rows(i):
    return (i, 0)


def _halves(i):
    return (0, i, 0)


def _whole(i):
    return (0, 0)


_tc_pre = pl.pallas_call(
    _tc_pre_body,
    grid=(N_PAD // _BA,),
    in_specs=[
        pl.BlockSpec((_BA, D_IN), _rows),
        pl.BlockSpec((NC, _BA, 128), _halves),
    ],
    out_specs=[
        pl.BlockSpec((NC, _BA, 128), _halves),
        pl.BlockSpec((_BA, 16), _rows),
    ],
    out_shape=[
        jax.ShapeDtypeStruct((NC, N_PAD, 128), jnp.float32),
        jax.ShapeDtypeStruct((N_PAD, 16), jnp.float32),
    ],
)

_tc_mid = pl.pallas_call(
    _tc_mid_body,
    grid=(N_PAD // _BA,),
    in_specs=[
        pl.BlockSpec((NC, _BA, 128), _halves),
        pl.BlockSpec((_BA, D_IN), _rows),
        pl.BlockSpec((_BA, 16), _rows),
        pl.BlockSpec((D_IN, D_HID), _whole),
        pl.BlockSpec((1, D_HID), _whole),
        pl.BlockSpec((D_HID, D_OUT), _whole),
        pl.BlockSpec((1, D_OUT), _whole),
    ],
    out_specs=[
        pl.BlockSpec((NC, _BA, 128), _halves),
        pl.BlockSpec((_BA, D_OUT), _rows),
    ],
    out_shape=[
        jax.ShapeDtypeStruct((NC, N_PAD, 128), jnp.float32),
        jax.ShapeDtypeStruct((N_PAD, D_OUT), jnp.float32),
    ],
)

_tc_post = pl.pallas_call(
    _tc_post_body,
    grid=(N_PAD // _BA,),
    in_specs=[
        pl.BlockSpec((NC, _BA, 128), _halves),
        pl.BlockSpec((_BA, D_OUT), _rows),
        pl.BlockSpec((_BA, 16), _rows),
    ],
    out_specs=pl.BlockSpec((_BA, D_OUT), _rows),
    out_shape=jax.ShapeDtypeStruct((N, D_OUT), jnp.float32),
)


def kernel(x, edge_index, W1, b1, W2, b2):
    src = edge_index[0].astype(jnp.int32)
    dst = edge_index[1].astype(jnp.int32)
    pad = N + jnp.arange(E_PAD - E, dtype=jnp.int32) % (N_PAD - N)
    srcp = jnp.concatenate([src, pad])
    dstp = jnp.concatenate([dst, pad])
    ones128 = jnp.ones((OPW, 128), jnp.float32)
    zeros128 = jnp.zeros((CH, 128), jnp.float32)

    deg2 = _sc_deg(dstp, ones128, zeros128)
    xs, deg16 = _tc_pre(x, deg2.reshape(NC, N_PAD, 128))
    s1 = _sc_agg(xs.reshape(N2, 128), srcp, dstp, zeros128)
    ys, t = _tc_mid(s1.reshape(NC, N_PAD, 128), x, deg16, W1,
                    b1.reshape(1, -1), W2, b2.reshape(1, -1))
    s2 = _sc_agg(ys.reshape(N2, 128), srcp, dstp, zeros128)
    return _tc_post(s2.reshape(NC, N_PAD, 128), t, deg16)

# --- scband reference (transcript-rebuilt; emitter-appended) ---
"""Pipeline reference for scband-gcnencoder-68161130987887 (READ-ONLY COPY).

The authoritative reference and input builder live on the scoring server;
editing this copy changes nothing except your own understanding.
"""

import jax, jax.numpy as jnp
import numpy as np

N_NODES = 10000
N_EDGES = 160000
D_IN = 256
D_HID = 512
D_OUT = 256

def setup_inputs(seed: int = 0) -> dict:
    key = jax.random.key(seed)
    k1, k2, k3, k4, k5, k6 = jax.random.split(key, 6)
    x = jax.random.normal(k1, (N_NODES, D_IN), dtype=jnp.float32)
    edge_index = jax.random.randint(k2, (2, N_EDGES), 0, N_NODES, dtype=jnp.int64)
    # Glorot-style init for GCN weights, zeros for biases (PyG default)
    W1 = jax.random.normal(k3, (D_IN, D_HID), dtype=jnp.float32) * (1.0 / np.sqrt(D_IN))
    b1 = jnp.zeros((D_HID,), dtype=jnp.float32)
    W2 = jax.random.normal(k4, (D_HID, D_OUT), dtype=jnp.float32) * (1.0 / np.sqrt(D_HID))
    b2 = jnp.zeros((D_OUT,), dtype=jnp.float32)
    return {"x": x, "edge_index": edge_index, "W1": W1, "b1": b1, "W2": W2, "b2": b2}

def _gcn_conv(x, src, dst, norm, W, b):
    # x' = W x (dense matmul, compute-heavy part)
    h = x @ W
    # message passing: gather from src, scale by symmetric norm, scatter-add to dst
    msg = jnp.take(h, src, axis=0) * norm[:, None]
    out = jnp.zeros((x.shape[0], W.shape[1]), dtype=h.dtype).at[dst].add(msg)
    return out + b

def reference(x, edge_index, W1, b1, W2, b2):
    n = x.shape[0]
    # add self-loops (as in PyG GCNConv default)
    loop = jnp.arange(n, dtype=edge_index.dtype)
    src = jnp.concatenate([edge_index[0], loop])
    dst = jnp.concatenate([edge_index[1], loop])
    # symmetric normalization D^{-1/2} (A+I) D^{-1/2}
    deg = jnp.zeros((n,), dtype=x.dtype).at[dst].add(1.0)
    deg_inv_sqrt = jnp.where(deg > 0, 1.0 / jnp.sqrt(deg), 0.0)
    norm = deg_inv_sqrt[src] * deg_inv_sqrt[dst]
    h = _gcn_conv(x, src, dst, norm, W1, b1)
    h = jax.nn.relu(h)
    out = _gcn_conv(h, src, dst, norm, W2, b2)
    return out

if __name__ == "__main__":
    import jax
    _d = setup_inputs()
    print(jax.jit(kernel)(*tuple(_d.values())))

</pallas_src>

<mosaic_0001>
#map = affine_map<(d0, d1) -> (0)>
#map1 = affine_map<(d0, d1) -> (0, 0)>
module attributes {stable_mosaic.version = 14 : i64} {
  func.func @_sc_deg_body(%arg0: i32, %arg1: i32, %arg2: memref<163840xi32, #tpu.memory_space<hbm>>, %arg3: memref<16x128xf32, #tpu.memory_space<hbm>>, %arg4: memref<128x128xf32, #tpu.memory_space<hbm>>, %arg5: memref<20480x128xf32, #tpu.memory_space<hbm>>, %arg6: memref<256xi32, #tpu.memory_space<vmem>>, %arg7: memref<16x128xf32, #tpu.memory_space<vmem>>, %arg8: memref<128x128xf32, #tpu.memory_space<vmem>>, %arg9: memref<10240x128xf32, #tpu.memory_space<vmem_shared>>, %arg10: memref<!tpu.dma_semaphore, #tpu.memory_space<semaphore_mem>>, %arg11: memref<!tpu.dma_semaphore, #tpu.memory_space<semaphore_mem>>) attributes {dimension_semantics = [#tpu.dimension_semantics<core_parallel>, #tpu.dimension_semantics<subcore_parallel>], iteration_bounds = array<i64: 2, 16>, scalar_prefetch = 0 : i64, scratch_operands = 6 : i64, tpu.core_type = #tpu.core_type<sc_vector_subcore>, window_params = [{transform_indices = #map}, {transform_indices = #map1}, {transform_indices = #map1}, {transform_indices = #map1}]} {
    %mul3A = arith.constant 10240 : i32
    %mul3A_0 = arith.muli %arg0, %mul3A : i32
    "tpu.region"() ({
      %run_scoped3A = tpu.sem_alloc : memref<!tpu.dma_semaphore, #tpu.memory_space<semaphore_mem>>
      tpu.enqueue_dma source(%arg3 : memref<16x128xf32, #tpu.memory_space<hbm>>) target(%arg7 : memref<16x128xf32, #tpu.memory_space<vmem>>) target_semaphore(%run_scoped3A : memref<!tpu.dma_semaphore, #tpu.memory_space<semaphore_mem>>)
      tpu.wait_dma2 semaphore(%run_scoped3A : memref<!tpu.dma_semaphore, #tpu.memory_space<semaphore_mem>>) src(%arg3 : memref<16x128xf32, #tpu.memory_space<hbm>>) dst(%arg7 : memref<16x128xf32, #tpu.memory_space<vmem>>)
      tpu.yield
    }) : () -> ()
    "tpu.region"() ({
      %run_scoped3A = tpu.sem_alloc : memref<!tpu.dma_semaphore, #tpu.memory_space<semaphore_mem>>
      tpu.enqueue_dma source(%arg4 : memref<128x128xf32, #tpu.memory_space<hbm>>) target(%arg8 : memref<128x128xf32, #tpu.memory_space<vmem>>) target_semaphore(%run_scoped3A : memref<!tpu.dma_semaphore, #tpu.memory_space<semaphore_mem>>)
      tpu.wait_dma2 semaphore(%run_scoped3A : memref<!tpu.dma_semaphore, #tpu.memory_space<semaphore_mem>>) src(%arg4 : memref<128x128xf32, #tpu.memory_space<hbm>>) dst(%arg8 : memref<128x128xf32, #tpu.memory_space<vmem>>)
      tpu.yield
    }) : () -> ()
    %mul3A_1 = arith.constant 640 : i32
    %mul3A_2 = arith.muli %arg1, %mul3A_1 : i32
    %add3A = arith.constant 0 : i32
    %add3A_3 = arith.addi %mul3A_2, %add3A : i32
    "tpu.region"() ({
      %run_scoped3A = tpu.sem_alloc : memref<!tpu.dma_semaphore, #tpu.memory_space<semaphore_mem>>
      %dma_start3A = arith.constant 0 : i32
      %dma_start3A_56 = tpu.memref_slice %arg9[%add3A_3, %dma_start3A] : memref<10240x128xf32, #tpu.memory_space<vmem_shared>> -> memref<128x128xf32, #tpu.memory_space<vmem_shared>>
      %dma_start3A_57 = arith.constant 0 : i32
      %dma_start3A_58 = tpu.memref_slice %arg9[%add3A_3, %dma_start3A_57] : memref<10240x128xf32, #tpu.memory_space<vmem_shared>> -> memref<128x128xf32, #tpu.memory_space<vmem_shared>>
      tpu.enqueue_dma source(%arg8 : memref<128x128xf32, #tpu.memory_space<vmem>>) target(%dma_start3A_58 : memref<128x128xf32, #tpu.memory_space<vmem_shared>>) target_semaphore(%run_scoped3A : memref<!tpu.dma_semaphore, #tpu.memory_space<semaphore_mem>>)
      %dma_wait3A = arith.constant 0 : i32
      %dma_wait3A_59 = tpu.memref_slice %arg9[%add3A_3, %dma_wait3A] : memref<10240x128xf32, #tpu.memory_space<vmem_shared>> -> memref<128x128xf32, #tpu.memory_space<vmem_shared>>
      %dma_wait3A_60 = arith.constant 0 : i32
      %dma_wait3A_61 = tpu.memref_slice %arg9[%add3A_3, %dma_wait3A_60] : memref<10240x128xf32, #tpu.memory_space<vmem_shared>> -> memref<128x128xf32, #tpu.memory_space<vmem_shared>>
      tpu.wait_dma2 semaphore(%run_scoped3A : memref<!tpu.dma_semaphore, #tpu.memory_space<semaphore_mem>>) src(%arg8 : memref<128x128xf32, #tpu.memory_space<vmem>>) dst(%dma_wait3A_61 : memref<128x128xf32, #tpu.memory_space<vmem_shared>>)
      tpu.yield
    }) : () -> ()
    %mul3A_4 = arith.constant 640 : i32
    %mul3A_5 = arith.muli %arg1, %mul3A_4 : i32
    %add3A_6 = arith.constant 128 : i32
    %add3A_7 = arith.addi %mul3A_5, %add3A_6 : i32
    "tpu.region"() ({
      %run_scoped3A = tpu.sem_alloc : memref<!tpu.dma_semaphore, #tpu.memory_space<semaphore_mem>>
      %dma_start3A = arith.constant 0 : i32
      %dma_start3A_56 = tpu.memref_slice %arg9[%add3A_7, %dma_start3A] : memref<10240x128xf32, #tpu.memory_space<vmem_shared>> -> memref<128x128xf32, #tpu.memory_space<vmem_shared>>
      %dma_start3A_57 = arith.constant 0 : i32
      %dma_start3A_58 = tpu.memref_slice %arg9[%add3A_7, %dma_start3A_57] : memref<10240x128xf32, #tpu.memory_space<vmem_shared>> -> memref<128x128xf32, #tpu.memory_space<vmem_shared>>
      tpu.enqueue_dma source(%arg8 : memref<128x128xf32, #tpu.memory_space<vmem>>) target(%dma_start3A_58 : memref<128x128xf32, #tpu.memory_space<vmem_shared>>) target_semaphore(%run_scoped3A : memref<!tpu.dma_semaphore, #tpu.memory_space<semaphore_mem>>)
      %dma_wait3A = arith.constant 0 : i32
      %dma_wait3A_59 = tpu.memref_slice %arg9[%add3A_7, %dma_wait3A] : memref<10240x128xf32, #tpu.memory_space<vmem_shared>> -> memref<128x128xf32, #tpu.memory_space<vmem_shared>>
      %dma_wait3A_60 = arith.constant 0 : i32
      %dma_wait3A_61 = tpu.memref_slice %arg9[%add3A_7, %dma_wait3A_60] : memref<10240x128xf32, #tpu.memory_space<vmem_shared>> -> memref<128x128xf32, #tpu.memory_space<vmem_shared>>
      tpu.wait_dma2 semaphore(%run_scoped3A : memref<!tpu.dma_semaphore, #tpu.memory_space<semaphore_mem>>) src(%arg8 : memref<128x128xf32, #tpu.memory_space<vmem>>) dst(%dma_wait3A_61 : memref<128x128xf32, #tpu.memory_space<vmem_shared>>)
      tpu.yield
    }) : () -> ()
    %mul3A_8 = arith.constant 640 : i32
    %mul3A_9 = arith.muli %arg1, %mul3A_8 : i32
    %add3A_10 = arith.constant 256 : i32
    %add3A_11 = arith.addi %mul3A_9, %add3A_10 : i32
    "tpu.region"() ({
      %run_scoped3A = tpu.sem_alloc : memref<!tpu.dma_semaphore, #tpu.memory_space<semaphore_mem>>
      %dma_start3A = arith.constant 0 : i32
      %dma_start3A_56 = tpu.memref_slice %arg9[%add3A_11, %dma_start3A] : memref<10240x128xf32, #tpu.memory_space<vmem_shared>> -> memref<128x128xf32, #tpu.memory_space<vmem_shared>>
      %dma_start3A_57 = arith.constant 0 : i32
      %dma_start3A_58 = tpu.memref_slice %arg9[%add3A_11, %dma_start3A_57] : memref<10240x128xf32, #tpu.memory_space<vmem_shared>> -> memref<128x128xf32, #tpu.memory_space<vmem_shared>>
      tpu.enqueue_dma source(%arg8 : memref<128x128xf32, #tpu.memory_space<vmem>>) target(%dma_start3A_58 : memref<128x128xf32, #tpu.memory_space<vmem_shared>>) target_semaphore(%run_scoped3A : memref<!tpu.dma_semaphore, #tpu.memory_space<semaphore_mem>>)
      %dma_wait3A = arith.constant 0 : i32
      %dma_wait3A_59 = tpu.memref_slice %arg9[%add3A_11, %dma_wait3A] : memref<10240x128xf32, #tpu.memory_space<vmem_shared>> -> memref<128x128xf32, #tpu.memory_space<vmem_shared>>
      %dma_wait3A_60 = arith.constant 0 : i32
      %dma_wait3A_61 = tpu.memref_slice %arg9[%add3A_11, %dma_wait3A_60] : memref<10240x128xf32, #tpu.memory_space<vmem_shared>> -> memref<128x128xf32, #tpu.memory_space<vmem_shared>>
      tpu.wait_dma2 semaphore(%run_scoped3A : memref<!tpu.dma_semaphore, #tpu.memory_space<semaphore_mem>>) src(%arg8 : memref<128x128xf32, #tpu.memory_space<vmem>>) dst(%dma_wait3A_61 : memref<128x128xf32, #tpu.memory_space<vmem_shared>>)
      tpu.yield
    }) : () -> ()
    %mul3A_12 = arith.constant 640 : i32
    %mul3A_13 = arith.muli %arg1, %mul3A_12 : i32
    %add3A_14 = arith.constant 384 : i32
    %add3A_15 = arith.addi %mul3A_13, %add3A_14 : i32
    "tpu.region"() ({
      %run_scoped3A = tpu.sem_alloc : memref<!tpu.dma_semaphore, #tpu.memory_space<semaphore_mem>>
      %dma_start3A = arith.constant 0 : i32
      %dma_start3A_56 = tpu.memref_slice %arg9[%add3A_15, %dma_start3A] : memref<10240x128xf32, #tpu.memory_space<vmem_shared>> -> memref<128x128xf32, #tpu.memory_space<vmem_shared>>
      %dma_start3A_57 = arith.constant 0 : i32
      %dma_start3A_58 = tpu.memref_slice %arg9[%add3A_15, %dma_start3A_57] : memref<10240x128xf32, #tpu.memory_space<vmem_shared>> -> memref<128x128xf32, #tpu.memory_space<vmem_shared>>
      tpu.enqueue_dma source(%arg8 : memref<128x128xf32, #tpu.memory_space<vmem>>) target(%dma_start3A_58 : memref<128x128xf32, #tpu.memory_space<vmem_shared>>) target_semaphore(%run_scoped3A : memref<!tpu.dma_semaphore, #tpu.memory_space<semaphore_mem>>)
      %dma_wait3A = arith.constant 0 : i32
      %dma_wait3A_59 = tpu.memref_slice %arg9[%add3A_15, %dma_wait3A] : memref<10240x128xf32, #tpu.memory_space<vmem_shared>> -> memref<128x128xf32, #tpu.memory_space<vmem_shared>>
      %dma_wait3A_60 = arith.constant 0 : i32
      %dma_wait3A_61 = tpu.memref_slice %arg9[%add3A_15, %dma_wait3A_60] : memref<10240x128xf32, #tpu.memory_space<vmem_shared>> -> memref<128x128xf32, #tpu.memory_space<vmem_shared>>
      tpu.wait_dma2 semaphore(%run_scoped3A : memref<!tpu.dma_semaphore, #tpu.memory_space<semaphore_mem>>) src(%arg8 : memref<128x128xf32, #tpu.memory_space<vmem>>) dst(%dma_wait3A_61 : memref<128x128xf32, #tpu.memory_space<vmem_shared>>)
      tpu.yield
    }) : () -> ()
    %mul3A_16 = arith.constant 640 : i32
    %mul3A_17 = arith.muli %arg1, %mul3A_16 : i32
    %add3A_18 = arith.constant 512 : i32
    %add3A_19 = arith.addi %mul3A_17, %add3A_18 : i32
    "tpu.region"() ({
      %run_scoped3A = tpu.sem_alloc : memref<!tpu.dma_semaphore, #tpu.memory_space<semaphore_mem>>
      %dma_start3A = arith.constant 0 : i32
      %dma_start3A_56 = tpu.memref_slice %arg9[%add3A_19, %dma_start3A] : memref<10240x128xf32, #tpu.memory_space<vmem_shared>> -> memref<128x128xf32, #tpu.memory_space<vmem_shared>>
      %dma_start3A_57 = arith.constant 0 : i32
      %dma_start3A_58 = tpu.memref_slice %arg9[%add3A_19, %dma_start3A_57] : memref<10240x128xf32, #tpu.memory_space<vmem_shared>> -> memref<128x128xf32, #tpu.memory_space<vmem_shared>>
      tpu.enqueue_dma source(%arg8 : memref<128x128xf32, #tpu.memory_space<vmem>>) target(%dma_start3A_58 : memref<128x128xf32, #tpu.memory_space<vmem_shared>>) target_semaphore(%run_scoped3A : memref<!tpu.dma_semaphore, #tpu.memory_space<semaphore_mem>>)
      %dma_wait3A = arith.constant 0 : i32
      %dma_wait3A_59 = tpu.memref_slice %arg9[%add3A_19, %dma_wait3A] : memref<10240x128xf32, #tpu.memory_space<vmem_shared>> -> memref<128x128xf32, #tpu.memory_space<vmem_shared>>
      %dma_wait3A_60 = arith.constant 0 : i32
      %dma_wait3A_61 = tpu.memref_slice %arg9[%add3A_19, %dma_wait3A_60] : memref<10240x128xf32, #tpu.memory_space<vmem_shared>> -> memref<128x128xf32, #tpu.memory_space<vmem_shared>>
      tpu.wait_dma2 semaphore(%run_scoped3A : memref<!tpu.dma_semaphore, #tpu.memory_space<semaphore_mem>>) src(%arg8 : memref<128x128xf32, #tpu.memory_space<vmem>>) dst(%dma_wait3A_61 : memref<128x128xf32, #tpu.memory_space<vmem_shared>>)
      tpu.yield
    }) : () -> ()
    %barrier3A = arith.constant 0 : index
    tpu.barrier barrier_id(%barrier3A)
    %mul3A_20 = arith.constant 16 : i32
    %mul3A_21 = arith.muli %arg0, %mul3A_20 : i32
    %add3A_22 = arith.addi %mul3A_21, %arg1 : i32
    %mul3A_23 = arith.constant 5120 : i32
    %mul3A_24 = arith.muli %add3A_22, %mul3A_23 : i32
    "tpu.region"() ({
      %run_scoped3A = tpu.sem_alloc : memref<!tpu.dma_semaphore, #tpu.memory_space<semaphore_mem>>
      %dma_start3A = arith.constant 0 : i32
      %dma_start3A_56 = tpu.memref_slice %arg6[%dma_start3A] : memref<256xi32, #tpu.memory_space<vmem>> -> memref<128xi32, #tpu.memory_space<vmem>>
      %dma_start3A_57 = tpu.memref_slice %arg2[%mul3A_24] : memref<163840xi32, #tpu.memory_space<hbm>> -> memref<128xi32, #tpu.memory_space<hbm>>
      %dma_start3A_58 = arith.constant 0 : i32
      %dma_start3A_59 = tpu.memref_slice %arg6[%dma_start3A_58] : memref<256xi32, #tpu.memory_space<vmem>> -> memref<128xi32, #tpu.memory_space<vmem>>
      %dma_start3A_60 = tpu.memref_slice %arg2[%mul3A_24] : memref<163840xi32, #tpu.memory_space<hbm>> -> memref<128xi32, #tpu.memory_space<hbm>>
      tpu.enqueue_dma source(%dma_start3A_60 : memref<128xi32, #tpu.memory_space<hbm>>) target(%dma_start3A_59 : memref<128xi32, #tpu.memory_space<vmem>>) target_semaphore(%run_scoped3A : memref<!tpu.dma_semaphore, #tpu.memory_space<semaphore_mem>>)
      %dma_wait3A = arith.constant 0 : i32
      %dma_wait3A_61 = tpu.memref_slice %arg6[%dma_wait3A] : memref<256xi32, #tpu.memory_space<vmem>> -> memref<128xi32, #tpu.memory_space<vmem>>
      %dma_wait3A_62 = tpu.memref_slice %arg2[%mul3A_24] : memref<163840xi32, #tpu.memory_space<hbm>> -> memref<128xi32, #tpu.memory_space<hbm>>
      %dma_wait3A_63 = arith.constant 0 : i32
      %dma_wait3A_64 = tpu.memref_slice %arg6[%dma_wait3A_63] : memref<256xi32, #tpu.memory_space<vmem>> -> memref<128xi32, #tpu.memory_space<vmem>>
      %dma_wait3A_65 = tpu.memref_slice %arg2[%mul3A_24] : memref<163840xi32, #tpu.memory_space<hbm>> -> memref<128xi32, #tpu.memory_space<hbm>>
      tpu.wait_dma2 semaphore(%run_scoped3A : memref<!tpu.dma_semaphore, #tpu.memory_space<semaphore_mem>>) src(%dma_wait3A_65 : memref<128xi32, #tpu.memory_space<hbm>>) dst(%dma_wait3A_64 : memref<128xi32, #tpu.memory_space<vmem>>)
      tpu.yield
    }) : () -> ()
    %scan3A = arith.constant 0 : i32
    %scan3A_25 = arith.constant 0 : i32
    %scan3A_26 = arith.constant 40 : i32
    %scan3A_27 = arith.addi %scan3A_25, %scan3A_26 : i32
    %scan3A_28 = arith.constant 1 : i32
    scf.for %scan3A_56 = %scan3A_25 to %scan3A_27 step %scan3A_28  : i32 {
      %jit3A = arith.constant 2 : i32
      %eq3A = arith.constant 0 : i32
      %eq3A_57 = arith.cmpi eq, %jit3A, %eq3A : i32
      %jit3A_58 = arith.constant 1 : i32
      %select_n3A = arith.select %eq3A_57, %jit3A_58, %jit3A : i32
      %rem3A = arith.remsi %scan3A_56, %select_n3A : i32
      %ne3A = arith.constant 0 : i32
      %ne3A_59 = arith.cmpi ne, %rem3A, %ne3A : i32
      %lt3A = arith.constant 0 : i32
      %lt3A_60 = arith.cmpi slt, %rem3A, %lt3A : i32
      %lt3A_61 = arith.constant 0 : i32
      %lt3A_62 = arith.cmpi slt, %select_n3A, %lt3A_61 : i32
      %ne3A_63 = arith.xori %lt3A_60, %lt3A_62 : i1
      %and3A = arith.andi %ne3A_63, %ne3A_59 : i1
      %add3A_64 = arith.addi %rem3A, %select_n3A : i32
      %select_n3A_65 = arith.select %and3A, %add3A_64, %rem3A : i32
      %add3A_66 = arith.constant 1 : i32
      %add3A_67 = arith.addi %scan3A_56, %add3A_66 : i32
      %jit3A_68 = arith.constant 2 : i32
      %eq3A_69 = arith.constant 0 : i32
      %eq3A_70 = arith.cmpi eq, %jit3A_68, %eq3A_69 : i32
      %jit3A_71 = arith.constant 1 : i32
      %select_n3A_72 = arith.select %eq3A_70, %jit3A_71, %jit3A_68 : i32
      %rem3A_73 = arith.remsi %add3A_67, %select_n3A_72 : i32
      %ne3A_74 = arith.constant 0 : i32
      %ne3A_75 = arith.cmpi ne, %rem3A_73, %ne3A_74 : i32
      %lt3A_76 = arith.constant 0 : i32
      %lt3A_77 = arith.cmpi slt, %rem3A_73, %lt3A_76 : i32
      %lt3A_78 = arith.constant 0 : i32
      %lt3A_79 = arith.cmpi slt, %select_n3A_72, %lt3A_78 : i32
      %ne3A_80 = arith.xori %lt3A_77, %lt3A_79 : i1
      %and3A_81 = arith.andi %ne3A_80, %ne3A_75 : i1
      %add3A_82 = arith.addi %rem3A_73, %select_n3A_72 : i32
      %select_n3A_83 = arith.select %and3A_81, %add3A_82, %rem3A_73 : i32
      %gt3A = arith.constant 0 : i32
      %gt3A_84 = arith.cmpi sgt, %scan3A_56, %gt3A : i32
      %convert_element_type3A = arith.extui %gt3A_84 : i1 to i32
      %cond3A = arith.constant 0 : i32
      %cond3A_85 = arith.cmpi ne, %convert_element_type3A, %cond3A : i32
      scf.if %cond3A_85 {
        tpu.wait_dma2 semaphore(%arg10 : memref<!tpu.dma_semaphore, #tpu.memory_space<semaphore_mem>>) src(%arg4 : memref<128x128xf32, #tpu.memory_space<hbm>>) dst(%arg8 : memref<128x128xf32, #tpu.memory_space<vmem>>)
        %dma_wait3A = arith.constant 0 : i32
        %dma_wait3A_171 = tpu.memref_slice %arg6[%dma_wait3A] : memref<256xi32, #tpu.memory_space<vmem>> -> memref<128xi32, #tpu.memory_space<vmem>>
        %dma_wait3A_172 = arith.constant 0 : i32
        %dma_wait3A_173 = tpu.memref_slice %arg2[%dma_wait3A_172] : memref<163840xi32, #tpu.memory_space<hbm>> -> memref<128xi32, #tpu.memory_space<hbm>>
        %dma_wait3A_174 = arith.constant 0 : i32
        %dma_wait3A_175 = tpu.memref_slice %arg6[%dma_wait3A_174] : memref<256xi32, #tpu.memory_space<vmem>> -> memref<128xi32, #tpu.memory_space<vmem>>
        %dma_wait3A_176 = arith.constant 0 : i32
        %dma_wait3A_177 = tpu.memref_slice %arg2[%dma_wait3A_176] : memref<163840xi32, #tpu.memory_space<hbm>> -> memref<128xi32, #tpu.memory_space<hbm>>
        tpu.wait_dma2 semaphore(%arg11 : memref<!tpu.dma_semaphore, #tpu.memory_space<semaphore_mem>>) src(%dma_wait3A_177 : memref<128xi32, #tpu.memory_space<hbm>>) dst(%dma_wait3A_175 : memref<128xi32, #tpu.memory_space<vmem>>)
      } else {
      }
      %mul3A_86 = arith.constant 128 : i32
      %mul3A_87 = arith.muli %select_n3A_65, %mul3A_86 : i32
      %add3A_88 = arith.constant 0 : i32
      %add3A_89 = arith.addi %mul3A_87, %add3A_88 : i32
      %get3A = arith.index_cast %add3A_89 : i32 to index
      %get3A_90 = tpu.vector_load %arg6[%get3A] {strides = array<i32>} : memref<256xi32, #tpu.memory_space<vmem>>, vector<16xi32>,
      %get3A_91 = vector.shape_cast %get3A_90 : vector<16xi32> to vector<16xi32>
      %dma_start3A = arith.constant 0 : i32
      %dma_start3A_92 = arith.constant 0 : i32
      %dma_start3A_93 = tpu.memref_slice %arg9[%dma_start3A, %dma_start3A_92] : memref<10240x128xf32, #tpu.memory_space<vmem_shared>> -> memref<10240x128xf32, #tpu.memory_space<vmem_shared>>
      tpu.enqueue_indirect_dma source(%arg7 : memref<16x128xf32, #tpu.memory_space<vmem>>) target(%dma_start3A_93 : memref<10240x128xf32, #tpu.memory_space<vmem_shared>>) offsets(%get3A_91 : vector<16xi32>) semaphore(%arg10 : memref<!tpu.dma_semaphore, #tpu.memory_space<semaphore_mem>>) {add = true}
      %mul3A_94 = arith.constant 128 : i32
      %mul3A_95 = arith.muli %select_n3A_65, %mul3A_94 : i32
      %add3A_96 = arith.constant 16 : i32
      %add3A_97 = arith.addi %mul3A_95, %add3A_96 : i32
      %get3A_98 = arith.index_cast %add3A_97 : i32 to index
      %get3A_99 = tpu.vector_load %arg6[%get3A_98] {strides = array<i32>} : memref<256xi32, #tpu.memory_space<vmem>>, vector<16xi32>,
      %get3A_100 = vector.shape_cast %get3A_99 : vector<16xi32> to vector<16xi32>
      %dma_start3A_101 = arith.constant 0 : i32
      %dma_start3A_102 = arith.constant 0 : i32
      %dma_start3A_103 = tpu.memref_slice %arg9[%dma_start3A_101, %dma_start3A_102] : memref<10240x128xf32, #tpu.memory_space<vmem_shared>> -> memref<10240x128xf32, #tpu.memory_space<vmem_shared>>
      tpu.enqueue_indirect_dma source(%arg7 : memref<16x128xf32, #tpu.memory_space<vmem>>) target(%dma_start3A_103 : memref<10240x128xf32, #tpu.memory_space<vmem_shared>>) offsets(%get3A_100 : vector<16xi32>) semaphore(%arg10 : memref<!tpu.dma_semaphore, #tpu.memory_space<semaphore_mem>>) {add = true}
      %mul3A_104 = arith.constant 128 : i32
      %mul3A_105 = arith.muli %select_n3A_65, %mul3A_104 : i32
      %add3A_106 = arith.constant 32 : i32
      %add3A_107 = arith.addi %mul3A_105, %add3A_106 : i32
      %get3A_108 = arith.index_cast %add3A_107 : i32 to index
      %get3A_109 = tpu.vector_load %arg6[%get3A_108] {strides = array<i32>} : memref<256xi32, #tpu.memory_space<vmem>>, vector<16xi32>,
      %get3A_110 = vector.shape_cast %get3A_109 : vector<16xi32> to vector<16xi32>
      %dma_start3A_111 = arith.constant 0 : i32
      %dma_start3A_112 = arith.constant 0 : i32
      %dma_start3A_113 = tpu.memref_slice %arg9[%dma_start3A_111, %dma_start3A_112] : memref<10240x128xf32, #tpu.memory_space<vmem_shared>> -> memref<10240x128xf32, #tpu.memory_space<vmem_shared>>
      tpu.enqueue_indirect_dma source(%arg7 : memref<16x128xf32, #tpu.memory_space<vmem>>) target(%dma_start3A_113 : memref<10240x128xf32, #tpu.memory_space<vmem_shared>>) offsets(%get3A_110 : vector<16xi32>) semaphore(%arg10 : memref<!tpu.dma_semaphore, #tpu.memory_space<semaphore_mem>>) {add = true}
      %mul3A_114 = arith.constant 128 : i32
      %mul3A_115 = arith.muli %select_n3A_65, %mul3A_114 : i32
      %add3A_116 = arith.constant 48 : i32
      %add3A_117 = arith.addi %mul3A_115, %add3A_116 : i32
      %get3A_118 = arith.index_cast %add3A_117 : i32 to index
      %get3A_119 = tpu.vector_load %arg6[%get3A_118] {strides = array<i32>} : memref<256xi32, #tpu.memory_space<vmem>>, vector<16xi32>,
      %get3A_120 = vector.shape_cast %get3A_119 : vector<16xi32> to vector<16xi32>
      %dma_start3A_121 = arith.constant 0 : i32
      %dma_start3A_122 = arith.constant 0 : i32
      %dma_start3A_123 = tpu.memref_slice %arg9[%dma_start3A_121, %dma_start3A_122] : memref<10240x128xf32, #tpu.memory_space<vmem_shared>> -> memref<10240x128xf32, #tpu.memory_space<vmem_shared>>
      tpu.enqueue_indirect_dma source(%arg7 : memref<16x128xf32, #tpu.memory_space<vmem>>) target(%dma_start3A_123 : memref<10240x128xf32, #tpu.memory_space<vmem_shared>>) offsets(%get3A_120 : vector<16xi32>) semaphore(%arg10 : memref<!tpu.dma_semaphore, #tpu.memory_space<semaphore_mem>>) {add = true}
      %mul3A_124 = arith.constant 128 : i32
      %mul3A_125 = arith.muli %select_n3A_65, %mul3A_124 : i32
      %add3A_126 = arith.constant 64 : i32
      %add3A_127 = arith.addi %mul3A_125, %add3A_126 : i32
      %get3A_128 = arith.index_cast %add3A_127 : i32 to index
      %get3A_129 = tpu.vector_load %arg6[%get3A_128] {strides = array<i32>} : memref<256xi32, #tpu.memory_space<vmem>>, vector<16xi32>,
      %get3A_130 = vector.shape_cast %get3A_129 : vector<16xi32> to vector<16xi32>
      %dma_start3A_131 = arith.constant 0 : i32
      %dma_start3A_132 = arith.constant 0 : i32
      %dma_start3A_133 = tpu.memref_slice %arg9[%dma_start3A_131, %dma_start3A_132] : memref<10240x128xf32, #tpu.memory_space<vmem_shared>> -> memref<10240x128xf32, #tpu.memory_space<vmem_shared>>
      tpu.enqueue_indirect_dma source(%arg7 : memref<16x128xf32, #tpu.memory_space<vmem>>) target(%dma_start3A_133 : memref<10240x128xf32, #tpu.memory_space<vmem_shared>>) offsets(%get3A_130 : vector<16xi32>) semaphore(%arg10 : memref<!tpu.dma_semaphore, #tpu.memory_space<semaphore_mem>>) {add = true}
      %mul3A_134 = arith.constant 128 : i32
      %mul3A_135 = arith.muli %select_n3A_65, %mul3A_134 : i32
      %add3A_136 = arith.constant 80 : i32
      %add3A_137 = arith.addi %mul3A_135, %add3A_136 : i32
      %get3A_138 = arith.index_cast %add3A_137 : i32 to index
      %get3A_139 = tpu.vector_load %arg6[%get3A_138] {strides = array<i32>} : memref<256xi32, #tpu.memory_space<vmem>>, vector<16xi32>,
      %get3A_140 = vector.shape_cast %get3A_139 : vector<16xi32> to vector<16xi32>
      %dma_start3A_141 = arith.constant 0 : i32
      %dma_start3A_142 = arith.constant 0 : i32
      %dma_start3A_143 = tpu.memref_slice %arg9[%dma_start3A_141, %dma_start3A_142] : memref<10240x128xf32, #tpu.memory_space<vmem_shared>> -> memref<10240x128xf32, #tpu.memory_space<vmem_shared>>
      tpu.enqueue_indirect_dma source(%arg7 : memref<16x128xf32, #tpu.memory_space<vmem>>) target(%dma_start3A_143 : memref<10240x128xf32, #tpu.memory_space<vmem_shared>>) offsets(%get3A_140 : vector<16xi32>) semaphore(%arg10 : memref<!tpu.dma_semaphore, #tpu.memory_space<semaphore_mem>>) {add = true}
      %mul3A_144 = arith.constant 128 : i32
      %mul3A_145 = arith.muli %select_n3A_65, %mul3A_144 : i32
      %add3A_146 = arith.constant 96 : i32
      %add3A_147 = arith.addi %mul3A_145, %add3A_146 : i32
      %get3A_148 = arith.index_cast %add3A_147 : i32 to index
      %get3A_149 = tpu.vector_load %arg6[%get3A_148] {strides = array<i32>} : memref<256xi32, #tpu.memory_space<vmem>>, vector<16xi32>,
      %get3A_150 = vector.shape_cast %get3A_149 : vector<16xi32> to vector<16xi32>
      %dma_start3A_151 = arith.constant 0 : i32
      %dma_start3A_152 = arith.constant 0 : i32
      %dma_start3A_153 = tpu.memref_slice %arg9[%dma_start3A_151, %dma_start3A_152] : memref<10240x128xf32, #tpu.memory_space<vmem_shared>> -> memref<10240x128xf32, #tpu.memory_space<vmem_shared>>
      tpu.enqueue_indirect_dma source(%arg7 : memref<16x128xf32, #tpu.memory_space<vmem>>) target(%dma_start3A_153 : memref<10240x128xf32, #tpu.memory_space<vmem_shared>>) offsets(%get3A_150 : vector<16xi32>) semaphore(%arg10 : memref<!tpu.dma_semaphore, #tpu.memory_space<semaphore_mem>>) {add = true}
      %mul3A_154 = arith.constant 128 : i32
      %mul3A_155 = arith.muli %select_n3A_65, %mul3A_154 : i32
      %add3A_156 = arith.constant 112 : i32
      %add3A_157 = arith.addi %mul3A_155, %add3A_156 : i32
      %get3A_158 = arith.index_cast %add3A_157 : i32 to index
      %get3A_159 = tpu.vector_load %arg6[%get3A_158] {strides = array<i32>} : memref<256xi32, #tpu.memory_space<vmem>>, vector<16xi32>,
      %get3A_160 = vector.shape_cast %get3A_159 : vector<16xi32> to vector<16xi32>
      %dma_start3A_161 = arith.constant 0 : i32
      %dma_start3A_162 = arith.constant 0 : i32
      %dma_start3A_163 = tpu.memref_slice %arg9[%dma_start3A_161, %dma_start3A_162] : memref<10240x128xf32, #tpu.memory_space<vmem_shared>> -> memref<10240x128xf32, #tpu.memory_space<vmem_shared>>
      tpu.enqueue_indirect_dma source(%arg7 : memref<16x128xf32, #tpu.memory_space<vmem>>) target(%dma_start3A_163 : memref<10240x128xf32, #tpu.memory_space<vmem_shared>>) offsets(%get3A_160 : vector<16xi32>) semaphore(%arg10 : memref<!tpu.dma_semaphore, #tpu.memory_space<semaphore_mem>>) {add = true}
      %add3A_164 = arith.constant 1 : i32
      %add3A_165 = arith.addi %scan3A_56, %add3A_164 : i32
      %lt3A_166 = arith.constant 40 : i32
      %lt3A_167 = arith.cmpi slt, %add3A_165, %lt3A_166 : i32
      %convert_element_type3A_168 = arith.extui %lt3A_167 : i1 to i32
      %cond3A_169 = arith.constant 0 : i32
      %cond3A_170 = arith.cmpi ne, %convert_element_type3A_168, %cond3A_169 : i32
      scf.if %cond3A_170 {
        %add3A_171 = arith.constant 1 : i32
        %add3A_172 = arith.addi %scan3A_56, %add3A_171 : i32
        %mul3A_173 = arith.constant 128 : i32
        %mul3A_174 = arith.muli %add3A_172, %mul3A_173 : i32
        %add3A_175 = arith.addi %mul3A_24, %mul3A_174 : i32
        %mul3A_176 = arith.constant 128 : i32
        %mul3A_177 = arith.muli %select_n3A_83, %mul3A_176 : i32
        %dma_start3A_178 = tpu.memref_slice %arg6[%mul3A_177] : memref<256xi32, #tpu.memory_space<vmem>> -> memref<128xi32, #tpu.memory_space<vmem>>
        %dma_start3A_179 = tpu.memref_slice %arg2[%add3A_175] : memref<163840xi32, #tpu.memory_space<hbm>> -> memref<128xi32, #tpu.memory_space<hbm>>
        %dma_start3A_180 = tpu.memref_slice %arg6[%mul3A_177] : memref<256xi32, #tpu.memory_space<vmem>> -> memref<128xi32, #tpu.memory_space<vmem>>
        %dma_start3A_181 = tpu.memref_slice %arg2[%add3A_175] : memref<163840xi32, #tpu.memory_space<hbm>> -> memref<128xi32, #tpu.memory_space<hbm>>
        tpu.enqueue_dma source(%dma_start3A_181 : memref<128xi32, #tpu.memory_space<hbm>>) target(%dma_start3A_180 : memref<128xi32, #tpu.memory_space<vmem>>) target_semaphore(%arg11 : memref<!tpu.dma_semaphore, #tpu.memory_space<semaphore_mem>>)
      } else {
      }
    }
    %scan3A_29 = arith.constant 40 : i32
    tpu.wait_dma2 semaphore(%arg10 : memref<!tpu.dma_semaphore, #tpu.memory_space<semaphore_mem>>) src(%arg4 : memref<128x128xf32, #tpu.memory_space<hbm>>) dst(%arg8 : memref<128x128xf32, #tpu.memory_space<vmem>>)
    %barrier3A_30 = arith.constant 0 : index
    tpu.barrier barrier_id(%barrier3A_30)
    %mul3A_31 = arith.constant 640 : i32
    %mul3A_32 = arith.muli %arg1, %mul3A_31 : i32
    %add3A_33 = arith.constant 0 : i32
    %add3A_34 = arith.addi %mul3A_32, %add3A_33 : i32
    "tpu.region"() ({
      %run_scoped3A = tpu.sem_alloc : memref<!tpu.dma_semaphore, #tpu.memory_space<semaphore_mem>>
      %dma_start3A = arith.constant 0 : i32
      %dma_start3A_56 = tpu.memref_slice %arg9[%add3A_34, %dma_start3A] : memref<10240x128xf32, #tpu.memory_space<vmem_shared>> -> memref<128x128xf32, #tpu.memory_space<vmem_shared>>
      %dma_start3A_57 = arith.constant 0 : i32
      %dma_start3A_58 = tpu.memref_slice %arg9[%add3A_34, %dma_start3A_57] : memref<10240x128xf32, #tpu.memory_space<vmem_shared>> -> memref<128x128xf32, #tpu.memory_space<vmem_shared>>
      tpu.enqueue_dma source(%dma_start3A_58 : memref<128x128xf32, #tpu.memory_space<vmem_shared>>) target(%arg8 : memref<128x128xf32, #tpu.memory_space<vmem>>) target_semaphore(%run_scoped3A : memref<!tpu.dma_semaphore, #tpu.memory_space<semaphore_mem>>)
      %dma_wait3A = arith.constant 0 : i32
      %dma_wait3A_59 = tpu.memref_slice %arg9[%add3A_34, %dma_wait3A] : memref<10240x128xf32, #tpu.memory_space<vmem_shared>> -> memref<128x128xf32, #tpu.memory_space<vmem_shared>>
      %dma_wait3A_60 = arith.constant 0 : i32
      %dma_wait3A_61 = tpu.memref_slice %arg9[%add3A_34, %dma_wait3A_60] : memref<10240x128xf32, #tpu.memory_space<vmem_shared>> -> memref<128x128xf32, #tpu.memory_space<vmem_shared>>
      tpu.wait_dma2 semaphore(%run_scoped3A : memref<!tpu.dma_semaphore, #tpu.memory_space<semaphore_mem>>) src(%dma_wait3A_61 : memref<128x128xf32, #tpu.memory_space<vmem_shared>>) dst(%arg8 : memref<128x128xf32, #tpu.memory_space<vmem>>)
      tpu.yield
    }) : () -> ()
    %add3A_35 = arith.addi %mul3A_0, %add3A_34 : i32
    "tpu.region"() ({
      %run_scoped3A = tpu.sem_alloc : memref<!tpu.dma_semaphore, #tpu.memory_space<semaphore_mem>>
      %dma_start3A = arith.constant 0 : i32
      %dma_start3A_56 = tpu.memref_slice %arg5[%add3A_35, %dma_start3A] : memref<20480x128xf32, #tpu.memory_space<hbm>> -> memref<128x128xf32, #tpu.memory_space<hbm>>
      %dma_start3A_57 = arith.constant 0 : i32
      %dma_start3A_58 = tpu.memref_slice %arg5[%add3A_35, %dma_start3A_57] : memref<20480x128xf32, #tpu.memory_space<hbm>> -> memref<128x128xf32, #tpu.memory_space<hbm>>
      tpu.enqueue_dma source(%arg8 : memref<128x128xf32, #tpu.memory_space<vmem>>) target(%dma_start3A_58 : memref<128x128xf32, #tpu.memory_space<hbm>>) target_semaphore(%run_scoped3A : memref<!tpu.dma_semaphore, #tpu.memory_space<semaphore_mem>>)
      %dma_wait3A = arith.constant 0 : i32
      %dma_wait3A_59 = tpu.memref_slice %arg5[%add3A_35, %dma_wait3A] : memref<20480x128xf32, #tpu.memory_space<hbm>> -> memref<128x128xf32, #tpu.memory_space<hbm>>
      %dma_wait3A_60 = arith.constant 0 : i32
      %dma_wait3A_61 = tpu.memref_slice %arg5[%add3A_35, %dma_wait3A_60] : memref<20480x128xf32, #tpu.memory_space<hbm>> -> memref<128x128xf32, #tpu.memory_space<hbm>>
      tpu.wait_dma2 semaphore(%run_scoped3A : memref<!tpu.dma_semaphore, #tpu.memory_space<semaphore_mem>>) src(%arg8 : memref<128x128xf32, #tpu.memory_space<vmem>>) dst(%dma_wait3A_61 : memref<128x128xf32, #tpu.memory_space<hbm>>)
      tpu.yield
    }) : () -> ()
    %mul3A_36 = arith.constant 640 : i32
    %mul3A_37 = arith.muli %arg1, %mul3A_36 : i32
    %add3A_38 = arith.constant 128 : i32
    %add3A_39 = arith.addi %mul3A_37, %add3A_38 : i32
    "tpu.region"() ({
      %run_scoped3A = tpu.sem_alloc : memref<!tpu.dma_semaphore, #tpu.memory_space<semaphore_mem>>
      %dma_start3A = arith.constant 0 : i32
      %dma_start3A_56 = tpu.memref_slice %arg9[%add3A_39, %dma_start3A] : memref<10240x128xf32, #tpu.memory_space<vmem_shared>> -> memref<128x128xf32, #tpu.memory_space<vmem_shared>>
      %dma_start3A_57 = arith.constant 0 : i32
      %dma_start3A_58 = tpu.memref_slice %arg9[%add3A_39, %dma_start3A_57] : memref<10240x128xf32, #tpu.memory_space<vmem_shared>> -> memref<128x128xf32, #tpu.memory_space<vmem_shared>>
      tpu.enqueue_dma source(%dma_start3A_58 : memref<128x128xf32, #tpu.memory_space<vmem_shared>>) target(%arg8 : memref<128x128xf32, #tpu.memory_space<vmem>>) target_semaphore(%run_scoped3A : memref<!tpu.dma_semaphore, #tpu.memory_space<semaphore_mem>>)
      %dma_wait3A = arith.constant 0 : i32
      %dma_wait3A_59 = tpu.memref_slice %arg9[%add3A_39, %dma_wait3A] : memref<10240x128xf32, #tpu.memory_space<vmem_shared>> -> memref<128x128xf32, #tpu.memory_space<vmem_shared>>
      %dma_wait3A_60 = arith.constant 0 : i32
      %dma_wait3A_61 = tpu.memref_slice %arg9[%add3A_39, %dma_wait3A_60] : memref<10240x128xf32, #tpu.memory_space<vmem_shared>> -> memref<128x128xf32, #tpu.memory_space<vmem_shared>>
      tpu.wait_dma2 semaphore(%run_scoped3A : memref<!tpu.dma_semaphore, #tpu.memory_space<semaphore_mem>>) src(%dma_wait3A_61 : memref<128x128xf32, #tpu.memory_space<vmem_shared>>) dst(%arg8 : memref<128x128xf32, #tpu.memory_space<vmem>>)
      tpu.yield
    }) : () -> ()
    %add3A_40 = arith.addi %mul3A_0, %add3A_39 : i32
    "tpu.region"() ({
      %run_scoped3A = tpu.sem_alloc : memref<!tpu.dma_semaphore, #tpu.memory_space<semaphore_mem>>
      %dma_start3A = arith.constant 0 : i32
      %dma_start3A_56 = tpu.memref_slice %arg5[%add3A_40, %dma_start3A] : memref<20480x128xf32, #tpu.memory_space<hbm>> -> memref<128x128xf32, #tpu.memory_space<hbm>>
      %dma_start3A_57 = arith.constant 0 : i32
      %dma_start3A_58 = tpu.memref_slice %arg5[%add3A_40, %dma_start3A_57] : memref<20480x128xf32, #tpu.memory_space<hbm>> -> memref<128x128xf32, #tpu.memory_space<hbm>>
      tpu.enqueue_dma source(%arg8 : memref<128x128xf32, #tpu.memory_space<vmem>>) target(%dma_start3A_58 : memref<128x128xf32, #tpu.memory_space<hbm>>) target_semaphore(%run_scoped3A : memref<!tpu.dma_semaphore, #tpu.memory_space<semaphore_mem>>)
      %dma_wait3A = arith.constant 0 : i32
      %dma_wait3A_59 = tpu.memref_slice %arg5[%add3A_40, %dma_wait3A] : memref<20480x128xf32, #tpu.memory_space<hbm>> -> memref<128x128xf32, #tpu.memory_space<hbm>>
      %dma_wait3A_60 = arith.constant 0 : i32
      %dma_wait3A_61 = tpu.memref_slice %arg5[%add3A_40, %dma_wait3A_60] : memref<20480x128xf32, #tpu.memory_space<hbm>> -> memref<128x128xf32, #tpu.memory_space<hbm>>
      tpu.wait_dma2 semaphore(%run_scoped3A : memref<!tpu.dma_semaphore, #tpu.memory_space<semaphore_mem>>) src(%arg8 : memref<128x128xf32, #tpu.memory_space<vmem>>) dst(%dma_wait3A_61 : memref<128x128xf32, #tpu.memory_space<hbm>>)
      tpu.yield
    }) : () -> ()
    %mul3A_41 = arith.constant 640 : i32
    %mul3A_42 = arith.muli %arg1, %mul3A_41 : i32
    %add3A_43 = arith.constant 256 : i32
    %add3A_44 = arith.addi %mul3A_42, %add3A_43 : i32
    "tpu.region"() ({
      %run_scoped3A = tpu.sem_alloc : memref<!tpu.dma_semaphore, #tpu.memory_space<semaphore_mem>>
      %dma_start3A = arith.constant 0 : i32
      %dma_start3A_56 = tpu.memref_slice %arg9[%add3A_44, %dma_start3A] : memref<10240x128xf32, #tpu.memory_space<vmem_shared>> -> memref<128x128xf32, #tpu.memory_space<vmem_shared>>
      %dma_start3A_57 = arith.constant 0 : i32
      %dma_start3A_58 = tpu.memref_slice %arg9[%add3A_44, %dma_start3A_57] : memref<10240x128xf32, #tpu.memory_space<vmem_shared>> -> memref<128x128xf32, #tpu.memory_space<vmem_shared>>
      tpu.enqueue_dma source(%dma_start3A_58 : memref<128x128xf32, #tpu.memory_space<vmem_shared>>) target(%arg8 : memref<128x128xf32, #tpu.memory_space<vmem>>) target_semaphore(%run_scoped3A : memref<!tpu.dma_semaphore, #tpu.memory_space<semaphore_mem>>)
      %dma_wait3A = arith.constant 0 : i32
      %dma_wait3A_59 = tpu.memref_slice %arg9[%add3A_44, %dma_wait3A] : memref<10240x128xf32, #tpu.memory_space<vmem_shared>> -> memref<128x128xf32, #tpu.memory_space<vmem_shared>>
      %dma_wait3A_60 = arith.constant 0 : i32
      %dma_wait3A_61 = tpu.memref_slice %arg9[%add3A_44, %dma_wait3A_60] : memref<10240x128xf32, #tpu.memory_space<vmem_shared>> -> memref<128x128xf32, #tpu.memory_space<vmem_shared>>
      tpu.wait_dma2 semaphore(%run_scoped3A : memref<!tpu.dma_semaphore, #tpu.memory_space<semaphore_mem>>) src(%dma_wait3A_61 : memref<128x128xf32, #tpu.memory_space<vmem_shared>>) dst(%arg8 : memref<128x128xf32, #tpu.memory_space<vmem>>)
      tpu.yield
    }) : () -> ()
    %add3A_45 = arith.addi %mul3A_0, %add3A_44 : i32
    "tpu.region"() ({
      %run_scoped3A = tpu.sem_alloc : memref<!tpu.dma_semaphore, #tpu.memory_space<semaphore_mem>>
      %dma_start3A = arith.constant 0 : i32
      %dma_start3A_56 = tpu.memref_slice %arg5[%add3A_45, %dma_start3A] : memref<20480x128xf32, #tpu.memory_space<hbm>> -> memref<128x128xf32, #tpu.memory_space<hbm>>
      %dma_start3A_57 = arith.constant 0 : i32
      %dma_start3A_58 = tpu.memref_slice %arg5[%add3A_45, %dma_start3A_57] : memref<20480x128xf32, #tpu.memory_space<hbm>> -> memref<128x128xf32, #tpu.memory_space<hbm>>
      tpu.enqueue_dma source(%arg8 : memref<128x128xf32, #tpu.memory_space<vmem>>) target(%dma_start3A_58 : memref<128x128xf32, #tpu.memory_space<hbm>>) target_semaphore(%run_scoped3A : memref<!tpu.dma_semaphore, #tpu.memory_space<semaphore_mem>>)
      %dma_wait3A = arith.constant 0 : i32
      %dma_wait3A_59 = tpu.memref_slice %arg5[%add3A_45, %dma_wait3A] : memref<20480x128xf32, #tpu.memory_space<hbm>> -> memref<128x128xf32, #tpu.memory_space<hbm>>
      %dma_wait3A_60 = arith.constant 0 : i32
      %dma_wait3A_61 = tpu.memref_slice %arg5[%add3A_45, %dma_wait3A_60] : memref<20480x128xf32, #tpu.memory_space<hbm>> -> memref<128x128xf32, #tpu.memory_space<hbm>>
      tpu.wait_dma2 semaphore(%run_scoped3A : memref<!tpu.dma_semaphore, #tpu.memory_space<semaphore_mem>>) src(%arg8 : memref<128x128xf32, #tpu.memory_space<vmem>>) dst(%dma_wait3A_61 : memref<128x128xf32, #tpu.memory_space<hbm>>)
      tpu.yield
    }) : () -> ()
    %mul3A_46 = arith.constant 640 : i32
    %mul3A_47 = arith.muli %arg1, %mul3A_46 : i32
    %add3A_48 = arith.constant 384 : i32
    %add3A_49 = arith.addi %mul3A_47, %add3A_48 : i32
    "tpu.region"() ({
      %run_scoped3A = tpu.sem_alloc : memref<!tpu.dma_semaphore, #tpu.memory_space<semaphore_mem>>
      %dma_start3A = arith.constant 0 : i32
      %dma_start3A_56 = tpu.memref_slice %arg9[%add3A_49, %dma_start3A] : memref<10240x128xf32, #tpu.memory_space<vmem_shared>> -> memref<128x128xf32, #tpu.memory_space<vmem_shared>>
      %dma_start3A_57 = arith.constant 0 : i32
      %dma_start3A_58 = tpu.memref_slice %arg9[%add3A_49, %dma_start3A_57] : memref<10240x128xf32, #tpu.memory_space<vmem_shared>> -> memref<128x128xf32, #tpu.memory_space<vmem_shared>>
      tpu.enqueue_dma source(%dma_start3A_58 : memref<128x128xf32, #tpu.memory_space<vmem_shared>>) target(%arg8 : memref<128x128xf32, #tpu.memory_space<vmem>>) target_semaphore(%run_scoped3A : memref<!tpu.dma_semaphore, #tpu.memory_space<semaphore_mem>>)
      %dma_wait3A = arith.constant 0 : i32
      %dma_wait3A_59 = tpu.memref_slice %arg9[%add3A_49, %dma_wait3A] : memref<10240x128xf32, #tpu.memory_space<vmem_shared>> -> memref<128x128xf32, #tpu.memory_space<vmem_shared>>
      %dma_wait3A_60 = arith.constant 0 : i32
      %dma_wait3A_61 = tpu.memref_slice %arg9[%add3A_49, %dma_wait3A_60] : memref<10240x128xf32, #tpu.memory_space<vmem_shared>> -> memref<128x128xf32, #tpu.memory_space<vmem_shared>>
      tpu.wait_dma2 semaphore(%run_scoped3A : memref<!tpu.dma_semaphore, #tpu.memory_space<semaphore_mem>>) src(%dma_wait3A_61 : memref<128x128xf32, #tpu.memory_space<vmem_shared>>) dst(%arg8 : memref<128x128xf32, #tpu.memory_space<vmem>>)
      tpu.yield
    }) : () -> ()
    %add3A_50 = arith.addi %mul3A_0, %add3A_49 : i32
    "tpu.region"() ({
      %run_scoped3A = tpu.sem_alloc : memref<!tpu.dma_semaphore, #tpu.memory_space<semaphore_mem>>
      %dma_start3A = arith.constant 0 : i32
      %dma_start3A_56 = tpu.memref_slice %arg5[%add3A_50, %dma_start3A] : memref<20480x128xf32, #tpu.memory_space<hbm>> -> memref<128x128xf32, #tpu.memory_space<hbm>>
      %dma_start3A_57 = arith.constant 0 : i32
      %dma_start3A_58 = tpu.memref_slice %arg5[%add3A_50, %dma_start3A_57] : memref<20480x128xf32, #tpu.memory_space<hbm>> -> memref<128x128xf32, #tpu.memory_space<hbm>>
      tpu.enqueue_dma source(%arg8 : memref<128x128xf32, #tpu.memory_space<vmem>>) target(%dma_start3A_58 : memref<128x128xf32, #tpu.memory_space<hbm>>) target_semaphore(%run_scoped3A : memref<!tpu.dma_semaphore, #tpu.memory_space<semaphore_mem>>)
      %dma_wait3A = arith.constant 0 : i32
      %dma_wait3A_59 = tpu.memref_slice %arg5[%add3A_50, %dma_wait3A] : memref<20480x128xf32, #tpu.memory_space<hbm>> -> memref<128x128xf32, #tpu.memory_space<hbm>>
      %dma_wait3A_60 = arith.constant 0 : i32
      %dma_wait3A_61 = tpu.memref_slice %arg5[%add3A_50, %dma_wait3A_60] : memref<20480x128xf32, #tpu.memory_space<hbm>> -> memref<128x128xf32, #tpu.memory_space<hbm>>
      tpu.wait_dma2 semaphore(%run_scoped3A : memref<!tpu.dma_semaphore, #tpu.memory_space<semaphore_mem>>) src(%arg8 : memref<128x128xf32, #tpu.memory_space<vmem>>) dst(%dma_wait3A_61 : memref<128x128xf32, #tpu.memory_space<hbm>>)
      tpu.yield
    }) : () -> ()
    %mul3A_51 = arith.constant 640 : i32
    %mul3A_52 = arith.muli %arg1, %mul3A_51 : i32
    %add3A_53 = arith.constant 512 : i32
    %add3A_54 = arith.addi %mul3A_52, %add3A_53 : i32
    "tpu.region"() ({
      %run_scoped3A = tpu.sem_alloc : memref<!tpu.dma_semaphore, #tpu.memory_space<semaphore_mem>>
      %dma_start3A = arith.constant 0 : i32
      %dma_start3A_56 = tpu.memref_slice %arg9[%add3A_54, %dma_start3A] : memref<10240x128xf32, #tpu.memory_space<vmem_shared>> -> memref<128x128xf32, #tpu.memory_space<vmem_shared>>
      %dma_start3A_57 = arith.constant 0 : i32
      %dma_start3A_58 = tpu.memref_slice %arg9[%add3A_54, %dma_start3A_57] : memref<10240x128xf32, #tpu.memory_space<vmem_shared>> -> memref<128x128xf32, #tpu.memory_space<vmem_shared>>
      tpu.enqueue_dma source(%dma_start3A_58 : memref<128x128xf32, #tpu.memory_space<vmem_shared>>) target(%arg8 : memref<128x128xf32, #tpu.memory_space<vmem>>) target_semaphore(%run_scoped3A : memref<!tpu.dma_semaphore, #tpu.memory_space<semaphore_mem>>)
      %dma_wait3A = arith.constant 0 : i32
      %dma_wait3A_59 = tpu.memref_slice %arg9[%add3A_54, %dma_wait3A] : memref<10240x128xf32, #tpu.memory_space<vmem_shared>> -> memref<128x128xf32, #tpu.memory_space<vmem_shared>>
      %dma_wait3A_60 = arith.constant 0 : i32
      %dma_wait3A_61 = tpu.memref_slice %arg9[%add3A_54, %dma_wait3A_60] : memref<10240x128xf32, #tpu.memory_space<vmem_shared>> -> memref<128x128xf32, #tpu.memory_space<vmem_shared>>
      tpu.wait_dma2 semaphore(%run_scoped3A : memref<!tpu.dma_semaphore, #tpu.memory_space<semaphore_mem>>) src(%dma_wait3A_61 : memref<128x128xf32, #tpu.memory_space<vmem_shared>>) dst(%arg8 : memref<128x128xf32, #tpu.memory_space<vmem>>)
      tpu.yield
    }) : () -> ()
    %add3A_55 = arith.addi %mul3A_0, %add3A_54 : i32
    "tpu.region"() ({
      %run_scoped3A = tpu.sem_alloc : memref<!tpu.dma_semaphore, #tpu.memory_space<semaphore_mem>>
      %dma_start3A = arith.constant 0 : i32
      %dma_start3A_56 = tpu.memref_slice %arg5[%add3A_55, %dma_start3A] : memref<20480x128xf32, #tpu.memory_space<hbm>> -> memref<128x128xf32, #tpu.memory_space<hbm>>
      %dma_start3A_57 = arith.constant 0 : i32
      %dma_start3A_58 = tpu.memref_slice %arg5[%add3A_55, %dma_start3A_57] : memref<20480x128xf32, #tpu.memory_space<hbm>> -> memref<128x128xf32, #tpu.memory_space<hbm>>
      tpu.enqueue_dma source(%arg8 : memref<128x128xf32, #tpu.memory_space<vmem>>) target(%dma_start3A_58 : memref<128x128xf32, #tpu.memory_space<hbm>>) target_semaphore(%run_scoped3A : memref<!tpu.dma_semaphore, #tpu.memory_space<semaphore_mem>>)
      %dma_wait3A = arith.constant 0 : i32
      %dma_wait3A_59 = tpu.memref_slice %arg5[%add3A_55, %dma_wait3A] : memref<20480x128xf32, #tpu.memory_space<hbm>> -> memref<128x128xf32, #tpu.memory_space<hbm>>
      %dma_wait3A_60 = arith.constant 0 : i32
      %dma_wait3A_61 = tpu.memref_slice %arg5[%add3A_55, %dma_wait3A_60] : memref<20480x128xf32, #tpu.memory_space<hbm>> -> memref<128x128xf32, #tpu.memory_space<hbm>>
      tpu.wait_dma2 semaphore(%run_scoped3A : memref<!tpu.dma_semaphore, #tpu.memory_space<semaphore_mem>>) src(%arg8 : memref<128x128xf32, #tpu.memory_space<vmem>>) dst(%dma_wait3A_61 : memref<128x128xf32, #tpu.memory_space<hbm>>)
      tpu.yield
    }) : () -> ()
    return
  }
}

#map = affine_map<(d0, d1) -> (0, 0)>
#map1 = affine_map<(d0, d1) -> (0)>
module attributes {stable_mosaic.version = 14 : i64} {
  func.func @_sc_agg_body(%arg0: i32, %arg1: i32, %arg2: memref<20480x128xf32, #tpu.memory_space<hbm>>, %arg3: memref<163840xi32, #tpu.memory_space<hbm>>, %arg4: memref<163840xi32, #tpu.memory_space<hbm>>, %arg5: memref<128x128xf32, #tpu.memory_space<hbm>>, %arg6: memref<20480x128xf32, #tpu.memory_space<hbm>>, %arg7: memref<256xi32, #tpu.memory_space<vmem>>, %arg8: memref<256xi32, #tpu.memory_space<vmem>>, %arg9: memref<256x128xf32, #tpu.memory_space<vmem>>, %arg10: memref<64x128xf32, #tpu.memory_space<vmem>>, %arg11: memref<10240x128xf32, #tpu.memory_space<vmem_shared>>, %arg12: memref<!tpu.dma_semaphore, #tpu.memory_space<semaphore_mem>>, %arg13: memref<!tpu.dma_semaphore, #tpu.memory_space<semaphore_mem>>, %arg14: memref<!tpu.dma_semaphore, #tpu.memory_space<semaphore_mem>>) attributes {dimension_semantics = [#tpu.dimension_semantics<core_parallel>, #tpu.dimension_semantics<subcore_parallel>], iteration_bounds = array<i64: 2, 16>, scalar_prefetch = 0 : i64, scratch_operands = 8 : i64, tpu.core_type = #tpu.core_type<sc_vector_subcore>, window_params = [{transform_indices = #map}, {transform_indices = #map1}, {transform_indices = #map1}, {transform_indices = #map}, {transform_indices = #map}]} {
    %mul3A = arith.constant 10240 : i32
    %mul3A_0 = arith.muli %arg0, %mul3A : i32
    %mul3A_1 = arith.constant 640 : i32
    %mul3A_2 = arith.muli %arg1, %mul3A_1 : i32
    %add3A = arith.constant 0 : i32
    %add3A_3 = arith.addi %mul3A_2, %add3A : i32
    "tpu.region"() ({
      %run_scoped3A = tpu.sem_alloc : memref<!tpu.dma_semaphore, #tpu.memory_space<semaphore_mem>>
      %dma_start3A_185 = arith.constant 0 : i32
      %dma_start3A_186 = tpu.memref_slice %arg11[%add3A_3, %dma_start3A_185] : memref<10240x128xf32, #tpu.memory_space<vmem_shared>> -> memref<128x128xf32, #tpu.memory_space<vmem_shared>>
      tpu.enqueue_dma source(%arg5 : memref<128x128xf32, #tpu.memory_space<hbm>>) target(%dma_start3A_186 : memref<128x128xf32, #tpu.memory_space<vmem_shared>>) target_semaphore(%run_scoped3A : memref<!tpu.dma_semaphore, #tpu.memory_space<semaphore_mem>>)
      %dma_wait3A_187 = arith.constant 0 : i32
      %dma_wait3A_188 = tpu.memref_slice %arg11[%add3A_3, %dma_wait3A_187] : memref<10240x128xf32, #tpu.memory_space<vmem_shared>> -> memref<128x128xf32, #tpu.memory_space<vmem_shared>>
      tpu.wait_dma2 semaphore(%run_scoped3A : memref<!tpu.dma_semaphore, #tpu.memory_space<semaphore_mem>>) src(%arg5 : memref<128x128xf32, #tpu.memory_space<hbm>>) dst(%dma_wait3A_188 : memref<128x128xf32, #tpu.memory_space<vmem_shared>>)
      tpu.yield
    }) : () -> ()
    %mul3A_4 = arith.constant 640 : i32
    %mul3A_5 = arith.muli %arg1, %mul3A_4 : i32
    %add3A_6 = arith.constant 128 : i32
    %add3A_7 = arith.addi %mul3A_5, %add3A_6 : i32
    "tpu.region"() ({
      %run_scoped3A = tpu.sem_alloc : memref<!tpu.dma_semaphore, #tpu.memory_space<semaphore_mem>>
      %dma_start3A_185 = arith.constant 0 : i32
      %dma_start3A_186 = tpu.memref_slice %arg11[%add3A_7, %dma_start3A_185] : memref<10240x128xf32, #tpu.memory_space<vmem_shared>> -> memref<128x128xf32, #tpu.memory_space<vmem_shared>>
      tpu.enqueue_dma source(%arg5 : memref<128x128xf32, #tpu.memory_space<hbm>>) target(%dma_start3A_186 : memref<128x128xf32, #tpu.memory_space<vmem_shared>>) target_semaphore(%run_scoped3A : memref<!tpu.dma_semaphore, #tpu.memory_space<semaphore_mem>>)
      %dma_wait3A_187 = arith.constant 0 : i32
      %dma_wait3A_188 = tpu.memref_slice %arg11[%add3A_7, %dma_wait3A_187] : memref<10240x128xf32, #tpu.memory_space<vmem_shared>> -> memref<128x128xf32, #tpu.memory_space<vmem_shared>>
      tpu.wait_dma2 semaphore(%run_scoped3A : memref<!tpu.dma_semaphore, #tpu.memory_space<semaphore_mem>>) src(%arg5 : memref<128x128xf32, #tpu.memory_space<hbm>>) dst(%dma_wait3A_188 : memref<128x128xf32, #tpu.memory_space<vmem_shared>>)
      tpu.yield
    }) : () -> ()
    %mul3A_8 = arith.constant 640 : i32
    %mul3A_9 = arith.muli %arg1, %mul3A_8 : i32
    %add3A_10 = arith.constant 256 : i32
    %add3A_11 = arith.addi %mul3A_9, %add3A_10 : i32
    "tpu.region"() ({
      %run_scoped3A = tpu.sem_alloc : memref<!tpu.dma_semaphore, #tpu.memory_space<semaphore_mem>>
      %dma_start3A_185 = arith.constant 0 : i32
      %dma_start3A_186 = tpu.memref_slice %arg11[%add3A_11, %dma_start3A_185] : memref<10240x128xf32, #tpu.memory_space<vmem_shared>> -> memref<128x128xf32, #tpu.memory_space<vmem_shared>>
      tpu.enqueue_dma source(%arg5 : memref<128x128xf32, #tpu.memory_space<hbm>>) target(%dma_start3A_186 : memref<128x128xf32, #tpu.memory_space<vmem_shared>>) target_semaphore(%run_scoped3A : memref<!tpu.dma_semaphore, #tpu.memory_space<semaphore_mem>>)
      %dma_wait3A_187 = arith.constant 0 : i32
      %dma_wait3A_188 = tpu.memref_slice %arg11[%add3A_11, %dma_wait3A_187] : memref<10240x128xf32, #tpu.memory_space<vmem_shared>> -> memref<128x128xf32, #tpu.memory_space<vmem_shared>>
      tpu.wait_dma2 semaphore(%run_scoped3A : memref<!tpu.dma_semaphore, #tpu.memory_space<semaphore_mem>>) src(%arg5 : memref<128x128xf32, #tpu.memory_space<hbm>>) dst(%dma_wait3A_188 : memref<128x128xf32, #tpu.memory_space<vmem_shared>>)
      tpu.yield
    }) : () -> ()
    %mul3A_12 = arith.constant 640 : i32
    %mul3A_13 = arith.muli %arg1, %mul3A_12 : i32
    %add3A_14 = arith.constant 384 : i32
    %add3A_15 = arith.addi %mul3A_13, %add3A_14 : i32
    "tpu.region"() ({
      %run_scoped3A = tpu.sem_alloc : memref<!tpu.dma_semaphore, #tpu.memory_space<semaphore_mem>>
      %dma_start3A_185 = arith.constant 0 : i32
      %dma_start3A_186 = tpu.memref_slice %arg11[%add3A_15, %dma_start3A_185] : memref<10240x128xf32, #tpu.memory_space<vmem_shared>> -> memref<128x128xf32, #tpu.memory_space<vmem_shared>>
      tpu.enqueue_dma source(%arg5 : memref<128x128xf32, #tpu.memory_space<hbm>>) target(%dma_start3A_186 : memref<128x128xf32, #tpu.memory_space<vmem_shared>>) target_semaphore(%run_scoped3A : memref<!tpu.dma_semaphore, #tpu.memory_space<semaphore_mem>>)
      %dma_wait3A_187 = arith.constant 0 : i32
      %dma_wait3A_188 = tpu.memref_slice %arg11[%add3A_15, %dma_wait3A_187] : memref<10240x128xf32, #tpu.memory_space<vmem_shared>> -> memref<128x128xf32, #tpu.memory_space<vmem_shared>>
      tpu.wait_dma2 semaphore(%run_scoped3A : memref<!tpu.dma_semaphore, #tpu.memory_space<semaphore_mem>>) src(%arg5 : memref<128x128xf32, #tpu.memory_space<hbm>>) dst(%dma_wait3A_188 : memref<128x128xf32, #tpu.memory_space<vmem_shared>>)
      tpu.yield
    }) : () -> ()
    %mul3A_16 = arith.constant 640 : i32
    %mul3A_17 = arith.muli %arg1, %mul3A_16 : i32
    %add3A_18 = arith.constant 512 : i32
    %add3A_19 = arith.addi %mul3A_17, %add3A_18 : i32
    "tpu.region"() ({
      %run_scoped3A = tpu.sem_alloc : memref<!tpu.dma_semaphore, #tpu.memory_space<semaphore_mem>>
      %dma_start3A_185 = arith.constant 0 : i32
      %dma_start3A_186 = tpu.memref_slice %arg11[%add3A_19, %dma_start3A_185] : memref<10240x128xf32, #tpu.memory_space<vmem_shared>> -> memref<128x128xf32, #tpu.memory_space<vmem_shared>>
      tpu.enqueue_dma source(%arg5 : memref<128x128xf32, #tpu.memory_space<hbm>>) target(%dma_start3A_186 : memref<128x128xf32, #tpu.memory_space<vmem_shared>>) target_semaphore(%run_scoped3A : memref<!tpu.dma_semaphore, #tpu.memory_space<semaphore_mem>>)
      %dma_wait3A_187 = arith.constant 0 : i32
      %dma_wait3A_188 = tpu.memref_slice %arg11[%add3A_19, %dma_wait3A_187] : memref<10240x128xf32, #tpu.memory_space<vmem_shared>> -> memref<128x128xf32, #tpu.memory_space<vmem_shared>>
      tpu.wait_dma2 semaphore(%run_scoped3A : memref<!tpu.dma_semaphore, #tpu.memory_space<semaphore_mem>>) src(%arg5 : memref<128x128xf32, #tpu.memory_space<hbm>>) dst(%dma_wait3A_188 : memref<128x128xf32, #tpu.memory_space<vmem_shared>>)
      tpu.yield
    }) : () -> ()
    %barrier3A = arith.constant 0 : index
    tpu.barrier barrier_id(%barrier3A)
    %mul3A_20 = arith.constant 10240 : i32
    %mul3A_21 = arith.muli %arg1, %mul3A_20 : i32
    "tpu.region"() ({
      %run_scoped3A = tpu.sem_alloc : memref<!tpu.dma_semaphore, #tpu.memory_space<semaphore_mem>>
      %dma_start3A_185 = arith.constant 0 : i32
      %dma_start3A_186 = tpu.memref_slice %arg7[%dma_start3A_185] : memref<256xi32, #tpu.memory_space<vmem>> -> memref<128xi32, #tpu.memory_space<vmem>>
      %dma_start3A_187 = tpu.memref_slice %arg3[%mul3A_21] : memref<163840xi32, #tpu.memory_space<hbm>> -> memref<128xi32, #tpu.memory_space<hbm>>
      %dma_start3A_188 = arith.constant 0 : i32
      %dma_start3A_189 = tpu.memref_slice %arg7[%dma_start3A_188] : memref<256xi32, #tpu.memory_space<vmem>> -> memref<128xi32, #tpu.memory_space<vmem>>
      %dma_start3A_190 = tpu.memref_slice %arg3[%mul3A_21] : memref<163840xi32, #tpu.memory_space<hbm>> -> memref<128xi32, #tpu.memory_space<hbm>>
      tpu.enqueue_dma source(%dma_start3A_190 : memref<128xi32, #tpu.memory_space<hbm>>) target(%dma_start3A_189 : memref<128xi32, #tpu.memory_space<vmem>>) target_semaphore(%run_scoped3A : memref<!tpu.dma_semaphore, #tpu.memory_space<semaphore_mem>>)
      %dma_wait3A_191 = arith.constant 0 : i32
      %dma_wait3A_192 = tpu.memref_slice %arg7[%dma_wait3A_191] : memref<256xi32, #tpu.memory_space<vmem>> -> memref<128xi32, #tpu.memory_space<vmem>>
      %dma_wait3A_193 = tpu.memref_slice %arg3[%mul3A_21] : memref<163840xi32, #tpu.memory_space<hbm>> -> memref<128xi32, #tpu.memory_space<hbm>>
      %dma_wait3A_194 = arith.constant 0 : i32
      %dma_wait3A_195 = tpu.memref_slice %arg7[%dma_wait3A_194] : memref<256xi32, #tpu.memory_space<vmem>> -> memref<128xi32, #tpu.memory_space<vmem>>
      %dma_wait3A_196 = tpu.memref_slice %arg3[%mul3A_21] : memref<163840xi32, #tpu.memory_space<hbm>> -> memref<128xi32, #tpu.memory_space<hbm>>
      tpu.wait_dma2 semaphore(%run_scoped3A : memref<!tpu.dma_semaphore, #tpu.memory_space<semaphore_mem>>) src(%dma_wait3A_196 : memref<128xi32, #tpu.memory_space<hbm>>) dst(%dma_wait3A_195 : memref<128xi32, #tpu.memory_space<vmem>>)
      tpu.yield
    }) : () -> ()
    "tpu.region"() ({
      %run_scoped3A = tpu.sem_alloc : memref<!tpu.dma_semaphore, #tpu.memory_space<semaphore_mem>>
      %dma_start3A_185 = arith.constant 0 : i32
      %dma_start3A_186 = tpu.memref_slice %arg8[%dma_start3A_185] : memref<256xi32, #tpu.memory_space<vmem>> -> memref<128xi32, #tpu.memory_space<vmem>>
      %dma_start3A_187 = tpu.memref_slice %arg4[%mul3A_21] : memref<163840xi32, #tpu.memory_space<hbm>> -> memref<128xi32, #tpu.memory_space<hbm>>
      %dma_start3A_188 = arith.constant 0 : i32
      %dma_start3A_189 = tpu.memref_slice %arg8[%dma_start3A_188] : memref<256xi32, #tpu.memory_space<vmem>> -> memref<128xi32, #tpu.memory_space<vmem>>
      %dma_start3A_190 = tpu.memref_slice %arg4[%mul3A_21] : memref<163840xi32, #tpu.memory_space<hbm>> -> memref<128xi32, #tpu.memory_space<hbm>>
      tpu.enqueue_dma source(%dma_start3A_190 : memref<128xi32, #tpu.memory_space<hbm>>) target(%dma_start3A_189 : memref<128xi32, #tpu.memory_space<vmem>>) target_semaphore(%run_scoped3A : memref<!tpu.dma_semaphore, #tpu.memory_space<semaphore_mem>>)
      %dma_wait3A_191 = arith.constant 0 : i32
      %dma_wait3A_192 = tpu.memref_slice %arg8[%dma_wait3A_191] : memref<256xi32, #tpu.memory_space<vmem>> -> memref<128xi32, #tpu.memory_space<vmem>>
      %dma_wait3A_193 = tpu.memref_slice %arg4[%mul3A_21] : memref<163840xi32, #tpu.memory_space<hbm>> -> memref<128xi32, #tpu.memory_space<hbm>>
      %dma_wait3A_194 = arith.constant 0 : i32
      %dma_wait3A_195 = tpu.memref_slice %arg8[%dma_wait3A_194] : memref<256xi32, #tpu.memory_space<vmem>> -> memref<128xi32, #tpu.memory_space<vmem>>
      %dma_wait3A_196 = tpu.memref_slice %arg4[%mul3A_21] : memref<163840xi32, #tpu.memory_space<hbm>> -> memref<128xi32, #tpu.memory_space<hbm>>
      tpu.wait_dma2 semaphore(%run_scoped3A : memref<!tpu.dma_semaphore, #tpu.memory_space<semaphore_mem>>) src(%dma_wait3A_196 : memref<128xi32, #tpu.memory_space<hbm>>) dst(%dma_wait3A_195 : memref<128xi32, #tpu.memory_space<vmem>>)
      tpu.yield
    }) : () -> ()
    %get3A = arith.constant 0 : index
    %get3A_22 = tpu.vector_load %arg7[%get3A] {strides = array<i32>} : memref<256xi32, #tpu.memory_space<vmem>>, vector<16xi32>,
    %get3A_23 = vector.shape_cast %get3A_22 : vector<16xi32> to vector<16xi32>
    %add3A_24 = vector.broadcast %mul3A_0 : i32 to vector<16xi32>
    %add3A_25 = arith.addi %get3A_23, %add3A_24 : vector<16xi32>
    %dma_start3A = arith.constant 0 : i32
    %dma_start3A_26 = arith.constant 0 : i32
    %dma_start3A_27 = tpu.memref_slice %arg9[%dma_start3A, %dma_start3A_26] : memref<256x128xf32, #tpu.memory_space<vmem>> -> memref<16x128xf32, #tpu.memory_space<vmem>>
    %dma_start3A_28 = arith.constant 0 : i32
    %dma_start3A_29 = arith.constant 0 : i32
    %dma_start3A_30 = tpu.memref_slice %arg2[%dma_start3A_28, %dma_start3A_29] : memref<20480x128xf32, #tpu.memory_space<hbm>> -> memref<20480x128xf32, #tpu.memory_space<hbm>>
    tpu.enqueue_indirect_dma source(%dma_start3A_30 : memref<20480x128xf32, #tpu.memory_space<hbm>>) target(%dma_start3A_27 : memref<16x128xf32, #tpu.memory_space<vmem>>) offsets(%add3A_25 : vector<16xi32>) semaphore(%arg12 : memref<!tpu.dma_semaphore, #tpu.memory_space<semaphore_mem>>)
    %get3A_31 = arith.constant 16 : index
    %get3A_32 = tpu.vector_load %arg7[%get3A_31] {strides = array<i32>} : memref<256xi32, #tpu.memory_space<vmem>>, vector<16xi32>,
    %get3A_33 = vector.shape_cast %get3A_32 : vector<16xi32> to vector<16xi32>
    %add3A_34 = vector.broadcast %mul3A_0 : i32 to vector<16xi32>
    %add3A_35 = arith.addi %get3A_33, %add3A_34 : vector<16xi32>
    %dma_start3A_36 = arith.constant 16 : i32
    %dma_start3A_37 = arith.constant 0 : i32
    %dma_start3A_38 = tpu.memref_slice %arg9[%dma_start3A_36, %dma_start3A_37] : memref<256x128xf32, #tpu.memory_space<vmem>> -> memref<16x128xf32, #tpu.memory_space<vmem>>
    %dma_start3A_39 = arith.constant 0 : i32
    %dma_start3A_40 = arith.constant 0 : i32
    %dma_start3A_41 = tpu.memref_slice %arg2[%dma_start3A_39, %dma_start3A_40] : memref<20480x128xf32, #tpu.memory_space<hbm>> -> memref<20480x128xf32, #tpu.memory_space<hbm>>
    tpu.enqueue_indirect_dma source(%dma_start3A_41 : memref<20480x128xf32, #tpu.memory_space<hbm>>) target(%dma_start3A_38 : memref<16x128xf32, #tpu.memory_space<vmem>>) offsets(%add3A_35 : vector<16xi32>) semaphore(%arg12 : memref<!tpu.dma_semaphore, #tpu.memory_space<semaphore_mem>>)
    %get3A_42 = arith.constant 32 : index
    %get3A_43 = tpu.vector_load %arg7[%get3A_42] {strides = array<i32>} : memref<256xi32, #tpu.memory_space<vmem>>, vector<16xi32>,
    %get3A_44 = vector.shape_cast %get3A_43 : vector<16xi32> to vector<16xi32>
    %add3A_45 = vector.broadcast %mul3A_0 : i32 to vector<16xi32>
    %add3A_46 = arith.addi %get3A_44, %add3A_45 : vector<16xi32>
    %dma_start3A_47 = arith.constant 32 : i32
    %dma_start3A_48 = arith.constant 0 : i32
    %dma_start3A_49 = tpu.memref_slice %arg9[%dma_start3A_47, %dma_start3A_48] : memref<256x128xf32, #tpu.memory_space<vmem>> -> memref<16x128xf32, #tpu.memory_space<vmem>>
    %dma_start3A_50 = arith.constant 0 : i32
    %dma_start3A_51 = arith.constant 0 : i32
    %dma_start3A_52 = tpu.memref_slice %arg2[%dma_start3A_50, %dma_start3A_51] : memref<20480x128xf32, #tpu.memory_space<hbm>> -> memref<20480x128xf32, #tpu.memory_space<hbm>>
    tpu.enqueue_indirect_dma source(%dma_start3A_52 : memref<20480x128xf32, #tpu.memory_space<hbm>>) target(%dma_start3A_49 : memref<16x128xf32, #tpu.memory_space<vmem>>) offsets(%add3A_46 : vector<16xi32>) semaphore(%arg12 : memref<!tpu.dma_semaphore, #tpu.memory_space<semaphore_mem>>)
    %get3A_53 = arith.constant 48 : index
    %get3A_54 = tpu.vector_load %arg7[%get3A_53] {strides = array<i32>} : memref<256xi32, #tpu.memory_space<vmem>>, vector<16xi32>,
    %get3A_55 = vector.shape_cast %get3A_54 : vector<16xi32> to vector<16xi32>
    %add3A_56 = vector.broadcast %mul3A_0 : i32 to vector<16xi32>
    %add3A_57 = arith.addi %get3A_55, %add3A_56 : vector<16xi32>
    %dma_start3A_58 = arith.constant 48 : i32
    %dma_start3A_59 = arith.constant 0 : i32
    %dma_start3A_60 = tpu.memref_slice %arg9[%dma_start3A_58, %dma_start3A_59] : memref<256x128xf32, #tpu.memory_space<vmem>> -> memref<16x128xf32, #tpu.memory_space<vmem>>
    %dma_start3A_61 = arith.constant 0 : i32
    %dma_start3A_62 = arith.constant 0 : i32
    %dma_start3A_63 = tpu.memref_slice %arg2[%dma_start3A_61, %dma_start3A_62] : memref<20480x128xf32, #tpu.memory_space<hbm>> -> memref<20480x128xf32, #tpu.memory_space<hbm>>
    tpu.enqueue_indirect_dma source(%dma_start3A_63 : memref<20480x128xf32, #tpu.memory_space<hbm>>) target(%dma_start3A_60 : memref<16x128xf32, #tpu.memory_space<vmem>>) offsets(%add3A_57 : vector<16xi32>) semaphore(%arg12 : memref<!tpu.dma_semaphore, #tpu.memory_space<semaphore_mem>>)
    %get3A_64 = arith.constant 64 : index
    %get3A_65 = tpu.vector_load %arg7[%get3A_64] {strides = array<i32>} : memref<256xi32, #tpu.memory_space<vmem>>, vector<16xi32>,
    %get3A_66 = vector.shape_cast %get3A_65 : vector<16xi32> to vector<16xi32>
    %add3A_67 = vector.broadcast %mul3A_0 : i32 to vector<16xi32>
    %add3A_68 = arith.addi %get3A_66, %add3A_67 : vector<16xi32>
    %dma_start3A_69 = arith.constant 64 : i32
    %dma_start3A_70 = arith.constant 0 : i32
    %dma_start3A_71 = tpu.memref_slice %arg9[%dma_start3A_69, %dma_start3A_70] : memref<256x128xf32, #tpu.memory_space<vmem>> -> memref<16x128xf32, #tpu.memory_space<vmem>>
    %dma_start3A_72 = arith.constant 0 : i32
    %dma_start3A_73 = arith.constant 0 : i32
    %dma_start3A_74 = tpu.memref_slice %arg2[%dma_start3A_72, %dma_start3A_73] : memref<20480x128xf32, #tpu.memory_space<hbm>> -> memref<20480x128xf32, #tpu.memory_space<hbm>>
    tpu.enqueue_indirect_dma source(%dma_start3A_74 : memref<20480x128xf32, #tpu.memory_space<hbm>>) target(%dma_start3A_71 : memref<16x128xf32, #tpu.memory_space<vmem>>) offsets(%add3A_68 : vector<16xi32>) semaphore(%arg12 : memref<!tpu.dma_semaphore, #tpu.memory_space<semaphore_mem>>)
    %get3A_75 = arith.constant 80 : index
    %get3A_76 = tpu.vector_load %arg7[%get3A_75] {strides = array<i32>} : memref<256xi32, #tpu.memory_space<vmem>>, vector<16xi32>,
    %get3A_77 = vector.shape_cast %get3A_76 : vector<16xi32> to vector<16xi32>
    %add3A_78 = vector.broadcast %mul3A_0 : i32 to vector<16xi32>
    %add3A_79 = arith.addi %get3A_77, %add3A_78 : vector<16xi32>
    %dma_start3A_80 = arith.constant 80 : i32
    %dma_start3A_81 = arith.constant 0 : i32
    %dma_start3A_82 = tpu.memref_slice %arg9[%dma_start3A_80, %dma_start3A_81] : memref<256x128xf32, #tpu.memory_space<vmem>> -> memref<16x128xf32, #tpu.memory_space<vmem>>
    %dma_start3A_83 = arith.constant 0 : i32
    %dma_start3A_84 = arith.constant 0 : i32
    %dma_start3A_85 = tpu.memref_slice %arg2[%dma_start3A_83, %dma_start3A_84] : memref<20480x128xf32, #tpu.memory_space<hbm>> -> memref<20480x128xf32, #tpu.memory_space<hbm>>
    tpu.enqueue_indirect_dma source(%dma_start3A_85 : memref<20480x128xf32, #tpu.memory_space<hbm>>) target(%dma_start3A_82 : memref<16x128xf32, #tpu.memory_space<vmem>>) offsets(%add3A_79 : vector<16xi32>) semaphore(%arg12 : memref<!tpu.dma_semaphore, #tpu.memory_space<semaphore_mem>>)
    %get3A_86 = arith.constant 96 : index
    %get3A_87 = tpu.vector_load %arg7[%get3A_86] {strides = array<i32>} : memref<256xi32, #tpu.memory_space<vmem>>, vector<16xi32>,
    %get3A_88 = vector.shape_cast %get3A_87 : vector<16xi32> to vector<16xi32>
    %add3A_89 = vector.broadcast %mul3A_0 : i32 to vector<16xi32>
    %add3A_90 = arith.addi %get3A_88, %add3A_89 : vector<16xi32>
    %dma_start3A_91 = arith.constant 96 : i32
    %dma_start3A_92 = arith.constant 0 : i32
    %dma_start3A_93 = tpu.memref_slice %arg9[%dma_start3A_91, %dma_start3A_92] : memref<256x128xf32, #tpu.memory_space<vmem>> -> memref<16x128xf32, #tpu.memory_space<vmem>>
    %dma_start3A_94 = arith.constant 0 : i32
    %dma_start3A_95 = arith.constant 0 : i32
    %dma_start3A_96 = tpu.memref_slice %arg2[%dma_start3A_94, %dma_start3A_95] : memref<20480x128xf32, #tpu.memory_space<hbm>> -> memref<20480x128xf32, #tpu.memory_space<hbm>>
    tpu.enqueue_indirect_dma source(%dma_start3A_96 : memref<20480x128xf32, #tpu.memory_space<hbm>>) target(%dma_start3A_93 : memref<16x128xf32, #tpu.memory_space<vmem>>) offsets(%add3A_90 : vector<16xi32>) semaphore(%arg12 : memref<!tpu.dma_semaphore, #tpu.memory_space<semaphore_mem>>)
    %get3A_97 = arith.constant 112 : index
    %get3A_98 = tpu.vector_load %arg7[%get3A_97] {strides = array<i32>} : memref<256xi32, #tpu.memory_space<vmem>>, vector<16xi32>,
    %get3A_99 = vector.shape_cast %get3A_98 : vector<16xi32> to vector<16xi32>
    %add3A_100 = vector.broadcast %mul3A_0 : i32 to vector<16xi32>
    %add3A_101 = arith.addi %get3A_99, %add3A_100 : vector<16xi32>
    %dma_start3A_102 = arith.constant 112 : i32
    %dma_start3A_103 = arith.constant 0 : i32
    %dma_start3A_104 = tpu.memref_slice %arg9[%dma_start3A_102, %dma_start3A_103] : memref<256x128xf32, #tpu.memory_space<vmem>> -> memref<16x128xf32, #tpu.memory_space<vmem>>
    %dma_start3A_105 = arith.constant 0 : i32
    %dma_start3A_106 = arith.constant 0 : i32
    %dma_start3A_107 = tpu.memref_slice %arg2[%dma_start3A_105, %dma_start3A_106] : memref<20480x128xf32, #tpu.memory_space<hbm>> -> memref<20480x128xf32, #tpu.memory_space<hbm>>
    tpu.enqueue_indirect_dma source(%dma_start3A_107 : memref<20480x128xf32, #tpu.memory_space<hbm>>) target(%dma_start3A_104 : memref<16x128xf32, #tpu.memory_space<vmem>>) offsets(%add3A_101 : vector<16xi32>) semaphore(%arg12 : memref<!tpu.dma_semaphore, #tpu.memory_space<semaphore_mem>>)
    %add3A_108 = arith.constant 128 : i32
    %add3A_109 = arith.addi %mul3A_21, %add3A_108 : i32
    %dma_start3A_110 = arith.constant 128 : i32
    %dma_start3A_111 = tpu.memref_slice %arg7[%dma_start3A_110] : memref<256xi32, #tpu.memory_space<vmem>> -> memref<128xi32, #tpu.memory_space<vmem>>
    %dma_start3A_112 = tpu.memref_slice %arg3[%add3A_109] : memref<163840xi32, #tpu.memory_space<hbm>> -> memref<128xi32, #tpu.memory_space<hbm>>
    %dma_start3A_113 = arith.constant 128 : i32
    %dma_start3A_114 = tpu.memref_slice %arg7[%dma_start3A_113] : memref<256xi32, #tpu.memory_space<vmem>> -> memref<128xi32, #tpu.memory_space<vmem>>
    %dma_start3A_115 = tpu.memref_slice %arg3[%add3A_109] : memref<163840xi32, #tpu.memory_space<hbm>> -> memref<128xi32, #tpu.memory_space<hbm>>
    tpu.enqueue_dma source(%dma_start3A_115 : memref<128xi32, #tpu.memory_space<hbm>>) target(%dma_start3A_114 : memref<128xi32, #tpu.memory_space<vmem>>) target_semaphore(%arg14 : memref<!tpu.dma_semaphore, #tpu.memory_space<semaphore_mem>>)
    %add3A_116 = arith.constant 128 : i32
    %add3A_117 = arith.addi %mul3A_21, %add3A_116 : i32
    %dma_start3A_118 = arith.constant 128 : i32
    %dma_start3A_119 = tpu.memref_slice %arg8[%dma_start3A_118] : memref<256xi32, #tpu.memory_space<vmem>> -> memref<128xi32, #tpu.memory_space<vmem>>
    %dma_start3A_120 = tpu.memref_slice %arg4[%add3A_117] : memref<163840xi32, #tpu.memory_space<hbm>> -> memref<128xi32, #tpu.memory_space<hbm>>
    %dma_start3A_121 = arith.constant 128 : i32
    %dma_start3A_122 = tpu.memref_slice %arg8[%dma_start3A_121] : memref<256xi32, #tpu.memory_space<vmem>> -> memref<128xi32, #tpu.memory_space<vmem>>
    %dma_start3A_123 = tpu.memref_slice %arg4[%add3A_117] : memref<163840xi32, #tpu.memory_space<hbm>> -> memref<128xi32, #tpu.memory_space<hbm>>
    tpu.enqueue_dma source(%dma_start3A_123 : memref<128xi32, #tpu.memory_space<hbm>>) target(%dma_start3A_122 : memref<128xi32, #tpu.memory_space<vmem>>) target_semaphore(%arg14 : memref<!tpu.dma_semaphore, #tpu.memory_space<semaphore_mem>>)
    %scan3A = arith.constant 0 : i32
    %scan3A_124 = arith.constant 0 : i32
    %scan3A_125 = arith.constant 80 : i32
    %scan3A_126 = arith.addi %scan3A_124, %scan3A_125 : i32
    %scan3A_127 = arith.constant 1 : i32
    scf.for %scan3A_185 = %scan3A_124 to %scan3A_126 step %scan3A_127  : i32 {
      %jit3A = arith.constant 2 : i32
      %eq3A = arith.constant 0 : i32
      %eq3A_186 = arith.cmpi eq, %jit3A, %eq3A : i32
      %jit3A_187 = arith.constant 1 : i32
      %select_n3A = arith.select %eq3A_186, %jit3A_187, %jit3A : i32
      %rem3A = arith.remsi %scan3A_185, %select_n3A : i32
      %ne3A = arith.constant 0 : i32
      %ne3A_188 = arith.cmpi ne, %rem3A, %ne3A : i32
      %lt3A = arith.constant 0 : i32
      %lt3A_189 = arith.cmpi slt, %rem3A, %lt3A : i32
      %lt3A_190 = arith.constant 0 : i32
      %lt3A_191 = arith.cmpi slt, %select_n3A, %lt3A_190 : i32
      %ne3A_192 = arith.xori %lt3A_189, %lt3A_191 : i1
      %and3A = arith.andi %ne3A_192, %ne3A_188 : i1
      %add3A_193 = arith.addi %rem3A, %select_n3A : i32
      %select_n3A_194 = arith.select %and3A, %add3A_193, %rem3A : i32
      %add3A_195 = arith.constant 1 : i32
      %add3A_196 = arith.addi %scan3A_185, %add3A_195 : i32
      %jit3A_197 = arith.constant 2 : i32
      %eq3A_198 = arith.constant 0 : i32
      %eq3A_199 = arith.cmpi eq, %jit3A_197, %eq3A_198 : i32
      %jit3A_200 = arith.constant 1 : i32
      %select_n3A_201 = arith.select %eq3A_199, %jit3A_200, %jit3A_197 : i32
      %rem3A_202 = arith.remsi %add3A_196, %select_n3A_201 : i32
      %ne3A_203 = arith.constant 0 : i32
      %ne3A_204 = arith.cmpi ne, %rem3A_202, %ne3A_203 : i32
      %lt3A_205 = arith.constant 0 : i32
      %lt3A_206 = arith.cmpi slt, %rem3A_202, %lt3A_205 : i32
      %lt3A_207 = arith.constant 0 : i32
      %lt3A_208 = arith.cmpi slt, %select_n3A_201, %lt3A_207 : i32
      %ne3A_209 = arith.xori %lt3A_206, %lt3A_208 : i1
      %and3A_210 = arith.andi %ne3A_209, %ne3A_204 : i1
      %add3A_211 = arith.addi %rem3A_202, %select_n3A_201 : i32
      %select_n3A_212 = arith.select %and3A_210, %add3A_211, %rem3A_202 : i32
      %gt3A = arith.constant 0 : i32
      %gt3A_213 = arith.cmpi sgt, %scan3A_185, %gt3A : i32
      %convert_element_type3A = arith.extui %gt3A_213 : i1 to i32
      %cond3A = arith.constant 0 : i32
      %cond3A_214 = arith.cmpi ne, %convert_element_type3A, %cond3A : i32
      scf.if %cond3A_214 {
        %dma_wait3A_363 = arith.constant 0 : i32
        %dma_wait3A_364 = arith.constant 0 : i32
        %dma_wait3A_365 = tpu.memref_slice %arg9[%dma_wait3A_363, %dma_wait3A_364] : memref<256x128xf32, #tpu.memory_space<vmem>> -> memref<128x128xf32, #tpu.memory_space<vmem>>
        %dma_wait3A_366 = arith.constant 0 : i32
        %dma_wait3A_367 = arith.constant 0 : i32
        %dma_wait3A_368 = tpu.memref_slice %arg9[%dma_wait3A_366, %dma_wait3A_367] : memref<256x128xf32, #tpu.memory_space<vmem>> -> memref<128x128xf32, #tpu.memory_space<vmem>>
        tpu.wait_dma2 semaphore(%arg13 : memref<!tpu.dma_semaphore, #tpu.memory_space<semaphore_mem>>) src(%arg5 : memref<128x128xf32, #tpu.memory_space<hbm>>) dst(%dma_wait3A_368 : memref<128x128xf32, #tpu.memory_space<vmem>>)
      } else {
      }
      %add3A_215 = arith.constant 1 : i32
      %add3A_216 = arith.addi %scan3A_185, %add3A_215 : i32
      %lt3A_217 = arith.constant 80 : i32
      %lt3A_218 = arith.cmpi slt, %add3A_216, %lt3A_217 : i32
      %convert_element_type3A_219 = arith.extui %lt3A_218 : i1 to i32
      %cond3A_220 = arith.constant 0 : i32
      %cond3A_221 = arith.cmpi ne, %convert_element_type3A_219, %cond3A_220 : i32
      scf.if %cond3A_221 {
        %dma_wait3A_363 = arith.constant 0 : i32
        %dma_wait3A_364 = tpu.memref_slice %arg7[%dma_wait3A_363] : memref<256xi32, #tpu.memory_space<vmem>> -> memref<128xi32, #tpu.memory_space<vmem>>
        %dma_wait3A_365 = arith.constant 0 : i32
        %dma_wait3A_366 = tpu.memref_slice %arg3[%dma_wait3A_365] : memref<163840xi32, #tpu.memory_space<hbm>> -> memref<128xi32, #tpu.memory_space<hbm>>
        %dma_wait3A_367 = arith.constant 0 : i32
        %dma_wait3A_368 = tpu.memref_slice %arg7[%dma_wait3A_367] : memref<256xi32, #tpu.memory_space<vmem>> -> memref<128xi32, #tpu.memory_space<vmem>>
        %dma_wait3A_369 = arith.constant 0 : i32
        %dma_wait3A_370 = tpu.memref_slice %arg3[%dma_wait3A_369] : memref<163840xi32, #tpu.memory_space<hbm>> -> memref<128xi32, #tpu.memory_space<hbm>>
        tpu.wait_dma2 semaphore(%arg14 : memref<!tpu.dma_semaphore, #tpu.memory_space<semaphore_mem>>) src(%dma_wait3A_370 : memref<128xi32, #tpu.memory_space<hbm>>) dst(%dma_wait3A_368 : memref<128xi32, #tpu.memory_space<vmem>>)
        %dma_wait3A_371 = arith.constant 0 : i32
        %dma_wait3A_372 = tpu.memref_slice %arg8[%dma_wait3A_371] : memref<256xi32, #tpu.memory_space<vmem>> -> memref<128xi32, #tpu.memory_space<vmem>>
        %dma_wait3A_373 = arith.constant 0 : i32
        %dma_wait3A_374 = tpu.memref_slice %arg4[%dma_wait3A_373] : memref<163840xi32, #tpu.memory_space<hbm>> -> memref<128xi32, #tpu.memory_space<hbm>>
        %dma_wait3A_375 = arith.constant 0 : i32
        %dma_wait3A_376 = tpu.memref_slice %arg8[%dma_wait3A_375] : memref<256xi32, #tpu.memory_space<vmem>> -> memref<128xi32, #tpu.memory_space<vmem>>
        %dma_wait3A_377 = arith.constant 0 : i32
        %dma_wait3A_378 = tpu.memref_slice %arg4[%dma_wait3A_377] : memref<163840xi32, #tpu.memory_space<hbm>> -> memref<128xi32, #tpu.memory_space<hbm>>
        tpu.wait_dma2 semaphore(%arg14 : memref<!tpu.dma_semaphore, #tpu.memory_space<semaphore_mem>>) src(%dma_wait3A_378 : memref<128xi32, #tpu.memory_space<hbm>>) dst(%dma_wait3A_376 : memref<128xi32, #tpu.memory_space<vmem>>)
        %add3A_379 = arith.constant 1 : i32
        %add3A_380 = arith.addi %scan3A_185, %add3A_379 : i32
        %mul3A_381 = arith.constant 128 : i32
        %mul3A_382 = arith.muli %select_n3A_212, %mul3A_381 : i32
        %add3A_383 = arith.constant 0 : i32
        %add3A_384 = arith.addi %mul3A_382, %add3A_383 : i32
        %get3A_385 = arith.index_cast %add3A_384 : i32 to index
        %get3A_386 = tpu.vector_load %arg7[%get3A_385] {strides = array<i32>} : memref<256xi32, #tpu.memory_space<vmem>>, vector<16xi32>,
        %get3A_387 = vector.shape_cast %get3A_386 : vector<16xi32> to vector<16xi32>
        %add3A_388 = vector.broadcast %mul3A_0 : i32 to vector<16xi32>
        %add3A_389 = arith.addi %get3A_387, %add3A_388 : vector<16xi32>
        %mul3A_390 = arith.constant 128 : i32
        %mul3A_391 = arith.muli %select_n3A_212, %mul3A_390 : i32
        %add3A_392 = arith.constant 0 : i32
        %add3A_393 = arith.addi %mul3A_391, %add3A_392 : i32
        %dma_start3A_394 = arith.constant 0 : i32
        %dma_start3A_395 = tpu.memref_slice %arg9[%add3A_393, %dma_start3A_394] : memref<256x128xf32, #tpu.memory_space<vmem>> -> memref<16x128xf32, #tpu.memory_space<vmem>>
        %dma_start3A_396 = arith.constant 0 : i32
        %dma_start3A_397 = arith.constant 0 : i32
        %dma_start3A_398 = tpu.memref_slice %arg2[%dma_start3A_396, %dma_start3A_397] : memref<20480x128xf32, #tpu.memory_space<hbm>> -> memref<20480x128xf32, #tpu.memory_space<hbm>>
        tpu.enqueue_indirect_dma source(%dma_start3A_398 : memref<20480x128xf32, #tpu.memory_space<hbm>>) target(%dma_start3A_395 : memref<16x128xf32, #tpu.memory_space<vmem>>) offsets(%add3A_389 : vector<16xi32>) semaphore(%arg12 : memref<!tpu.dma_semaphore, #tpu.memory_space<semaphore_mem>>)
        %mul3A_399 = arith.constant 128 : i32
        %mul3A_400 = arith.muli %select_n3A_212, %mul3A_399 : i32
        %add3A_401 = arith.constant 16 : i32
        %add3A_402 = arith.addi %mul3A_400, %add3A_401 : i32
        %get3A_403 = arith.index_cast %add3A_402 : i32 to index
        %get3A_404 = tpu.vector_load %arg7[%get3A_403] {strides = array<i32>} : memref<256xi32, #tpu.memory_space<vmem>>, vector<16xi32>,
        %get3A_405 = vector.shape_cast %get3A_404 : vector<16xi32> to vector<16xi32>
        %add3A_406 = vector.broadcast %mul3A_0 : i32 to vector<16xi32>
        %add3A_407 = arith.addi %get3A_405, %add3A_406 : vector<16xi32>
        %mul3A_408 = arith.constant 128 : i32
        %mul3A_409 = arith.muli %select_n3A_212, %mul3A_408 : i32
        %add3A_410 = arith.constant 16 : i32
        %add3A_411 = arith.addi %mul3A_409, %add3A_410 : i32
        %dma_start3A_412 = arith.constant 0 : i32
        %dma_start3A_413 = tpu.memref_slice %arg9[%add3A_411, %dma_start3A_412] : memref<256x128xf32, #tpu.memory_space<vmem>> -> memref<16x128xf32, #tpu.memory_space<vmem>>
        %dma_start3A_414 = arith.constant 0 : i32
        %dma_start3A_415 = arith.constant 0 : i32
        %dma_start3A_416 = tpu.memref_slice %arg2[%dma_start3A_414, %dma_start3A_415] : memref<20480x128xf32, #tpu.memory_space<hbm>> -> memref<20480x128xf32, #tpu.memory_space<hbm>>
        tpu.enqueue_indirect_dma source(%dma_start3A_416 : memref<20480x128xf32, #tpu.memory_space<hbm>>) target(%dma_start3A_413 : memref<16x128xf32, #tpu.memory_space<vmem>>) offsets(%add3A_407 : vector<16xi32>) semaphore(%arg12 : memref<!tpu.dma_semaphore, #tpu.memory_space<semaphore_mem>>)
        %mul3A_417 = arith.constant 128 : i32
        %mul3A_418 = arith.muli %select_n3A_212, %mul3A_417 : i32
        %add3A_419 = arith.constant 32 : i32
        %add3A_420 = arith.addi %mul3A_418, %add3A_419 : i32
        %get3A_421 = arith.index_cast %add3A_420 : i32 to index
        %get3A_422 = tpu.vector_load %arg7[%get3A_421] {strides = array<i32>} : memref<256xi32, #tpu.memory_space<vmem>>, vector<16xi32>,
        %get3A_423 = vector.shape_cast %get3A_422 : vector<16xi32> to vector<16xi32>
        %add3A_424 = vector.broadcast %mul3A_0 : i32 to vector<16xi32>
        %add3A_425 = arith.addi %get3A_423, %add3A_424 : vector<16xi32>
        %mul3A_426 = arith.constant 128 : i32
        %mul3A_427 = arith.muli %select_n3A_212, %mul3A_426 : i32
        %add3A_428 = arith.constant 32 : i32
        %add3A_429 = arith.addi %mul3A_427, %add3A_428 : i32
        %dma_start3A_430 = arith.constant 0 : i32
        %dma_start3A_431 = tpu.memref_slice %arg9[%add3A_429, %dma_start3A_430] : memref<256x128xf32, #tpu.memory_space<vmem>> -> memref<16x128xf32, #tpu.memory_space<vmem>>
        %dma_start3A_432 = arith.constant 0 : i32
        %dma_start3A_433 = arith.constant 0 : i32
        %dma_start3A_434 = tpu.memref_slice %arg2[%dma_start3A_432, %dma_start3A_433] : memref<20480x128xf32, #tpu.memory_space<hbm>> -> memref<20480x128xf32, #tpu.memory_space<hbm>>
        tpu.enqueue_indirect_dma source(%dma_start3A_434 : memref<20480x128xf32, #tpu.memory_space<hbm>>) target(%dma_start3A_431 : memref<16x128xf32, #tpu.memory_space<vmem>>) offsets(%add3A_425 : vector<16xi32>) semaphore(%arg12 : memref<!tpu.dma_semaphore, #tpu.memory_space<semaphore_mem>>)
        %mul3A_435 = arith.constant 128 : i32
        %mul3A_436 = arith.muli %select_n3A_212, %mul3A_435 : i32
        %add3A_437 = arith.constant 48 : i32
        %add3A_438 = arith.addi %mul3A_436, %add3A_437 : i32
        %get3A_439 = arith.index_cast %add3A_438 : i32 to index
        %get3A_440 = tpu.vector_load %arg7[%get3A_439] {strides = array<i32>} : memref<256xi32, #tpu.memory_space<vmem>>, vector<16xi32>,
        %get3A_441 = vector.shape_cast %get3A_440 : vector<16xi32> to vector<16xi32>
        %add3A_442 = vector.broadcast %mul3A_0 : i32 to vector<16xi32>
        %add3A_443 = arith.addi %get3A_441, %add3A_442 : vector<16xi32>
        %mul3A_444 = arith.constant 128 : i32
        %mul3A_445 = arith.muli %select_n3A_212, %mul3A_444 : i32
        %add3A_446 = arith.constant 48 : i32
        %add3A_447 = arith.addi %mul3A_445, %add3A_446 : i32
        %dma_start3A_448 = arith.constant 0 : i32
        %dma_start3A_449 = tpu.memref_slice %arg9[%add3A_447, %dma_start3A_448] : memref<256x128xf32, #tpu.memory_space<vmem>> -> memref<16x128xf32, #tpu.memory_space<vmem>>
        %dma_start3A_450 = arith.constant 0 : i32
        %dma_start3A_451 = arith.constant 0 : i32
        %dma_start3A_452 = tpu.memref_slice %arg2[%dma_start3A_450, %dma_start3A_451] : memref<20480x128xf32, #tpu.memory_space<hbm>> -> memref<20480x128xf32, #tpu.memory_space<hbm>>
        tpu.enqueue_indirect_dma source(%dma_start3A_452 : memref<20480x128xf32, #tpu.memory_space<hbm>>) target(%dma_start3A_449 : memref<16x128xf32, #tpu.memory_space<vmem>>) offsets(%add3A_443 : vector<16xi32>) semaphore(%arg12 : memref<!tpu.dma_semaphore, #tpu.memory_space<semaphore_mem>>)
        %mul3A_453 = arith.constant 128 : i32
        %mul3A_454 = arith.muli %select_n3A_212, %mul3A_453 : i32
        %add3A_455 = arith.constant 64 : i32
        %add3A_456 = arith.addi %mul3A_454, %add3A_455 : i32
        %get3A_457 = arith.index_cast %add3A_456 : i32 to index
        %get3A_458 = tpu.vector_load %arg7[%get3A_457] {strides = array<i32>} : memref<256xi32, #tpu.memory_space<vmem>>, vector<16xi32>,
        %get3A_459 = vector.shape_cast %get3A_458 : vector<16xi32> to vector<16xi32>
        %add3A_460 = vector.broadcast %mul3A_0 : i32 to vector<16xi32>
        %add3A_461 = arith.addi %get3A_459, %add3A_460 : vector<16xi32>
        %mul3A_462 = arith.constant 128 : i32
        %mul3A_463 = arith.muli %select_n3A_212, %mul3A_462 : i32
        %add3A_464 = arith.constant 64 : i32
        %add3A_465 = arith.addi %mul3A_463, %add3A_464 : i32
        %dma_start3A_466 = arith.constant 0 : i32
        %dma_start3A_467 = tpu.memref_slice %arg9[%add3A_465, %dma_start3A_466] : memref<256x128xf32, #tpu.memory_space<vmem>> -> memref<16x128xf32, #tpu.memory_space<vmem>>
        %dma_start3A_468 = arith.constant 0 : i32
        %dma_start3A_469 = arith.constant 0 : i32
        %dma_start3A_470 = tpu.memref_slice %arg2[%dma_start3A_468, %dma_start3A_469] : memref<20480x128xf32, #tpu.memory_space<hbm>> -> memref<20480x128xf32, #tpu.memory_space<hbm>>
        tpu.enqueue_indirect_dma source(%dma_start3A_470 : memref<20480x128xf32, #tpu.memory_space<hbm>>) target(%dma_start3A_467 : memref<16x128xf32, #tpu.memory_space<vmem>>) offsets(%add3A_461 : vector<16xi32>) semaphore(%arg12 : memref<!tpu.dma_semaphore, #tpu.memory_space<semaphore_mem>>)
        %mul3A_471 = arith.constant 128 : i32
        %mul3A_472 = arith.muli %select_n3A_212, %mul3A_471 : i32
        %add3A_473 = arith.constant 80 : i32
        %add3A_474 = arith.addi %mul3A_472, %add3A_473 : i32
        %get3A_475 = arith.index_cast %add3A_474 : i32 to index
        %get3A_476 = tpu.vector_load %arg7[%get3A_475] {strides = array<i32>} : memref<256xi32, #tpu.memory_space<vmem>>, vector<16xi32>,
        %get3A_477 = vector.shape_cast %get3A_476 : vector<16xi32> to vector<16xi32>
        %add3A_478 = vector.broadcast %mul3A_0 : i32 to vector<16xi32>
        %add3A_479 = arith.addi %get3A_477, %add3A_478 : vector<16xi32>
        %mul3A_480 = arith.constant 128 : i32
        %mul3A_481 = arith.muli %select_n3A_212, %mul3A_480 : i32
        %add3A_482 = arith.constant 80 : i32
        %add3A_483 = arith.addi %mul3A_481, %add3A_482 : i32
        %dma_start3A_484 = arith.constant 0 : i32
        %dma_start3A_485 = tpu.memref_slice %arg9[%add3A_483, %dma_start3A_484] : memref<256x128xf32, #tpu.memory_space<vmem>> -> memref<16x128xf32, #tpu.memory_space<vmem>>
        %dma_start3A_486 = arith.constant 0 : i32
        %dma_start3A_487 = arith.constant 0 : i32
        %dma_start3A_488 = tpu.memref_slice %arg2[%dma_start3A_486, %dma_start3A_487] : memref<20480x128xf32, #tpu.memory_space<hbm>> -> memref<20480x128xf32, #tpu.memory_space<hbm>>
        tpu.enqueue_indirect_dma source(%dma_start3A_488 : memref<20480x128xf32, #tpu.memory_space<hbm>>) target(%dma_start3A_485 : memref<16x128xf32, #tpu.memory_space<vmem>>) offsets(%add3A_479 : vector<16xi32>) semaphore(%arg12 : memref<!tpu.dma_semaphore, #tpu.memory_space<semaphore_mem>>)
        %mul3A_489 = arith.constant 128 : i32
        %mul3A_490 = arith.muli %select_n3A_212, %mul3A_489 : i32
        %add3A_491 = arith.constant 96 : i32
        %add3A_492 = arith.addi %mul3A_490, %add3A_491 : i32
        %get3A_493 = arith.index_cast %add3A_492 : i32 to index
        %get3A_494 = tpu.vector_load %arg7[%get3A_493] {strides = array<i32>} : memref<256xi32, #tpu.memory_space<vmem>>, vector<16xi32>,
        %get3A_495 = vector.shape_cast %get3A_494 : vector<16xi32> to vector<16xi32>
        %add3A_496 = vector.broadcast %mul3A_0 : i32 to vector<16xi32>
        %add3A_497 = arith.addi %get3A_495, %add3A_496 : vector<16xi32>
        %mul3A_498 = arith.constant 128 : i32
        %mul3A_499 = arith.muli %select_n3A_212, %mul3A_498 : i32
        %add3A_500 = arith.constant 96 : i32
        %add3A_501 = arith.addi %mul3A_499, %add3A_500 : i32
        %dma_start3A_502 = arith.constant 0 : i32
        %dma_start3A_503 = tpu.memref_slice %arg9[%add3A_501, %dma_start3A_502] : memref<256x128xf32, #tpu.memory_space<vmem>> -> memref<16x128xf32, #tpu.memory_space<vmem>>
        %dma_start3A_504 = arith.constant 0 : i32
        %dma_start3A_505 = arith.constant 0 : i32
        %dma_start3A_506 = tpu.memref_slice %arg2[%dma_start3A_504, %dma_start3A_505] : memref<20480x128xf32, #tpu.memory_space<hbm>> -> memref<20480x128xf32, #tpu.memory_space<hbm>>
        tpu.enqueue_indirect_dma source(%dma_start3A_506 : memref<20480x128xf32, #tpu.memory_space<hbm>>) target(%dma_start3A_503 : memref<16x128xf32, #tpu.memory_space<vmem>>) offsets(%add3A_497 : vector<16xi32>) semaphore(%arg12 : memref<!tpu.dma_semaphore, #tpu.memory_space<semaphore_mem>>)
        %mul3A_507 = arith.constant 128 : i32
        %mul3A_508 = arith.muli %select_n3A_212, %mul3A_507 : i32
        %add3A_509 = arith.constant 112 : i32
        %add3A_510 = arith.addi %mul3A_508, %add3A_509 : i32
        %get3A_511 = arith.index_cast %add3A_510 : i32 to index
        %get3A_512 = tpu.vector_load %arg7[%get3A_511] {strides = array<i32>} : memref<256xi32, #tpu.memory_space<vmem>>, vector<16xi32>,
        %get3A_513 = vector.shape_cast %get3A_512 : vector<16xi32> to vector<16xi32>
        %add3A_514 = vector.broadcast %mul3A_0 : i32 to vector<16xi32>
        %add3A_515 = arith.addi %get3A_513, %add3A_514 : vector<16xi32>
        %mul3A_516 = arith.constant 128 : i32
        %mul3A_517 = arith.muli %select_n3A_212, %mul3A_516 : i32
        %add3A_518 = arith.constant 112 : i32
        %add3A_519 = arith.addi %mul3A_517, %add3A_518 : i32
        %dma_start3A_520 = arith.constant 0 : i32
        %dma_start3A_521 = tpu.memref_slice %arg9[%add3A_519, %dma_start3A_520] : memref<256x128xf32, #tpu.memory_space<vmem>> -> memref<16x128xf32, #tpu.memory_space<vmem>>
        %dma_start3A_522 = arith.constant 0 : i32
        %dma_start3A_523 = arith.constant 0 : i32
        %dma_start3A_524 = tpu.memref_slice %arg2[%dma_start3A_522, %dma_start3A_523] : memref<20480x128xf32, #tpu.memory_space<hbm>> -> memref<20480x128xf32, #tpu.memory_space<hbm>>
        tpu.enqueue_indirect_dma source(%dma_start3A_524 : memref<20480x128xf32, #tpu.memory_space<hbm>>) target(%dma_start3A_521 : memref<16x128xf32, #tpu.memory_space<vmem>>) offsets(%add3A_515 : vector<16xi32>) semaphore(%arg12 : memref<!tpu.dma_semaphore, #tpu.memory_space<semaphore_mem>>)
      } else {
      }
      %dma_wait3A_222 = arith.constant 0 : i32
      %dma_wait3A_223 = arith.constant 0 : i32
      %dma_wait3A_224 = tpu.memref_slice %arg9[%dma_wait3A_222, %dma_wait3A_223] : memref<256x128xf32, #tpu.memory_space<vmem>> -> memref<128x128xf32, #tpu.memory_space<vmem>>
      %dma_wait3A_225 = arith.constant 0 : i32
      %dma_wait3A_226 = arith.constant 0 : i32
      %dma_wait3A_227 = tpu.memref_slice %arg9[%dma_wait3A_225, %dma_wait3A_226] : memref<256x128xf32, #tpu.memory_space<vmem>> -> memref<128x128xf32, #tpu.memory_space<vmem>>
      tpu.wait_dma2 semaphore(%arg12 : memref<!tpu.dma_semaphore, #tpu.memory_space<semaphore_mem>>) src(%arg5 : memref<128x128xf32, #tpu.memory_space<hbm>>) dst(%dma_wait3A_227 : memref<128x128xf32, #tpu.memory_space<vmem>>)
      %mul3A_228 = arith.constant 128 : i32
      %mul3A_229 = arith.muli %select_n3A_194, %mul3A_228 : i32
      %add3A_230 = arith.constant 0 : i32
      %add3A_231 = arith.addi %mul3A_229, %add3A_230 : i32
      %get3A_232 = arith.index_cast %add3A_231 : i32 to index
      %get3A_233 = tpu.vector_load %arg8[%get3A_232] {strides = array<i32>} : memref<256xi32, #tpu.memory_space<vmem>>, vector<16xi32>,
      %get3A_234 = vector.shape_cast %get3A_233 : vector<16xi32> to vector<16xi32>
      %mul3A_235 = arith.constant 128 : i32
      %mul3A_236 = arith.muli %select_n3A_194, %mul3A_235 : i32
      %add3A_237 = arith.constant 0 : i32
      %add3A_238 = arith.addi %mul3A_236, %add3A_237 : i32
      %dma_start3A_239 = arith.constant 0 : i32
      %dma_start3A_240 = tpu.memref_slice %arg9[%add3A_238, %dma_start3A_239] : memref<256x128xf32, #tpu.memory_space<vmem>> -> memref<16x128xf32, #tpu.memory_space<vmem>>
      %dma_start3A_241 = arith.constant 0 : i32
      %dma_start3A_242 = arith.constant 0 : i32
      %dma_start3A_243 = tpu.memref_slice %arg11[%dma_start3A_241, %dma_start3A_242] : memref<10240x128xf32, #tpu.memory_space<vmem_shared>> -> memref<10240x128xf32, #tpu.memory_space<vmem_shared>>
      tpu.enqueue_indirect_dma source(%dma_start3A_240 : memref<16x128xf32, #tpu.memory_space<vmem>>) target(%dma_start3A_243 : memref<10240x128xf32, #tpu.memory_space<vmem_shared>>) offsets(%get3A_234 : vector<16xi32>) semaphore(%arg13 : memref<!tpu.dma_semaphore, #tpu.memory_space<semaphore_mem>>) {add = true}
      %mul3A_244 = arith.constant 128 : i32
      %mul3A_245 = arith.muli %select_n3A_194, %mul3A_244 : i32
      %add3A_246 = arith.constant 16 : i32
      %add3A_247 = arith.addi %mul3A_245, %add3A_246 : i32
      %get3A_248 = arith.index_cast %add3A_247 : i32 to index
      %get3A_249 = tpu.vector_load %arg8[%get3A_248] {strides = array<i32>} : memref<256xi32, #tpu.memory_space<vmem>>, vector<16xi32>,
      %get3A_250 = vector.shape_cast %get3A_249 : vector<16xi32> to vector<16xi32>
      %mul3A_251 = arith.constant 128 : i32
      %mul3A_252 = arith.muli %select_n3A_194, %mul3A_251 : i32
      %add3A_253 = arith.constant 16 : i32
      %add3A_254 = arith.addi %mul3A_252, %add3A_253 : i32
      %dma_start3A_255 = arith.constant 0 : i32
      %dma_start3A_256 = tpu.memref_slice %arg9[%add3A_254, %dma_start3A_255] : memref<256x128xf32, #tpu.memory_space<vmem>> -> memref<16x128xf32, #tpu.memory_space<vmem>>
      %dma_start3A_257 = arith.constant 0 : i32
      %dma_start3A_258 = arith.constant 0 : i32
      %dma_start3A_259 = tpu.memref_slice %arg11[%dma_start3A_257, %dma_start3A_258] : memref<10240x128xf32, #tpu.memory_space<vmem_shared>> -> memref<10240x128xf32, #tpu.memory_space<vmem_shared>>
      tpu.enqueue_indirect_dma source(%dma_start3A_256 : memref<16x128xf32, #tpu.memory_space<vmem>>) target(%dma_start3A_259 : memref<10240x128xf32, #tpu.memory_space<vmem_shared>>) offsets(%get3A_250 : vector<16xi32>) semaphore(%arg13 : memref<!tpu.dma_semaphore, #tpu.memory_space<semaphore_mem>>) {add = true}
      %mul3A_260 = arith.constant 128 : i32
      %mul3A_261 = arith.muli %select_n3A_194, %mul3A_260 : i32
      %add3A_262 = arith.constant 32 : i32
      %add3A_263 = arith.addi %mul3A_261, %add3A_262 : i32
      %get3A_264 = arith.index_cast %add3A_263 : i32 to index
      %get3A_265 = tpu.vector_load %arg8[%get3A_264] {strides = array<i32>} : memref<256xi32, #tpu.memory_space<vmem>>, vector<16xi32>,
      %get3A_266 = vector.shape_cast %get3A_265 : vector<16xi32> to vector<16xi32>
      %mul3A_267 = arith.constant 128 : i32
      %mul3A_268 = arith.muli %select_n3A_194, %mul3A_267 : i32
      %add3A_269 = arith.constant 32 : i32
      %add3A_270 = arith.addi %mul3A_268, %add3A_269 : i32
      %dma_start3A_271 = arith.constant 0 : i32
      %dma_start3A_272 = tpu.memref_slice %arg9[%add3A_270, %dma_start3A_271] : memref<256x128xf32, #tpu.memory_space<vmem>> -> memref<16x128xf32, #tpu.memory_space<vmem>>
      %dma_start3A_273 = arith.constant 0 : i32
      %dma_start3A_274 = arith.constant 0 : i32
      %dma_start3A_275 = tpu.memref_slice %arg11[%dma_start3A_273, %dma_start3A_274] : memref<10240x128xf32, #tpu.memory_space<vmem_shared>> -> memref<10240x128xf32, #tpu.memory_space<vmem_shared>>
      tpu.enqueue_indirect_dma source(%dma_start3A_272 : memref<16x128xf32, #tpu.memory_space<vmem>>) target(%dma_start3A_275 : memref<10240x128xf32, #tpu.memory_space<vmem_shared>>) offsets(%get3A_266 : vector<16xi32>) semaphore(%arg13 : memref<!tpu.dma_semaphore, #tpu.memory_space<semaphore_mem>>) {add = true}
      %mul3A_276 = arith.constant 128 : i32
      %mul3A_277 = arith.muli %select_n3A_194, %mul3A_276 : i32
      %add3A_278 = arith.constant 48 : i32
      %add3A_279 = arith.addi %mul3A_277, %add3A_278 : i32
      %get3A_280 = arith.index_cast %add3A_279 : i32 to index
      %get3A_281 = tpu.vector_load %arg8[%get3A_280] {strides = array<i32>} : memref<256xi32, #tpu.memory_space<vmem>>, vector<16xi32>,
      %get3A_282 = vector.shape_cast %get3A_281 : vector<16xi32> to vector<16xi32>
      %mul3A_283 = arith.constant 128 : i32
      %mul3A_284 = arith.muli %select_n3A_194, %mul3A_283 : i32
      %add3A_285 = arith.constant 48 : i32
      %add3A_286 = arith.addi %mul3A_284, %add3A_285 : i32
      %dma_start3A_287 = arith.constant 0 : i32
      %dma_start3A_288 = tpu.memref_slice %arg9[%add3A_286, %dma_start3A_287] : memref<256x128xf32, #tpu.memory_space<vmem>> -> memref<16x128xf32, #tpu.memory_space<vmem>>
      %dma_start3A_289 = arith.constant 0 : i32
      %dma_start3A_290 = arith.constant 0 : i32
      %dma_start3A_291 = tpu.memref_slice %arg11[%dma_start3A_289, %dma_start3A_290] : memref<10240x128xf32, #tpu.memory_space<vmem_shared>> -> memref<10240x128xf32, #tpu.memory_space<vmem_shared>>
      tpu.enqueue_indirect_dma source(%dma_start3A_288 : memref<16x128xf32, #tpu.memory_space<vmem>>) target(%dma_start3A_291 : memref<10240x128xf32, #tpu.memory_space<vmem_shared>>) offsets(%get3A_282 : vector<16xi32>) semaphore(%arg13 : memref<!tpu.dma_semaphore, #tpu.memory_space<semaphore_mem>>) {add = true}
      %mul3A_292 = arith.constant 128 : i32
      %mul3A_293 = arith.muli %select_n3A_194, %mul3A_292 : i32
      %add3A_294 = arith.constant 64 : i32
      %add3A_295 = arith.addi %mul3A_293, %add3A_294 : i32
      %get3A_296 = arith.index_cast %add3A_295 : i32 to index
      %get3A_297 = tpu.vector_load %arg8[%get3A_296] {strides = array<i32>} : memref<256xi32, #tpu.memory_space<vmem>>, vector<16xi32>,
      %get3A_298 = vector.shape_cast %get3A_297 : vector<16xi32> to vector<16xi32>
      %mul3A_299 = arith.constant 128 : i32
      %mul3A_300 = arith.muli %select_n3A_194, %mul3A_299 : i32
      %add3A_301 = arith.constant 64 : i32
      %add3A_302 = arith.addi %mul3A_300, %add3A_301 : i32
      %dma_start3A_303 = arith.constant 0 : i32
      %dma_start3A_304 = tpu.memref_slice %arg9[%add3A_302, %dma_start3A_303] : memref<256x128xf32, #tpu.memory_space<vmem>> -> memref<16x128xf32, #tpu.memory_space<vmem>>
      %dma_start3A_305 = arith.constant 0 : i32
      %dma_start3A_306 = arith.constant 0 : i32
      %dma_start3A_307 = tpu.memref_slice %arg11[%dma_start3A_305, %dma_start3A_306] : memref<10240x128xf32, #tpu.memory_space<vmem_shared>> -> memref<10240x128xf32, #tpu.memory_space<vmem_shared>>
      tpu.enqueue_indirect_dma source(%dma_start3A_304 : memref<16x128xf32, #tpu.memory_space<vmem>>) target(%dma_start3A_307 : memref<10240x128xf32, #tpu.memory_space<vmem_shared>>) offsets(%get3A_298 : vector<16xi32>) semaphore(%arg13 : memref<!tpu.dma_semaphore, #tpu.memory_space<semaphore_mem>>) {add = true}
      %mul3A_308 = arith.constant 128 : i32
      %mul3A_309 = arith.muli %select_n3A_194, %mul3A_308 : i32
      %add3A_310 = arith.constant 80 : i32
      %add3A_311 = arith.addi %mul3A_309, %add3A_310 : i32
      %get3A_312 = arith.index_cast %add3A_311 : i32 to index
      %get3A_313 = tpu.vector_load %arg8[%get3A_312] {strides = array<i32>} : memref<256xi32, #tpu.memory_space<vmem>>, vector<16xi32>,
      %get3A_314 = vector.shape_cast %get3A_313 : vector<16xi32> to vector<16xi32>
      %mul3A_315 = arith.constant 128 : i32
      %mul3A_316 = arith.muli %select_n3A_194, %mul3A_315 : i32
      %add3A_317 = arith.constant 80 : i32
      %add3A_318 = arith.addi %mul3A_316, %add3A_317 : i32
      %dma_start3A_319 = arith.constant 0 : i32
      %dma_start3A_320 = tpu.memref_slice %arg9[%add3A_318, %dma_start3A_319] : memref<256x128xf32, #tpu.memory_space<vmem>> -> memref<16x128xf32, #tpu.memory_space<vmem>>
      %dma_start3A_321 = arith.constant 0 : i32
      %dma_start3A_322 = arith.constant 0 : i32
      %dma_start3A_323 = tpu.memref_slice %arg11[%dma_start3A_321, %dma_start3A_322] : memref<10240x128xf32, #tpu.memory_space<vmem_shared>> -> memref<10240x128xf32, #tpu.memory_space<vmem_shared>>
      tpu.enqueue_indirect_dma source(%dma_start3A_320 : memref<16x128xf32, #tpu.memory_space<vmem>>) target(%dma_start3A_323 : memref<10240x128xf32, #tpu.memory_space<vmem_shared>>) offsets(%get3A_314 : vector<16xi32>) semaphore(%arg13 : memref<!tpu.dma_semaphore, #tpu.memory_space<semaphore_mem>>) {add = true}
      %mul3A_324 = arith.constant 128 : i32
      %mul3A_325 = arith.muli %select_n3A_194, %mul3A_324 : i32
      %add3A_326 = arith.constant 96 : i32
      %add3A_327 = arith.addi %mul3A_325, %add3A_326 : i32
      %get3A_328 = arith.index_cast %add3A_327 : i32 to index
      %get3A_329 = tpu.vector_load %arg8[%get3A_328] {strides = array<i32>} : memref<256xi32, #tpu.memory_space<vmem>>, vector<16xi32>,
      %get3A_330 = vector.shape_cast %get3A_329 : vector<16xi32> to vector<16xi32>
      %mul3A_331 = arith.constant 128 : i32
      %mul3A_332 = arith.muli %select_n3A_194, %mul3A_331 : i32
      %add3A_333 = arith.constant 96 : i32
      %add3A_334 = arith.addi %mul3A_332, %add3A_333 : i32
      %dma_start3A_335 = arith.constant 0 : i32
      %dma_start3A_336 = tpu.memref_slice %arg9[%add3A_334, %dma_start3A_335] : memref<256x128xf32, #tpu.memory_space<vmem>> -> memref<16x128xf32, #tpu.memory_space<vmem>>
      %dma_start3A_337 = arith.constant 0 : i32
      %dma_start3A_338 = arith.constant 0 : i32
      %dma_start3A_339 = tpu.memref_slice %arg11[%dma_start3A_337, %dma_start3A_338] : memref<10240x128xf32, #tpu.memory_space<vmem_shared>> -> memref<10240x128xf32, #tpu.memory_space<vmem_shared>>
      tpu.enqueue_indirect_dma source(%dma_start3A_336 : memref<16x128xf32, #tpu.memory_space<vmem>>) target(%dma_start3A_339 : memref<10240x128xf32, #tpu.memory_space<vmem_shared>>) offsets(%get3A_330 : vector<16xi32>) semaphore(%arg13 : memref<!tpu.dma_semaphore, #tpu.memory_space<semaphore_mem>>) {add = true}
      %mul3A_340 = arith.constant 128 : i32
      %mul3A_341 = arith.muli %select_n3A_194, %mul3A_340 : i32
      %add3A_342 = arith.constant 112 : i32
      %add3A_343 = arith.addi %mul3A_341, %add3A_342 : i32
      %get3A_344 = arith.index_cast %add3A_343 : i32 to index
      %get3A_345 = tpu.vector_load %arg8[%get3A_344] {strides = array<i32>} : memref<256xi32, #tpu.memory_space<vmem>>, vector<16xi32>,
      %get3A_346 = vector.shape_cast %get3A_345 : vector<16xi32> to vector<16xi32>
      %mul3A_347 = arith.constant 128 : i32
      %mul3A_348 = arith.muli %select_n3A_194, %mul3A_347 : i32
      %add3A_349 = arith.constant 112 : i32
      %add3A_350 = arith.addi %mul3A_348, %add3A_349 : i32
      %dma_start3A_351 = arith.constant 0 : i32
      %dma_start3A_352 = tpu.memref_slice %arg9[%add3A_350, %dma_start3A_351] : memref<256x128xf32, #tpu.memory_space<vmem>> -> memref<16x128xf32, #tpu.memory_space<vmem>>
      %dma_start3A_353 = arith.constant 0 : i32
      %dma_start3A_354 = arith.constant 0 : i32
      %dma_start3A_355 = tpu.memref_slice %arg11[%dma_start3A_353, %dma_start3A_354] : memref<10240x128xf32, #tpu.memory_space<vmem_shared>> -> memref<10240x128xf32, #tpu.memory_space<vmem_shared>>
      tpu.enqueue_indirect_dma source(%dma_start3A_352 : memref<16x128xf32, #tpu.memory_space<vmem>>) target(%dma_start3A_355 : memref<10240x128xf32, #tpu.memory_space<vmem_shared>>) offsets(%get3A_346 : vector<16xi32>) semaphore(%arg13 : memref<!tpu.dma_semaphore, #tpu.memory_space<semaphore_mem>>) {add = true}
      %add3A_356 = arith.constant 2 : i32
      %add3A_357 = arith.addi %scan3A_185, %add3A_356 : i32
      %lt3A_358 = arith.constant 80 : i32
      %lt3A_359 = arith.cmpi slt, %add3A_357, %lt3A_358 : i32
      %convert_element_type3A_360 = arith.extui %lt3A_359 : i1 to i32
      %cond3A_361 = arith.constant 0 : i32
      %cond3A_362 = arith.cmpi ne, %convert_element_type3A_360, %cond3A_361 : i32
      scf.if %cond3A_362 {
        %add3A_363 = arith.constant 2 : i32
        %add3A_364 = arith.addi %scan3A_185, %add3A_363 : i32
        %mul3A_365 = arith.constant 128 : i32
        %mul3A_366 = arith.muli %add3A_364, %mul3A_365 : i32
        %add3A_367 = arith.addi %mul3A_21, %mul3A_366 : i32
        %mul3A_368 = arith.constant 128 : i32
        %mul3A_369 = arith.muli %select_n3A_194, %mul3A_368 : i32
        %dma_start3A_370 = tpu.memref_slice %arg7[%mul3A_369] : memref<256xi32, #tpu.memory_space<vmem>> -> memref<128xi32, #tpu.memory_space<vmem>>
        %dma_start3A_371 = tpu.memref_slice %arg3[%add3A_367] : memref<163840xi32, #tpu.memory_space<hbm>> -> memref<128xi32, #tpu.memory_space<hbm>>
        %dma_start3A_372 = tpu.memref_slice %arg7[%mul3A_369] : memref<256xi32, #tpu.memory_space<vmem>> -> memref<128xi32, #tpu.memory_space<vmem>>
        %dma_start3A_373 = tpu.memref_slice %arg3[%add3A_367] : memref<163840xi32, #tpu.memory_space<hbm>> -> memref<128xi32, #tpu.memory_space<hbm>>
        tpu.enqueue_dma source(%dma_start3A_373 : memref<128xi32, #tpu.memory_space<hbm>>) target(%dma_start3A_372 : memref<128xi32, #tpu.memory_space<vmem>>) target_semaphore(%arg14 : memref<!tpu.dma_semaphore, #tpu.memory_space<semaphore_mem>>)
        %add3A_374 = arith.constant 2 : i32
        %add3A_375 = arith.addi %scan3A_185, %add3A_374 : i32
        %mul3A_376 = arith.constant 128 : i32
        %mul3A_377 = arith.muli %add3A_375, %mul3A_376 : i32
        %add3A_378 = arith.addi %mul3A_21, %mul3A_377 : i32
        %mul3A_379 = arith.constant 128 : i32
        %mul3A_380 = arith.muli %select_n3A_194, %mul3A_379 : i32
        %dma_start3A_381 = tpu.memref_slice %arg8[%mul3A_380] : memref<256xi32, #tpu.memory_space<vmem>> -> memref<128xi32, #tpu.memory_space<vmem>>
        %dma_start3A_382 = tpu.memref_slice %arg4[%add3A_378] : memref<163840xi32, #tpu.memory_space<hbm>> -> memref<128xi32, #tpu.memory_space<hbm>>
        %dma_start3A_383 = tpu.memref_slice %arg8[%mul3A_380] : memref<256xi32, #tpu.memory_space<vmem>> -> memref<128xi32, #tpu.memory_space<vmem>>
        %dma_start3A_384 = tpu.memref_slice %arg4[%add3A_378] : memref<163840xi32, #tpu.memory_space<hbm>> -> memref<128xi32, #tpu.memory_space<hbm>>
        tpu.enqueue_dma source(%dma_start3A_384 : memref<128xi32, #tpu.memory_space<hbm>>) target(%dma_start3A_383 : memref<128xi32, #tpu.memory_space<vmem>>) target_semaphore(%arg14 : memref<!tpu.dma_semaphore, #tpu.memory_space<semaphore_mem>>)
      } else {
      }
    }
    %scan3A_128 = arith.constant 80 : i32
    %dma_wait3A = arith.constant 0 : i32
    %dma_wait3A_129 = arith.constant 0 : i32
    %dma_wait3A_130 = tpu.memref_slice %arg9[%dma_wait3A, %dma_wait3A_129] : memref<256x128xf32, #tpu.memory_space<vmem>> -> memref<128x128xf32, #tpu.memory_space<vmem>>
    %dma_wait3A_131 = arith.constant 0 : i32
    %dma_wait3A_132 = arith.constant 0 : i32
    %dma_wait3A_133 = tpu.memref_slice %arg9[%dma_wait3A_131, %dma_wait3A_132] : memref<256x128xf32, #tpu.memory_space<vmem>> -> memref<128x128xf32, #tpu.memory_space<vmem>>
    tpu.wait_dma2 semaphore(%arg13 : memref<!tpu.dma_semaphore, #tpu.memory_space<semaphore_mem>>) src(%arg5 : memref<128x128xf32, #tpu.memory_space<hbm>>) dst(%dma_wait3A_133 : memref<128x128xf32, #tpu.memory_space<vmem>>)
    %barrier3A_134 = arith.constant 0 : index
    tpu.barrier barrier_id(%barrier3A_134)
    %mul3A_135 = arith.constant 640 : i32
    %mul3A_136 = arith.muli %arg1, %mul3A_135 : i32
    %add3A_137 = arith.constant 0 : i32
    %add3A_138 = arith.addi %mul3A_136, %add3A_137 : i32
    "tpu.region"() ({
      %run_scoped3A = tpu.sem_alloc : memref<!tpu.dma_semaphore, #tpu.memory_space<semaphore_mem>>
      %dma_start3A_185 = arith.constant 0 : i32
      %dma_start3A_186 = tpu.memref_slice %arg11[%add3A_138, %dma_start3A_185] : memref<10240x128xf32, #tpu.memory_space<vmem_shared>> -> memref<64x128xf32, #tpu.memory_space<vmem_shared>>
      %dma_start3A_187 = arith.constant 0 : i32
      %dma_start3A_188 = tpu.memref_slice %arg11[%add3A_138, %dma_start3A_187] : memref<10240x128xf32, #tpu.memory_space<vmem_shared>> -> memref<64x128xf32, #tpu.memory_space<vmem_shared>>
      tpu.enqueue_dma source(%dma_start3A_188 : memref<64x128xf32, #tpu.memory_space<vmem_shared>>) target(%arg10 : memref<64x128xf32, #tpu.memory_space<vmem>>) target_semaphore(%run_scoped3A : memref<!tpu.dma_semaphore, #tpu.memory_space<semaphore_mem>>)
      %dma_wait3A_189 = arith.constant 0 : i32
      %dma_wait3A_190 = tpu.memref_slice %arg11[%add3A_138, %dma_wait3A_189] : memref<10240x128xf32, #tpu.memory_space<vmem_shared>> -> memref<64x128xf32, #tpu.memory_space<vmem_shared>>
      %dma_wait3A_191 = arith.constant 0 : i32
      %dma_wait3A_192 = tpu.memref_slice %arg11[%add3A_138, %dma_wait3A_191] : memref<10240x128xf32, #tpu.memory_space<vmem_shared>> -> memref<64x128xf32, #tpu.memory_space<vmem_shared>>
      tpu.wait_dma2 semaphore(%run_scoped3A : memref<!tpu.dma_semaphore, #tpu.memory_space<semaphore_mem>>) src(%dma_wait3A_192 : memref<64x128xf32, #tpu.memory_space<vmem_shared>>) dst(%arg10 : memref<64x128xf32, #tpu.memory_space<vmem>>)
      tpu.yield
    }) : () -> ()
    %add3A_139 = arith.addi %mul3A_0, %add3A_138 : i32
    "tpu.region"() ({
      %run_scoped3A = tpu.sem_alloc : memref<!tpu.dma_semaphore, #tpu.memory_space<semaphore_mem>>
      %dma_start3A_185 = arith.constant 0 : i32
      %dma_start3A_186 = tpu.memref_slice %arg6[%add3A_139, %dma_start3A_185] : memref<20480x128xf32, #tpu.memory_space<hbm>> -> memref<64x128xf32, #tpu.memory_space<hbm>>
      %dma_start3A_187 = arith.constant 0 : i32
      %dma_start3A_188 = tpu.memref_slice %arg6[%add3A_139, %dma_start3A_187] : memref<20480x128xf32, #tpu.memory_space<hbm>> -> memref<64x128xf32, #tpu.memory_space<hbm>>
      tpu.enqueue_dma source(%arg10 : memref<64x128xf32, #tpu.memory_space<vmem>>) target(%dma_start3A_188 : memref<64x128xf32, #tpu.memory_space<hbm>>) target_semaphore(%run_scoped3A : memref<!tpu.dma_semaphore, #tpu.memory_space<semaphore_mem>>)
      %dma_wait3A_189 = arith.constant 0 : i32
      %dma_wait3A_190 = tpu.memref_slice %arg6[%add3A_139, %dma_wait3A_189] : memref<20480x128xf32, #tpu.memory_space<hbm>> -> memref<64x128xf32, #tpu.memory_space<hbm>>
      %dma_wait3A_191 = arith.constant 0 : i32
      %dma_wait3A_192 = tpu.memref_slice %arg6[%add3A_139, %dma_wait3A_191] : memref<20480x128xf32, #tpu.memory_space<hbm>> -> memref<64x128xf32, #tpu.memory_space<hbm>>
      tpu.wait_dma2 semaphore(%run_scoped3A : memref<!tpu.dma_semaphore, #tpu.memory_space<semaphore_mem>>) src(%arg10 : memref<64x128xf32, #tpu.memory_space<vmem>>) dst(%dma_wait3A_192 : memref<64x128xf32, #tpu.memory_space<hbm>>)
      tpu.yield
    }) : () -> ()
    %mul3A_140 = arith.constant 640 : i32
    %mul3A_141 = arith.muli %arg1, %mul3A_140 : i32
    %add3A_142 = arith.constant 64 : i32
    %add3A_143 = arith.addi %mul3A_141, %add3A_142 : i32
    "tpu.region"() ({
      %run_scoped3A = tpu.sem_alloc : memref<!tpu.dma_semaphore, #tpu.memory_space<semaphore_mem>>
      %dma_start3A_185 = arith.constant 0 : i32
      %dma_start3A_186 = tpu.memref_slice %arg11[%add3A_143, %dma_start3A_185] : memref<10240x128xf32, #tpu.memory_space<vmem_shared>> -> memref<64x128xf32, #tpu.memory_space<vmem_shared>>
      %dma_start3A_187 = arith.constant 0 : i32
      %dma_start3A_188 = tpu.memref_slice %arg11[%add3A_143, %dma_start3A_187] : memref<10240x128xf32, #tpu.memory_space<vmem_shared>> -> memref<64x128xf32, #tpu.memory_space<vmem_shared>>
      tpu.enqueue_dma source(%dma_start3A_188 : memref<64x128xf32, #tpu.memory_space<vmem_shared>>) target(%arg10 : memref<64x128xf32, #tpu.memory_space<vmem>>) target_semaphore(%run_scoped3A : memref<!tpu.dma_semaphore, #tpu.memory_space<semaphore_mem>>)
      %dma_wait3A_189 = arith.constant 0 : i32
      %dma_wait3A_190 = tpu.memref_slice %arg11[%add3A_143, %dma_wait3A_189] : memref<10240x128xf32, #tpu.memory_space<vmem_shared>> -> memref<64x128xf32, #tpu.memory_space<vmem_shared>>
      %dma_wait3A_191 = arith.constant 0 : i32
      %dma_wait3A_192 = tpu.memref_slice %arg11[%add3A_143, %dma_wait3A_191] : memref<10240x128xf32, #tpu.memory_space<vmem_shared>> -> memref<64x128xf32, #tpu.memory_space<vmem_shared>>
      tpu.wait_dma2 semaphore(%run_scoped3A : memref<!tpu.dma_semaphore, #tpu.memory_space<semaphore_mem>>) src(%dma_wait3A_192 : memref<64x128xf32, #tpu.memory_space<vmem_shared>>) dst(%arg10 : memref<64x128xf32, #tpu.memory_space<vmem>>)
      tpu.yield
    }) : () -> ()
    %add3A_144 = arith.addi %mul3A_0, %add3A_143 : i32
    "tpu.region"() ({
      %run_scoped3A = tpu.sem_alloc : memref<!tpu.dma_semaphore, #tpu.memory_space<semaphore_mem>>
      %dma_start3A_185 = arith.constant 0 : i32
      %dma_start3A_186 = tpu.memref_slice %arg6[%add3A_144, %dma_start3A_185] : memref<20480x128xf32, #tpu.memory_space<hbm>> -> memref<64x128xf32, #tpu.memory_space<hbm>>
      %dma_start3A_187 = arith.constant 0 : i32
      %dma_start3A_188 = tpu.memref_slice %arg6[%add3A_144, %dma_start3A_187] : memref<20480x128xf32, #tpu.memory_space<hbm>> -> memref<64x128xf32, #tpu.memory_space<hbm>>
      tpu.enqueue_dma source(%arg10 : memref<64x128xf32, #tpu.memory_space<vmem>>) target(%dma_start3A_188 : memref<64x128xf32, #tpu.memory_space<hbm>>) target_semaphore(%run_scoped3A : memref<!tpu.dma_semaphore, #tpu.memory_space<semaphore_mem>>)
      %dma_wait3A_189 = arith.constant 0 : i32
      %dma_wait3A_190 = tpu.memref_slice %arg6[%add3A_144, %dma_wait3A_189] : memref<20480x128xf32, #tpu.memory_space<hbm>> -> memref<64x128xf32, #tpu.memory_space<hbm>>
      %dma_wait3A_191 = arith.constant 0 : i32
      %dma_wait3A_192 = tpu.memref_slice %arg6[%add3A_144, %dma_wait3A_191] : memref<20480x128xf32, #tpu.memory_space<hbm>> -> memref<64x128xf32, #tpu.memory_space<hbm>>
      tpu.wait_dma2 semaphore(%run_scoped3A : memref<!tpu.dma_semaphore, #tpu.memory_space<semaphore_mem>>) src(%arg10 : memref<64x128xf32, #tpu.memory_space<vmem>>) dst(%dma_wait3A_192 : memref<64x128xf32, #tpu.memory_space<hbm>>)
      tpu.yield
    }) : () -> ()
    %mul3A_145 = arith.constant 640 : i32
    %mul3A_146 = arith.muli %arg1, %mul3A_145 : i32
    %add3A_147 = arith.constant 128 : i32
    %add3A_148 = arith.addi %mul3A_146, %add3A_147 : i32
    "tpu.region"() ({
      %run_scoped3A = tpu.sem_alloc : memref<!tpu.dma_semaphore, #tpu.memory_space<semaphore_mem>>
      %dma_start3A_185 = arith.constant 0 : i32
      %dma_start3A_186 = tpu.memref_slice %arg11[%add3A_148, %dma_start3A_185] : memref<10240x128xf32, #tpu.memory_space<vmem_shared>> -> memref<64x128xf32, #tpu.memory_space<vmem_shared>>
      %dma_start3A_187 = arith.constant 0 : i32
      %dma_start3A_188 = tpu.memref_slice %arg11[%add3A_148, %dma_start3A_187] : memref<10240x128xf32, #tpu.memory_space<vmem_shared>> -> memref<64x128xf32, #tpu.memory_space<vmem_shared>>
      tpu.enqueue_dma source(%dma_start3A_188 : memref<64x128xf32, #tpu.memory_space<vmem_shared>>) target(%arg10 : memref<64x128xf32, #tpu.memory_space<vmem>>) target_semaphore(%run_scoped3A : memref<!tpu.dma_semaphore, #tpu.memory_space<semaphore_mem>>)
      %dma_wait3A_189 = arith.constant 0 : i32
      %dma_wait3A_190 = tpu.memref_slice %arg11[%add3A_148, %dma_wait3A_189] : memref<10240x128xf32, #tpu.memory_space<vmem_shared>> -> memref<64x128xf32, #tpu.memory_space<vmem_shared>>
      %dma_wait3A_191 = arith.constant 0 : i32
      %dma_wait3A_192 = tpu.memref_slice %arg11[%add3A_148, %dma_wait3A_191] : memref<10240x128xf32, #tpu.memory_space<vmem_shared>> -> memref<64x128xf32, #tpu.memory_space<vmem_shared>>
      tpu.wait_dma2 semaphore(%run_scoped3A : memref<!tpu.dma_semaphore, #tpu.memory_space<semaphore_mem>>) src(%dma_wait3A_192 : memref<64x128xf32, #tpu.memory_space<vmem_shared>>) dst(%arg10 : memref<64x128xf32, #tpu.memory_space<vmem>>)
      tpu.yield
    }) : () -> ()
    %add3A_149 = arith.addi %mul3A_0, %add3A_148 : i32
    "tpu.region"() ({
      %run_scoped3A = tpu.sem_alloc : memref<!tpu.dma_semaphore, #tpu.memory_space<semaphore_mem>>
      %dma_start3A_185 = arith.constant 0 : i32
      %dma_start3A_186 = tpu.memref_slice %arg6[%add3A_149, %dma_start3A_185] : memref<20480x128xf32, #tpu.memory_space<hbm>> -> memref<64x128xf32, #tpu.memory_space<hbm>>
      %dma_start3A_187 = arith.constant 0 : i32
      %dma_start3A_188 = tpu.memref_slice %arg6[%add3A_149, %dma_start3A_187] : memref<20480x128xf32, #tpu.memory_space<hbm>> -> memref<64x128xf32, #tpu.memory_space<hbm>>
      tpu.enqueue_dma source(%arg10 : memref<64x128xf32, #tpu.memory_space<vmem>>) target(%dma_start3A_188 : memref<64x128xf32, #tpu.memory_space<hbm>>) target_semaphore(%run_scoped3A : memref<!tpu.dma_semaphore, #tpu.memory_space<semaphore_mem>>)
      %dma_wait3A_189 = arith.constant 0 : i32
      %dma_wait3A_190 = tpu.memref_slice %arg6[%add3A_149, %dma_wait3A_189] : memref<20480x128xf32, #tpu.memory_space<hbm>> -> memref<64x128xf32, #tpu.memory_space<hbm>>
      %dma_wait3A_191 = arith.constant 0 : i32
      %dma_wait3A_192 = tpu.memref_slice %arg6[%add3A_149, %dma_wait3A_191] : memref<20480x128xf32, #tpu.memory_space<hbm>> -> memref<64x128xf32, #tpu.memory_space<hbm>>
      tpu.wait_dma2 semaphore(%run_scoped3A : memref<!tpu.dma_semaphore, #tpu.memory_space<semaphore_mem>>) src(%arg10 : memref<64x128xf32, #tpu.memory_space<vmem>>) dst(%dma_wait3A_192 : memref<64x128xf32, #tpu.memory_space<hbm>>)
      tpu.yield
    }) : () -> ()
    %mul3A_150 = arith.constant 640 : i32
    %mul3A_151 = arith.muli %arg1, %mul3A_150 : i32
    %add3A_152 = arith.constant 192 : i32
    %add3A_153 = arith.addi %mul3A_151, %add3A_152 : i32
    "tpu.region"() ({
      %run_scoped3A = tpu.sem_alloc : memref<!tpu.dma_semaphore, #tpu.memory_space<semaphore_mem>>
      %dma_start3A_185 = arith.constant 0 : i32
      %dma_start3A_186 = tpu.memref_slice %arg11[%add3A_153, %dma_start3A_185] : memref<10240x128xf32, #tpu.memory_space<vmem_shared>> -> memref<64x128xf32, #tpu.memory_space<vmem_shared>>
      %dma_start3A_187 = arith.constant 0 : i32
      %dma_start3A_188 = tpu.memref_slice %arg11[%add3A_153, %dma_start3A_187] : memref<10240x128xf32, #tpu.memory_space<vmem_shared>> -> memref<64x128xf32, #tpu.memory_space<vmem_shared>>
      tpu.enqueue_dma source(%dma_start3A_188 : memref<64x128xf32, #tpu.memory_space<vmem_shared>>) target(%arg10 : memref<64x128xf32, #tpu.memory_space<vmem>>) target_semaphore(%run_scoped3A : memref<!tpu.dma_semaphore, #tpu.memory_space<semaphore_mem>>)
      %dma_wait3A_189 = arith.constant 0 : i32
      %dma_wait3A_190 = tpu.memref_slice %arg11[%add3A_153, %dma_wait3A_189] : memref<10240x128xf32, #tpu.memory_space<vmem_shared>> -> memref<64x128xf32, #tpu.memory_space<vmem_shared>>
      %dma_wait3A_191 = arith.constant 0 : i32
      %dma_wait3A_192 = tpu.memref_slice %arg11[%add3A_153, %dma_wait3A_191] : memref<10240x128xf32, #tpu.memory_space<vmem_shared>> -> memref<64x128xf32, #tpu.memory_space<vmem_shared>>
      tpu.wait_dma2 semaphore(%run_scoped3A : memref<!tpu.dma_semaphore, #tpu.memory_space<semaphore_mem>>) src(%dma_wait3A_192 : memref<64x128xf32, #tpu.memory_space<vmem_shared>>) dst(%arg10 : memref<64x128xf32, #tpu.memory_space<vmem>>)
      tpu.yield
    }) : () -> ()
    %add3A_154 = arith.addi %mul3A_0, %add3A_153 : i32
    "tpu.region"() ({
      %run_scoped3A = tpu.sem_alloc : memref<!tpu.dma_semaphore, #tpu.memory_space<semaphore_mem>>
      %dma_start3A_185 = arith.constant 0 : i32
      %dma_start3A_186 = tpu.memref_slice %arg6[%add3A_154, %dma_start3A_185] : memref<20480x128xf32, #tpu.memory_space<hbm>> -> memref<64x128xf32, #tpu.memory_space<hbm>>
      %dma_start3A_187 = arith.constant 0 : i32
      %dma_start3A_188 = tpu.memref_slice %arg6[%add3A_154, %dma_start3A_187] : memref<20480x128xf32, #tpu.memory_space<hbm>> -> memref<64x128xf32, #tpu.memory_space<hbm>>
      tpu.enqueue_dma source(%arg10 : memref<64x128xf32, #tpu.memory_space<vmem>>) target(%dma_start3A_188 : memref<64x128xf32, #tpu.memory_space<hbm>>) target_semaphore(%run_scoped3A : memref<!tpu.dma_semaphore, #tpu.memory_space<semaphore_mem>>)
      %dma_wait3A_189 = arith.constant 0 : i32
      %dma_wait3A_190 = tpu.memref_slice %arg6[%add3A_154, %dma_wait3A_189] : memref<20480x128xf32, #tpu.memory_space<hbm>> -> memref<64x128xf32, #tpu.memory_space<hbm>>
      %dma_wait3A_191 = arith.constant 0 : i32
      %dma_wait3A_192 = tpu.memref_slice %arg6[%add3A_154, %dma_wait3A_191] : memref<20480x128xf32, #tpu.memory_space<hbm>> -> memref<64x128xf32, #tpu.memory_space<hbm>>
      tpu.wait_dma2 semaphore(%run_scoped3A : memref<!tpu.dma_semaphore, #tpu.memory_space<semaphore_mem>>) src(%arg10 : memref<64x128xf32, #tpu.memory_space<vmem>>) dst(%dma_wait3A_192 : memref<64x128xf32, #tpu.memory_space<hbm>>)
      tpu.yield
    }) : () -> ()
    %mul3A_155 = arith.constant 640 : i32
    %mul3A_156 = arith.muli %arg1, %mul3A_155 : i32
    %add3A_157 = arith.constant 256 : i32
    %add3A_158 = arith.addi %mul3A_156, %add3A_157 : i32
    "tpu.region"() ({
      %run_scoped3A = tpu.sem_alloc : memref<!tpu.dma_semaphore, #tpu.memory_space<semaphore_mem>>
      %dma_start3A_185 = arith.constant 0 : i32
      %dma_start3A_186 = tpu.memref_slice %arg11[%add3A_158, %dma_start3A_185] : memref<10240x128xf32, #tpu.memory_space<vmem_shared>> -> memref<64x128xf32, #tpu.memory_space<vmem_shared>>
      %dma_start3A_187 = arith.constant 0 : i32
      %dma_start3A_188 = tpu.memref_slice %arg11[%add3A_158, %dma_start3A_187] : memref<10240x128xf32, #tpu.memory_space<vmem_shared>> -> memref<64x128xf32, #tpu.memory_space<vmem_shared>>
      tpu.enqueue_dma source(%dma_start3A_188 : memref<64x128xf32, #tpu.memory_space<vmem_shared>>) target(%arg10 : memref<64x128xf32, #tpu.memory_space<vmem>>) target_semaphore(%run_scoped3A : memref<!tpu.dma_semaphore, #tpu.memory_space<semaphore_mem>>)
      %dma_wait3A_189 = arith.constant 0 : i32
      %dma_wait3A_190 = tpu.memref_slice %arg11[%add3A_158, %dma_wait3A_189] : memref<10240x128xf32, #tpu.memory_space<vmem_shared>> -> memref<64x128xf32, #tpu.memory_space<vmem_shared>>
      %dma_wait3A_191 = arith.constant 0 : i32
      %dma_wait3A_192 = tpu.memref_slice %arg11[%add3A_158, %dma_wait3A_191] : memref<10240x128xf32, #tpu.memory_space<vmem_shared>> -> memref<64x128xf32, #tpu.memory_space<vmem_shared>>
      tpu.wait_dma2 semaphore(%run_scoped3A : memref<!tpu.dma_semaphore, #tpu.memory_space<semaphore_mem>>) src(%dma_wait3A_192 : memref<64x128xf32, #tpu.memory_space<vmem_shared>>) dst(%arg10 : memref<64x128xf32, #tpu.memory_space<vmem>>)
      tpu.yield
    }) : () -> ()
    %add3A_159 = arith.addi %mul3A_0, %add3A_158 : i32
    "tpu.region"() ({
      %run_scoped3A = tpu.sem_alloc : memref<!tpu.dma_semaphore, #tpu.memory_space<semaphore_mem>>
      %dma_start3A_185 = arith.constant 0 : i32
      %dma_start3A_186 = tpu.memref_slice %arg6[%add3A_159, %dma_start3A_185] : memref<20480x128xf32, #tpu.memory_space<hbm>> -> memref<64x128xf32, #tpu.memory_space<hbm>>
      %dma_start3A_187 = arith.constant 0 : i32
      %dma_start3A_188 = tpu.memref_slice %arg6[%add3A_159, %dma_start3A_187] : memref<20480x128xf32, #tpu.memory_space<hbm>> -> memref<64x128xf32, #tpu.memory_space<hbm>>
      tpu.enqueue_dma source(%arg10 : memref<64x128xf32, #tpu.memory_space<vmem>>) target(%dma_start3A_188 : memref<64x128xf32, #tpu.memory_space<hbm>>) target_semaphore(%run_scoped3A : memref<!tpu.dma_semaphore, #tpu.memory_space<semaphore_mem>>)
      %dma_wait3A_189 = arith.constant 0 : i32
      %dma_wait3A_190 = tpu.memref_slice %arg6[%add3A_159, %dma_wait3A_189] : memref<20480x128xf32, #tpu.memory_space<hbm>> -> memref<64x128xf32, #tpu.memory_space<hbm>>
      %dma_wait3A_191 = arith.constant 0 : i32
      %dma_wait3A_192 = tpu.memref_slice %arg6[%add3A_159, %dma_wait3A_191] : memref<20480x128xf32, #tpu.memory_space<hbm>> -> memref<64x128xf32, #tpu.memory_space<hbm>>
      tpu.wait_dma2 semaphore(%run_scoped3A : memref<!tpu.dma_semaphore, #tpu.memory_space<semaphore_mem>>) src(%arg10 : memref<64x128xf32, #tpu.memory_space<vmem>>) dst(%dma_wait3A_192 : memref<64x128xf32, #tpu.memory_space<hbm>>)
      tpu.yield
    }) : () -> ()
    %mul3A_160 = arith.constant 640 : i32
    %mul3A_161 = arith.muli %arg1, %mul3A_160 : i32
    %add3A_162 = arith.constant 320 : i32
    %add3A_163 = arith.addi %mul3A_161, %add3A_162 : i32
    "tpu.region"() ({
      %run_scoped3A = tpu.sem_alloc : memref<!tpu.dma_semaphore, #tpu.memory_space<semaphore_mem>>
      %dma_start3A_185 = arith.constant 0 : i32
      %dma_start3A_186 = tpu.memref_slice %arg11[%add3A_163, %dma_start3A_185] : memref<10240x128xf32, #tpu.memory_space<vmem_shared>> -> memref<64x128xf32, #tpu.memory_space<vmem_shared>>
      %dma_start3A_187 = arith.constant 0 : i32
      %dma_start3A_188 = tpu.memref_slice %arg11[%add3A_163, %dma_start3A_187] : memref<10240x128xf32, #tpu.memory_space<vmem_shared>> -> memref<64x128xf32, #tpu.memory_space<vmem_shared>>
      tpu.enqueue_dma source(%dma_start3A_188 : memref<64x128xf32, #tpu.memory_space<vmem_shared>>) target(%arg10 : memref<64x128xf32, #tpu.memory_space<vmem>>) target_semaphore(%run_scoped3A : memref<!tpu.dma_semaphore, #tpu.memory_space<semaphore_mem>>)
      %dma_wait3A_189 = arith.constant 0 : i32
      %dma_wait3A_190 = tpu.memref_slice %arg11[%add3A_163, %dma_wait3A_189] : memref<10240x128xf32, #tpu.memory_space<vmem_shared>> -> memref<64x128xf32, #tpu.memory_space<vmem_shared>>
      %dma_wait3A_191 = arith.constant 0 : i32
      %dma_wait3A_192 = tpu.memref_slice %arg11[%add3A_163, %dma_wait3A_191] : memref<10240x128xf32, #tpu.memory_space<vmem_shared>> -> memref<64x128xf32, #tpu.memory_space<vmem_shared>>
      tpu.wait_dma2 semaphore(%run_scoped3A : memref<!tpu.dma_semaphore, #tpu.memory_space<semaphore_mem>>) src(%dma_wait3A_192 : memref<64x128xf32, #tpu.memory_space<vmem_shared>>) dst(%arg10 : memref<64x128xf32, #tpu.memory_space<vmem>>)
      tpu.yield
    }) : () -> ()
    %add3A_164 = arith.addi %mul3A_0, %add3A_163 : i32
    "tpu.region"() ({
      %run_scoped3A = tpu.sem_alloc : memref<!tpu.dma_semaphore, #tpu.memory_space<semaphore_mem>>
      %dma_start3A_185 = arith.constant 0 : i32
      %dma_start3A_186 = tpu.memref_slice %arg6[%add3A_164, %dma_start3A_185] : memref<20480x128xf32, #tpu.memory_space<hbm>> -> memref<64x128xf32, #tpu.memory_space<hbm>>
      %dma_start3A_187 = arith.constant 0 : i32
      %dma_start3A_188 = tpu.memref_slice %arg6[%add3A_164, %dma_start3A_187] : memref<20480x128xf32, #tpu.memory_space<hbm>> -> memref<64x128xf32, #tpu.memory_space<hbm>>
      tpu.enqueue_dma source(%arg10 : memref<64x128xf32, #tpu.memory_space<vmem>>) target(%dma_start3A_188 : memref<64x128xf32, #tpu.memory_space<hbm>>) target_semaphore(%run_scoped3A : memref<!tpu.dma_semaphore, #tpu.memory_space<semaphore_mem>>)
      %dma_wait3A_189 = arith.constant 0 : i32
      %dma_wait3A_190 = tpu.memref_slice %arg6[%add3A_164, %dma_wait3A_189] : memref<20480x128xf32, #tpu.memory_space<hbm>> -> memref<64x128xf32, #tpu.memory_space<hbm>>
      %dma_wait3A_191 = arith.constant 0 : i32
      %dma_wait3A_192 = tpu.memref_slice %arg6[%add3A_164, %dma_wait3A_191] : memref<20480x128xf32, #tpu.memory_space<hbm>> -> memref<64x128xf32, #tpu.memory_space<hbm>>
      tpu.wait_dma2 semaphore(%run_scoped3A : memref<!tpu.dma_semaphore, #tpu.memory_space<semaphore_mem>>) src(%arg10 : memref<64x128xf32, #tpu.memory_space<vmem>>) dst(%dma_wait3A_192 : memref<64x128xf32, #tpu.memory_space<hbm>>)
      tpu.yield
    }) : () -> ()
    %mul3A_165 = arith.constant 640 : i32
    %mul3A_166 = arith.muli %arg1, %mul3A_165 : i32
    %add3A_167 = arith.constant 384 : i32
    %add3A_168 = arith.addi %mul3A_166, %add3A_167 : i32
    "tpu.region"() ({
      %run_scoped3A = tpu.sem_alloc : memref<!tpu.dma_semaphore, #tpu.memory_space<semaphore_mem>>
      %dma_start3A_185 = arith.constant 0 : i32
      %dma_start3A_186 = tpu.memref_slice %arg11[%add3A_168, %dma_start3A_185] : memref<10240x128xf32, #tpu.memory_space<vmem_shared>> -> memref<64x128xf32, #tpu.memory_space<vmem_shared>>
      %dma_start3A_187 = arith.constant 0 : i32
      %dma_start3A_188 = tpu.memref_slice %arg11[%add3A_168, %dma_start3A_187] : memref<10240x128xf32, #tpu.memory_space<vmem_shared>> -> memref<64x128xf32, #tpu.memory_space<vmem_shared>>
      tpu.enqueue_dma source(%dma_start3A_188 : memref<64x128xf32, #tpu.memory_space<vmem_shared>>) target(%arg10 : memref<64x128xf32, #tpu.memory_space<vmem>>) target_semaphore(%run_scoped3A : memref<!tpu.dma_semaphore, #tpu.memory_space<semaphore_mem>>)
      %dma_wait3A_189 = arith.constant 0 : i32
      %dma_wait3A_190 = tpu.memref_slice %arg11[%add3A_168, %dma_wait3A_189] : memref<10240x128xf32, #tpu.memory_space<vmem_shared>> -> memref<64x128xf32, #tpu.memory_space<vmem_shared>>
      %dma_wait3A_191 = arith.constant 0 : i32
      %dma_wait3A_192 = tpu.memref_slice %arg11[%add3A_168, %dma_wait3A_191] : memref<10240x128xf32, #tpu.memory_space<vmem_shared>> -> memref<64x128xf32, #tpu.memory_space<vmem_shared>>
      tpu.wait_dma2 semaphore(%run_scoped3A : memref<!tpu.dma_semaphore, #tpu.memory_space<semaphore_mem>>) src(%dma_wait3A_192 : memref<64x128xf32, #tpu.memory_space<vmem_shared>>) dst(%arg10 : memref<64x128xf32, #tpu.memory_space<vmem>>)
      tpu.yield
    }) : () -> ()
    %add3A_169 = arith.addi %mul3A_0, %add3A_168 : i32
    "tpu.region"() ({
      %run_scoped3A = tpu.sem_alloc : memref<!tpu.dma_semaphore, #tpu.memory_space<semaphore_mem>>
      %dma_start3A_185 = arith.constant 0 : i32
      %dma_start3A_186 = tpu.memref_slice %arg6[%add3A_169, %dma_start3A_185] : memref<20480x128xf32, #tpu.memory_space<hbm>> -> memref<64x128xf32, #tpu.memory_space<hbm>>
      %dma_start3A_187 = arith.constant 0 : i32
      %dma_start3A_188 = tpu.memref_slice %arg6[%add3A_169, %dma_start3A_187] : memref<20480x128xf32, #tpu.memory_space<hbm>> -> memref<64x128xf32, #tpu.memory_space<hbm>>
      tpu.enqueue_dma source(%arg10 : memref<64x128xf32, #tpu.memory_space<vmem>>) target(%dma_start3A_188 : memref<64x128xf32, #tpu.memory_space<hbm>>) target_semaphore(%run_scoped3A : memref<!tpu.dma_semaphore, #tpu.memory_space<semaphore_mem>>)
      %dma_wait3A_189 = arith.constant 0 : i32
      %dma_wait3A_190 = tpu.memref_slice %arg6[%add3A_169, %dma_wait3A_189] : memref<20480x128xf32, #tpu.memory_space<hbm>> -> memref<64x128xf32, #tpu.memory_space<hbm>>
      %dma_wait3A_191 = arith.constant 0 : i32
      %dma_wait3A_192 = tpu.memref_slice %arg6[%add3A_169, %dma_wait3A_191] : memref<20480x128xf32, #tpu.memory_space<hbm>> -> memref<64x128xf32, #tpu.memory_space<hbm>>
      tpu.wait_dma2 semaphore(%run_scoped3A : memref<!tpu.dma_semaphore, #tpu.memory_space<semaphore_mem>>) src(%arg10 : memref<64x128xf32, #tpu.memory_space<vmem>>) dst(%dma_wait3A_192 : memref<64x128xf32, #tpu.memory_space<hbm>>)
      tpu.yield
    }) : () -> ()
    %mul3A_170 = arith.constant 640 : i32
    %mul3A_171 = arith.muli %arg1, %mul3A_170 : i32
    %add3A_172 = arith.constant 448 : i32
    %add3A_173 = arith.addi %mul3A_171, %add3A_172 : i32
    "tpu.region"() ({
      %run_scoped3A = tpu.sem_alloc : memref<!tpu.dma_semaphore, #tpu.memory_space<semaphore_mem>>
      %dma_start3A_185 = arith.constant 0 : i32
      %dma_start3A_186 = tpu.memref_slice %arg11[%add3A_173, %dma_start3A_185] : memref<10240x128xf32, #tpu.memory_space<vmem_shared>> -> memref<64x128xf32, #tpu.memory_space<vmem_shared>>
      %dma_start3A_187 = arith.constant 0 : i32
      %dma_start3A_188 = tpu.memref_slice %arg11[%add3A_173, %dma_start3A_187] : memref<10240x128xf32, #tpu.memory_space<vmem_shared>> -> memref<64x128xf32, #tpu.memory_space<vmem_shared>>
      tpu.enqueue_dma source(%dma_start3A_188 : memref<64x128xf32, #tpu.memory_space<vmem_shared>>) target(%arg10 : memref<64x128xf32, #tpu.memory_space<vmem>>) target_semaphore(%run_scoped3A : memref<!tpu.dma_semaphore, #tpu.memory_space<semaphore_mem>>)
      %dma_wait3A_189 = arith.constant 0 : i32
      %dma_wait3A_190 = tpu.memref_slice %arg11[%add3A_173, %dma_wait3A_189] : memref<10240x128xf32, #tpu.memory_space<vmem_shared>> -> memref<64x128xf32, #tpu.memory_space<vmem_shared>>
      %dma_wait3A_191 = arith.constant 0 : i32
      %dma_wait3A_192 = tpu.memref_slice %arg11[%add3A_173, %dma_wait3A_191] : memref<10240x128xf32, #tpu.memory_space<vmem_shared>> -> memref<64x128xf32, #tpu.memory_space<vmem_shared>>
      tpu.wait_dma2 semaphore(%run_scoped3A : memref<!tpu.dma_semaphore, #tpu.memory_space<semaphore_mem>>) src(%dma_wait3A_192 : memref<64x128xf32, #tpu.memory_space<vmem_shared>>) dst(%arg10 : memref<64x128xf32, #tpu.memory_space<vmem>>)
      tpu.yield
    }) : () -> ()
    %add3A_174 = arith.addi %mul3A_0, %add3A_173 : i32
    "tpu.region"() ({
      %run_scoped3A = tpu.sem_alloc : memref<!tpu.dma_semaphore, #tpu.memory_space<semaphore_mem>>
      %dma_start3A_185 = arith.constant 0 : i32
      %dma_start3A_186 = tpu.memref_slice %arg6[%add3A_174, %dma_start3A_185] : memref<20480x128xf32, #tpu.memory_space<hbm>> -> memref<64x128xf32, #tpu.memory_space<hbm>>
      %dma_start3A_187 = arith.constant 0 : i32
      %dma_start3A_188 = tpu.memref_slice %arg6[%add3A_174, %dma_start3A_187] : memref<20480x128xf32, #tpu.memory_space<hbm>> -> memref<64x128xf32, #tpu.memory_space<hbm>>
      tpu.enqueue_dma source(%arg10 : memref<64x128xf32, #tpu.memory_space<vmem>>) target(%dma_start3A_188 : memref<64x128xf32, #tpu.memory_space<hbm>>) target_semaphore(%run_scoped3A : memref<!tpu.dma_semaphore, #tpu.memory_space<semaphore_mem>>)
      %dma_wait3A_189 = arith.constant 0 : i32
      %dma_wait3A_190 = tpu.memref_slice %arg6[%add3A_174, %dma_wait3A_189] : memref<20480x128xf32, #tpu.memory_space<hbm>> -> memref<64x128xf32, #tpu.memory_space<hbm>>
      %dma_wait3A_191 = arith.constant 0 : i32
      %dma_wait3A_192 = tpu.memref_slice %arg6[%add3A_174, %dma_wait3A_191] : memref<20480x128xf32, #tpu.memory_space<hbm>> -> memref<64x128xf32, #tpu.memory_space<hbm>>
      tpu.wait_dma2 semaphore(%run_scoped3A : memref<!tpu.dma_semaphore, #tpu.memory_space<semaphore_mem>>) src(%arg10 : memref<64x128xf32, #tpu.memory_space<vmem>>) dst(%dma_wait3A_192 : memref<64x128xf32, #tpu.memory_space<hbm>>)
      tpu.yield
    }) : () -> ()
    %mul3A_175 = arith.constant 640 : i32
    %mul3A_176 = arith.muli %arg1, %mul3A_175 : i32
    %add3A_177 = arith.constant 512 : i32
    %add3A_178 = arith.addi %mul3A_176, %add3A_177 : i32
    "tpu.region"() ({
      %run_scoped3A = tpu.sem_alloc : memref<!tpu.dma_semaphore, #tpu.memory_space<semaphore_mem>>
      %dma_start3A_185 = arith.constant 0 : i32
      %dma_start3A_186 = tpu.memref_slice %arg11[%add3A_178, %dma_start3A_185] : memref<10240x128xf32, #tpu.memory_space<vmem_shared>> -> memref<64x128xf32, #tpu.memory_space<vmem_shared>>
      %dma_start3A_187 = arith.constant 0 : i32
      %dma_start3A_188 = tpu.memref_slice %arg11[%add3A_178, %dma_start3A_187] : memref<10240x128xf32, #tpu.memory_space<vmem_shared>> -> memref<64x128xf32, #tpu.memory_space<vmem_shared>>
      tpu.enqueue_dma source(%dma_start3A_188 : memref<64x128xf32, #tpu.memory_space<vmem_shared>>) target(%arg10 : memref<64x128xf32, #tpu.memory_space<vmem>>) target_semaphore(%run_scoped3A : memref<!tpu.dma_semaphore, #tpu.memory_space<semaphore_mem>>)
      %dma_wait3A_189 = arith.constant 0 : i32
      %dma_wait3A_190 = tpu.memref_slice %arg11[%add3A_178, %dma_wait3A_189] : memref<10240x128xf32, #tpu.memory_space<vmem_shared>> -> memref<64x128xf32, #tpu.memory_space<vmem_shared>>
      %dma_wait3A_191 = arith.constant 0 : i32
      %dma_wait3A_192 = tpu.memref_slice %arg11[%add3A_178, %dma_wait3A_191] : memref<10240x128xf32, #tpu.memory_space<vmem_shared>> -> memref<64x128xf32, #tpu.memory_space<vmem_shared>>
      tpu.wait_dma2 semaphore(%run_scoped3A : memref<!tpu.dma_semaphore, #tpu.memory_space<semaphore_mem>>) src(%dma_wait3A_192 : memref<64x128xf32, #tpu.memory_space<vmem_shared>>) dst(%arg10 : memref<64x128xf32, #tpu.memory_space<vmem>>)
      tpu.yield
    }) : () -> ()
    %add3A_179 = arith.addi %mul3A_0, %add3A_178 : i32
    "tpu.region"() ({
      %run_scoped3A = tpu.sem_alloc : memref<!tpu.dma_semaphore, #tpu.memory_space<semaphore_mem>>
      %dma_start3A_185 = arith.constant 0 : i32
      %dma_start3A_186 = tpu.memref_slice %arg6[%add3A_179, %dma_start3A_185] : memref<20480x128xf32, #tpu.memory_space<hbm>> -> memref<64x128xf32, #tpu.memory_space<hbm>>
      %dma_start3A_187 = arith.constant 0 : i32
      %dma_start3A_188 = tpu.memref_slice %arg6[%add3A_179, %dma_start3A_187] : memref<20480x128xf32, #tpu.memory_space<hbm>> -> memref<64x128xf32, #tpu.memory_space<hbm>>
      tpu.enqueue_dma source(%arg10 : memref<64x128xf32, #tpu.memory_space<vmem>>) target(%dma_start3A_188 : memref<64x128xf32, #tpu.memory_space<hbm>>) target_semaphore(%run_scoped3A : memref<!tpu.dma_semaphore, #tpu.memory_space<semaphore_mem>>)
      %dma_wait3A_189 = arith.constant 0 : i32
      %dma_wait3A_190 = tpu.memref_slice %arg6[%add3A_179, %dma_wait3A_189] : memref<20480x128xf32, #tpu.memory_space<hbm>> -> memref<64x128xf32, #tpu.memory_space<hbm>>
      %dma_wait3A_191 = arith.constant 0 : i32
      %dma_wait3A_192 = tpu.memref_slice %arg6[%add3A_179, %dma_wait3A_191] : memref<20480x128xf32, #tpu.memory_space<hbm>> -> memref<64x128xf32, #tpu.memory_space<hbm>>
      tpu.wait_dma2 semaphore(%run_scoped3A : memref<!tpu.dma_semaphore, #tpu.memory_space<semaphore_mem>>) src(%arg10 : memref<64x128xf32, #tpu.memory_space<vmem>>) dst(%dma_wait3A_192 : memref<64x128xf32, #tpu.memory_space<hbm>>)
      tpu.yield
    }) : () -> ()
    %mul3A_180 = arith.constant 640 : i32
    %mul3A_181 = arith.muli %arg1, %mul3A_180 : i32
    %add3A_182 = arith.constant 576 : i32
    %add3A_183 = arith.addi %mul3A_181, %add3A_182 : i32
    "tpu.region"() ({
      %run_scoped3A = tpu.sem_alloc : memref<!tpu.dma_semaphore, #tpu.memory_space<semaphore_mem>>
      %dma_start3A_185 = arith.constant 0 : i32
      %dma_start3A_186 = tpu.memref_slice %arg11[%add3A_183, %dma_start3A_185] : memref<10240x128xf32, #tpu.memory_space<vmem_shared>> -> memref<64x128xf32, #tpu.memory_space<vmem_shared>>
      %dma_start3A_187 = arith.constant 0 : i32
      %dma_start3A_188 = tpu.memref_slice %arg11[%add3A_183, %dma_start3A_187] : memref<10240x128xf32, #tpu.memory_space<vmem_shared>> -> memref<64x128xf32, #tpu.memory_space<vmem_shared>>
      tpu.enqueue_dma source(%dma_start3A_188 : memref<64x128xf32, #tpu.memory_space<vmem_shared>>) target(%arg10 : memref<64x128xf32, #tpu.memory_space<vmem>>) target_semaphore(%run_scoped3A : memref<!tpu.dma_semaphore, #tpu.memory_space<semaphore_mem>>)
      %dma_wait3A_189 = arith.constant 0 : i32
      %dma_wait3A_190 = tpu.memref_slice %arg11[%add3A_183, %dma_wait3A_189] : memref<10240x128xf32, #tpu.memory_space<vmem_shared>> -> memref<64x128xf32, #tpu.memory_space<vmem_shared>>
      %dma_wait3A_191 = arith.constant 0 : i32
      %dma_wait3A_192 = tpu.memref_slice %arg11[%add3A_183, %dma_wait3A_191] : memref<10240x128xf32, #tpu.memory_space<vmem_shared>> -> memref<64x128xf32, #tpu.memory_space<vmem_shared>>
      tpu.wait_dma2 semaphore(%run_scoped3A : memref<!tpu.dma_semaphore, #tpu.memory_space<semaphore_mem>>) src(%dma_wait3A_192 : memref<64x128xf32, #tpu.memory_space<vmem_shared>>) dst(%arg10 : memref<64x128xf32, #tpu.memory_space<vmem>>)
      tpu.yield
    }) : () -> ()
    %add3A_184 = arith.addi %mul3A_0, %add3A_183 : i32
    "tpu.region"() ({
      %run_scoped3A = tpu.sem_alloc : memref<!tpu.dma_semaphore, #tpu.memory_space<semaphore_mem>>
      %dma_start3A_185 = arith.constant 0 : i32
      %dma_start3A_186 = tpu.memref_slice %arg6[%add3A_184, %dma_start3A_185] : memref<20480x128xf32, #tpu.memory_space<hbm>> -> memref<64x128xf32, #tpu.memory_space<hbm>>
      %dma_start3A_187 = arith.constant 0 : i32
      %dma_start3A_188 = tpu.memref_slice %arg6[%add3A_184, %dma_start3A_187] : memref<20480x128xf32, #tpu.memory_space<hbm>> -> memref<64x128xf32, #tpu.memory_space<hbm>>
      tpu.enqueue_dma source(%arg10 : memref<64x128xf32, #tpu.memory_space<vmem>>) target(%dma_start3A_188 : memref<64x128xf32, #tpu.memory_space<hbm>>) target_semaphore(%run_scoped3A : memref<!tpu.dma_semaphore, #tpu.memory_space<semaphore_mem>>)
      %dma_wait3A_189 = arith.constant 0 : i32
      %dma_wait3A_190 = tpu.memref_slice %arg6[%add3A_184, %dma_wait3A_189] : memref<20480x128xf32, #tpu.memory_space<hbm>> -> memref<64x128xf32, #tpu.memory_space<hbm>>
      %dma_wait3A_191 = arith.constant 0 : i32
      %dma_wait3A_192 = tpu.memref_slice %arg6[%add3A_184, %dma_wait3A_191] : memref<20480x128xf32, #tpu.memory_space<hbm>> -> memref<64x128xf32, #tpu.memory_space<hbm>>
      tpu.wait_dma2 semaphore(%run_scoped3A : memref<!tpu.dma_semaphore, #tpu.memory_space<semaphore_mem>>) src(%arg10 : memref<64x128xf32, #tpu.memory_space<vmem>>) dst(%dma_wait3A_192 : memref<64x128xf32, #tpu.memory_space<hbm>>)
      tpu.yield
    }) : () -> ()
    return
  }
}

#map = affine_map<(d0, d1) -> (0, 0)>
#map1 = affine_map<(d0, d1) -> (0)>
module attributes {stable_mosaic.version = 14 : i64} {
  func.func @_sc_agg_body(%arg0: i32, %arg1: i32, %arg2: memref<20480x128xf32, #tpu.memory_space<hbm>>, %arg3: memref<163840xi32, #tpu.memory_space<hbm>>, %arg4: memref<163840xi32, #tpu.memory_space<hbm>>, %arg5: memref<128x128xf32, #tpu.memory_space<hbm>>, %arg6: memref<20480x128xf32, #tpu.memory_space<hbm>>, %arg7: memref<256xi32, #tpu.memory_space<vmem>>, %arg8: memref<256xi32, #tpu.memory_space<vmem>>, %arg9: memref<256x128xf32, #tpu.memory_space<vmem>>, %arg10: memref<64x128xf32, #tpu.memory_space<vmem>>, %arg11: memref<10240x128xf32, #tpu.memory_space<vmem_shared>>, %arg12: memref<!tpu.dma_semaphore, #tpu.memory_space<semaphore_mem>>, %arg13: memref<!tpu.dma_semaphore, #tpu.memory_space<semaphore_mem>>, %arg14: memref<!tpu.dma_semaphore, #tpu.memory_space<semaphore_mem>>) attributes {dimension_semantics = [#tpu.dimension_semantics<core_parallel>, #tpu.dimension_semantics<subcore_parallel>], iteration_bounds = array<i64: 2, 16>, scalar_prefetch = 0 : i64, scratch_operands = 8 : i64, tpu.core_type = #tpu.core_type<sc_vector_subcore>, window_params = [{transform_indices = #map}, {transform_indices = #map1}, {transform_indices = #map1}, {transform_indices = #map}, {transform_indices = #map}]} {
    %mul3A = arith.constant 10240 : i32
    %mul3A_0 = arith.muli %arg0, %mul3A : i32
    %mul3A_1 = arith.constant 640 : i32
    %mul3A_2 = arith.muli %arg1, %mul3A_1 : i32
    %add3A = arith.constant 0 : i32
    %add3A_3 = arith.addi %mul3A_2, %add3A : i32
    "tpu.region"() ({
      %run_scoped3A = tpu.sem_alloc : memref<!tpu.dma_semaphore, #tpu.memory_space<semaphore_mem>>
      %dma_start3A_185 = arith.constant 0 : i32
      %dma_start3A_186 = tpu.memref_slice %arg11[%add3A_3, %dma_start3A_185] : memref<10240x128xf32, #tpu.memory_space<vmem_shared>> -> memref<128x128xf32, #tpu.memory_space<vmem_shared>>
      tpu.enqueue_dma source(%arg5 : memref<128x128xf32, #tpu.memory_space<hbm>>) target(%dma_start3A_186 : memref<128x128xf32, #tpu.memory_space<vmem_shared>>) target_semaphore(%run_scoped3A : memref<!tpu.dma_semaphore, #tpu.memory_space<semaphore_mem>>)
      %dma_wait3A_187 = arith.constant 0 : i32
      %dma_wait3A_188 = tpu.memref_slice %arg11[%add3A_3, %dma_wait3A_187] : memref<10240x128xf32, #tpu.memory_space<vmem_shared>> -> memref<128x128xf32, #tpu.memory_space<vmem_shared>>
      tpu.wait_dma2 semaphore(%run_scoped3A : memref<!tpu.dma_semaphore, #tpu.memory_space<semaphore_mem>>) src(%arg5 : memref<128x128xf32, #tpu.memory_space<hbm>>) dst(%dma_wait3A_188 : memref<128x128xf32, #tpu.memory_space<vmem_shared>>)
      tpu.yield
    }) : () -> ()
    %mul3A_4 = arith.constant 640 : i32
    %mul3A_5 = arith.muli %arg1, %mul3A_4 : i32
    %add3A_6 = arith.constant 128 : i32
    %add3A_7 = arith.addi %mul3A_5, %add3A_6 : i32
    "tpu.region"() ({
      %run_scoped3A = tpu.sem_alloc : memref<!tpu.dma_semaphore, #tpu.memory_space<semaphore_mem>>
      %dma_start3A_185 = arith.constant 0 : i32
      %dma_start3A_186 = tpu.memref_slice %arg11[%add3A_7, %dma_start3A_185] : memref<10240x128xf32, #tpu.memory_space<vmem_shared>> -> memref<128x128xf32, #tpu.memory_space<vmem_shared>>
      tpu.enqueue_dma source(%arg5 : memref<128x128xf32, #tpu.memory_space<hbm>>) target(%dma_start3A_186 : memref<128x128xf32, #tpu.memory_space<vmem_shared>>) target_semaphore(%run_scoped3A : memref<!tpu.dma_semaphore, #tpu.memory_space<semaphore_mem>>)
      %dma_wait3A_187 = arith.constant 0 : i32
      %dma_wait3A_188 = tpu.memref_slice %arg11[%add3A_7, %dma_wait3A_187] : memref<10240x128xf32, #tpu.memory_space<vmem_shared>> -> memref<128x128xf32, #tpu.memory_space<vmem_shared>>
      tpu.wait_dma2 semaphore(%run_scoped3A : memref<!tpu.dma_semaphore, #tpu.memory_space<semaphore_mem>>) src(%arg5 : memref<128x128xf32, #tpu.memory_space<hbm>>) dst(%dma_wait3A_188 : memref<128x128xf32, #tpu.memory_space<vmem_shared>>)
      tpu.yield
    }) : () -> ()
    %mul3A_8 = arith.constant 640 : i32
    %mul3A_9 = arith.muli %arg1, %mul3A_8 : i32
    %add3A_10 = arith.constant 256 : i32
    %add3A_11 = arith.addi %mul3A_9, %add3A_10 : i32
    "tpu.region"() ({
      %run_scoped3A = tpu.sem_alloc : memref<!tpu.dma_semaphore, #tpu.memory_space<semaphore_mem>>
      %dma_start3A_185 = arith.constant 0 : i32
      %dma_start3A_186 = tpu.memref_slice %arg11[%add3A_11, %dma_start3A_185] : memref<10240x128xf32, #tpu.memory_space<vmem_shared>> -> memref<128x128xf32, #tpu.memory_space<vmem_shared>>
      tpu.enqueue_dma source(%arg5 : memref<128x128xf32, #tpu.memory_space<hbm>>) target(%dma_start3A_186 : memref<128x128xf32, #tpu.memory_space<vmem_shared>>) target_semaphore(%run_scoped3A : memref<!tpu.dma_semaphore, #tpu.memory_space<semaphore_mem>>)
      %dma_wait3A_187 = arith.constant 0 : i32
      %dma_wait3A_188 = tpu.memref_slice %arg11[%add3A_11, %dma_wait3A_187] : memref<10240x128xf32, #tpu.memory_space<vmem_shared>> -> memref<128x128xf32, #tpu.memory_space<vmem_shared>>
      tpu.wait_dma2 semaphore(%run_scoped3A : memref<!tpu.dma_semaphore, #tpu.memory_space<semaphore_mem>>) src(%arg5 : memref<128x128xf32, #tpu.memory_space<hbm>>) dst(%dma_wait3A_188 : memref<128x128xf32, #tpu.memory_space<vmem_shared>>)
      tpu.yield
    }) : () -> ()
    %mul3A_12 = arith.constant 640 : i32
    %mul3A_13 = arith.muli %arg1, %mul3A_12 : i32
    %add3A_14 = arith.constant 384 : i32
    %add3A_15 = arith.addi %mul3A_13, %add3A_14 : i32
    "tpu.region"() ({
      %run_scoped3A = tpu.sem_alloc : memref<!tpu.dma_semaphore, #tpu.memory_space<semaphore_mem>>
      %dma_start3A_185 = arith.constant 0 : i32
      %dma_start3A_186 = tpu.memref_slice %arg11[%add3A_15, %dma_start3A_185] : memref<10240x128xf32, #tpu.memory_space<vmem_shared>> -> memref<128x128xf32, #tpu.memory_space<vmem_shared>>
      tpu.enqueue_dma source(%arg5 : memref<128x128xf32, #tpu.memory_space<hbm>>) target(%dma_start3A_186 : memref<128x128xf32, #tpu.memory_space<vmem_shared>>) target_semaphore(%run_scoped3A : memref<!tpu.dma_semaphore, #tpu.memory_space<semaphore_mem>>)
      %dma_wait3A_187 = arith.constant 0 : i32
      %dma_wait3A_188 = tpu.memref_slice %arg11[%add3A_15, %dma_wait3A_187] : memref<10240x128xf32, #tpu.memory_space<vmem_shared>> -> memref<128x128xf32, #tpu.memory_space<vmem_shared>>
      tpu.wait_dma2 semaphore(%run_scoped3A : memref<!tpu.dma_semaphore, #tpu.memory_space<semaphore_mem>>) src(%arg5 : memref<128x128xf32, #tpu.memory_space<hbm>>) dst(%dma_wait3A_188 : memref<128x128xf32, #tpu.memory_space<vmem_shared>>)
      tpu.yield
    }) : () -> ()
    %mul3A_16 = arith.constant 640 : i32
    %mul3A_17 = arith.muli %arg1, %mul3A_16 : i32
    %add3A_18 = arith.constant 512 : i32
    %add3A_19 = arith.addi %mul3A_17, %add3A_18 : i32
    "tpu.region"() ({
      %run_scoped3A = tpu.sem_alloc : memref<!tpu.dma_semaphore, #tpu.memory_space<semaphore_mem>>
      %dma_start3A_185 = arith.constant 0 : i32
      %dma_start3A_186 = tpu.memref_slice %arg11[%add3A_19, %dma_start3A_185] : memref<10240x128xf32, #tpu.memory_space<vmem_shared>> -> memref<128x128xf32, #tpu.memory_space<vmem_shared>>
      tpu.enqueue_dma source(%arg5 : memref<128x128xf32, #tpu.memory_space<hbm>>) target(%dma_start3A_186 : memref<128x128xf32, #tpu.memory_space<vmem_shared>>) target_semaphore(%run_scoped3A : memref<!tpu.dma_semaphore, #tpu.memory_space<semaphore_mem>>)
      %dma_wait3A_187 = arith.constant 0 : i32
      %dma_wait3A_188 = tpu.memref_slice %arg11[%add3A_19, %dma_wait3A_187] : memref<10240x128xf32, #tpu.memory_space<vmem_shared>> -> memref<128x128xf32, #tpu.memory_space<vmem_shared>>
      tpu.wait_dma2 semaphore(%run_scoped3A : memref<!tpu.dma_semaphore, #tpu.memory_space<semaphore_mem>>) src(%arg5 : memref<128x128xf32, #tpu.memory_space<hbm>>) dst(%dma_wait3A_188 : memref<128x128xf32, #tpu.memory_space<vmem_shared>>)
      tpu.yield
    }) : () -> ()
    %barrier3A = arith.constant 0 : index
    tpu.barrier barrier_id(%barrier3A)
    %mul3A_20 = arith.constant 10240 : i32
    %mul3A_21 = arith.muli %arg1, %mul3A_20 : i32
    "tpu.region"() ({
      %run_scoped3A = tpu.sem_alloc : memref<!tpu.dma_semaphore, #tpu.memory_space<semaphore_mem>>
      %dma_start3A_185 = arith.constant 0 : i32
      %dma_start3A_186 = tpu.memref_slice %arg7[%dma_start3A_185] : memref<256xi32, #tpu.memory_space<vmem>> -> memref<128xi32, #tpu.memory_space<vmem>>
      %dma_start3A_187 = tpu.memref_slice %arg3[%mul3A_21] : memref<163840xi32, #tpu.memory_space<hbm>> -> memref<128xi32, #tpu.memory_space<hbm>>
      %dma_start3A_188 = arith.constant 0 : i32
      %dma_start3A_189 = tpu.memref_slice %arg7[%dma_start3A_188] : memref<256xi32, #tpu.memory_space<vmem>> -> memref<128xi32, #tpu.memory_space<vmem>>
      %dma_start3A_190 = tpu.memref_slice %arg3[%mul3A_21] : memref<163840xi32, #tpu.memory_space<hbm>> -> memref<128xi32, #tpu.memory_space<hbm>>
      tpu.enqueue_dma source(%dma_start3A_190 : memref<128xi32, #tpu.memory_space<hbm>>) target(%dma_start3A_189 : memref<128xi32, #tpu.memory_space<vmem>>) target_semaphore(%run_scoped3A : memref<!tpu.dma_semaphore, #tpu.memory_space<semaphore_mem>>)
      %dma_wait3A_191 = arith.constant 0 : i32
      %dma_wait3A_192 = tpu.memref_slice %arg7[%dma_wait3A_191] : memref<256xi32, #tpu.memory_space<vmem>> -> memref<128xi32, #tpu.memory_space<vmem>>
      %dma_wait3A_193 = tpu.memref_slice %arg3[%mul3A_21] : memref<163840xi32, #tpu.memory_space<hbm>> -> memref<128xi32, #tpu.memory_space<hbm>>
      %dma_wait3A_194 = arith.constant 0 : i32
      %dma_wait3A_195 = tpu.memref_slice %arg7[%dma_wait3A_194] : memref<256xi32, #tpu.memory_space<vmem>> -> memref<128xi32, #tpu.memory_space<vmem>>
      %dma_wait3A_196 = tpu.memref_slice %arg3[%mul3A_21] : memref<163840xi32, #tpu.memory_space<hbm>> -> memref<128xi32, #tpu.memory_space<hbm>>
      tpu.wait_dma2 semaphore(%run_scoped3A : memref<!tpu.dma_semaphore, #tpu.memory_space<semaphore_mem>>) src(%dma_wait3A_196 : memref<128xi32, #tpu.memory_space<hbm>>) dst(%dma_wait3A_195 : memref<128xi32, #tpu.memory_space<vmem>>)
      tpu.yield
    }) : () -> ()
    "tpu.region"() ({
      %run_scoped3A = tpu.sem_alloc : memref<!tpu.dma_semaphore, #tpu.memory_space<semaphore_mem>>
      %dma_start3A_185 = arith.constant 0 : i32
      %dma_start3A_186 = tpu.memref_slice %arg8[%dma_start3A_185] : memref<256xi32, #tpu.memory_space<vmem>> -> memref<128xi32, #tpu.memory_space<vmem>>
      %dma_start3A_187 = tpu.memref_slice %arg4[%mul3A_21] : memref<163840xi32, #tpu.memory_space<hbm>> -> memref<128xi32, #tpu.memory_space<hbm>>
      %dma_start3A_188 = arith.constant 0 : i32
      %dma_start3A_189 = tpu.memref_slice %arg8[%dma_start3A_188] : memref<256xi32, #tpu.memory_space<vmem>> -> memref<128xi32, #tpu.memory_space<vmem>>
      %dma_start3A_190 = tpu.memref_slice %arg4[%mul3A_21] : memref<163840xi32, #tpu.memory_space<hbm>> -> memref<128xi32, #tpu.memory_space<hbm>>
      tpu.enqueue_dma source(%dma_start3A_190 : memref<128xi32, #tpu.memory_space<hbm>>) target(%dma_start3A_189 : memref<128xi32, #tpu.memory_space<vmem>>) target_semaphore(%run_scoped3A : memref<!tpu.dma_semaphore, #tpu.memory_space<semaphore_mem>>)
      %dma_wait3A_191 = arith.constant 0 : i32
      %dma_wait3A_192 = tpu.memref_slice %arg8[%dma_wait3A_191] : memref<256xi32, #tpu.memory_space<vmem>> -> memref<128xi32, #tpu.memory_space<vmem>>
      %dma_wait3A_193 = tpu.memref_slice %arg4[%mul3A_21] : memref<163840xi32, #tpu.memory_space<hbm>> -> memref<128xi32, #tpu.memory_space<hbm>>
      %dma_wait3A_194 = arith.constant 0 : i32
      %dma_wait3A_195 = tpu.memref_slice %arg8[%dma_wait3A_194] : memref<256xi32, #tpu.memory_space<vmem>> -> memref<128xi32, #tpu.memory_space<vmem>>
      %dma_wait3A_196 = tpu.memref_slice %arg4[%mul3A_21] : memref<163840xi32, #tpu.memory_space<hbm>> -> memref<128xi32, #tpu.memory_space<hbm>>
      tpu.wait_dma2 semaphore(%run_scoped3A : memref<!tpu.dma_semaphore, #tpu.memory_space<semaphore_mem>>) src(%dma_wait3A_196 : memref<128xi32, #tpu.memory_space<hbm>>) dst(%dma_wait3A_195 : memref<128xi32, #tpu.memory_space<vmem>>)
      tpu.yield
    }) : () -> ()
    %get3A = arith.constant 0 : index
    %get3A_22 = tpu.vector_load %arg7[%get3A] {strides = array<i32>} : memref<256xi32, #tpu.memory_space<vmem>>, vector<16xi32>,
    %get3A_23 = vector.shape_cast %get3A_22 : vector<16xi32> to vector<16xi32>
    %add3A_24 = vector.broadcast %mul3A_0 : i32 to vector<16xi32>
    %add3A_25 = arith.addi %get3A_23, %add3A_24 : vector<16xi32>
    %dma_start3A = arith.constant 0 : i32
    %dma_start3A_26 = arith.constant 0 : i32
    %dma_start3A_27 = tpu.memref_slice %arg9[%dma_start3A, %dma_start3A_26] : memref<256x128xf32, #tpu.memory_space<vmem>> -> memref<16x128xf32, #tpu.memory_space<vmem>>
    %dma_start3A_28 = arith.constant 0 : i32
    %dma_start3A_29 = arith.constant 0 : i32
    %dma_start3A_30 = tpu.memref_slice %arg2[%dma_start3A_28, %dma_start3A_29] : memref<20480x128xf32, #tpu.memory_space<hbm>> -> memref<20480x128xf32, #tpu.memory_space<hbm>>
    tpu.enqueue_indirect_dma source(%dma_start3A_30 : memref<20480x128xf32, #tpu.memory_space<hbm>>) target(%dma_start3A_27 : memref<16x128xf32, #tpu.memory_space<vmem>>) offsets(%add3A_25 : vector<16xi32>) semaphore(%arg12 : memref<!tpu.dma_semaphore, #tpu.memory_space<semaphore_mem>>)
    %get3A_31 = arith.constant 16 : index
    %get3A_32 = tpu.vector_load %arg7[%get3A_31] {strides = array<i32>} : memref<256xi32, #tpu.memory_space<vmem>>, vector<16xi32>,
    %get3A_33 = vector.shape_cast %get3A_32 : vector<16xi32> to vector<16xi32>
    %add3A_34 = vector.broadcast %mul3A_0 : i32 to vector<16xi32>
    %add3A_35 = arith.addi %get3A_33, %add3A_34 : vector<16xi32>
    %dma_start3A_36 = arith.constant 16 : i32
    %dma_start3A_37 = arith.constant 0 : i32
    %dma_start3A_38 = tpu.memref_slice %arg9[%dma_start3A_36, %dma_start3A_37] : memref<256x128xf32, #tpu.memory_space<vmem>> -> memref<16x128xf32, #tpu.memory_space<vmem>>
    %dma_start3A_39 = arith.constant 0 : i32
    %dma_start3A_40 = arith.constant 0 : i32
    %dma_start3A_41 = tpu.memref_slice %arg2[%dma_start3A_39, %dma_start3A_40] : memref<20480x128xf32, #tpu.memory_space<hbm>> -> memref<20480x128xf32, #tpu.memory_space<hbm>>
    tpu.enqueue_indirect_dma source(%dma_start3A_41 : memref<20480x128xf32, #tpu.memory_space<hbm>>) target(%dma_start3A_38 : memref<16x128xf32, #tpu.memory_space<vmem>>) offsets(%add3A_35 : vector<16xi32>) semaphore(%arg12 : memref<!tpu.dma_semaphore, #tpu.memory_space<semaphore_mem>>)
    %get3A_42 = arith.constant 32 : index
    %get3A_43 = tpu.vector_load %arg7[%get3A_42] {strides = array<i32>} : memref<256xi32, #tpu.memory_space<vmem>>, vector<16xi32>,
    %get3A_44 = vector.shape_cast %get3A_43 : vector<16xi32> to vector<16xi32>
    %add3A_45 = vector.broadcast %mul3A_0 : i32 to vector<16xi32>
    %add3A_46 = arith.addi %get3A_44, %add3A_45 : vector<16xi32>
    %dma_start3A_47 = arith.constant 32 : i32
    %dma_start3A_48 = arith.constant 0 : i32
    %dma_start3A_49 = tpu.memref_slice %arg9[%dma_start3A_47, %dma_start3A_48] : memref<256x128xf32, #tpu.memory_space<vmem>> -> memref<16x128xf32, #tpu.memory_space<vmem>>
    %dma_start3A_50 = arith.constant 0 : i32
    %dma_start3A_51 = arith.constant 0 : i32
    %dma_start3A_52 = tpu.memref_slice %arg2[%dma_start3A_50, %dma_start3A_51] : memref<20480x128xf32, #tpu.memory_space<hbm>> -> memref<20480x128xf32, #tpu.memory_space<hbm>>
    tpu.enqueue_indirect_dma source(%dma_start3A_52 : memref<20480x128xf32, #tpu.memory_space<hbm>>) target(%dma_start3A_49 : memref<16x128xf32, #tpu.memory_space<vmem>>) offsets(%add3A_46 : vector<16xi32>) semaphore(%arg12 : memref<!tpu.dma_semaphore, #tpu.memory_space<semaphore_mem>>)
    %get3A_53 = arith.constant 48 : index
    %get3A_54 = tpu.vector_load %arg7[%get3A_53] {strides = array<i32>} : memref<256xi32, #tpu.memory_space<vmem>>, vector<16xi32>,
    %get3A_55 = vector.shape_cast %get3A_54 : vector<16xi32> to vector<16xi32>
    %add3A_56 = vector.broadcast %mul3A_0 : i32 to vector<16xi32>
    %add3A_57 = arith.addi %get3A_55, %add3A_56 : vector<16xi32>
    %dma_start3A_58 = arith.constant 48 : i32
    %dma_start3A_59 = arith.constant 0 : i32
    %dma_start3A_60 = tpu.memref_slice %arg9[%dma_start3A_58, %dma_start3A_59] : memref<256x128xf32, #tpu.memory_space<vmem>> -> memref<16x128xf32, #tpu.memory_space<vmem>>
    %dma_start3A_61 = arith.constant 0 : i32
    %dma_start3A_62 = arith.constant 0 : i32
    %dma_start3A_63 = tpu.memref_slice %arg2[%dma_start3A_61, %dma_start3A_62] : memref<20480x128xf32, #tpu.memory_space<hbm>> -> memref<20480x128xf32, #tpu.memory_space<hbm>>
    tpu.enqueue_indirect_dma source(%dma_start3A_63 : memref<20480x128xf32, #tpu.memory_space<hbm>>) target(%dma_start3A_60 : memref<16x128xf32, #tpu.memory_space<vmem>>) offsets(%add3A_57 : vector<16xi32>) semaphore(%arg12 : memref<!tpu.dma_semaphore, #tpu.memory_space<semaphore_mem>>)
    %get3A_64 = arith.constant 64 : index
    %get3A_65 = tpu.vector_load %arg7[%get3A_64] {strides = array<i32>} : memref<256xi32, #tpu.memory_space<vmem>>, vector<16xi32>,
    %get3A_66 = vector.shape_cast %get3A_65 : vector<16xi32> to vector<16xi32>
    %add3A_67 = vector.broadcast %mul3A_0 : i32 to vector<16xi32>
    %add3A_68 = arith.addi %get3A_66, %add3A_67 : vector<16xi32>
    %dma_start3A_69 = arith.constant 64 : i32
    %dma_start3A_70 = arith.constant 0 : i32
    %dma_start3A_71 = tpu.memref_slice %arg9[%dma_start3A_69, %dma_start3A_70] : memref<256x128xf32, #tpu.memory_space<vmem>> -> memref<16x128xf32, #tpu.memory_space<vmem>>
    %dma_start3A_72 = arith.constant 0 : i32
    %dma_start3A_73 = arith.constant 0 : i32
    %dma_start3A_74 = tpu.memref_slice %arg2[%dma_start3A_72, %dma_start3A_73] : memref<20480x128xf32, #tpu.memory_space<hbm>> -> memref<20480x128xf32, #tpu.memory_space<hbm>>
    tpu.enqueue_indirect_dma source(%dma_start3A_74 : memref<20480x128xf32, #tpu.memory_space<hbm>>) target(%dma_start3A_71 : memref<16x128xf32, #tpu.memory_space<vmem>>) offsets(%add3A_68 : vector<16xi32>) semaphore(%arg12 : memref<!tpu.dma_semaphore, #tpu.memory_space<semaphore_mem>>)
    %get3A_75 = arith.constant 80 : index
    %get3A_76 = tpu.vector_load %arg7[%get3A_75] {strides = array<i32>} : memref<256xi32, #tpu.memory_space<vmem>>, vector<16xi32>,
    %get3A_77 = vector.shape_cast %get3A_76 : vector<16xi32> to vector<16xi32>
    %add3A_78 = vector.broadcast %mul3A_0 : i32 to vector<16xi32>
    %add3A_79 = arith.addi %get3A_77, %add3A_78 : vector<16xi32>
    %dma_start3A_80 = arith.constant 80 : i32
    %dma_start3A_81 = arith.constant 0 : i32
    %dma_start3A_82 = tpu.memref_slice %arg9[%dma_start3A_80, %dma_start3A_81] : memref<256x128xf32, #tpu.memory_space<vmem>> -> memref<16x128xf32, #tpu.memory_space<vmem>>
    %dma_start3A_83 = arith.constant 0 : i32
    %dma_start3A_84 = arith.constant 0 : i32
    %dma_start3A_85 = tpu.memref_slice %arg2[%dma_start3A_83, %dma_start3A_84] : memref<20480x128xf32, #tpu.memory_space<hbm>> -> memref<20480x128xf32, #tpu.memory_space<hbm>>
    tpu.enqueue_indirect_dma source(%dma_start3A_85 : memref<20480x128xf32, #tpu.memory_space<hbm>>) target(%dma_start3A_82 : memref<16x128xf32, #tpu.memory_space<vmem>>) offsets(%add3A_79 : vector<16xi32>) semaphore(%arg12 : memref<!tpu.dma_semaphore, #tpu.memory_space<semaphore_mem>>)
    %get3A_86 = arith.constant 96 : index
    %get3A_87 = tpu.vector_load %arg7[%get3A_86] {strides = array<i32>} : memref<256xi32, #tpu.memory_space<vmem>>, vector<16xi32>,
    %get3A_88 = vector.shape_cast %get3A_87 : vector<16xi32> to vector<16xi32>
    %add3A_89 = vector.broadcast %mul3A_0 : i32 to vector<16xi32>
    %add3A_90 = arith.addi %get3A_88, %add3A_89 : vector<16xi32>
    %dma_start3A_91 = arith.constant 96 : i32
    %dma_start3A_92 = arith.constant 0 : i32
    %dma_start3A_93 = tpu.memref_slice %arg9[%dma_start3A_91, %dma_start3A_92] : memref<256x128xf32, #tpu.memory_space<vmem>> -> memref<16x128xf32, #tpu.memory_space<vmem>>
    %dma_start3A_94 = arith.constant 0 : i32
    %dma_start3A_95 = arith.constant 0 : i32
    %dma_start3A_96 = tpu.memref_slice %arg2[%dma_start3A_94, %dma_start3A_95] : memref<20480x128xf32, #tpu.memory_space<hbm>> -> memref<20480x128xf32, #tpu.memory_space<hbm>>
    tpu.enqueue_indirect_dma source(%dma_start3A_96 : memref<20480x128xf32, #tpu.memory_space<hbm>>) target(%dma_start3A_93 : memref<16x128xf32, #tpu.memory_space<vmem>>) offsets(%add3A_90 : vector<16xi32>) semaphore(%arg12 : memref<!tpu.dma_semaphore, #tpu.memory_space<semaphore_mem>>)
    %get3A_97 = arith.constant 112 : index
    %get3A_98 = tpu.vector_load %arg7[%get3A_97] {strides = array<i32>} : memref<256xi32, #tpu.memory_space<vmem>>, vector<16xi32>,
    %get3A_99 = vector.shape_cast %get3A_98 : vector<16xi32> to vector<16xi32>
    %add3A_100 = vector.broadcast %mul3A_0 : i32 to vector<16xi32>
    %add3A_101 = arith.addi %get3A_99, %add3A_100 : vector<16xi32>
    %dma_start3A_102 = arith.constant 112 : i32
    %dma_start3A_103 = arith.constant 0 : i32
    %dma_start3A_104 = tpu.memref_slice %arg9[%dma_start3A_102, %dma_start3A_103] : memref<256x128xf32, #tpu.memory_space<vmem>> -> memref<16x128xf32, #tpu.memory_space<vmem>>
    %dma_start3A_105 = arith.constant 0 : i32
    %dma_start3A_106 = arith.constant 0 : i32
    %dma_start3A_107 = tpu.memref_slice %arg2[%dma_start3A_105, %dma_start3A_106] : memref<20480x128xf32, #tpu.memory_space<hbm>> -> memref<20480x128xf32, #tpu.memory_space<hbm>>
    tpu.enqueue_indirect_dma source(%dma_start3A_107 : memref<20480x128xf32, #tpu.memory_space<hbm>>) target(%dma_start3A_104 : memref<16x128xf32, #tpu.memory_space<vmem>>) offsets(%add3A_101 : vector<16xi32>) semaphore(%arg12 : memref<!tpu.dma_semaphore, #tpu.memory_space<semaphore_mem>>)
    %add3A_108 = arith.constant 128 : i32
    %add3A_109 = arith.addi %mul3A_21, %add3A_108 : i32
    %dma_start3A_110 = arith.constant 128 : i32
    %dma_start3A_111 = tpu.memref_slice %arg7[%dma_start3A_110] : memref<256xi32, #tpu.memory_space<vmem>> -> memref<128xi32, #tpu.memory_space<vmem>>
    %dma_start3A_112 = tpu.memref_slice %arg3[%add3A_109] : memref<163840xi32, #tpu.memory_space<hbm>> -> memref<128xi32, #tpu.memory_space<hbm>>
    %dma_start3A_113 = arith.constant 128 : i32
    %dma_start3A_114 = tpu.memref_slice %arg7[%dma_start3A_113] : memref<256xi32, #tpu.memory_space<vmem>> -> memref<128xi32, #tpu.memory_space<vmem>>
    %dma_start3A_115 = tpu.memref_slice %arg3[%add3A_109] : memref<163840xi32, #tpu.memory_space<hbm>> -> memref<128xi32, #tpu.memory_space<hbm>>
    tpu.enqueue_dma source(%dma_start3A_115 : memref<128xi32, #tpu.memory_space<hbm>>) target(%dma_start3A_114 : memref<128xi32, #tpu.memory_space<vmem>>) target_semaphore(%arg14 : memref<!tpu.dma_semaphore, #tpu.memory_space<semaphore_mem>>)
    %add3A_116 = arith.constant 128 : i32
    %add3A_117 = arith.addi %mul3A_21, %add3A_116 : i32
    %dma_start3A_118 = arith.constant 128 : i32
    %dma_start3A_119 = tpu.memref_slice %arg8[%dma_start3A_118] : memref<256xi32, #tpu.memory_space<vmem>> -> memref<128xi32, #tpu.memory_space<vmem>>
    %dma_start3A_120 = tpu.memref_slice %arg4[%add3A_117] : memref<163840xi32, #tpu.memory_space<hbm>> -> memref<128xi32, #tpu.memory_space<hbm>>
    %dma_start3A_121 = arith.constant 128 : i32
    %dma_start3A_122 = tpu.memref_slice %arg8[%dma_start3A_121] : memref<256xi32, #tpu.memory_space<vmem>> -> memref<128xi32, #tpu.memory_space<vmem>>
    %dma_start3A_123 = tpu.memref_slice %arg4[%add3A_117] : memref<163840xi32, #tpu.memory_space<hbm>> -> memref<128xi32, #tpu.memory_space<hbm>>
    tpu.enqueue_dma source(%dma_start3A_123 : memref<128xi32, #tpu.memory_space<hbm>>) target(%dma_start3A_122 : memref<128xi32, #tpu.memory_space<vmem>>) target_semaphore(%arg14 : memref<!tpu.dma_semaphore, #tpu.memory_space<semaphore_mem>>)
    %scan3A = arith.constant 0 : i32
    %scan3A_124 = arith.constant 0 : i32
    %scan3A_125 = arith.constant 80 : i32
    %scan3A_126 = arith.addi %scan3A_124, %scan3A_125 : i32
    %scan3A_127 = arith.constant 1 : i32
    scf.for %scan3A_185 = %scan3A_124 to %scan3A_126 step %scan3A_127  : i32 {
      %jit3A = arith.constant 2 : i32
      %eq3A = arith.constant 0 : i32
      %eq3A_186 = arith.cmpi eq, %jit3A, %eq3A : i32
      %jit3A_187 = arith.constant 1 : i32
      %select_n3A = arith.select %eq3A_186, %jit3A_187, %jit3A : i32
      %rem3A = arith.remsi %scan3A_185, %select_n3A : i32
      %ne3A = arith.constant 0 : i32
      %ne3A_188 = arith.cmpi ne, %rem3A, %ne3A : i32
      %lt3A = arith.constant 0 : i32
      %lt3A_189 = arith.cmpi slt, %rem3A, %lt3A : i32
      %lt3A_190 = arith.constant 0 : i32
      %lt3A_191 = arith.cmpi slt, %select_n3A, %lt3A_190 : i32
      %ne3A_192 = arith.xori %lt3A_189, %lt3A_191 : i1
      %and3A = arith.andi %ne3A_192, %ne3A_188 : i1
      %add3A_193 = arith.addi %rem3A, %select_n3A : i32
      %select_n3A_194 = arith.select %and3A, %add3A_193, %rem3A : i32
      %add3A_195 = arith.constant 1 : i32
      %add3A_196 = arith.addi %scan3A_185, %add3A_195 : i32
      %jit3A_197 = arith.constant 2 : i32
      %eq3A_198 = arith.constant 0 : i32
      %eq3A_199 = arith.cmpi eq, %jit3A_197, %eq3A_198 : i32
      %jit3A_200 = arith.constant 1 : i32
      %select_n3A_201 = arith.select %eq3A_199, %jit3A_200, %jit3A_197 : i32
      %rem3A_202 = arith.remsi %add3A_196, %select_n3A_201 : i32
      %ne3A_203 = arith.constant 0 : i32
      %ne3A_204 = arith.cmpi ne, %rem3A_202, %ne3A_203 : i32
      %lt3A_205 = arith.constant 0 : i32
      %lt3A_206 = arith.cmpi slt, %rem3A_202, %lt3A_205 : i32
      %lt3A_207 = arith.constant 0 : i32
      %lt3A_208 = arith.cmpi slt, %select_n3A_201, %lt3A_207 : i32
      %ne3A_209 = arith.xori %lt3A_206, %lt3A_208 : i1
      %and3A_210 = arith.andi %ne3A_209, %ne3A_204 : i1
      %add3A_211 = arith.addi %rem3A_202, %select_n3A_201 : i32
      %select_n3A_212 = arith.select %and3A_210, %add3A_211, %rem3A_202 : i32
      %gt3A = arith.constant 0 : i32
      %gt3A_213 = arith.cmpi sgt, %scan3A_185, %gt3A : i32
      %convert_element_type3A = arith.extui %gt3A_213 : i1 to i32
      %cond3A = arith.constant 0 : i32
      %cond3A_214 = arith.cmpi ne, %convert_element_type3A, %cond3A : i32
      scf.if %cond3A_214 {
        %dma_wait3A_363 = arith.constant 0 : i32
        %dma_wait3A_364 = arith.constant 0 : i32
        %dma_wait3A_365 = tpu.memref_slice %arg9[%dma_wait3A_363, %dma_wait3A_364] : memref<256x128xf32, #tpu.memory_space<vmem>> -> memref<128x128xf32, #tpu.memory_space<vmem>>
        %dma_wait3A_366 = arith.constant 0 : i32
        %dma_wait3A_367 = arith.constant 0 : i32
        %dma_wait3A_368 = tpu.memref_slice %arg9[%dma_wait3A_366, %dma_wait3A_367] : memref<256x128xf32, #tpu.memory_space<vmem>> -> memref<128x128xf32, #tpu.memory_space<vmem>>
        tpu.wait_dma2 semaphore(%arg13 : memref<!tpu.dma_semaphore, #tpu.memory_space<semaphore_mem>>) src(%arg5 : memref<128x128xf32, #tpu.memory_space<hbm>>) dst(%dma_wait3A_368 : memref<128x128xf32, #tpu.memory_space<vmem>>)
      } else {
      }
      %add3A_215 = arith.constant 1 : i32
      %add3A_216 = arith.addi %scan3A_185, %add3A_215 : i32
      %lt3A_217 = arith.constant 80 : i32
      %lt3A_218 = arith.cmpi slt, %add3A_216, %lt3A_217 : i32
      %convert_element_type3A_219 = arith.extui %lt3A_218 : i1 to i32
      %cond3A_220 = arith.constant 0 : i32
      %cond3A_221 = arith.cmpi ne, %convert_element_type3A_219, %cond3A_220 : i32
      scf.if %cond3A_221 {
        %dma_wait3A_363 = arith.constant 0 : i32
        %dma_wait3A_364 = tpu.memref_slice %arg7[%dma_wait3A_363] : memref<256xi32, #tpu.memory_space<vmem>> -> memref<128xi32, #tpu.memory_space<vmem>>
        %dma_wait3A_365 = arith.constant 0 : i32
        %dma_wait3A_366 = tpu.memref_slice %arg3[%dma_wait3A_365] : memref<163840xi32, #tpu.memory_space<hbm>> -> memref<128xi32, #tpu.memory_space<hbm>>
        %dma_wait3A_367 = arith.constant 0 : i32
        %dma_wait3A_368 = tpu.memref_slice %arg7[%dma_wait3A_367] : memref<256xi32, #tpu.memory_space<vmem>> -> memref<128xi32, #tpu.memory_space<vmem>>
        %dma_wait3A_369 = arith.constant 0 : i32
        %dma_wait3A_370 = tpu.memref_slice %arg3[%dma_wait3A_369] : memref<163840xi32, #tpu.memory_space<hbm>> -> memref<128xi32, #tpu.memory_space<hbm>>
        tpu.wait_dma2 semaphore(%arg14 : memref<!tpu.dma_semaphore, #tpu.memory_space<semaphore_mem>>) src(%dma_wait3A_370 : memref<128xi32, #tpu.memory_space<hbm>>) dst(%dma_wait3A_368 : memref<128xi32, #tpu.memory_space<vmem>>)
        %dma_wait3A_371 = arith.constant 0 : i32
        %dma_wait3A_372 = tpu.memref_slice %arg8[%dma_wait3A_371] : memref<256xi32, #tpu.memory_space<vmem>> -> memref<128xi32, #tpu.memory_space<vmem>>
        %dma_wait3A_373 = arith.constant 0 : i32
        %dma_wait3A_374 = tpu.memref_slice %arg4[%dma_wait3A_373] : memref<163840xi32, #tpu.memory_space<hbm>> -> memref<128xi32, #tpu.memory_space<hbm>>
        %dma_wait3A_375 = arith.constant 0 : i32
        %dma_wait3A_376 = tpu.memref_slice %arg8[%dma_wait3A_375] : memref<256xi32, #tpu.memory_space<vmem>> -> memref<128xi32, #tpu.memory_space<vmem>>
        %dma_wait3A_377 = arith.constant 0 : i32
        %dma_wait3A_378 = tpu.memref_slice %arg4[%dma_wait3A_377] : memref<163840xi32, #tpu.memory_space<hbm>> -> memref<128xi32, #tpu.memory_space<hbm>>
        tpu.wait_dma2 semaphore(%arg14 : memref<!tpu.dma_semaphore, #tpu.memory_space<semaphore_mem>>) src(%dma_wait3A_378 : memref<128xi32, #tpu.memory_space<hbm>>) dst(%dma_wait3A_376 : memref<128xi32, #tpu.memory_space<vmem>>)
        %add3A_379 = arith.constant 1 : i32
        %add3A_380 = arith.addi %scan3A_185, %add3A_379 : i32
        %mul3A_381 = arith.constant 128 : i32
        %mul3A_382 = arith.muli %select_n3A_212, %mul3A_381 : i32
        %add3A_383 = arith.constant 0 : i32
        %add3A_384 = arith.addi %mul3A_382, %add3A_383 : i32
        %get3A_385 = arith.index_cast %add3A_384 : i32 to index
        %get3A_386 = tpu.vector_load %arg7[%get3A_385] {strides = array<i32>} : memref<256xi32, #tpu.memory_space<vmem>>, vector<16xi32>,
        %get3A_387 = vector.shape_cast %get3A_386 : vector<16xi32> to vector<16xi32>
        %add3A_388 = vector.broadcast %mul3A_0 : i32 to vector<16xi32>
        %add3A_389 = arith.addi %get3A_387, %add3A_388 : vector<16xi32>
        %mul3A_390 = arith.constant 128 : i32
        %mul3A_391 = arith.muli %select_n3A_212, %mul3A_390 : i32
        %add3A_392 = arith.constant 0 : i32
        %add3A_393 = arith.addi %mul3A_391, %add3A_392 : i32
        %dma_start3A_394 = arith.constant 0 : i32
        %dma_start3A_395 = tpu.memref_slice %arg9[%add3A_393, %dma_start3A_394] : memref<256x128xf32, #tpu.memory_space<vmem>> -> memref<16x128xf32, #tpu.memory_space<vmem>>
        %dma_start3A_396 = arith.constant 0 : i32
        %dma_start3A_397 = arith.constant 0 : i32
        %dma_start3A_398 = tpu.memref_slice %arg2[%dma_start3A_396, %dma_start3A_397] : memref<20480x128xf32, #tpu.memory_space<hbm>> -> memref<20480x128xf32, #tpu.memory_space<hbm>>
        tpu.enqueue_indirect_dma source(%dma_start3A_398 : memref<20480x128xf32, #tpu.memory_space<hbm>>) target(%dma_start3A_395 : memref<16x128xf32, #tpu.memory_space<vmem>>) offsets(%add3A_389 : vector<16xi32>) semaphore(%arg12 : memref<!tpu.dma_semaphore, #tpu.memory_space<semaphore_mem>>)
        %mul3A_399 = arith.constant 128 : i32
        %mul3A_400 = arith.muli %select_n3A_212, %mul3A_399 : i32
        %add3A_401 = arith.constant 16 : i32
        %add3A_402 = arith.addi %mul3A_400, %add3A_401 : i32
        %get3A_403 = arith.index_cast %add3A_402 : i32 to index
        %get3A_404 = tpu.vector_load %arg7[%get3A_403] {strides = array<i32>} : memref<256xi32, #tpu.memory_space<vmem>>, vector<16xi32>,
        %get3A_405 = vector.shape_cast %get3A_404 : vector<16xi32> to vector<16xi32>
        %add3A_406 = vector.broadcast %mul3A_0 : i32 to vector<16xi32>
        %add3A_407 = arith.addi %get3A_405, %add3A_406 : vector<16xi32>
        %mul3A_408 = arith.constant 128 : i32
        %mul3A_409 = arith.muli %select_n3A_212, %mul3A_408 : i32
        %add3A_410 = arith.constant 16 : i32
        %add3A_411 = arith.addi %mul3A_409, %add3A_410 : i32
        %dma_start3A_412 = arith.constant 0 : i32
        %dma_start3A_413 = tpu.memref_slice %arg9[%add3A_411, %dma_start3A_412] : memref<256x128xf32, #tpu.memory_space<vmem>> -> memref<16x128xf32, #tpu.memory_space<vmem>>
        %dma_start3A_414 = arith.constant 0 : i32
        %dma_start3A_415 = arith.constant 0 : i32
        %dma_start3A_416 = tpu.memref_slice %arg2[%dma_start3A_414, %dma_start3A_415] : memref<20480x128xf32, #tpu.memory_space<hbm>> -> memref<20480x128xf32, #tpu.memory_space<hbm>>
        tpu.enqueue_indirect_dma source(%dma_start3A_416 : memref<20480x128xf32, #tpu.memory_space<hbm>>) target(%dma_start3A_413 : memref<16x128xf32, #tpu.memory_space<vmem>>) offsets(%add3A_407 : vector<16xi32>) semaphore(%arg12 : memref<!tpu.dma_semaphore, #tpu.memory_space<semaphore_mem>>)
        %mul3A_417 = arith.constant 128 : i32
        %mul3A_418 = arith.muli %select_n3A_212, %mul3A_417 : i32
        %add3A_419 = arith.constant 32 : i32
        %add3A_420 = arith.addi %mul3A_418, %add3A_419 : i32
        %get3A_421 = arith.index_cast %add3A_420 : i32 to index
        %get3A_422 = tpu.vector_load %arg7[%get3A_421] {strides = array<i32>} : memref<256xi32, #tpu.memory_space<vmem>>, vector<16xi32>,
        %get3A_423 = vector.shape_cast %get3A_422 : vector<16xi32> to vector<16xi32>
        %add3A_424 = vector.broadcast %mul3A_0 : i32 to vector<16xi32>
        %add3A_425 = arith.addi %get3A_423, %add3A_424 : vector<16xi32>
        %mul3A_426 = arith.constant 128 : i32
        %mul3A_427 = arith.muli %select_n3A_212, %mul3A_426 : i32
        %add3A_428 = arith.constant 32 : i32
        %add3A_429 = arith.addi %mul3A_427, %add3A_428 : i32
        %dma_start3A_430 = arith.constant 0 : i32
        %dma_start3A_431 = tpu.memref_slice %arg9[%add3A_429, %dma_start3A_430] : memref<256x128xf32, #tpu.memory_space<vmem>> -> memref<16x128xf32, #tpu.memory_space<vmem>>
        %dma_start3A_432 = arith.constant 0 : i32
        %dma_start3A_433 = arith.constant 0 : i32
        %dma_start3A_434 = tpu.memref_slice %arg2[%dma_start3A_432, %dma_start3A_433] : memref<20480x128xf32, #tpu.memory_space<hbm>> -> memref<20480x128xf32, #tpu.memory_space<hbm>>
        tpu.enqueue_indirect_dma source(%dma_start3A_434 : memref<20480x128xf32, #tpu.memory_space<hbm>>) target(%dma_start3A_431 : memref<16x128xf32, #tpu.memory_space<vmem>>) offsets(%add3A_425 : vector<16xi32>) semaphore(%arg12 : memref<!tpu.dma_semaphore, #tpu.memory_space<semaphore_mem>>)
        %mul3A_435 = arith.constant 128 : i32
        %mul3A_436 = arith.muli %select_n3A_212, %mul3A_435 : i32
        %add3A_437 = arith.constant 48 : i32
        %add3A_438 = arith.addi %mul3A_436, %add3A_437 : i32
        %get3A_439 = arith.index_cast %add3A_438 : i32 to index
        %get3A_440 = tpu.vector_load %arg7[%get3A_439] {strides = array<i32>} : memref<256xi32, #tpu.memory_space<vmem>>, vector<16xi32>,
        %get3A_441 = vector.shape_cast %get3A_440 : vector<16xi32> to vector<16xi32>
        %add3A_442 = vector.broadcast %mul3A_0 : i32 to vector<16xi32>
        %add3A_443 = arith.addi %get3A_441, %add3A_442 : vector<16xi32>
        %mul3A_444 = arith.constant 128 : i32
        %mul3A_445 = arith.muli %select_n3A_212, %mul3A_444 : i32
        %add3A_446 = arith.constant 48 : i32
        %add3A_447 = arith.addi %mul3A_445, %add3A_446 : i32
        %dma_start3A_448 = arith.constant 0 : i32
        %dma_start3A_449 = tpu.memref_slice %arg9[%add3A_447, %dma_start3A_448] : memref<256x128xf32, #tpu.memory_space<vmem>> -> memref<16x128xf32, #tpu.memory_space<vmem>>
        %dma_start3A_450 = arith.constant 0 : i32
        %dma_start3A_451 = arith.constant 0 : i32
        %dma_start3A_452 = tpu.memref_slice %arg2[%dma_start3A_450, %dma_start3A_451] : memref<20480x128xf32, #tpu.memory_space<hbm>> -> memref<20480x128xf32, #tpu.memory_space<hbm>>
        tpu.enqueue_indirect_dma source(%dma_start3A_452 : memref<20480x128xf32, #tpu.memory_space<hbm>>) target(%dma_start3A_449 : memref<16x128xf32, #tpu.memory_space<vmem>>) offsets(%add3A_443 : vector<16xi32>) semaphore(%arg12 : memref<!tpu.dma_semaphore, #tpu.memory_space<semaphore_mem>>)
        %mul3A_453 = arith.constant 128 : i32
        %mul3A_454 = arith.muli %select_n3A_212, %mul3A_453 : i32
        %add3A_455 = arith.constant 64 : i32
        %add3A_456 = arith.addi %mul3A_454, %add3A_455 : i32
        %get3A_457 = arith.index_cast %add3A_456 : i32 to index
        %get3A_458 = tpu.vector_load %arg7[%get3A_457] {strides = array<i32>} : memref<256xi32, #tpu.memory_space<vmem>>, vector<16xi32>,
        %get3A_459 = vector.shape_cast %get3A_458 : vector<16xi32> to vector<16xi32>
        %add3A_460 = vector.broadcast %mul3A_0 : i32 to vector<16xi32>
        %add3A_461 = arith.addi %get3A_459, %add3A_460 : vector<16xi32>
        %mul3A_462 = arith.constant 128 : i32
        %mul3A_463 = arith.muli %select_n3A_212, %mul3A_462 : i32
        %add3A_464 = arith.constant 64 : i32
        %add3A_465 = arith.addi %mul3A_463, %add3A_464 : i32
        %dma_start3A_466 = arith.constant 0 : i32
        %dma_start3A_467 = tpu.memref_slice %arg9[%add3A_465, %dma_start3A_466] : memref<256x128xf32, #tpu.memory_space<vmem>> -> memref<16x128xf32, #tpu.memory_space<vmem>>
        %dma_start3A_468 = arith.constant 0 : i32
        %dma_start3A_469 = arith.constant 0 : i32
        %dma_start3A_470 = tpu.memref_slice %arg2[%dma_start3A_468, %dma_start3A_469] : memref<20480x128xf32, #tpu.memory_space<hbm>> -> memref<20480x128xf32, #tpu.memory_space<hbm>>
        tpu.enqueue_indirect_dma source(%dma_start3A_470 : memref<20480x128xf32, #tpu.memory_space<hbm>>) target(%dma_start3A_467 : memref<16x128xf32, #tpu.memory_space<vmem>>) offsets(%add3A_461 : vector<16xi32>) semaphore(%arg12 : memref<!tpu.dma_semaphore, #tpu.memory_space<semaphore_mem>>)
        %mul3A_471 = arith.constant 128 : i32
        %mul3A_472 = arith.muli %select_n3A_212, %mul3A_471 : i32
        %add3A_473 = arith.constant 80 : i32
        %add3A_474 = arith.addi %mul3A_472, %add3A_473 : i32
        %get3A_475 = arith.index_cast %add3A_474 : i32 to index
        %get3A_476 = tpu.vector_load %arg7[%get3A_475] {strides = array<i32>} : memref<256xi32, #tpu.memory_space<vmem>>, vector<16xi32>,
        %get3A_477 = vector.shape_cast %get3A_476 : vector<16xi32> to vector<16xi32>
        %add3A_478 = vector.broadcast %mul3A_0 : i32 to vector<16xi32>
        %add3A_479 = arith.addi %get3A_477, %add3A_478 : vector<16xi32>
        %mul3A_480 = arith.constant 128 : i32
        %mul3A_481 = arith.muli %select_n3A_212, %mul3A_480 : i32
        %add3A_482 = arith.constant 80 : i32
        %add3A_483 = arith.addi %mul3A_481, %add3A_482 : i32
        %dma_start3A_484 = arith.constant 0 : i32
        %dma_start3A_485 = tpu.memref_slice %arg9[%add3A_483, %dma_start3A_484] : memref<256x128xf32, #tpu.memory_space<vmem>> -> memref<16x128xf32, #tpu.memory_space<vmem>>
        %dma_start3A_486 = arith.constant 0 : i32
        %dma_start3A_487 = arith.constant 0 : i32
        %dma_start3A_488 = tpu.memref_slice %arg2[%dma_start3A_486, %dma_start3A_487] : memref<20480x128xf32, #tpu.memory_space<hbm>> -> memref<20480x128xf32, #tpu.memory_space<hbm>>
        tpu.enqueue_indirect_dma source(%dma_start3A_488 : memref<20480x128xf32, #tpu.memory_space<hbm>>) target(%dma_start3A_485 : memref<16x128xf32, #tpu.memory_space<vmem>>) offsets(%add3A_479 : vector<16xi32>) semaphore(%arg12 : memref<!tpu.dma_semaphore, #tpu.memory_space<semaphore_mem>>)
        %mul3A_489 = arith.constant 128 : i32
        %mul3A_490 = arith.muli %select_n3A_212, %mul3A_489 : i32
        %add3A_491 = arith.constant 96 : i32
        %add3A_492 = arith.addi %mul3A_490, %add3A_491 : i32
        %get3A_493 = arith.index_cast %add3A_492 : i32 to index
        %get3A_494 = tpu.vector_load %arg7[%get3A_493] {strides = array<i32>} : memref<256xi32, #tpu.memory_space<vmem>>, vector<16xi32>,
        %get3A_495 = vector.shape_cast %get3A_494 : vector<16xi32> to vector<16xi32>
        %add3A_496 = vector.broadcast %mul3A_0 : i32 to vector<16xi32>
        %add3A_497 = arith.addi %get3A_495, %add3A_496 : vector<16xi32>
        %mul3A_498 = arith.constant 128 : i32
        %mul3A_499 = arith.muli %select_n3A_212, %mul3A_498 : i32
        %add3A_500 = arith.constant 96 : i32
        %add3A_501 = arith.addi %mul3A_499, %add3A_500 : i32
        %dma_start3A_502 = arith.constant 0 : i32
        %dma_start3A_503 = tpu.memref_slice %arg9[%add3A_501, %dma_start3A_502] : memref<256x128xf32, #tpu.memory_space<vmem>> -> memref<16x128xf32, #tpu.memory_space<vmem>>
        %dma_start3A_504 = arith.constant 0 : i32
        %dma_start3A_505 = arith.constant 0 : i32
        %dma_start3A_506 = tpu.memref_slice %arg2[%dma_start3A_504, %dma_start3A_505] : memref<20480x128xf32, #tpu.memory_space<hbm>> -> memref<20480x128xf32, #tpu.memory_space<hbm>>
        tpu.enqueue_indirect_dma source(%dma_start3A_506 : memref<20480x128xf32, #tpu.memory_space<hbm>>) target(%dma_start3A_503 : memref<16x128xf32, #tpu.memory_space<vmem>>) offsets(%add3A_497 : vector<16xi32>) semaphore(%arg12 : memref<!tpu.dma_semaphore, #tpu.memory_space<semaphore_mem>>)
        %mul3A_507 = arith.constant 128 : i32
        %mul3A_508 = arith.muli %select_n3A_212, %mul3A_507 : i32
        %add3A_509 = arith.constant 112 : i32
        %add3A_510 = arith.addi %mul3A_508, %add3A_509 : i32
        %get3A_511 = arith.index_cast %add3A_510 : i32 to index
        %get3A_512 = tpu.vector_load %arg7[%get3A_511] {strides = array<i32>} : memref<256xi32, #tpu.memory_space<vmem>>, vector<16xi32>,
        %get3A_513 = vector.shape_cast %get3A_512 : vector<16xi32> to vector<16xi32>
        %add3A_514 = vector.broadcast %mul3A_0 : i32 to vector<16xi32>
        %add3A_515 = arith.addi %get3A_513, %add3A_514 : vector<16xi32>
        %mul3A_516 = arith.constant 128 : i32
        %mul3A_517 = arith.muli %select_n3A_212, %mul3A_516 : i32
        %add3A_518 = arith.constant 112 : i32
        %add3A_519 = arith.addi %mul3A_517, %add3A_518 : i32
        %dma_start3A_520 = arith.constant 0 : i32
        %dma_start3A_521 = tpu.memref_slice %arg9[%add3A_519, %dma_start3A_520] : memref<256x128xf32, #tpu.memory_space<vmem>> -> memref<16x128xf32, #tpu.memory_space<vmem>>
        %dma_start3A_522 = arith.constant 0 : i32
        %dma_start3A_523 = arith.constant 0 : i32
        %dma_start3A_524 = tpu.memref_slice %arg2[%dma_start3A_522, %dma_start3A_523] : memref<20480x128xf32, #tpu.memory_space<hbm>> -> memref<20480x128xf32, #tpu.memory_space<hbm>>
        tpu.enqueue_indirect_dma source(%dma_start3A_524 : memref<20480x128xf32, #tpu.memory_space<hbm>>) target(%dma_start3A_521 : memref<16x128xf32, #tpu.memory_space<vmem>>) offsets(%add3A_515 : vector<16xi32>) semaphore(%arg12 : memref<!tpu.dma_semaphore, #tpu.memory_space<semaphore_mem>>)
      } else {
      }
      %dma_wait3A_222 = arith.constant 0 : i32
      %dma_wait3A_223 = arith.constant 0 : i32
      %dma_wait3A_224 = tpu.memref_slice %arg9[%dma_wait3A_222, %dma_wait3A_223] : memref<256x128xf32, #tpu.memory_space<vmem>> -> memref<128x128xf32, #tpu.memory_space<vmem>>
      %dma_wait3A_225 = arith.constant 0 : i32
      %dma_wait3A_226 = arith.constant 0 : i32
      %dma_wait3A_227 = tpu.memref_slice %arg9[%dma_wait3A_225, %dma_wait3A_226] : memref<256x128xf32, #tpu.memory_space<vmem>> -> memref<128x128xf32, #tpu.memory_space<vmem>>
      tpu.wait_dma2 semaphore(%arg12 : memref<!tpu.dma_semaphore, #tpu.memory_space<semaphore_mem>>) src(%arg5 : memref<128x128xf32, #tpu.memory_space<hbm>>) dst(%dma_wait3A_227 : memref<128x128xf32, #tpu.memory_space<vmem>>)
      %mul3A_228 = arith.constant 128 : i32
      %mul3A_229 = arith.muli %select_n3A_194, %mul3A_228 : i32
      %add3A_230 = arith.constant 0 : i32
      %add3A_231 = arith.addi %mul3A_229, %add3A_230 : i32
      %get3A_232 = arith.index_cast %add3A_231 : i32 to index
      %get3A_233 = tpu.vector_load %arg8[%get3A_232] {strides = array<i32>} : memref<256xi32, #tpu.memory_space<vmem>>, vector<16xi32>,
      %get3A_234 = vector.shape_cast %get3A_233 : vector<16xi32> to vector<16xi32>
      %mul3A_235 = arith.constant 128 : i32
      %mul3A_236 = arith.muli %select_n3A_194, %mul3A_235 : i32
      %add3A_237 = arith.constant 0 : i32
      %add3A_238 = arith.addi %mul3A_236, %add3A_237 : i32
      %dma_start3A_239 = arith.constant 0 : i32
      %dma_start3A_240 = tpu.memref_slice %arg9[%add3A_238, %dma_start3A_239] : memref<256x128xf32, #tpu.memory_space<vmem>> -> memref<16x128xf32, #tpu.memory_space<vmem>>
      %dma_start3A_241 = arith.constant 0 : i32
      %dma_start3A_242 = arith.constant 0 : i32
      %dma_start3A_243 = tpu.memref_slice %arg11[%dma_start3A_241, %dma_start3A_242] : memref<10240x128xf32, #tpu.memory_space<vmem_shared>> -> memref<10240x128xf32, #tpu.memory_space<vmem_shared>>
      tpu.enqueue_indirect_dma source(%dma_start3A_240 : memref<16x128xf32, #tpu.memory_space<vmem>>) target(%dma_start3A_243 : memref<10240x128xf32, #tpu.memory_space<vmem_shared>>) offsets(%get3A_234 : vector<16xi32>) semaphore(%arg13 : memref<!tpu.dma_semaphore, #tpu.memory_space<semaphore_mem>>) {add = true}
      %mul3A_244 = arith.constant 128 : i32
      %mul3A_245 = arith.muli %select_n3A_194, %mul3A_244 : i32
      %add3A_246 = arith.constant 16 : i32
      %add3A_247 = arith.addi %mul3A_245, %add3A_246 : i32
      %get3A_248 = arith.index_cast %add3A_247 : i32 to index
      %get3A_249 = tpu.vector_load %arg8[%get3A_248] {strides = array<i32>} : memref<256xi32, #tpu.memory_space<vmem>>, vector<16xi32>,
      %get3A_250 = vector.shape_cast %get3A_249 : vector<16xi32> to vector<16xi32>
      %mul3A_251 = arith.constant 128 : i32
      %mul3A_252 = arith.muli %select_n3A_194, %mul3A_251 : i32
      %add3A_253 = arith.constant 16 : i32
      %add3A_254 = arith.addi %mul3A_252, %add3A_253 : i32
      %dma_start3A_255 = arith.constant 0 : i32
      %dma_start3A_256 = tpu.memref_slice %arg9[%add3A_254, %dma_start3A_255] : memref<256x128xf32, #tpu.memory_space<vmem>> -> memref<16x128xf32, #tpu.memory_space<vmem>>
      %dma_start3A_257 = arith.constant 0 : i32
      %dma_start3A_258 = arith.constant 0 : i32
      %dma_start3A_259 = tpu.memref_slice %arg11[%dma_start3A_257, %dma_start3A_258] : memref<10240x128xf32, #tpu.memory_space<vmem_shared>> -> memref<10240x128xf32, #tpu.memory_space<vmem_shared>>
      tpu.enqueue_indirect_dma source(%dma_start3A_256 : memref<16x128xf32, #tpu.memory_space<vmem>>) target(%dma_start3A_259 : memref<10240x128xf32, #tpu.memory_space<vmem_shared>>) offsets(%get3A_250 : vector<16xi32>) semaphore(%arg13 : memref<!tpu.dma_semaphore, #tpu.memory_space<semaphore_mem>>) {add = true}
      %mul3A_260 = arith.constant 128 : i32
      %mul3A_261 = arith.muli %select_n3A_194, %mul3A_260 : i32
      %add3A_262 = arith.constant 32 : i32
      %add3A_263 = arith.addi %mul3A_261, %add3A_262 : i32
      %get3A_264 = arith.index_cast %add3A_263 : i32 to index
      %get3A_265 = tpu.vector_load %arg8[%get3A_264] {strides = array<i32>} : memref<256xi32, #tpu.memory_space<vmem>>, vector<16xi32>,
      %get3A_266 = vector.shape_cast %get3A_265 : vector<16xi32> to vector<16xi32>
      %mul3A_267 = arith.constant 128 : i32
      %mul3A_268 = arith.muli %select_n3A_194, %mul3A_267 : i32
      %add3A_269 = arith.constant 32 : i32
      %add3A_270 = arith.addi %mul3A_268, %add3A_269 : i32
      %dma_start3A_271 = arith.constant 0 : i32
      %dma_start3A_272 = tpu.memref_slice %arg9[%add3A_270, %dma_start3A_271] : memref<256x128xf32, #tpu.memory_space<vmem>> -> memref<16x128xf32, #tpu.memory_space<vmem>>
      %dma_start3A_273 = arith.constant 0 : i32
      %dma_start3A_274 = arith.constant 0 : i32
      %dma_start3A_275 = tpu.memref_slice %arg11[%dma_start3A_273, %dma_start3A_274] : memref<10240x128xf32, #tpu.memory_space<vmem_shared>> -> memref<10240x128xf32, #tpu.memory_space<vmem_shared>>
      tpu.enqueue_indirect_dma source(%dma_start3A_272 : memref<16x128xf32, #tpu.memory_space<vmem>>) target(%dma_start3A_275 : memref<10240x128xf32, #tpu.memory_space<vmem_shared>>) offsets(%get3A_266 : vector<16xi32>) semaphore(%arg13 : memref<!tpu.dma_semaphore, #tpu.memory_space<semaphore_mem>>) {add = true}
      %mul3A_276 = arith.constant 128 : i32
      %mul3A_277 = arith.muli %select_n3A_194, %mul3A_276 : i32
      %add3A_278 = arith.constant 48 : i32
      %add3A_279 = arith.addi %mul3A_277, %add3A_278 : i32
      %get3A_280 = arith.index_cast %add3A_279 : i32 to index
      %get3A_281 = tpu.vector_load %arg8[%get3A_280] {strides = array<i32>} : memref<256xi32, #tpu.memory_space<vmem>>, vector<16xi32>,
      %get3A_282 = vector.shape_cast %get3A_281 : vector<16xi32> to vector<16xi32>
      %mul3A_283 = arith.constant 128 : i32
      %mul3A_284 = arith.muli %select_n3A_194, %mul3A_283 : i32
      %add3A_285 = arith.constant 48 : i32
      %add3A_286 = arith.addi %mul3A_284, %add3A_285 : i32
      %dma_start3A_287 = arith.constant 0 : i32
      %dma_start3A_288 = tpu.memref_slice %arg9[%add3A_286, %dma_start3A_287] : memref<256x128xf32, #tpu.memory_space<vmem>> -> memref<16x128xf32, #tpu.memory_space<vmem>>
      %dma_start3A_289 = arith.constant 0 : i32
      %dma_start3A_290 = arith.constant 0 : i32
      %dma_start3A_291 = tpu.memref_slice %arg11[%dma_start3A_289, %dma_start3A_290] : memref<10240x128xf32, #tpu.memory_space<vmem_shared>> -> memref<10240x128xf32, #tpu.memory_space<vmem_shared>>
      tpu.enqueue_indirect_dma source(%dma_start3A_288 : memref<16x128xf32, #tpu.memory_space<vmem>>) target(%dma_start3A_291 : memref<10240x128xf32, #tpu.memory_space<vmem_shared>>) offsets(%get3A_282 : vector<16xi32>) semaphore(%arg13 : memref<!tpu.dma_semaphore, #tpu.memory_space<semaphore_mem>>) {add = true}
      %mul3A_292 = arith.constant 128 : i32
      %mul3A_293 = arith.muli %select_n3A_194, %mul3A_292 : i32
      %add3A_294 = arith.constant 64 : i32
      %add3A_295 = arith.addi %mul3A_293, %add3A_294 : i32
      %get3A_296 = arith.index_cast %add3A_295 : i32 to index
      %get3A_297 = tpu.vector_load %arg8[%get3A_296] {strides = array<i32>} : memref<256xi32, #tpu.memory_space<vmem>>, vector<16xi32>,
      %get3A_298 = vector.shape_cast %get3A_297 : vector<16xi32> to vector<16xi32>
      %mul3A_299 = arith.constant 128 : i32
      %mul3A_300 = arith.muli %select_n3A_194, %mul3A_299 : i32
      %add3A_301 = arith.constant 64 : i32
      %add3A_302 = arith.addi %mul3A_300, %add3A_301 : i32
      %dma_start3A_303 = arith.constant 0 : i32
      %dma_start3A_304 = tpu.memref_slice %arg9[%add3A_302, %dma_start3A_303] : memref<256x128xf32, #tpu.memory_space<vmem>> -> memref<16x128xf32, #tpu.memory_space<vmem>>
      %dma_start3A_305 = arith.constant 0 : i32
      %dma_start3A_306 = arith.constant 0 : i32
      %dma_start3A_307 = tpu.memref_slice %arg11[%dma_start3A_305, %dma_start3A_306] : memref<10240x128xf32, #tpu.memory_space<vmem_shared>> -> memref<10240x128xf32, #tpu.memory_space<vmem_shared>>
      tpu.enqueue_indirect_dma source(%dma_start3A_304 : memref<16x128xf32, #tpu.memory_space<vmem>>) target(%dma_start3A_307 : memref<10240x128xf32, #tpu.memory_space<vmem_shared>>) offsets(%get3A_298 : vector<16xi32>) semaphore(%arg13 : memref<!tpu.dma_semaphore, #tpu.memory_space<semaphore_mem>>) {add = true}
      %mul3A_308 = arith.constant 128 : i32
      %mul3A_309 = arith.muli %select_n3A_194, %mul3A_308 : i32
      %add3A_310 = arith.constant 80 : i32
      %add3A_311 = arith.addi %mul3A_309, %add3A_310 : i32
      %get3A_312 = arith.index_cast %add3A_311 : i32 to index
      %get3A_313 = tpu.vector_load %arg8[%get3A_312] {strides = array<i32>} : memref<256xi32, #tpu.memory_space<vmem>>, vector<16xi32>,
      %get3A_314 = vector.shape_cast %get3A_313 : vector<16xi32> to vector<16xi32>
      %mul3A_315 = arith.constant 128 : i32
      %mul3A_316 = arith.muli %select_n3A_194, %mul3A_315 : i32
      %add3A_317 = arith.constant 80 : i32
      %add3A_318 = arith.addi %mul3A_316, %add3A_317 : i32
      %dma_start3A_319 = arith.constant 0 : i32
      %dma_start3A_320 = tpu.memref_slice %arg9[%add3A_318, %dma_start3A_319] : memref<256x128xf32, #tpu.memory_space<vmem>> -> memref<16x128xf32, #tpu.memory_space<vmem>>
      %dma_start3A_321 = arith.constant 0 : i32
      %dma_start3A_322 = arith.constant 0 : i32
      %dma_start3A_323 = tpu.memref_slice %arg11[%dma_start3A_321, %dma_start3A_322] : memref<10240x128xf32, #tpu.memory_space<vmem_shared>> -> memref<10240x128xf32, #tpu.memory_space<vmem_shared>>
      tpu.enqueue_indirect_dma source(%dma_start3A_320 : memref<16x128xf32, #tpu.memory_space<vmem>>) target(%dma_start3A_323 : memref<10240x128xf32, #tpu.memory_space<vmem_shared>>) offsets(%get3A_314 : vector<16xi32>) semaphore(%arg13 : memref<!tpu.dma_semaphore, #tpu.memory_space<semaphore_mem>>) {add = true}
      %mul3A_324 = arith.constant 128 : i32
      %mul3A_325 = arith.muli %select_n3A_194, %mul3A_324 : i32
      %add3A_326 = arith.constant 96 : i32
      %add3A_327 = arith.addi %mul3A_325, %add3A_326 : i32
      %get3A_328 = arith.index_cast %add3A_327 : i32 to index
      %get3A_329 = tpu.vector_load %arg8[%get3A_328] {strides = array<i32>} : memref<256xi32, #tpu.memory_space<vmem>>, vector<16xi32>,
      %get3A_330 = vector.shape_cast %get3A_329 : vector<16xi32> to vector<16xi32>
      %mul3A_331 = arith.constant 128 : i32
      %mul3A_332 = arith.muli %select_n3A_194, %mul3A_331 : i32
      %add3A_333 = arith.constant 96 : i32
      %add3A_334 = arith.addi %mul3A_332, %add3A_333 : i32
      %dma_start3A_335 = arith.constant 0 : i32
      %dma_start3A_336 = tpu.memref_slice %arg9[%add3A_334, %dma_start3A_335] : memref<256x128xf32, #tpu.memory_space<vmem>> -> memref<16x128xf32, #tpu.memory_space<vmem>>
      %dma_start3A_337 = arith.constant 0 : i32
      %dma_start3A_338 = arith.constant 0 : i32
      %dma_start3A_339 = tpu.memref_slice %arg11[%dma_start3A_337, %dma_start3A_338] : memref<10240x128xf32, #tpu.memory_space<vmem_shared>> -> memref<10240x128xf32, #tpu.memory_space<vmem_shared>>
      tpu.enqueue_indirect_dma source(%dma_start3A_336 : memref<16x128xf32, #tpu.memory_space<vmem>>) target(%dma_start3A_339 : memref<10240x128xf32, #tpu.memory_space<vmem_shared>>) offsets(%get3A_330 : vector<16xi32>) semaphore(%arg13 : memref<!tpu.dma_semaphore, #tpu.memory_space<semaphore_mem>>) {add = true}
      %mul3A_340 = arith.constant 128 : i32
      %mul3A_341 = arith.muli %select_n3A_194, %mul3A_340 : i32
      %add3A_342 = arith.constant 112 : i32
      %add3A_343 = arith.addi %mul3A_341, %add3A_342 : i32
      %get3A_344 = arith.index_cast %add3A_343 : i32 to index
      %get3A_345 = tpu.vector_load %arg8[%get3A_344] {strides = array<i32>} : memref<256xi32, #tpu.memory_space<vmem>>, vector<16xi32>,
      %get3A_346 = vector.shape_cast %get3A_345 : vector<16xi32> to vector<16xi32>
      %mul3A_347 = arith.constant 128 : i32
      %mul3A_348 = arith.muli %select_n3A_194, %mul3A_347 : i32
      %add3A_349 = arith.constant 112 : i32
      %add3A_350 = arith.addi %mul3A_348, %add3A_349 : i32
      %dma_start3A_351 = arith.constant 0 : i32
      %dma_start3A_352 = tpu.memref_slice %arg9[%add3A_350, %dma_start3A_351] : memref<256x128xf32, #tpu.memory_space<vmem>> -> memref<16x128xf32, #tpu.memory_space<vmem>>
      %dma_start3A_353 = arith.constant 0 : i32
      %dma_start3A_354 = arith.constant 0 : i32
      %dma_start3A_355 = tpu.memref_slice %arg11[%dma_start3A_353, %dma_start3A_354] : memref<10240x128xf32, #tpu.memory_space<vmem_shared>> -> memref<10240x128xf32, #tpu.memory_space<vmem_shared>>
      tpu.enqueue_indirect_dma source(%dma_start3A_352 : memref<16x128xf32, #tpu.memory_space<vmem>>) target(%dma_start3A_355 : memref<10240x128xf32, #tpu.memory_space<vmem_shared>>) offsets(%get3A_346 : vector<16xi32>) semaphore(%arg13 : memref<!tpu.dma_semaphore, #tpu.memory_space<semaphore_mem>>) {add = true}
      %add3A_356 = arith.constant 2 : i32
      %add3A_357 = arith.addi %scan3A_185, %add3A_356 : i32
      %lt3A_358 = arith.constant 80 : i32
      %lt3A_359 = arith.cmpi slt, %add3A_357, %lt3A_358 : i32
      %convert_element_type3A_360 = arith.extui %lt3A_359 : i1 to i32
      %cond3A_361 = arith.constant 0 : i32
      %cond3A_362 = arith.cmpi ne, %convert_element_type3A_360, %cond3A_361 : i32
      scf.if %cond3A_362 {
        %add3A_363 = arith.constant 2 : i32
        %add3A_364 = arith.addi %scan3A_185, %add3A_363 : i32
        %mul3A_365 = arith.constant 128 : i32
        %mul3A_366 = arith.muli %add3A_364, %mul3A_365 : i32
        %add3A_367 = arith.addi %mul3A_21, %mul3A_366 : i32
        %mul3A_368 = arith.constant 128 : i32
        %mul3A_369 = arith.muli %select_n3A_194, %mul3A_368 : i32
        %dma_start3A_370 = tpu.memref_slice %arg7[%mul3A_369] : memref<256xi32, #tpu.memory_space<vmem>> -> memref<128xi32, #tpu.memory_space<vmem>>
        %dma_start3A_371 = tpu.memref_slice %arg3[%add3A_367] : memref<163840xi32, #tpu.memory_space<hbm>> -> memref<128xi32, #tpu.memory_space<hbm>>
        %dma_start3A_372 = tpu.memref_slice %arg7[%mul3A_369] : memref<256xi32, #tpu.memory_space<vmem>> -> memref<128xi32, #tpu.memory_space<vmem>>
        %dma_start3A_373 = tpu.memref_slice %arg3[%add3A_367] : memref<163840xi32, #tpu.memory_space<hbm>> -> memref<128xi32, #tpu.memory_space<hbm>>
        tpu.enqueue_dma source(%dma_start3A_373 : memref<128xi32, #tpu.memory_space<hbm>>) target(%dma_start3A_372 : memref<128xi32, #tpu.memory_space<vmem>>) target_semaphore(%arg14 : memref<!tpu.dma_semaphore, #tpu.memory_space<semaphore_mem>>)
        %add3A_374 = arith.constant 2 : i32
        %add3A_375 = arith.addi %scan3A_185, %add3A_374 : i32
        %mul3A_376 = arith.constant 128 : i32
        %mul3A_377 = arith.muli %add3A_375, %mul3A_376 : i32
        %add3A_378 = arith.addi %mul3A_21, %mul3A_377 : i32
        %mul3A_379 = arith.constant 128 : i32
        %mul3A_380 = arith.muli %select_n3A_194, %mul3A_379 : i32
        %dma_start3A_381 = tpu.memref_slice %arg8[%mul3A_380] : memref<256xi32, #tpu.memory_space<vmem>> -> memref<128xi32, #tpu.memory_space<vmem>>
        %dma_start3A_382 = tpu.memref_slice %arg4[%add3A_378] : memref<163840xi32, #tpu.memory_space<hbm>> -> memref<128xi32, #tpu.memory_space<hbm>>
        %dma_start3A_383 = tpu.memref_slice %arg8[%mul3A_380] : memref<256xi32, #tpu.memory_space<vmem>> -> memref<128xi32, #tpu.memory_space<vmem>>
        %dma_start3A_384 = tpu.memref_slice %arg4[%add3A_378] : memref<163840xi32, #tpu.memory_space<hbm>> -> memref<128xi32, #tpu.memory_space<hbm>>
        tpu.enqueue_dma source(%dma_start3A_384 : memref<128xi32, #tpu.memory_space<hbm>>) target(%dma_start3A_383 : memref<128xi32, #tpu.memory_space<vmem>>) target_semaphore(%arg14 : memref<!tpu.dma_semaphore, #tpu.memory_space<semaphore_mem>>)
      } else {
      }
    }
    %scan3A_128 = arith.constant 80 : i32
    %dma_wait3A = arith.constant 0 : i32
    %dma_wait3A_129 = arith.constant 0 : i32
    %dma_wait3A_130 = tpu.memref_slice %arg9[%dma_wait3A, %dma_wait3A_129] : memref<256x128xf32, #tpu.memory_space<vmem>> -> memref<128x128xf32, #tpu.memory_space<vmem>>
    %dma_wait3A_131 = arith.constant 0 : i32
    %dma_wait3A_132 = arith.constant 0 : i32
    %dma_wait3A_133 = tpu.memref_slice %arg9[%dma_wait3A_131, %dma_wait3A_132] : memref<256x128xf32, #tpu.memory_space<vmem>> -> memref<128x128xf32, #tpu.memory_space<vmem>>
    tpu.wait_dma2 semaphore(%arg13 : memref<!tpu.dma_semaphore, #tpu.memory_space<semaphore_mem>>) src(%arg5 : memref<128x128xf32, #tpu.memory_space<hbm>>) dst(%dma_wait3A_133 : memref<128x128xf32, #tpu.memory_space<vmem>>)
    %barrier3A_134 = arith.constant 0 : index
    tpu.barrier barrier_id(%barrier3A_134)
    %mul3A_135 = arith.constant 640 : i32
    %mul3A_136 = arith.muli %arg1, %mul3A_135 : i32
    %add3A_137 = arith.constant 0 : i32
    %add3A_138 = arith.addi %mul3A_136, %add3A_137 : i32
    "tpu.region"() ({
      %run_scoped3A = tpu.sem_alloc : memref<!tpu.dma_semaphore, #tpu.memory_space<semaphore_mem>>
      %dma_start3A_185 = arith.constant 0 : i32
      %dma_start3A_186 = tpu.memref_slice %arg11[%add3A_138, %dma_start3A_185] : memref<10240x128xf32, #tpu.memory_space<vmem_shared>> -> memref<64x128xf32, #tpu.memory_space<vmem_shared>>
      %dma_start3A_187 = arith.constant 0 : i32
      %dma_start3A_188 = tpu.memref_slice %arg11[%add3A_138, %dma_start3A_187] : memref<10240x128xf32, #tpu.memory_space<vmem_shared>> -> memref<64x128xf32, #tpu.memory_space<vmem_shared>>
      tpu.enqueue_dma source(%dma_start3A_188 : memref<64x128xf32, #tpu.memory_space<vmem_shared>>) target(%arg10 : memref<64x128xf32, #tpu.memory_space<vmem>>) target_semaphore(%run_scoped3A : memref<!tpu.dma_semaphore, #tpu.memory_space<semaphore_mem>>)
      %dma_wait3A_189 = arith.constant 0 : i32
      %dma_wait3A_190 = tpu.memref_slice %arg11[%add3A_138, %dma_wait3A_189] : memref<10240x128xf32, #tpu.memory_space<vmem_shared>> -> memref<64x128xf32, #tpu.memory_space<vmem_shared>>
      %dma_wait3A_191 = arith.constant 0 : i32
      %dma_wait3A_192 = tpu.memref_slice %arg11[%add3A_138, %dma_wait3A_191] : memref<10240x128xf32, #tpu.memory_space<vmem_shared>> -> memref<64x128xf32, #tpu.memory_space<vmem_shared>>
      tpu.wait_dma2 semaphore(%run_scoped3A : memref<!tpu.dma_semaphore, #tpu.memory_space<semaphore_mem>>) src(%dma_wait3A_192 : memref<64x128xf32, #tpu.memory_space<vmem_shared>>) dst(%arg10 : memref<64x128xf32, #tpu.memory_space<vmem>>)
      tpu.yield
    }) : () -> ()
    %add3A_139 = arith.addi %mul3A_0, %add3A_138 : i32
    "tpu.region"() ({
      %run_scoped3A = tpu.sem_alloc : memref<!tpu.dma_semaphore, #tpu.memory_space<semaphore_mem>>
      %dma_start3A_185 = arith.constant 0 : i32
      %dma_start3A_186 = tpu.memref_slice %arg6[%add3A_139, %dma_start3A_185] : memref<20480x128xf32, #tpu.memory_space<hbm>> -> memref<64x128xf32, #tpu.memory_space<hbm>>
      %dma_start3A_187 = arith.constant 0 : i32
      %dma_start3A_188 = tpu.memref_slice %arg6[%add3A_139, %dma_start3A_187] : memref<20480x128xf32, #tpu.memory_space<hbm>> -> memref<64x128xf32, #tpu.memory_space<hbm>>
      tpu.enqueue_dma source(%arg10 : memref<64x128xf32, #tpu.memory_space<vmem>>) target(%dma_start3A_188 : memref<64x128xf32, #tpu.memory_space<hbm>>) target_semaphore(%run_scoped3A : memref<!tpu.dma_semaphore, #tpu.memory_space<semaphore_mem>>)
      %dma_wait3A_189 = arith.constant 0 : i32
      %dma_wait3A_190 = tpu.memref_slice %arg6[%add3A_139, %dma_wait3A_189] : memref<20480x128xf32, #tpu.memory_space<hbm>> -> memref<64x128xf32, #tpu.memory_space<hbm>>
      %dma_wait3A_191 = arith.constant 0 : i32
      %dma_wait3A_192 = tpu.memref_slice %arg6[%add3A_139, %dma_wait3A_191] : memref<20480x128xf32, #tpu.memory_space<hbm>> -> memref<64x128xf32, #tpu.memory_space<hbm>>
      tpu.wait_dma2 semaphore(%run_scoped3A : memref<!tpu.dma_semaphore, #tpu.memory_space<semaphore_mem>>) src(%arg10 : memref<64x128xf32, #tpu.memory_space<vmem>>) dst(%dma_wait3A_192 : memref<64x128xf32, #tpu.memory_space<hbm>>)
      tpu.yield
    }) : () -> ()
    %mul3A_140 = arith.constant 640 : i32
    %mul3A_141 = arith.muli %arg1, %mul3A_140 : i32
    %add3A_142 = arith.constant 64 : i32
    %add3A_143 = arith.addi %mul3A_141, %add3A_142 : i32
    "tpu.region"() ({
      %run_scoped3A = tpu.sem_alloc : memref<!tpu.dma_semaphore, #tpu.memory_space<semaphore_mem>>
      %dma_start3A_185 = arith.constant 0 : i32
      %dma_start3A_186 = tpu.memref_slice %arg11[%add3A_143, %dma_start3A_185] : memref<10240x128xf32, #tpu.memory_space<vmem_shared>> -> memref<64x128xf32, #tpu.memory_space<vmem_shared>>
      %dma_start3A_187 = arith.constant 0 : i32
      %dma_start3A_188 = tpu.memref_slice %arg11[%add3A_143, %dma_start3A_187] : memref<10240x128xf32, #tpu.memory_space<vmem_shared>> -> memref<64x128xf32, #tpu.memory_space<vmem_shared>>
      tpu.enqueue_dma source(%dma_start3A_188 : memref<64x128xf32, #tpu.memory_space<vmem_shared>>) target(%arg10 : memref<64x128xf32, #tpu.memory_space<vmem>>) target_semaphore(%run_scoped3A : memref<!tpu.dma_semaphore, #tpu.memory_space<semaphore_mem>>)
      %dma_wait3A_189 = arith.constant 0 : i32
      %dma_wait3A_190 = tpu.memref_slice %arg11[%add3A_143, %dma_wait3A_189] : memref<10240x128xf32, #tpu.memory_space<vmem_shared>> -> memref<64x128xf32, #tpu.memory_space<vmem_shared>>
      %dma_wait3A_191 = arith.constant 0 : i32
      %dma_wait3A_192 = tpu.memref_slice %arg11[%add3A_143, %dma_wait3A_191] : memref<10240x128xf32, #tpu.memory_space<vmem_shared>> -> memref<64x128xf32, #tpu.memory_space<vmem_shared>>
      tpu.wait_dma2 semaphore(%run_scoped3A : memref<!tpu.dma_semaphore, #tpu.memory_space<semaphore_mem>>) src(%dma_wait3A_192 : memref<64x128xf32, #tpu.memory_space<vmem_shared>>) dst(%arg10 : memref<64x128xf32, #tpu.memory_space<vmem>>)
      tpu.yield
    }) : () -> ()
    %add3A_144 = arith.addi %mul3A_0, %add3A_143 : i32
    "tpu.region"() ({
      %run_scoped3A = tpu.sem_alloc : memref<!tpu.dma_semaphore, #tpu.memory_space<semaphore_mem>>
      %dma_start3A_185 = arith.constant 0 : i32
      %dma_start3A_186 = tpu.memref_slice %arg6[%add3A_144, %dma_start3A_185] : memref<20480x128xf32, #tpu.memory_space<hbm>> -> memref<64x128xf32, #tpu.memory_space<hbm>>
      %dma_start3A_187 = arith.constant 0 : i32
      %dma_start3A_188 = tpu.memref_slice %arg6[%add3A_144, %dma_start3A_187] : memref<20480x128xf32, #tpu.memory_space<hbm>> -> memref<64x128xf32, #tpu.memory_space<hbm>>
      tpu.enqueue_dma source(%arg10 : memref<64x128xf32, #tpu.memory_space<vmem>>) target(%dma_start3A_188 : memref<64x128xf32, #tpu.memory_space<hbm>>) target_semaphore(%run_scoped3A : memref<!tpu.dma_semaphore, #tpu.memory_space<semaphore_mem>>)
      %dma_wait3A_189 = arith.constant 0 : i32
      %dma_wait3A_190 = tpu.memref_slice %arg6[%add3A_144, %dma_wait3A_189] : memref<20480x128xf32, #tpu.memory_space<hbm>> -> memref<64x128xf32, #tpu.memory_space<hbm>>
      %dma_wait3A_191 = arith.constant 0 : i32
      %dma_wait3A_192 = tpu.memref_slice %arg6[%add3A_144, %dma_wait3A_191] : memref<20480x128xf32, #tpu.memory_space<hbm>> -> memref<64x128xf32, #tpu.memory_space<hbm>>
      tpu.wait_dma2 semaphore(%run_scoped3A : memref<!tpu.dma_semaphore, #tpu.memory_space<semaphore_mem>>) src(%arg10 : memref<64x128xf32, #tpu.memory_space<vmem>>) dst(%dma_wait3A_192 : memref<64x128xf32, #tpu.memory_space<hbm>>)
      tpu.yield
    }) : () -> ()
    %mul3A_145 = arith.constant 640 : i32
    %mul3A_146 = arith.muli %arg1, %mul3A_145 : i32
    %add3A_147 = arith.constant 128 : i32
    %add3A_148 = arith.addi %mul3A_146, %add3A_147 : i32
    "tpu.region"() ({
      %run_scoped3A = tpu.sem_alloc : memref<!tpu.dma_semaphore, #tpu.memory_space<semaphore_mem>>
      %dma_start3A_185 = arith.constant 0 : i32
      %dma_start3A_186 = tpu.memref_slice %arg11[%add3A_148, %dma_start3A_185] : memref<10240x128xf32, #tpu.memory_space<vmem_shared>> -> memref<64x128xf32, #tpu.memory_space<vmem_shared>>
      %dma_start3A_187 = arith.constant 0 : i32
      %dma_start3A_188 = tpu.memref_slice %arg11[%add3A_148, %dma_start3A_187] : memref<10240x128xf32, #tpu.memory_space<vmem_shared>> -> memref<64x128xf32, #tpu.memory_space<vmem_shared>>
      tpu.enqueue_dma source(%dma_start3A_188 : memref<64x128xf32, #tpu.memory_space<vmem_shared>>) target(%arg10 : memref<64x128xf32, #tpu.memory_space<vmem>>) target_semaphore(%run_scoped3A : memref<!tpu.dma_semaphore, #tpu.memory_space<semaphore_mem>>)
      %dma_wait3A_189 = arith.constant 0 : i32
      %dma_wait3A_190 = tpu.memref_slice %arg11[%add3A_148, %dma_wait3A_189] : memref<10240x128xf32, #tpu.memory_space<vmem_shared>> -> memref<64x128xf32, #tpu.memory_space<vmem_shared>>
      %dma_wait3A_191 = arith.constant 0 : i32
      %dma_wait3A_192 = tpu.memref_slice %arg11[%add3A_148, %dma_wait3A_191] : memref<10240x128xf32, #tpu.memory_space<vmem_shared>> -> memref<64x128xf32, #tpu.memory_space<vmem_shared>>
      tpu.wait_dma2 semaphore(%run_scoped3A : memref<!tpu.dma_semaphore, #tpu.memory_space<semaphore_mem>>) src(%dma_wait3A_192 : memref<64x128xf32, #tpu.memory_space<vmem_shared>>) dst(%arg10 : memref<64x128xf32, #tpu.memory_space<vmem>>)
      tpu.yield
    }) : () -> ()
    %add3A_149 = arith.addi %mul3A_0, %add3A_148 : i32
    "tpu.region"() ({
      %run_scoped3A = tpu.sem_alloc : memref<!tpu.dma_semaphore, #tpu.memory_space<semaphore_mem>>
      %dma_start3A_185 = arith.constant 0 : i32
      %dma_start3A_186 = tpu.memref_slice %arg6[%add3A_149, %dma_start3A_185] : memref<20480x128xf32, #tpu.memory_space<hbm>> -> memref<64x128xf32, #tpu.memory_space<hbm>>
      %dma_start3A_187 = arith.constant 0 : i32
      %dma_start3A_188 = tpu.memref_slice %arg6[%add3A_149, %dma_start3A_187] : memref<20480x128xf32, #tpu.memory_space<hbm>> -> memref<64x128xf32, #tpu.memory_space<hbm>>
      tpu.enqueue_dma source(%arg10 : memref<64x128xf32, #tpu.memory_space<vmem>>) target(%dma_start3A_188 : memref<64x128xf32, #tpu.memory_space<hbm>>) target_semaphore(%run_scoped3A : memref<!tpu.dma_semaphore, #tpu.memory_space<semaphore_mem>>)
      %dma_wait3A_189 = arith.constant 0 : i32
      %dma_wait3A_190 = tpu.memref_slice %arg6[%add3A_149, %dma_wait3A_189] : memref<20480x128xf32, #tpu.memory_space<hbm>> -> memref<64x128xf32, #tpu.memory_space<hbm>>
      %dma_wait3A_191 = arith.constant 0 : i32
      %dma_wait3A_192 = tpu.memref_slice %arg6[%add3A_149, %dma_wait3A_191] : memref<20480x128xf32, #tpu.memory_space<hbm>> -> memref<64x128xf32, #tpu.memory_space<hbm>>
      tpu.wait_dma2 semaphore(%run_scoped3A : memref<!tpu.dma_semaphore, #tpu.memory_space<semaphore_mem>>) src(%arg10 : memref<64x128xf32, #tpu.memory_space<vmem>>) dst(%dma_wait3A_192 : memref<64x128xf32, #tpu.memory_space<hbm>>)
      tpu.yield
    }) : () -> ()
    %mul3A_150 = arith.constant 640 : i32
    %mul3A_151 = arith.muli %arg1, %mul3A_150 : i32
    %add3A_152 = arith.constant 192 : i32
    %add3A_153 = arith.addi %mul3A_151, %add3A_152 : i32
    "tpu.region"() ({
      %run_scoped3A = tpu.sem_alloc : memref<!tpu.dma_semaphore, #tpu.memory_space<semaphore_mem>>
      %dma_start3A_185 = arith.constant 0 : i32
      %dma_start3A_186 = tpu.memref_slice %arg11[%add3A_153, %dma_start3A_185] : memref<10240x128xf32, #tpu.memory_space<vmem_shared>> -> memref<64x128xf32, #tpu.memory_space<vmem_shared>>
      %dma_start3A_187 = arith.constant 0 : i32
      %dma_start3A_188 = tpu.memref_slice %arg11[%add3A_153, %dma_start3A_187] : memref<10240x128xf32, #tpu.memory_space<vmem_shared>> -> memref<64x128xf32, #tpu.memory_space<vmem_shared>>
      tpu.enqueue_dma source(%dma_start3A_188 : memref<64x128xf32, #tpu.memory_space<vmem_shared>>) target(%arg10 : memref<64x128xf32, #tpu.memory_space<vmem>>) target_semaphore(%run_scoped3A : memref<!tpu.dma_semaphore, #tpu.memory_space<semaphore_mem>>)
      %dma_wait3A_189 = arith.constant 0 : i32
      %dma_wait3A_190 = tpu.memref_slice %arg11[%add3A_153, %dma_wait3A_189] : memref<10240x128xf32, #tpu.memory_space<vmem_shared>> -> memref<64x128xf32, #tpu.memory_space<vmem_shared>>
      %dma_wait3A_191 = arith.constant 0 : i32
      %dma_wait3A_192 = tpu.memref_slice %arg11[%add3A_153, %dma_wait3A_191] : memref<10240x128xf32, #tpu.memory_space<vmem_shared>> -> memref<64x128xf32, #tpu.memory_space<vmem_shared>>
      tpu.wait_dma2 semaphore(%run_scoped3A : memref<!tpu.dma_semaphore, #tpu.memory_space<semaphore_mem>>) src(%dma_wait3A_192 : memref<64x128xf32, #tpu.memory_space<vmem_shared>>) dst(%arg10 : memref<64x128xf32, #tpu.memory_space<vmem>>)
      tpu.yield
    }) : () -> ()
    %add3A_154 = arith.addi %mul3A_0, %add3A_153 : i32
    "tpu.region"() ({
      %run_scoped3A = tpu.sem_alloc : memref<!tpu.dma_semaphore, #tpu.memory_space<semaphore_mem>>
      %dma_start3A_185 = arith.constant 0 : i32
      %dma_start3A_186 = tpu.memref_slice %arg6[%add3A_154, %dma_start3A_185] : memref<20480x128xf32, #tpu.memory_space<hbm>> -> memref<64x128xf32, #tpu.memory_space<hbm>>
      %dma_start3A_187 = arith.constant 0 : i32
      %dma_start3A_188 = tpu.memref_slice %arg6[%add3A_154, %dma_start3A_187] : memref<20480x128xf32, #tpu.memory_space<hbm>> -> memref<64x128xf32, #tpu.memory_space<hbm>>
      tpu.enqueue_dma source(%arg10 : memref<64x128xf32, #tpu.memory_space<vmem>>) target(%dma_start3A_188 : memref<64x128xf32, #tpu.memory_space<hbm>>) target_semaphore(%run_scoped3A : memref<!tpu.dma_semaphore, #tpu.memory_space<semaphore_mem>>)
      %dma_wait3A_189 = arith.constant 0 : i32
      %dma_wait3A_190 = tpu.memref_slice %arg6[%add3A_154, %dma_wait3A_189] : memref<20480x128xf32, #tpu.memory_space<hbm>> -> memref<64x128xf32, #tpu.memory_space<hbm>>
      %dma_wait3A_191 = arith.constant 0 : i32
      %dma_wait3A_192 = tpu.memref_slice %arg6[%add3A_154, %dma_wait3A_191] : memref<20480x128xf32, #tpu.memory_space<hbm>> -> memref<64x128xf32, #tpu.memory_space<hbm>>
      tpu.wait_dma2 semaphore(%run_scoped3A : memref<!tpu.dma_semaphore, #tpu.memory_space<semaphore_mem>>) src(%arg10 : memref<64x128xf32, #tpu.memory_space<vmem>>) dst(%dma_wait3A_192 : memref<64x128xf32, #tpu.memory_space<hbm>>)
      tpu.yield
    }) : () -> ()
    %mul3A_155 = arith.constant 640 : i32
    %mul3A_156 = arith.muli %arg1, %mul3A_155 : i32
    %add3A_157 = arith.constant 256 : i32
    %add3A_158 = arith.addi %mul3A_156, %add3A_157 : i32
    "tpu.region"() ({
      %run_scoped3A = tpu.sem_alloc : memref<!tpu.dma_semaphore, #tpu.memory_space<semaphore_mem>>
      %dma_start3A_185 = arith.constant 0 : i32
      %dma_start3A_186 = tpu.memref_slice %arg11[%add3A_158, %dma_start3A_185] : memref<10240x128xf32, #tpu.memory_space<vmem_shared>> -> memref<64x128xf32, #tpu.memory_space<vmem_shared>>
      %dma_start3A_187 = arith.constant 0 : i32
      %dma_start3A_188 = tpu.memref_slice %arg11[%add3A_158, %dma_start3A_187] : memref<10240x128xf32, #tpu.memory_space<vmem_shared>> -> memref<64x128xf32, #tpu.memory_space<vmem_shared>>
      tpu.enqueue_dma source(%dma_start3A_188 : memref<64x128xf32, #tpu.memory_space<vmem_shared>>) target(%arg10 : memref<64x128xf32, #tpu.memory_space<vmem>>) target_semaphore(%run_scoped3A : memref<!tpu.dma_semaphore, #tpu.memory_space<semaphore_mem>>)
      %dma_wait3A_189 = arith.constant 0 : i32
      %dma_wait3A_190 = tpu.memref_slice %arg11[%add3A_158, %dma_wait3A_189] : memref<10240x128xf32, #tpu.memory_space<vmem_shared>> -> memref<64x128xf32, #tpu.memory_space<vmem_shared>>
      %dma_wait3A_191 = arith.constant 0 : i32
      %dma_wait3A_192 = tpu.memref_slice %arg11[%add3A_158, %dma_wait3A_191] : memref<10240x128xf32, #tpu.memory_space<vmem_shared>> -> memref<64x128xf32, #tpu.memory_space<vmem_shared>>
      tpu.wait_dma2 semaphore(%run_scoped3A : memref<!tpu.dma_semaphore, #tpu.memory_space<semaphore_mem>>) src(%dma_wait3A_192 : memref<64x128xf32, #tpu.memory_space<vmem_shared>>) dst(%arg10 : memref<64x128xf32, #tpu.memory_space<vmem>>)
      tpu.yield
    }) : () -> ()
    %add3A_159 = arith.addi %mul3A_0, %add3A_158 : i32
    "tpu.region"() ({
      %run_scoped3A = tpu.sem_alloc : memref<!tpu.dma_semaphore, #tpu.memory_space<semaphore_mem>>
      %dma_start3A_185 = arith.constant 0 : i32
      %dma_start3A_186 = tpu.memref_slice %arg6[%add3A_159, %dma_start3A_185] : memref<20480x128xf32, #tpu.memory_space<hbm>> -> memref<64x128xf32, #tpu.memory_space<hbm>>
      %dma_start3A_187 = arith.constant 0 : i32
      %dma_start3A_188 = tpu.memref_slice %arg6[%add3A_159, %dma_start3A_187] : memref<20480x128xf32, #tpu.memory_space<hbm>> -> memref<64x128xf32, #tpu.memory_space<hbm>>
      tpu.enqueue_dma source(%arg10 : memref<64x128xf32, #tpu.memory_space<vmem>>) target(%dma_start3A_188 : memref<64x128xf32, #tpu.memory_space<hbm>>) target_semaphore(%run_scoped3A : memref<!tpu.dma_semaphore, #tpu.memory_space<semaphore_mem>>)
      %dma_wait3A_189 = arith.constant 0 : i32
      %dma_wait3A_190 = tpu.memref_slice %arg6[%add3A_159, %dma_wait3A_189] : memref<20480x128xf32, #tpu.memory_space<hbm>> -> memref<64x128xf32, #tpu.memory_space<hbm>>
      %dma_wait3A_191 = arith.constant 0 : i32
      %dma_wait3A_192 = tpu.memref_slice %arg6[%add3A_159, %dma_wait3A_191] : memref<20480x128xf32, #tpu.memory_space<hbm>> -> memref<64x128xf32, #tpu.memory_space<hbm>>
      tpu.wait_dma2 semaphore(%run_scoped3A : memref<!tpu.dma_semaphore, #tpu.memory_space<semaphore_mem>>) src(%arg10 : memref<64x128xf32, #tpu.memory_space<vmem>>) dst(%dma_wait3A_192 : memref<64x128xf32, #tpu.memory_space<hbm>>)
      tpu.yield
    }) : () -> ()
    %mul3A_160 = arith.constant 640 : i32
    %mul3A_161 = arith.muli %arg1, %mul3A_160 : i32
    %add3A_162 = arith.constant 320 : i32
    %add3A_163 = arith.addi %mul3A_161, %add3A_162 : i32
    "tpu.region"() ({
      %run_scoped3A = tpu.sem_alloc : memref<!tpu.dma_semaphore, #tpu.memory_space<semaphore_mem>>
      %dma_start3A_185 = arith.constant 0 : i32
      %dma_start3A_186 = tpu.memref_slice %arg11[%add3A_163, %dma_start3A_185] : memref<10240x128xf32, #tpu.memory_space<vmem_shared>> -> memref<64x128xf32, #tpu.memory_space<vmem_shared>>
      %dma_start3A_187 = arith.constant 0 : i32
      %dma_start3A_188 = tpu.memref_slice %arg11[%add3A_163, %dma_start3A_187] : memref<10240x128xf32, #tpu.memory_space<vmem_shared>> -> memref<64x128xf32, #tpu.memory_space<vmem_shared>>
      tpu.enqueue_dma source(%dma_start3A_188 : memref<64x128xf32, #tpu.memory_space<vmem_shared>>) target(%arg10 : memref<64x128xf32, #tpu.memory_space<vmem>>) target_semaphore(%run_scoped3A : memref<!tpu.dma_semaphore, #tpu.memory_space<semaphore_mem>>)
      %dma_wait3A_189 = arith.constant 0 : i32
      %dma_wait3A_190 = tpu.memref_slice %arg11[%add3A_163, %dma_wait3A_189] : memref<10240x128xf32, #tpu.memory_space<vmem_shared>> -> memref<64x128xf32, #tpu.memory_space<vmem_shared>>
      %dma_wait3A_191 = arith.constant 0 : i32
      %dma_wait3A_192 = tpu.memref_slice %arg11[%add3A_163, %dma_wait3A_191] : memref<10240x128xf32, #tpu.memory_space<vmem_shared>> -> memref<64x128xf32, #tpu.memory_space<vmem_shared>>
      tpu.wait_dma2 semaphore(%run_scoped3A : memref<!tpu.dma_semaphore, #tpu.memory_space<semaphore_mem>>) src(%dma_wait3A_192 : memref<64x128xf32, #tpu.memory_space<vmem_shared>>) dst(%arg10 : memref<64x128xf32, #tpu.memory_space<vmem>>)
      tpu.yield
    }) : () -> ()
    %add3A_164 = arith.addi %mul3A_0, %add3A_163 : i32
    "tpu.region"() ({
      %run_scoped3A = tpu.sem_alloc : memref<!tpu.dma_semaphore, #tpu.memory_space<semaphore_mem>>
      %dma_start3A_185 = arith.constant 0 : i32
      %dma_start3A_186 = tpu.memref_slice %arg6[%add3A_164, %dma_start3A_185] : memref<20480x128xf32, #tpu.memory_space<hbm>> -> memref<64x128xf32, #tpu.memory_space<hbm>>
      %dma_start3A_187 = arith.constant 0 : i32
      %dma_start3A_188 = tpu.memref_slice %arg6[%add3A_164, %dma_start3A_187] : memref<20480x128xf32, #tpu.memory_space<hbm>> -> memref<64x128xf32, #tpu.memory_space<hbm>>
      tpu.enqueue_dma source(%arg10 : memref<64x128xf32, #tpu.memory_space<vmem>>) target(%dma_start3A_188 : memref<64x128xf32, #tpu.memory_space<hbm>>) target_semaphore(%run_scoped3A : memref<!tpu.dma_semaphore, #tpu.memory_space<semaphore_mem>>)
      %dma_wait3A_189 = arith.constant 0 : i32
      %dma_wait3A_190 = tpu.memref_slice %arg6[%add3A_164, %dma_wait3A_189] : memref<20480x128xf32, #tpu.memory_space<hbm>> -> memref<64x128xf32, #tpu.memory_space<hbm>>
      %dma_wait3A_191 = arith.constant 0 : i32
      %dma_wait3A_192 = tpu.memref_slice %arg6[%add3A_164, %dma_wait3A_191] : memref<20480x128xf32, #tpu.memory_space<hbm>> -> memref<64x128xf32, #tpu.memory_space<hbm>>
      tpu.wait_dma2 semaphore(%run_scoped3A : memref<!tpu.dma_semaphore, #tpu.memory_space<semaphore_mem>>) src(%arg10 : memref<64x128xf32, #tpu.memory_space<vmem>>) dst(%dma_wait3A_192 : memref<64x128xf32, #tpu.memory_space<hbm>>)
      tpu.yield
    }) : () -> ()
    %mul3A_165 = arith.constant 640 : i32
    %mul3A_166 = arith.muli %arg1, %mul3A_165 : i32
    %add3A_167 = arith.constant 384 : i32
    %add3A_168 = arith.addi %mul3A_166, %add3A_167 : i32
    "tpu.region"() ({
      %run_scoped3A = tpu.sem_alloc : memref<!tpu.dma_semaphore, #tpu.memory_space<semaphore_mem>>
      %dma_start3A_185 = arith.constant 0 : i32
      %dma_start3A_186 = tpu.memref_slice %arg11[%add3A_168, %dma_start3A_185] : memref<10240x128xf32, #tpu.memory_space<vmem_shared>> -> memref<64x128xf32, #tpu.memory_space<vmem_shared>>
      %dma_start3A_187 = arith.constant 0 : i32
      %dma_start3A_188 = tpu.memref_slice %arg11[%add3A_168, %dma_start3A_187] : memref<10240x128xf32, #tpu.memory_space<vmem_shared>> -> memref<64x128xf32, #tpu.memory_space<vmem_shared>>
      tpu.enqueue_dma source(%dma_start3A_188 : memref<64x128xf32, #tpu.memory_space<vmem_shared>>) target(%arg10 : memref<64x128xf32, #tpu.memory_space<vmem>>) target_semaphore(%run_scoped3A : memref<!tpu.dma_semaphore, #tpu.memory_space<semaphore_mem>>)
      %dma_wait3A_189 = arith.constant 0 : i32
      %dma_wait3A_190 = tpu.memref_slice %arg11[%add3A_168, %dma_wait3A_189] : memref<10240x128xf32, #tpu.memory_space<vmem_shared>> -> memref<64x128xf32, #tpu.memory_space<vmem_shared>>
      %dma_wait3A_191 = arith.constant 0 : i32
      %dma_wait3A_192 = tpu.memref_slice %arg11[%add3A_168, %dma_wait3A_191] : memref<10240x128xf32, #tpu.memory_space<vmem_shared>> -> memref<64x128xf32, #tpu.memory_space<vmem_shared>>
      tpu.wait_dma2 semaphore(%run_scoped3A : memref<!tpu.dma_semaphore, #tpu.memory_space<semaphore_mem>>) src(%dma_wait3A_192 : memref<64x128xf32, #tpu.memory_space<vmem_shared>>) dst(%arg10 : memref<64x128xf32, #tpu.memory_space<vmem>>)
      tpu.yield
    }) : () -> ()
    %add3A_169 = arith.addi %mul3A_0, %add3A_168 : i32
    "tpu.region"() ({
      %run_scoped3A = tpu.sem_alloc : memref<!tpu.dma_semaphore, #tpu.memory_space<semaphore_mem>>
      %dma_start3A_185 = arith.constant 0 : i32
      %dma_start3A_186 = tpu.memref_slice %arg6[%add3A_169, %dma_start3A_185] : memref<20480x128xf32, #tpu.memory_space<hbm>> -> memref<64x128xf32, #tpu.memory_space<hbm>>
      %dma_start3A_187 = arith.constant 0 : i32
      %dma_start3A_188 = tpu.memref_slice %arg6[%add3A_169, %dma_start3A_187] : memref<20480x128xf32, #tpu.memory_space<hbm>> -> memref<64x128xf32, #tpu.memory_space<hbm>>
      tpu.enqueue_dma source(%arg10 : memref<64x128xf32, #tpu.memory_space<vmem>>) target(%dma_start3A_188 : memref<64x128xf32, #tpu.memory_space<hbm>>) target_semaphore(%run_scoped3A : memref<!tpu.dma_semaphore, #tpu.memory_space<semaphore_mem>>)
      %dma_wait3A_189 = arith.constant 0 : i32
      %dma_wait3A_190 = tpu.memref_slice %arg6[%add3A_169, %dma_wait3A_189] : memref<20480x128xf32, #tpu.memory_space<hbm>> -> memref<64x128xf32, #tpu.memory_space<hbm>>
      %dma_wait3A_191 = arith.constant 0 : i32
      %dma_wait3A_192 = tpu.memref_slice %arg6[%add3A_169, %dma_wait3A_191] : memref<20480x128xf32, #tpu.memory_space<hbm>> -> memref<64x128xf32, #tpu.memory_space<hbm>>
      tpu.wait_dma2 semaphore(%run_scoped3A : memref<!tpu.dma_semaphore, #tpu.memory_space<semaphore_mem>>) src(%arg10 : memref<64x128xf32, #tpu.memory_space<vmem>>) dst(%dma_wait3A_192 : memref<64x128xf32, #tpu.memory_space<hbm>>)
      tpu.yield
    }) : () -> ()
    %mul3A_170 = arith.constant 640 : i32
    %mul3A_171 = arith.muli %arg1, %mul3A_170 : i32
    %add3A_172 = arith.constant 448 : i32
    %add3A_173 = arith.addi %mul3A_171, %add3A_172 : i32
    "tpu.region"() ({
      %run_scoped3A = tpu.sem_alloc : memref<!tpu.dma_semaphore, #tpu.memory_space<semaphore_mem>>
      %dma_start3A_185 = arith.constant 0 : i32
      %dma_start3A_186 = tpu.memref_slice %arg11[%add3A_173, %dma_start3A_185] : memref<10240x128xf32, #tpu.memory_space<vmem_shared>> -> memref<64x128xf32, #tpu.memory_space<vmem_shared>>
      %dma_start3A_187 = arith.constant 0 : i32
      %dma_start3A_188 = tpu.memref_slice %arg11[%add3A_173, %dma_start3A_187] : memref<10240x128xf32, #tpu.memory_space<vmem_shared>> -> memref<64x128xf32, #tpu.memory_space<vmem_shared>>
      tpu.enqueue_dma source(%dma_start3A_188 : memref<64x128xf32, #tpu.memory_space<vmem_shared>>) target(%arg10 : memref<64x128xf32, #tpu.memory_space<vmem>>) target_semaphore(%run_scoped3A : memref<!tpu.dma_semaphore, #tpu.memory_space<semaphore_mem>>)
      %dma_wait3A_189 = arith.constant 0 : i32
      %dma_wait3A_190 = tpu.memref_slice %arg11[%add3A_173, %dma_wait3A_189] : memref<10240x128xf32, #tpu.memory_space<vmem_shared>> -> memref<64x128xf32, #tpu.memory_space<vmem_shared>>
      %dma_wait3A_191 = arith.constant 0 : i32
      %dma_wait3A_192 = tpu.memref_slice %arg11[%add3A_173, %dma_wait3A_191] : memref<10240x128xf32, #tpu.memory_space<vmem_shared>> -> memref<64x128xf32, #tpu.memory_space<vmem_shared>>
      tpu.wait_dma2 semaphore(%run_scoped3A : memref<!tpu.dma_semaphore, #tpu.memory_space<semaphore_mem>>) src(%dma_wait3A_192 : memref<64x128xf32, #tpu.memory_space<vmem_shared>>) dst(%arg10 : memref<64x128xf32, #tpu.memory_space<vmem>>)
      tpu.yield
    }) : () -> ()
    %add3A_174 = arith.addi %mul3A_0, %add3A_173 : i32
    "tpu.region"() ({
      %run_scoped3A = tpu.sem_alloc : memref<!tpu.dma_semaphore, #tpu.memory_space<semaphore_mem>>
      %dma_start3A_185 = arith.constant 0 : i32
      %dma_start3A_186 = tpu.memref_slice %arg6[%add3A_174, %dma_start3A_185] : memref<20480x128xf32, #tpu.memory_space<hbm>> -> memref<64x128xf32, #tpu.memory_space<hbm>>
      %dma_start3A_187 = arith.constant 0 : i32
      %dma_start3A_188 = tpu.memref_slice %arg6[%add3A_174, %dma_start3A_187] : memref<20480x128xf32, #tpu.memory_space<hbm>> -> memref<64x128xf32, #tpu.memory_space<hbm>>
      tpu.enqueue_dma source(%arg10 : memref<64x128xf32, #tpu.memory_space<vmem>>) target(%dma_start3A_188 : memref<64x128xf32, #tpu.memory_space<hbm>>) target_semaphore(%run_scoped3A : memref<!tpu.dma_semaphore, #tpu.memory_space<semaphore_mem>>)
      %dma_wait3A_189 = arith.constant 0 : i32
      %dma_wait3A_190 = tpu.memref_slice %arg6[%add3A_174, %dma_wait3A_189] : memref<20480x128xf32, #tpu.memory_space<hbm>> -> memref<64x128xf32, #tpu.memory_space<hbm>>
      %dma_wait3A_191 = arith.constant 0 : i32
      %dma_wait3A_192 = tpu.memref_slice %arg6[%add3A_174, %dma_wait3A_191] : memref<20480x128xf32, #tpu.memory_space<hbm>> -> memref<64x128xf32, #tpu.memory_space<hbm>>
      tpu.wait_dma2 semaphore(%run_scoped3A : memref<!tpu.dma_semaphore, #tpu.memory_space<semaphore_mem>>) src(%arg10 : memref<64x128xf32, #tpu.memory_space<vmem>>) dst(%dma_wait3A_192 : memref<64x128xf32, #tpu.memory_space<hbm>>)
      tpu.yield
    }) : () -> ()
    %mul3A_175 = arith.constant 640 : i32
    %mul3A_176 = arith.muli %arg1, %mul3A_175 : i32
    %add3A_177 = arith.constant 512 : i32
    %add3A_178 = arith.addi %mul3A_176, %add3A_177 : i32
    "tpu.region"() ({
      %run_scoped3A = tpu.sem_alloc : memref<!tpu.dma_semaphore, #tpu.memory_space<semaphore_mem>>
      %dma_start3A_185 = arith.constant 0 : i32
      %dma_start3A_186 = tpu.memref_slice %arg11[%add3A_178, %dma_start3A_185] : memref<10240x128xf32, #tpu.memory_space<vmem_shared>> -> memref<64x128xf32, #tpu.memory_space<vmem_shared>>
      %dma_start3A_187 = arith.constant 0 : i32
      %dma_start3A_188 = tpu.memref_slice %arg11[%add3A_178, %dma_start3A_187] : memref<10240x128xf32, #tpu.memory_space<vmem_shared>> -> memref<64x128xf32, #tpu.memory_space<vmem_shared>>
      tpu.enqueue_dma source(%dma_start3A_188 : memref<64x128xf32, #tpu.memory_space<vmem_shared>>) target(%arg10 : memref<64x128xf32, #tpu.memory_space<vmem>>) target_semaphore(%run_scoped3A : memref<!tpu.dma_semaphore, #tpu.memory_space<semaphore_mem>>)
      %dma_wait3A_189 = arith.constant 0 : i32
      %dma_wait3A_190 = tpu.memref_slice %arg11[%add3A_178, %dma_wait3A_189] : memref<10240x128xf32, #tpu.memory_space<vmem_shared>> -> memref<64x128xf32, #tpu.memory_space<vmem_shared>>
      %dma_wait3A_191 = arith.constant 0 : i32
      %dma_wait3A_192 = tpu.memref_slice %arg11[%add3A_178, %dma_wait3A_191] : memref<10240x128xf32, #tpu.memory_space<vmem_shared>> -> memref<64x128xf32, #tpu.memory_space<vmem_shared>>
      tpu.wait_dma2 semaphore(%run_scoped3A : memref<!tpu.dma_semaphore, #tpu.memory_space<semaphore_mem>>) src(%dma_wait3A_192 : memref<64x128xf32, #tpu.memory_space<vmem_shared>>) dst(%arg10 : memref<64x128xf32, #tpu.memory_space<vmem>>)
      tpu.yield
    }) : () -> ()
    %add3A_179 = arith.addi %mul3A_0, %add3A_178 : i32
    "tpu.region"() ({
      %run_scoped3A = tpu.sem_alloc : memref<!tpu.dma_semaphore, #tpu.memory_space<semaphore_mem>>
      %dma_start3A_185 = arith.constant 0 : i32
      %dma_start3A_186 = tpu.memref_slice %arg6[%add3A_179, %dma_start3A_185] : memref<20480x128xf32, #tpu.memory_space<hbm>> -> memref<64x128xf32, #tpu.memory_space<hbm>>
      %dma_start3A_187 = arith.constant 0 : i32
      %dma_start3A_188 = tpu.memref_slice %arg6[%add3A_179, %dma_start3A_187] : memref<20480x128xf32, #tpu.memory_space<hbm>> -> memref<64x128xf32, #tpu.memory_space<hbm>>
      tpu.enqueue_dma source(%arg10 : memref<64x128xf32, #tpu.memory_space<vmem>>) target(%dma_start3A_188 : memref<64x128xf32, #tpu.memory_space<hbm>>) target_semaphore(%run_scoped3A : memref<!tpu.dma_semaphore, #tpu.memory_space<semaphore_mem>>)
      %dma_wait3A_189 = arith.constant 0 : i32
      %dma_wait3A_190 = tpu.memref_slice %arg6[%add3A_179, %dma_wait3A_189] : memref<20480x128xf32, #tpu.memory_space<hbm>> -> memref<64x128xf32, #tpu.memory_space<hbm>>
      %dma_wait3A_191 = arith.constant 0 : i32
      %dma_wait3A_192 = tpu.memref_slice %arg6[%add3A_179, %dma_wait3A_191] : memref<20480x128xf32, #tpu.memory_space<hbm>> -> memref<64x128xf32, #tpu.memory_space<hbm>>
      tpu.wait_dma2 semaphore(%run_scoped3A : memref<!tpu.dma_semaphore, #tpu.memory_space<semaphore_mem>>) src(%arg10 : memref<64x128xf32, #tpu.memory_space<vmem>>) dst(%dma_wait3A_192 : memref<64x128xf32, #tpu.memory_space<hbm>>)
      tpu.yield
    }) : () -> ()
    %mul3A_180 = arith.constant 640 : i32
    %mul3A_181 = arith.muli %arg1, %mul3A_180 : i32
    %add3A_182 = arith.constant 576 : i32
    %add3A_183 = arith.addi %mul3A_181, %add3A_182 : i32
    "tpu.region"() ({
      %run_scoped3A = tpu.sem_alloc : memref<!tpu.dma_semaphore, #tpu.memory_space<semaphore_mem>>
      %dma_start3A_185 = arith.constant 0 : i32
      %dma_start3A_186 = tpu.memref_slice %arg11[%add3A_183, %dma_start3A_185] : memref<10240x128xf32, #tpu.memory_space<vmem_shared>> -> memref<64x128xf32, #tpu.memory_space<vmem_shared>>
      %dma_start3A_187 = arith.constant 0 : i32
      %dma_start3A_188 = tpu.memref_slice %arg11[%add3A_183, %dma_start3A_187] : memref<10240x128xf32, #tpu.memory_space<vmem_shared>> -> memref<64x128xf32, #tpu.memory_space<vmem_shared>>
      tpu.enqueue_dma source(%dma_start3A_188 : memref<64x128xf32, #tpu.memory_space<vmem_shared>>) target(%arg10 : memref<64x128xf32, #tpu.memory_space<vmem>>) target_semaphore(%run_scoped3A : memref<!tpu.dma_semaphore, #tpu.memory_space<semaphore_mem>>)
      %dma_wait3A_189 = arith.constant 0 : i32
      %dma_wait3A_190 = tpu.memref_slice %arg11[%add3A_183, %dma_wait3A_189] : memref<10240x128xf32, #tpu.memory_space<vmem_shared>> -> memref<64x128xf32, #tpu.memory_space<vmem_shared>>
      %dma_wait3A_191 = arith.constant 0 : i32
      %dma_wait3A_192 = tpu.memref_slice %arg11[%add3A_183, %dma_wait3A_191] : memref<10240x128xf32, #tpu.memory_space<vmem_shared>> -> memref<64x128xf32, #tpu.memory_space<vmem_shared>>
      tpu.wait_dma2 semaphore(%run_scoped3A : memref<!tpu.dma_semaphore, #tpu.memory_space<semaphore_mem>>) src(%dma_wait3A_192 : memref<64x128xf32, #tpu.memory_space<vmem_shared>>) dst(%arg10 : memref<64x128xf32, #tpu.memory_space<vmem>>)
      tpu.yield
    }) : () -> ()
    %add3A_184 = arith.addi %mul3A_0, %add3A_183 : i32
    "tpu.region"() ({
      %run_scoped3A = tpu.sem_alloc : memref<!tpu.dma_semaphore, #tpu.memory_space<semaphore_mem>>
      %dma_start3A_185 = arith.constant 0 : i32
      %dma_start3A_186 = tpu.memref_slice %arg6[%add3A_184, %dma_start3A_185] : memref<20480x128xf32, #tpu.memory_space<hbm>> -> memref<64x128xf32, #tpu.memory_space<hbm>>
      %dma_start3A_187 = arith.constant 0 : i32
      %dma_start3A_188 = tpu.memref_slice %arg6[%add3A_184, %dma_start3A_187] : memref<20480x128xf32, #tpu.memory_space<hbm>> -> memref<64x128xf32, #tpu.memory_space<hbm>>
      tpu.enqueue_dma source(%arg10 : memref<64x128xf32, #tpu.memory_space<vmem>>) target(%dma_start3A_188 : memref<64x128xf32, #tpu.memory_space<hbm>>) target_semaphore(%run_scoped3A : memref<!tpu.dma_semaphore, #tpu.memory_space<semaphore_mem>>)
      %dma_wait3A_189 = arith.constant 0 : i32
      %dma_wait3A_190 = tpu.memref_slice %arg6[%add3A_184, %dma_wait3A_189] : memref<20480x128xf32, #tpu.memory_space<hbm>> -> memref<64x128xf32, #tpu.memory_space<hbm>>
      %dma_wait3A_191 = arith.constant 0 : i32
      %dma_wait3A_192 = tpu.memref_slice %arg6[%add3A_184, %dma_wait3A_191] : memref<20480x128xf32, #tpu.memory_space<hbm>> -> memref<64x128xf32, #tpu.memory_space<hbm>>
      tpu.wait_dma2 semaphore(%run_scoped3A : memref<!tpu.dma_semaphore, #tpu.memory_space<semaphore_mem>>) src(%arg10 : memref<64x128xf32, #tpu.memory_space<vmem>>) dst(%dma_wait3A_192 : memref<64x128xf32, #tpu.memory_space<hbm>>)
      tpu.yield
    }) : () -> ()
    return
  }
}

module attributes {stable_mosaic.version = 14 : i64} {
  func.func @_tc_pre_body(%arg0: i32, %arg1: memref<256x256xf32, #tpu.memory_space<vmem>>, %arg2: memref<2x256x128xf32, #tpu.memory_space<vmem>>, %arg3: memref<2x256x128xf32, #tpu.memory_space<vmem>>, %arg4: memref<256x16xf32, #tpu.memory_space<vmem>>) attributes {dimension_semantics = [#tpu.dimension_semantics<arbitrary>], iteration_bounds = array<i64: 40>, scalar_prefetch = 0 : i64, scratch_operands = 0 : i64, tpu.core_type = #tpu.core_type<tc>, window_params = [{transform_indices = @transform_0, window_bounds = array<i64: 256, 256>}, {transform_indices = @transform_1, window_bounds = array<i64: 2, 256, 128>}, {transform_indices = @transform_2, window_bounds = array<i64: 2, 256, 128>}, {transform_indices = @transform_3, window_bounds = array<i64: 256, 16>}]} {
    %mul3A = arith.constant 256 : i32
    %mul3A_0 = arith.muli %arg0, %mul3A : i32
    %iota3A = tpu.iota {dimensions = array<i32: 0>} : vector<256x1xi32>
    %add3A = vector.broadcast %mul3A_0 : i32 to vector<256x1xi32>
    %add3A_1 = arith.addi %add3A, %iota3A : vector<256x1xi32>
    %lt3A = arith.constant 10000 : i32
    %lt3A_2 = vector.broadcast %lt3A : i32 to vector<256x1xi32>
    %lt3A_3 = arith.cmpi slt, %add3A_1, %lt3A_2 : vector<256x1xi32>
    %get3A = arith.constant 0 : index
    %get3A_4 = arith.constant 0 : index
    %get3A_5 = arith.constant 0 : index
    %get3A_6 = vector.load %arg2[%get3A, %get3A_4, %get3A_5] : memref<2x256x128xf32, #tpu.memory_space<vmem>>, vector<1x256x128xf32>
    %get3A_7 = vector.shape_cast %get3A_6 : vector<1x256x128xf32> to vector<256x128xf32>
    %get3A_8 = arith.constant 1 : index
    %get3A_9 = arith.constant 0 : index
    %get3A_10 = arith.constant 0 : index
    %get3A_11 = vector.load %arg2[%get3A_8, %get3A_9, %get3A_10] : memref<2x256x128xf32, #tpu.memory_space<vmem>>, vector<1x256x128xf32>
    %get3A_12 = vector.shape_cast %get3A_11 : vector<1x256x128xf32> to vector<256x128xf32>
    %add3A_13 = arith.addf %get3A_7, %get3A_12 : vector<256x128xf32>
    %slice3A = vector.extract_strided_slice %add3A_13 {offsets = [0, 0], sizes = [256, 1], strides = [1, 1]} : vector<256x128xf32> to vector<256x1xf32>
    %add3A_14 = arith.constant 1.000000e+00 : f32
    %add3A_15 = vector.broadcast %add3A_14 : f32 to vector<256x1xf32>
    %add3A_16 = arith.addf %slice3A, %add3A_15 : vector<256x1xf32>
    %rsqrt3A = math.rsqrt %add3A_16 : vector<256x1xf32>
    %get3A_17 = arith.constant 0 : index
    %get3A_18 = arith.constant 0 : index
    %get3A_19 = vector.load %arg1[%get3A_17, %get3A_18] : memref<256x256xf32, #tpu.memory_space<vmem>>, vector<256x256xf32>
    %mul3A_20 = vector.broadcast %rsqrt3A : vector<256x1xf32> to vector<256x256xf32>
    %mul3A_21 = arith.mulf %get3A_19, %mul3A_20 : vector<256x256xf32>
    %jit3A = arith.constant 0.000000e+00 : f32
    %broadcast_in_dim3A = vector.shape_cast %lt3A_3 : vector<256x1xi1> to vector<256x1xi1>
    %broadcast_in_dim3A_22 = vector.broadcast %broadcast_in_dim3A : vector<256x1xi1> to vector<256x256xi1>
    %broadcast_in_dim3A_23 = vector.broadcast %jit3A : f32 to vector<256x256xf32>
    %select_n3A = arith.select %broadcast_in_dim3A_22, %mul3A_21, %broadcast_in_dim3A_23 : vector<256x256xi1>, vector<256x256xf32>
    %slice3A_24 = vector.extract_strided_slice %select_n3A {offsets = [0, 0], sizes = [256, 128], strides = [1, 1]} : vector<256x256xf32> to vector<256x128xf32>
    %swap3A = arith.constant 0 : index
    %swap3A_25 = arith.constant 0 : index
    %swap3A_26 = arith.constant 0 : index
    %swap3A_27 = vector.load %arg3[%swap3A, %swap3A_25, %swap3A_26] : memref<2x256x128xf32, #tpu.memory_space<vmem>>, vector<1x256x128xf32>
    %swap3A_28 = vector.shape_cast %swap3A_27 : vector<1x256x128xf32> to vector<256x128xf32>
    %swap3A_29 = vector.shape_cast %slice3A_24 : vector<256x128xf32> to vector<1x256x128xf32>
    tpu.vector_store %arg3[%swap3A, %swap3A_25, %swap3A_26], %swap3A_29 {strides = array<i32>} : memref<2x256x128xf32, #tpu.memory_space<vmem>>, vector<1x256x128xf32>,
    %slice3A_30 = vector.extract_strided_slice %select_n3A {offsets = [0, 128], sizes = [256, 128], strides = [1, 1]} : vector<256x256xf32> to vector<256x128xf32>
    %swap3A_31 = arith.constant 1 : index
    %swap3A_32 = arith.constant 0 : index
    %swap3A_33 = arith.constant 0 : index
    %swap3A_34 = vector.load %arg3[%swap3A_31, %swap3A_32, %swap3A_33] : memref<2x256x128xf32, #tpu.memory_space<vmem>>, vector<1x256x128xf32>
    %swap3A_35 = vector.shape_cast %swap3A_34 : vector<1x256x128xf32> to vector<256x128xf32>
    %swap3A_36 = vector.shape_cast %slice3A_30 : vector<256x128xf32> to vector<1x256x128xf32>
    tpu.vector_store %arg3[%swap3A_31, %swap3A_32, %swap3A_33], %swap3A_36 {strides = array<i32>} : memref<2x256x128xf32, #tpu.memory_space<vmem>>, vector<1x256x128xf32>,
    %slice3A_37 = vector.extract_strided_slice %add3A_13 {offsets = [0, 0], sizes = [256, 16], strides = [1, 1]} : vector<256x128xf32> to vector<256x16xf32>
    %swap3A_38 = arith.constant 0 : index
    %swap3A_39 = arith.constant 0 : index
    %swap3A_40 = vector.load %arg4[%swap3A_38, %swap3A_39] : memref<256x16xf32, #tpu.memory_space<vmem>>, vector<256x16xf32>
    tpu.vector_store %arg4[%swap3A_38, %swap3A_39], %slice3A_37 {strides = array<i32>} : memref<256x16xf32, #tpu.memory_space<vmem>>, vector<256x16xf32>,
    return
  }
  func.func @transform_0(%arg0: i32) -> (i32, i32) {
    %c0_i32 = arith.constant 0 : i32
    %c0_i32_0 = arith.constant 0 : i32
    return %arg0, %c0_i32 : i32, i32
  }
  func.func @transform_1(%arg0: i32) -> (i32, i32, i32) {
    %c0_i32 = arith.constant 0 : i32
    %c0_i32_0 = arith.constant 0 : i32
    %c0_i32_1 = arith.constant 0 : i32
    return %c0_i32, %arg0, %c0_i32_0 : i32, i32, i32
  }
  func.func @transform_2(%arg0: i32) -> (i32, i32, i32) {
    %c0_i32 = arith.constant 0 : i32
    %c0_i32_0 = arith.constant 0 : i32
    %c0_i32_1 = arith.constant 0 : i32
    return %c0_i32, %arg0, %c0_i32_0 : i32, i32, i32
  }
  func.func @transform_3(%arg0: i32) -> (i32, i32) {
    %c0_i32 = arith.constant 0 : i32
    %c0_i32_0 = arith.constant 0 : i32
    return %arg0, %c0_i32 : i32, i32
  }
}

module attributes {stable_mosaic.version = 14 : i64} {
  func.func @_tc_mid_body(%arg0: i32, %arg1: memref<2x256x128xf32, #tpu.memory_space<vmem>>, %arg2: memref<256x256xf32, #tpu.memory_space<vmem>>, %arg3: memref<256x16xf32, #tpu.memory_space<vmem>>, %arg4: memref<256x512xf32, #tpu.memory_space<vmem>>, %arg5: memref<1x512xf32, #tpu.memory_space<vmem>>, %arg6: memref<512x256xf32, #tpu.memory_space<vmem>>, %arg7: memref<1x256xf32, #tpu.memory_space<vmem>>, %arg8: memref<2x256x128xf32, #tpu.memory_space<vmem>>, %arg9: memref<256x256xf32, #tpu.memory_space<vmem>>) attributes {dimension_semantics = [#tpu.dimension_semantics<arbitrary>], iteration_bounds = array<i64: 40>, scalar_prefetch = 0 : i64, scratch_operands = 0 : i64, tpu.core_type = #tpu.core_type<tc>, window_params = [{transform_indices = @transform_0, window_bounds = array<i64: 2, 256, 128>}, {transform_indices = @transform_1, window_bounds = array<i64: 256, 256>}, {transform_indices = @transform_2, window_bounds = array<i64: 256, 16>}, {pipeline_mode = #tpu.pipeline_mode<synchronous>, transform_indices = @transform_3, window_bounds = array<i64: 256, 512>}, {pipeline_mode = #tpu.pipeline_mode<synchronous>, transform_indices = @transform_4, window_bounds = array<i64: 1, 512>}, {pipeline_mode = #tpu.pipeline_mode<synchronous>, transform_indices = @transform_5, window_bounds = array<i64: 512, 256>}, {pipeline_mode = #tpu.pipeline_mode<synchronous>, transform_indices = @transform_6, window_bounds = array<i64: 1, 256>}, {transform_indices = @transform_7, window_bounds = array<i64: 2, 256, 128>}, {transform_indices = @transform_8, window_bounds = array<i64: 256, 256>}]} {
    %mul3A = arith.constant 256 : i32
    %mul3A_0 = arith.muli %arg0, %mul3A : i32
    %iota3A = tpu.iota {dimensions = array<i32: 0>} : vector<256x1xi32>
    %add3A = vector.broadcast %mul3A_0 : i32 to vector<256x1xi32>
    %add3A_1 = arith.addi %add3A, %iota3A : vector<256x1xi32>
    %lt3A = arith.constant 10000 : i32
    %lt3A_2 = vector.broadcast %lt3A : i32 to vector<256x1xi32>
    %lt3A_3 = arith.cmpi slt, %add3A_1, %lt3A_2 : vector<256x1xi32>
    %get3A = arith.constant 0 : index
    %get3A_4 = arith.constant 0 : index
    %get3A_5 = vector.load %arg3[%get3A, %get3A_4] : memref<256x16xf32, #tpu.memory_space<vmem>>, vector<256x1xf32>
    %add3A_6 = arith.constant 1.000000e+00 : f32
    %add3A_7 = vector.broadcast %add3A_6 : f32 to vector<256x1xf32>
    %add3A_8 = arith.addf %get3A_5, %add3A_7 : vector<256x1xf32>
    %rsqrt3A = math.rsqrt %add3A_8 : vector<256x1xf32>
    %get3A_9 = arith.constant 0 : index
    %get3A_10 = arith.constant 0 : index
    %get3A_11 = vector.load %arg2[%get3A_9, %get3A_10] : memref<256x256xf32, #tpu.memory_space<vmem>>, vector<256x256xf32>
    %jit3A = arith.constant 0.000000e+00 : f32
    %broadcast_in_dim3A = vector.shape_cast %lt3A_3 : vector<256x1xi1> to vector<256x1xi1>
    %broadcast_in_dim3A_12 = vector.broadcast %broadcast_in_dim3A : vector<256x1xi1> to vector<256x256xi1>
    %broadcast_in_dim3A_13 = vector.broadcast %jit3A : f32 to vector<256x256xf32>
    %select_n3A = arith.select %broadcast_in_dim3A_12, %get3A_11, %broadcast_in_dim3A_13 : vector<256x256xi1>, vector<256x256xf32>
    %get3A_14 = arith.constant 0 : index
    %get3A_15 = arith.constant 0 : index
    %get3A_16 = arith.constant 0 : index
    %get3A_17 = vector.load %arg1[%get3A_14, %get3A_15, %get3A_16] : memref<2x256x128xf32, #tpu.memory_space<vmem>>, vector<1x256x128xf32>
    %get3A_18 = vector.shape_cast %get3A_17 : vector<1x256x128xf32> to vector<256x128xf32>
    %get3A_19 = arith.constant 1 : index
    %get3A_20 = arith.constant 0 : index
    %get3A_21 = arith.constant 0 : index
    %get3A_22 = vector.load %arg1[%get3A_19, %get3A_20, %get3A_21] : memref<2x256x128xf32, #tpu.memory_space<vmem>>, vector<1x256x128xf32>
    %get3A_23 = vector.shape_cast %get3A_22 : vector<1x256x128xf32> to vector<256x128xf32>
    %concatenate3A = tpu.concatenate %get3A_18, %get3A_23 in 1 : vector<256x128xf32>, vector<256x128xf32> -> vector<256x256xf32>
    %mul3A_24 = vector.broadcast %rsqrt3A : vector<256x1xf32> to vector<256x256xf32>
    %mul3A_25 = arith.mulf %mul3A_24, %concatenate3A : vector<256x256xf32>
    %mul3A_26 = arith.mulf %rsqrt3A, %rsqrt3A : vector<256x1xf32>
    %mul3A_27 = vector.broadcast %mul3A_26 : vector<256x1xf32> to vector<256x256xf32>
    %mul3A_28 = arith.mulf %mul3A_27, %select_n3A : vector<256x256xf32>
    %add3A_29 = arith.addf %mul3A_25, %mul3A_28 : vector<256x256xf32>
    %get3A_30 = arith.constant 0 : index
    %get3A_31 = arith.constant 0 : index
    %get3A_32 = vector.load %arg4[%get3A_30, %get3A_31] : memref<256x512xf32, #tpu.memory_space<vmem>>, vector<256x512xf32>
    %dot_general3A = arith.constant dense<0.000000e+00> : vector<256x512xf32>
    %dot_general3A_33 = tpu.matmul %add3A_29, %get3A_32, %dot_general3A {dimension_numbers = #tpu.dot_dimension_numbers<[1], [0], [0], [1], [0, 0, 1, 1], [], []>, transpose_lhs_hint = false} : vector<256x256xf32>, vector<256x512xf32>, vector<256x512xf32> -> vector<256x512xf32>
    %get3A_34 = arith.constant 0 : index
    %get3A_35 = arith.constant 0 : index
    %get3A_36 = vector.load %arg5[%get3A_34, %get3A_35] : memref<1x512xf32, #tpu.memory_space<vmem>>, vector<1x512xf32>
    %add3A_37 = vector.broadcast %get3A_36 : vector<1x512xf32> to vector<256x512xf32>
    %add3A_38 = arith.addf %dot_general3A_33, %add3A_37 : vector<256x512xf32>
    %max3A = arith.constant 0.000000e+00 : f32
    %max3A_39 = vector.broadcast %max3A : f32 to vector<256x512xf32>
    %max3A_40 = arith.maximumf %add3A_38, %max3A_39 : vector<256x512xf32>
    %get3A_41 = arith.constant 0 : index
    %get3A_42 = arith.constant 0 : index
    %get3A_43 = vector.load %arg6[%get3A_41, %get3A_42] : memref<512x256xf32, #tpu.memory_space<vmem>>, vector<512x256xf32>
    %dot_general3A_44 = arith.constant dense<0.000000e+00> : vector<256x256xf32>
    %dot_general3A_45 = tpu.matmul %max3A_40, %get3A_43, %dot_general3A_44 {dimension_numbers = #tpu.dot_dimension_numbers<[1], [0], [0], [1], [0, 0, 1, 1], [], []>, transpose_lhs_hint = false} : vector<256x512xf32>, vector<512x256xf32>, vector<256x256xf32> -> vector<256x256xf32>
    %mul3A_46 = vector.broadcast %rsqrt3A : vector<256x1xf32> to vector<256x256xf32>
    %mul3A_47 = arith.mulf %dot_general3A_45, %mul3A_46 : vector<256x256xf32>
    %jit3A_48 = arith.constant 0.000000e+00 : f32
    %broadcast_in_dim3A_49 = vector.shape_cast %lt3A_3 : vector<256x1xi1> to vector<256x1xi1>
    %broadcast_in_dim3A_50 = vector.broadcast %broadcast_in_dim3A_49 : vector<256x1xi1> to vector<256x256xi1>
    %broadcast_in_dim3A_51 = vector.broadcast %jit3A_48 : f32 to vector<256x256xf32>
    %select_n3A_52 = arith.select %broadcast_in_dim3A_50, %mul3A_47, %broadcast_in_dim3A_51 : vector<256x256xi1>, vector<256x256xf32>
    %slice3A = vector.extract_strided_slice %select_n3A_52 {offsets = [0, 0], sizes = [256, 128], strides = [1, 1]} : vector<256x256xf32> to vector<256x128xf32>
    %swap3A = arith.constant 0 : index
    %swap3A_53 = arith.constant 0 : index
    %swap3A_54 = arith.constant 0 : index
    %swap3A_55 = vector.load %arg8[%swap3A, %swap3A_53, %swap3A_54] : memref<2x256x128xf32, #tpu.memory_space<vmem>>, vector<1x256x128xf32>
    %swap3A_56 = vector.shape_cast %swap3A_55 : vector<1x256x128xf32> to vector<256x128xf32>
    %swap3A_57 = vector.shape_cast %slice3A : vector<256x128xf32> to vector<1x256x128xf32>
    tpu.vector_store %arg8[%swap3A, %swap3A_53, %swap3A_54], %swap3A_57 {strides = array<i32>} : memref<2x256x128xf32, #tpu.memory_space<vmem>>, vector<1x256x128xf32>,
    %slice3A_58 = vector.extract_strided_slice %select_n3A_52 {offsets = [0, 128], sizes = [256, 128], strides = [1, 1]} : vector<256x256xf32> to vector<256x128xf32>
    %swap3A_59 = arith.constant 1 : index
    %swap3A_60 = arith.constant 0 : index
    %swap3A_61 = arith.constant 0 : index
    %swap3A_62 = vector.load %arg8[%swap3A_59, %swap3A_60, %swap3A_61] : memref<2x256x128xf32, #tpu.memory_space<vmem>>, vector<1x256x128xf32>
    %swap3A_63 = vector.shape_cast %swap3A_62 : vector<1x256x128xf32> to vector<256x128xf32>
    %swap3A_64 = vector.shape_cast %slice3A_58 : vector<256x128xf32> to vector<1x256x128xf32>
    tpu.vector_store %arg8[%swap3A_59, %swap3A_60, %swap3A_61], %swap3A_64 {strides = array<i32>} : memref<2x256x128xf32, #tpu.memory_space<vmem>>, vector<1x256x128xf32>,
    %mul3A_65 = arith.mulf %rsqrt3A, %rsqrt3A : vector<256x1xf32>
    %mul3A_66 = vector.broadcast %mul3A_65 : vector<256x1xf32> to vector<256x256xf32>
    %mul3A_67 = arith.mulf %mul3A_66, %dot_general3A_45 : vector<256x256xf32>
    %get3A_68 = arith.constant 0 : index
    %get3A_69 = arith.constant 0 : index
    %get3A_70 = vector.load %arg7[%get3A_68, %get3A_69] : memref<1x256xf32, #tpu.memory_space<vmem>>, vector<1x256xf32>
    %add3A_71 = vector.broadcast %get3A_70 : vector<1x256xf32> to vector<256x256xf32>
    %add3A_72 = arith.addf %mul3A_67, %add3A_71 : vector<256x256xf32>
    %swap3A_73 = arith.constant 0 : index
    %swap3A_74 = arith.constant 0 : index
    %swap3A_75 = vector.load %arg9[%swap3A_73, %swap3A_74] : memref<256x256xf32, #tpu.memory_space<vmem>>, vector<256x256xf32>
    tpu.vector_store %arg9[%swap3A_73, %swap3A_74], %add3A_72 {strides = array<i32>} : memref<256x256xf32, #tpu.memory_space<vmem>>, vector<256x256xf32>,
    return
  }
  func.func @transform_0(%arg0: i32) -> (i32, i32, i32) {
    %c0_i32 = arith.constant 0 : i32
    %c0_i32_0 = arith.constant 0 : i32
    %c0_i32_1 = arith.constant 0 : i32
    return %c0_i32, %arg0, %c0_i32_0 : i32, i32, i32
  }
  func.func @transform_1(%arg0: i32) -> (i32, i32) {
    %c0_i32 = arith.constant 0 : i32
    %c0_i32_0 = arith.constant 0 : i32
    return %arg0, %c0_i32 : i32, i32
  }
  func.func @transform_2(%arg0: i32) -> (i32, i32) {
    %c0_i32 = arith.constant 0 : i32
    %c0_i32_0 = arith.constant 0 : i32
    return %arg0, %c0_i32 : i32, i32
  }
  func.func @transform_3(%arg0: i32) -> (i32, i32) {
    %c0_i32 = arith.constant 0 : i32
    %c0_i32_0 = arith.constant 0 : i32
    %c0_i32_1 = arith.constant 0 : i32
    return %c0_i32, %c0_i32_0 : i32, i32
  }
  func.func @transform_4(%arg0: i32) -> (i32, i32) {
    %c0_i32 = arith.constant 0 : i32
    %c0_i32_0 = arith.constant 0 : i32
    %c0_i32_1 = arith.constant 0 : i32
    return %c0_i32, %c0_i32_0 : i32, i32
  }
  func.func @transform_5(%arg0: i32) -> (i32, i32) {
    %c0_i32 = arith.constant 0 : i32
    %c0_i32_0 = arith.constant 0 : i32
    %c0_i32_1 = arith.constant 0 : i32
    return %c0_i32, %c0_i32_0 : i32, i32
  }
  func.func @transform_6(%arg0: i32) -> (i32, i32) {
    %c0_i32 = arith.constant 0 : i32
    %c0_i32_0 = arith.constant 0 : i32
    %c0_i32_1 = arith.constant 0 : i32
    return %c0_i32, %c0_i32_0 : i32, i32
  }
  func.func @transform_7(%arg0: i32) -> (i32, i32, i32) {
    %c0_i32 = arith.constant 0 : i32
    %c0_i32_0 = arith.constant 0 : i32
    %c0_i32_1 = arith.constant 0 : i32
    return %c0_i32, %arg0, %c0_i32_0 : i32, i32, i32
  }
  func.func @transform_8(%arg0: i32) -> (i32, i32) {
    %c0_i32 = arith.constant 0 : i32
    %c0_i32_0 = arith.constant 0 : i32
    return %arg0, %c0_i32 : i32, i32
  }
}

module attributes {stable_mosaic.version = 14 : i64} {
  func.func @_tc_post_body(%arg0: i32, %arg1: memref<2x256x128xf32, #tpu.memory_space<vmem>>, %arg2: memref<256x256xf32, #tpu.memory_space<vmem>>, %arg3: memref<256x16xf32, #tpu.memory_space<vmem>>, %arg4: memref<256x256xf32, #tpu.memory_space<vmem>>) attributes {dimension_semantics = [#tpu.dimension_semantics<arbitrary>], iteration_bounds = array<i64: 40>, scalar_prefetch = 0 : i64, scratch_operands = 0 : i64, tpu.core_type = #tpu.core_type<tc>, window_params = [{transform_indices = @transform_0, window_bounds = array<i64: 2, 256, 128>}, {transform_indices = @transform_1, window_bounds = array<i64: 256, 256>}, {transform_indices = @transform_2, window_bounds = array<i64: 256, 16>}, {transform_indices = @transform_3, window_bounds = array<i64: 256, 256>}]} {
    %get3A = arith.constant 0 : index
    %get3A_0 = arith.constant 0 : index
    %get3A_1 = vector.load %arg3[%get3A, %get3A_0] : memref<256x16xf32, #tpu.memory_space<vmem>>, vector<256x1xf32>
    %add3A = arith.constant 1.000000e+00 : f32
    %add3A_2 = vector.broadcast %add3A : f32 to vector<256x1xf32>
    %add3A_3 = arith.addf %get3A_1, %add3A_2 : vector<256x1xf32>
    %rsqrt3A = math.rsqrt %add3A_3 : vector<256x1xf32>
    %get3A_4 = arith.constant 0 : index
    %get3A_5 = arith.constant 0 : index
    %get3A_6 = arith.constant 0 : index
    %get3A_7 = vector.load %arg1[%get3A_4, %get3A_5, %get3A_6] : memref<2x256x128xf32, #tpu.memory_space<vmem>>, vector<1x256x128xf32>
    %get3A_8 = vector.shape_cast %get3A_7 : vector<1x256x128xf32> to vector<256x128xf32>
    %get3A_9 = arith.constant 1 : index
    %get3A_10 = arith.constant 0 : index
    %get3A_11 = arith.constant 0 : index
    %get3A_12 = vector.load %arg1[%get3A_9, %get3A_10, %get3A_11] : memref<2x256x128xf32, #tpu.memory_space<vmem>>, vector<1x256x128xf32>
    %get3A_13 = vector.shape_cast %get3A_12 : vector<1x256x128xf32> to vector<256x128xf32>
    %concatenate3A = tpu.concatenate %get3A_8, %get3A_13 in 1 : vector<256x128xf32>, vector<256x128xf32> -> vector<256x256xf32>
    %mul3A = vector.broadcast %rsqrt3A : vector<256x1xf32> to vector<256x256xf32>
    %mul3A_14 = arith.mulf %mul3A, %concatenate3A : vector<256x256xf32>
    %get3A_15 = arith.constant 0 : index
    %get3A_16 = arith.constant 0 : index
    %get3A_17 = vector.load %arg2[%get3A_15, %get3A_16] : memref<256x256xf32, #tpu.memory_space<vmem>>, vector<256x256xf32>
    %add3A_18 = arith.addf %mul3A_14, %get3A_17 : vector<256x256xf32>
    %swap3A = arith.constant 0 : index
    %swap3A_19 = arith.constant 0 : index
    %swap3A_20 = vector.load %arg4[%swap3A, %swap3A_19] : memref<256x256xf32, #tpu.memory_space<vmem>>, vector<256x256xf32>
    tpu.vector_store %arg4[%swap3A, %swap3A_19], %add3A_18 {strides = array<i32>} : memref<256x256xf32, #tpu.memory_space<vmem>>, vector<256x256xf32>,
    return
  }
  func.func @transform_0(%arg0: i32) -> (i32, i32, i32) {
    %c0_i32 = arith.constant 0 : i32
    %c0_i32_0 = arith.constant 0 : i32
    %c0_i32_1 = arith.constant 0 : i32
    return %c0_i32, %arg0, %c0_i32_0 : i32, i32, i32
  }
  func.func @transform_1(%arg0: i32) -> (i32, i32) {
    %c0_i32 = arith.constant 0 : i32
    %c0_i32_0 = arith.constant 0 : i32
    return %arg0, %c0_i32 : i32, i32
  }
  func.func @transform_2(%arg0: i32) -> (i32, i32) {
    %c0_i32 = arith.constant 0 : i32
    %c0_i32_0 = arith.constant 0 : i32
    return %arg0, %c0_i32 : i32, i32
  }
  func.func @transform_3(%arg0: i32) -> (i32, i32) {
    %c0_i32 = arith.constant 0 : i32
    %c0_i32_0 = arith.constant 0 : i32
    return %arg0, %c0_i32 : i32, i32
  }
}

</mosaic_0001>

<sc_bundles>
// kernel: kernel.11.cloned.1.call-start
scs
__scs_entry_jumppad:
0x0: {  	(pc) =	sbr.rel $0x88, $3  }
0x1: {  	(tag) =	ssettag $0x0;
	lr =	simm.s32 $0x1  }
0x2: {  	[smem:$0x3F9B] =	sst lr;
	_ =	strace $0xD0000000  }
0x3: {  	_ = 	snop  }
0x4: {  	_ = 	snop  }
0x5: {  	_ = 	snop  }
0x6: {  	_ = 	snop  }
0x7: {  	_ = 	snop  }
__scs_overlays_trampoline_lowered:
0x8: {  	[smem:$0x3FAA] =	sst s0  }
0x9: {  	[smem:$0x3FAB] =	sst s1  }
0xa: {  	[smem:$0x3FAC] =	sst s2  }
0xb: {  	[smem:$0x3FAD] =	sst s3  }
0xc: {  	[smem:$0x3FAE] =	sst s4  }
0xd: {  	[smem:$0x3FAF] =	sst s5  }
0xe: {  	[smem:$0x3FB0] =	sst s6  }
0xf: {  	[smem:$0x3FB1] =	sst s7  }
0x10: {  	[smem:$0x3FB2] =	sst s8  }
0x11: {  	[smem:$0x3FB3] =	sst s9;
	s0 =	simm.s32 @!p0 $0x0  }
0x12: {  	s1 =	sld [smem:$0x3F99];
	s0 =	simm.s32 @p0 $0x1  }
0x13: {  	[smem:$0x3FB4] =	sst s0;
	s0 =	simm.s32 @!p1 $0x0  }
0x14: {  	s2 =	sld [smem:$0x3F98];
	s0 =	simm.s32 @p1 $0x1  }
0x15: {  	[smem:$0x3FB5] =	sst s0;
	s0 =	simm.s32 @!p2 $0x0  }
0x16: {  	s3 =	sld [smem:$0x3FDB];
	s0 =	simm.s32 @p2 $0x1  }
0x17: {  	s4 =	simm.s32 $0x1BF5;
	[smem:$0x3FB7] =	sst s0  }
0x18: {  	s0 =	sld [smem:$0x3F9A];
	_ =	swait.ge [sflag:s4], $0x0  }
0x19: {  	s7 =	sld [smem:$0x3F9B]  }
0x1a: {  	s8 =	sadd.s32 $0xFFFFE003, lr  }
0x1b: {  	s9 =	sadd.s32 $0xFFFFFEF7, lr;
	s5 =	simm.s32 $0xFFFFFFFF;
	p2 =	slt.u32 s8, $0xFFFFF086  }
0x1c: {  	p1 =	slt.u32 s9, $0xF7A;
	s5 =	simm.s32 @!p2 $0x0  }
0x1d: {  	s5 =	simm.s32 @p1 $0x1;
	p0 =	seq.s32 s7, s2  }
0x1e: {  	s7 =	smul.u32 @!p0 $0xF7A, s2;
	p2 =	seq.s32 @!p0 s5, $0x0  }
0x1f: {  	s9 =	smul.u32 $0xF7A, s1;
	s8 =	simm.s32 @!p0 $0x1BF5;
	p2 =	por !p2, p0  }
0x20: {  	[sflag:s8] =	ssyncset.s32 @!p0 $0xFFFFF086;
	s6 =	sadd.s32 @!p0 s3, s7;
	s7 =	simm.s32 @!p0 $0x108  }
0x21: {  	s3 =	sadd.s32 s3, s9;
	s6 =	sadd.s32 @!p0 $0x88, s6;
	s7 =	simm.s32 @p2 $0x1082  }
0x22: {  	[simem:s7], [sflag:s8] =	dma.local @!p0 [hbm:s6], $0xF7A  }
0x23: {  	s9 =	sor.u32 $0xD0000000, s2;
	s6 =	simm.s32 $0x108;
	_ =	swait.ge @!p0 [sflag:s8], $0x0  }
0x24: {  	s3 =	sadd.s32 $0x88, s3;
	s6 =	simm.s32 @!p1 $0x1082;
	[sflag:s4] =	ssyncset.s32 $0xFFFFF086  }
0x25: {  	[simem:s6], [sflag:s4] =	dma.local [hbm:s3], $0xF7A  }
0x26: {  	[smem:$0x3F9B] =	sst s1;
	(tag) =	ssettag s2;
	_ =	strace s9  }
0x27: {  	s1 =	sld [smem:$0x3FAB]  }
0x28: {  	s2 =	sld [smem:$0x3FAC]  }
0x29: {  	s4 =	sld [smem:$0x3FAE]  }
0x2a: {  	p0 =	seq.s32 s5, $0x0;
	s5 =	sld [smem:$0x3FAF]  }
0x2b: {  	s6 =	sld [smem:$0x3FB0]  }
0x2c: {  	s7 =	sld [smem:$0x3FB1]  }
0x2d: {  	s3 =	simm.s32 $0x108;
	s8 =	sld [smem:$0x3FB2]  }
0x2e: {  	s3 =	simm.s32 @!p0 $0x1082;
	s9 =	sld [smem:$0x3FB3]  }
0x2f: {  	lr =	sadd.s32 s0, s3;
	s0 =	sld [smem:$0x3FAA]  }
0x30: {  	s3 =	sld [smem:$0x3FAD]  }
0x31: {  	[smem:$0x3FB6] =	sst s10  }
0x32: {  	s10 =	sld [smem:$0x3FB4];
	_ =	sdelay $0x3  }
0x33: {  	p0 =	seq.s32 s10, $0x1;
	s10 =	sld [smem:$0x3FB6];
	_ =	sdelay $0x3  }
0x34: {  	[smem:$0x3FB6] =	sst s10  }
0x35: {  	s10 =	sld [smem:$0x3FB5];
	_ =	sdelay $0x3  }
0x36: {  	p1 =	seq.s32 s10, $0x1;
	s10 =	sld [smem:$0x3FB6];
	_ =	sdelay $0x3  }
0x37: {  	[smem:$0x3FB6] =	sst s10  }
0x38: {  	s10 =	sld [smem:$0x3FB7]  }
0x39: {  	_ = 	snop;
	(pc) =	sbr.ind lr, $3  }
0x3a: {  	_ = 	snop  }
0x3b: {  	_ = 	snop  }
0x3c: {  	p2 =	seq.s32 s10, $0x1;
	s10 =	sld [smem:$0x3FB6]  }
0x3d: {  	_ =	shalt  }
0x3e: {  	_ =	shalt  }
0x3f: {  	_ =	shalt  }
0x40: {  	_ =	shalt  }
0x41: {  	_ =	shalt  }
0x42: {  	_ =	shalt  }
0x43: {  	_ =	shalt  }
0x44: {  	_ =	shalt  }
0x45: {  	_ =	shalt  }
0x46: {  	_ =	shalt  }
0x47: {  	_ =	shalt  }
0x48: {  	_ =	shalt  }
0x49: {  	_ =	shalt  }
0x4a: {  	_ =	shalt  }
0x4b: {  	_ =	shalt  }
0x4c: {  	_ =	shalt  }
0x4d: {  	_ =	shalt  }
0x4e: {  	_ =	shalt  }
0x4f: {  	_ =	shalt  }
0x50: {  	_ =	shalt  }
0x51: {  	_ =	shalt  }
0x52: {  	_ =	shalt  }
0x53: {  	_ =	shalt  }
0x54: {  	_ =	shalt  }
0x55: {  	_ =	shalt  }
0x56: {  	_ =	shalt  }
0x57: {  	_ =	shalt  }
0x58: {  	_ =	shalt  }
0x59: {  	_ =	shalt  }
0x5a: {  	_ =	shalt  }
0x5b: {  	_ =	shalt  }
0x5c: {  	_ =	shalt  }
0x5d: {  	_ =	shalt  }
0x5e: {  	_ =	shalt  }
0x5f: {  	_ =	shalt  }
0x60: {  	_ =	shalt  }
0x61: {  	_ =	shalt  }
0x62: {  	_ =	shalt  }
0x63: {  	_ =	shalt  }
0x64: {  	_ =	shalt  }
0x65: {  	_ =	shalt  }
0x66: {  	_ =	shalt  }
0x67: {  	_ =	shalt  }
0x68: {  	_ =	shalt  }
0x69: {  	_ =	shalt  }
0x6a: {  	_ =	shalt  }
0x6b: {  	_ =	shalt  }
0x6c: {  	_ =	shalt  }
0x6d: {  	_ =	shalt  }
0x6e: {  	_ =	shalt  }
0x6f: {  	_ =	shalt  }
0x70: {  	_ =	shalt  }
0x71: {  	_ =	shalt  }
0x72: {  	_ =	shalt  }
0x73: {  	_ =	shalt  }
0x74: {  	_ =	shalt  }
0x75: {  	_ =	shalt  }
0x76: {  	_ =	shalt  }
0x77: {  	_ =	shalt  }
0x78: {  	_ =	shalt  }
0x79: {  	_ =	shalt  }
0x7a: {  	_ =	shalt  }
0x7b: {  	_ =	shalt  }
0x7c: {  	_ =	shalt  }
0x7d: {  	_ =	shalt  }
0x7e: {  	_ =	shalt  }
0x7f: {  	_ =	shalt  }
0x80: {  	_ =	shalt  }
0x81: {  	_ =	shalt  }
0x82: {  	_ =	shalt  }
0x83: {  	_ =	shalt  }
0x84: {  	_ =	shalt  }
0x85: {  	_ =	shalt  }
0x86: {  	_ =	shalt  }
0x87: {  	_ =	shalt  }
.Lfunc_end0:
.L_simem_size_0:
called_computation.1_lowered:
.L_overlay_start_0:
0x88: {  	s2 =	sld [smem:$0x3FD9]  }
0x89: {  	s3 =	sld [smem:$0x3FFE];
	_ =	sdelay $0x1  }
0x8a: {  	s1 =	srdreg.scid  }
0x8b: {  	s0 =	sand.u32 $0x1, s1  }
0x8c: {  	s17 =	sshll.u32 s0, $0xA;
	s2 =	sadd.s32 s3, s2  }
0x8d: {  	s2 =	sadd.s32 s2, s17  }
0x8e: {  	[smem:$0x3FC2] =	sst s2  }
0x8f: {  	_ = 	snop  }
0x90: {  	s2 =	sld [smem:$0x3FD0];
	(tm) =	ssettm $0x1  }
0x91: {  	s18 =	sld [smem:$0x3FFB];
	_ =	sdelay $0x3  }
0x92: {  	_ =	strace s18  }
0x93: {  	s3 =	sld [smem:$0x3FFC];
	_ =	sdelay $0x3  }
0x94: {  	_ =	strace s3  }
0x95: {  	s3 =	sld [smem:$0x3FFD];
	_ =	sdelay $0x3  }
0x96: {  	_ =	strace s3  }
0x97: {  	_ =	strace $0x8FFFFFFF  }
0x98: {  	s19 =	sld [smem:$0x3FDB];
	_ =	sdelay $0x1  }
0x99: {  	s4 =	simm.s32 $_scs_section_size  }
0x9a: {  	s5 =	simm.s32 $_size__tile_overlayer_lowered;
	s6 =	simm.s32 $_tile_overlayer_lowered  }
0x9b: {  	s22 =	simm.s32 $0x1BFF;
	s21 =	sshll.u32 s6, $0x1;
	s3 =	sadd.s32 s4, s19  }
0x9c: {  	s7 =	simm.s32 $0x0;
	s20 =	sshll.u32 s5, $0x1;
	s5 =	sadd.s32 s21, s3  }
0x9d: {  	[timem:s7], [sflag:s22] =	dma.local [hbm:s5], s20  }
0x9e: {  	_ =	swait.ge [sflag:s22], s20  }
0x9f: {  	s4 =	ssub.s32 $0x0, s20;
	[sflag:s22] =	ssyncset.done $0x0  }
0xa0: {  	[sflag:s22] =	ssyncadd.s32 s4;
	_ =	sdelay $0x1  }
0xa1: {  	s23 =	simm.s32 $0x1B8B  }
0xa2: {  	_ =	swait.ge [sflag:s23], $0x1  }
0xa3: {  	[sflag:s23] =	ssyncset.done $0x0  }
0xa4: {  	s25 =	simm.s32 $0x1B8E;
	s24 =	sld [smem:$0x3FFE];
	[sflag:s23] =	ssyncadd.s32 $0xFFFFFFFF  }
0xa5: {  	s26 =	simm.s32 $execute0_lowered;
	[smem:$0x3FD2] =	sst s25  }
0xa6: {  	s5 =	sshll.u32 s26, $0x1;
	_ =	strace $0x80000049;
	[dreg:$0x1] =	wrdreg $0xFFFFFFFF  }
0xa7: {  	s28 =	simm.s32 $_size_execute0_lowered;
	s3 =	sadd.s32 s3, s5;
	[dreg:$0x0] =	wrdreg $0x0  }
0xa8: {  	s5 =	sshll.u32 s28, $0x1;
	[dreg:$0x2] =	wrdreg s3  }
0xa9: {  	[dreg:$0x3] =	wrdreg s5  }
0xaa: {  	[dreg:$0x4] =	wrdreg $0xC0  }
0xab: {  	_ =	task [dreg:s7], $0x5FFFF  }
0xac: {  	[dreg:$0x1] =	wrdreg $0xFFFFFFFF  }
0xad: {  	[dreg:$0x0] =	wrdreg $0x60  }
0xae: {  	[dreg:$0x2] =	wrdreg s24  }
0xaf: {  	[dreg:$0x3] =	wrdreg s2  }
0xb0: {  	[dreg:$0x4] =	wrdreg $0xA2000  }
0xb1: {  	[dreg:$0x5] =	wrdreg $0x9  }
0xb2: {  	_ =	task.clear_ibuf [dreg:s7], $0x6FFFF;
	_ =	strace $0x90000049  }
0xb3: {  	s29 =	simm.s32 $0x9;
	_ =	strace $0x8000004B  }
0xb4: {  	_ =	swait.ge [sflag:s29], $0x1  }
0xb5: {  	[sflag:s29] =	ssyncadd.s32 $0xFFFFFFFF  }
0xb6: {  	_ =	strace $0x9000004B  }
0xb7: {  	_ =	sfence  }
0xb8: {  	s30 =	sld [smem:$0x0];
	_ =	sdelay $0x2  }
0xb9: {  	s31 =	sshll.u32 s1, $0xD;
	s1 =	sshrl.u32 s1, $0x2  }
0xba: {  	s3 =	sand.u32 $0x4000, s31;
	s1 =	sadd.s32 s1, s30  }
0xbb: {  	s0 =	sor.u32 s3, s0;
	s1 =	sshll.u32 s1, $0x11  }
0xbc: {  	s0 =	sor.u32 s1, s0  }
0xbd: {  	s0 =	sadd.s32 $0x8F2B, s0  }
0xbe: {  	[sflag:s0] =	ssyncadd.remote.s32 $0x1  }
0xbf: {  	_ =	sfence.sel $0xFFFF  }
0xc0: {  	[dreg:$0x0] =	wrdreg $0xFFFFFFFF;
	(pc) =	sbr.abs _section_cstart, $3  }
0xc1: {  	[dreg:$0x1] =	wrdreg $0xFFFFFFFF  }
0xc2: {  	_ =	task.clear_ibuf [dreg:s7], $0x2FFFF;
	_ =	strace $0x9FFFFFFF  }
0xc3: {  	(tm) =	ssettm $0x7FFFFFFF  }
tec
execute0_lowered:
.L_overlay_start_1:
0x0: {  	(tag) =	ssettag $0x1  }
0x1: {  	s0 =	srdreg.scid;
	s14 =	stileid.u32  }
0x2: {  	s1 =	rddreg [dreg:$0x0];
	s0 =	sand.u32 $0x1, s0;
	s6 =	smul.u32 $0x280, s14  }
0x3: {  	s7 =	rddreg [dreg:$0x1];
	s12 =	smul.u32 $0x2800, s14;
	s2 =	ssub.s32 $0x2, s0  }
0x4: {  	s8 =	sadd.s32 $0x7A00, s1;
	s5 =	smul.u32 $0x2800, s0;
	s3 =	sshrl.u32 s2, $0x1  }
0x5: {  	s9 =	sadd.s32 $0x80, s6;
	s11 =	sadd.s32 $0x100, s6;
	s15 =	sadd.s32 $0xC0, s6  }
0x6: {  	s29 =	sadd.s32 $0x140, s6;
	s30 =	sadd.s32 $0x1C0, s6;
	s0 =	ssub.s32 s2, s3  }
0x7: {  	s2 =	sadd.s32 $0x180, s6;
	s4 =	sadd.s32 s6, s5;
	s3 =	sadd.s32 $0x200, s6  }
0x8: {  	s13 =	sadd.s32 s5, s9;
	s26 =	sadd.s32 s5, s15;
	s16 =	sadd.s32 s5, s11  }
0x9: {  	s18 =	sadd.s32 s5, s29;
	s21 =	sadd.s32 s5, s30;
	s10 =	sshll.u32 s4, $0x4  }
0xa: {  	s4 =	sor.u32 $0x40, s6;
	s25 =	sshll.u32 s13, $0x4;
	s13 =	sshll.u32 s26, $0x4  }
0xb: {  	s17 =	sshll.u32 s16, $0x4;
	s19 =	sadd.s32 s5, s2;
	s22 =	sadd.s32 s5, s3  }
0xc: {  	s6 =	sadd.s32 $0x240, s6;
	s10 =	sadd.s32 s8, s10;
	s24 =	sadd.s32 s5, s4  }
0xd: {  	s26 =	sadd.s32 $0x2000, s1;
	[dreg:$0x4] =	wrdreg s10;
	s10 =	sshll.u32 s24, $0x4  }
0xe: {  	s23 =	sshll.u32 s22, $0x4;
	s24 =	sadd.s32 s5, s6;
	s10 =	sadd.s32 s8, s10  }
0xf: {  	v0 =	vmov s5;
	s5 =	simm.s32 $0x8200;
	[dreg:$0x5] =	wrdreg s10;
	s10 =	sadd.s32 s8, s25  }
0x10: {  	s25 =	sshrl.u32 s12, $0x3;
	[dreg:$0x6] =	wrdreg s10;
	s10 =	sadd.s32 s8, s13  }
0x11: {  	s13 =	sshll.u32 s19, $0x4;
	s19 =	sadd.s32 s7, s25;
	[dreg:$0x7] =	wrdreg s10  }
0x12: {  	s16 =	sor.u32 $0x10, s25;
	s10 =	sadd.s32 s8, s17;
	[dreg:$0xe] =	wrdreg s19  }
0x13: {  	s20 =	sadd.s32 s8, s13;
	s13 =	sshll.u32 s24, $0x4;
	s17 =	rddreg [dreg:$0x2]  }
0x14: {  	s22 =	sadd.s32 s26, s16;
	s19 =	sadd.s32 $0x7200, s1;
	[dreg:$0x8] =	wrdreg s10  }
0x15: {  	s24 =	sshll.u32 s14, $0x6;
	s10 =	sshll.u32 s18, $0x4;
	[dreg:$0xa] =	wrdreg s20  }
0x16: {  	s20 =	sadd.s32 s7, s16;
	[dreg:$0x11] =	wrdreg s22;
	s18 =	smul.u32 $0x50000, s14  }
0x17: {  	s16 =	sshll.u32 s6, $0x7;
	s10 =	sadd.s32 s8, s10;
	[dreg:$0x10] =	wrdreg s20  }
0x18: {  	s6 =	simm.s32 $0x3;
	[dreg:$0x9] =	wrdreg s10;
	s10 =	sshll.u32 s21, $0x4  }
0x19: {  	s21 =	smul.u32 $0x500, s14;
	s14 =	sshll.u32 s29, $0x7;
	s10 =	sadd.s32 s8, s10  }
0x1a: {  	s31 =	sadd.s32 s16, s17;
	s29 =	sadd.s32 s14, s17;
	[dreg:$0xb] =	wrdreg s10  }
0x1b: {  	s10 =	sadd.s32 s8, s23;
	s8 =	sadd.s32 s8, s13;
	s12 =	sadd.s32 s21, s26  }
0x1c: {  	s7 =	sadd.s32 s21, s7;
	s23 =	sshrl.u32 s18, $0x2;
	s18 =	sadd.s32 $0x57A00, s1  }
0x1d: {  	s21 =	sor.u32 $0x1C04, s24;
	s13 =	sshll.u32 s15, $0x7;
	[dreg:$0xc] =	wrdreg s10  }
0x1e: {  	s15 =	sshll.u32 s30, $0x7;
	s10 =	simm.s32 $0x0;
	[dreg:$0xd] =	wrdreg s8  }
0x1f: {  	s8 =	sadd.s32 s26, s25;
	s20 =	sadd.s32 s23, s17;
	s25 =	sshll.u32 s9, $0x7  }
0x20: {  	s26 =	sshll.u32 s11, $0x7;
	s9 =	sshll.u32 s3, $0x7;
	s11 =	sshll.u32 s4, $0x7  }
0x21: {  	s28 =	sadd.s32 s13, s17;
	s30 =	sadd.s32 s15, s17;
	s15 =	smax.u32 s0, $0x1  }
0x22: {  	s3 =	simm.s32 $0x1;
	s4 =	simm.s32 $0x2;
	[smem:$0x7FF] =	sst s10  }
0x23: {  	[dreg:$0xf] =	wrdreg s8;
	s22 =	sadd.s32 s25, s17;
	s23 =	sadd.s32 s26, s17  }
0x24: {  	s8 =	sshll.u32 s2, $0x7;
	s25 =	sadd.s32 s9, s17;
	s26 =	sadd.s32 s11, s17  }
0x25: {  	s9 =	sadd.s32 $0x20, s12;
	s2 =	simm.s32 $0x4;
	_ =	strace $0x8000004A  }
0x26: {  	vm0 =	vmmov $0xffff;
	s24 =	sadd.s32 s8, s17;
	s8 =	sadd.s32 $0x20, s7;
	s7 =	simm.s32 $0x0  }
.LBB2_1:
0x27: {  	s0 =	sshrl.u32 s20, $0x3  }
0x28: {  	[spmem:s0], [sflag:s21] =	dma.local [hbm:s19], $0x800  }
0x29: {  	_ =	swait.ge [sflag:s2], $0x800  }
0x2a: {  	[sflag:s2] =	ssyncset.done $0x0  }
0x2b: {  	s1 =	sshrl.u32 s22, $0x3;
	[sflag:s2] =	ssyncadd.s32 $0xFFFFF800  }
0x2c: {  	[spmem:s1], [sflag:s21] =	dma.local [hbm:s19], $0x800  }
0x2d: {  	_ =	swait.ge [sflag:s2], $0x800  }
0x2e: {  	[sflag:s2] =	ssyncset.done $0x0  }
0x2f: {  	s11 =	sshrl.u32 s23, $0x3;
	[sflag:s2] =	ssyncadd.s32 $0xFFFFF800  }
0x30: {  	[spmem:s11], [sflag:s21] =	dma.local [hbm:s19], $0x800  }
0x31: {  	_ =	swait.ge [sflag:s2], $0x800  }
0x32: {  	[sflag:s2] =	ssyncset.done $0x0  }
0x33: {  	s12 =	sshrl.u32 s24, $0x3;
	[sflag:s2] =	ssyncadd.s32 $0xFFFFF800  }
0x34: {  	[spmem:s12], [sflag:s21] =	dma.local [hbm:s19], $0x800  }
0x35: {  	_ =	swait.ge [sflag:s2], $0x800  }
0x36: {  	[sflag:s2] =	ssyncset.done $0x0  }
0x37: {  	s13 =	sshrl.u32 s25, $0x3;
	[sflag:s2] =	ssyncadd.s32 $0xFFFFF800  }
0x38: {  	[spmem:s13], [sflag:s21] =	dma.local [hbm:s19], $0x800  }
0x39: {  	_ =	swait.ge [sflag:s2], $0x800  }
0x3a: {  	[sflag:s2] =	ssyncset.done $0x0  }
0x3b: {  	[sflag:s2] =	ssyncadd.s32 $0xFFFFF800  }
0x3c: {  	[bflag:$0x0] =	sbarrier.arrive $0xFFFF  }
0x3d: {  	s14 =	rddreg [dreg:$0xe]  }
0x3e: {  	[tilespmem:s10], [sflag:$0x4] =	stream.linear.gather [hbm4b:s14+s10], $0x80, $0x38;
	[tilespmem:$0x1E200] =	vst v63  }
0x3f: {  	_ =	swait.ge [sflag:s2], $0x80  }
0x40: {  	[sflag:s2] =	ssyncset.done $0x0  }
0x41: {  	s1 =	simm.s32 $0x100;
	s16 =	rddreg [dreg:$0xf];
	[sflag:s2] =	ssyncadd.s32 $0xFFFFFF80  }
0x42: {  	[tilespmem:s1], [sflag:$0x4] =	stream.linear.gather [hbm4b:s16+s10], $0x80, $0x38;
	[tilespmem:$0x1E200] =	vst v63  }
0x43: {  	_ =	swait.ge [sflag:s2], $0x80  }
0x44: {  	[sflag:s2] =	ssyncset.done $0x0  }
0x45: {  	[sflag:s2] =	ssyncadd.s32 $0xFFFFFF80  }
0x46: {  	v1 =	vld [tilespmem:$0x0];
	_ =	sdelay $0x4  }
0x47: {  	v1 =	vadd.s32 v0, v1;
	_ =	sdelay $0x3  }
0x48: {  	s1 =	simm.s32 $0x200  }
0x49: {  	[tilespmem:s1], [sflag:$0x1] =	stream.indirect_vreg.gather [hbm4b:s18+s10], $0x80, v1, vm0, $0xb8;
	[tilespmem:$0x1E200] =	vst v63  }
0x4a: {  	v1 =	vld [tilespmem:$0x10];
	_ =	sdelay $0x4  }
0x4b: {  	v1 =	vadd.s32 v0, v1;
	_ =	sdelay $0x3  }
0x4c: {  	s11 =	simm.s32 $0xA00  }
0x4d: {  	[tilespmem:s11], [sflag:$0x1] =	stream.indirect_vreg.gather [hbm4b:s18+s10], $0x80, v1, vm0, $0xb8;
	[tilespmem:$0x1E200] =	vst v63  }
0x4e: {  	v1 =	vld [tilespmem:$0x20];
	_ =	sdelay $0x4  }
0x4f: {  	v1 =	vadd.s32 v0, v1;
	_ =	sdelay $0x3  }
0x50: {  	s12 =	simm.s32 $0x1200  }
0x51: {  	[tilespmem:s12], [sflag:$0x1] =	stream.indirect_vreg.gather [hbm4b:s18+s10], $0x80, v1, vm0, $0xb8;
	[tilespmem:$0x1E200] =	vst v63  }
0x52: {  	v1 =	vld [tilespmem:$0x30];
	_ =	sdelay $0x4  }
0x53: {  	v1 =	vadd.s32 v0, v1;
	_ =	sdelay $0x3  }
0x54: {  	s13 =	simm.s32 $0x1A00  }
0x55: {  	[tilespmem:s13], [sflag:$0x1] =	stream.indirect_vreg.gather [hbm4b:s18+s10], $0x80, v1, vm0, $0xb8;
	[tilespmem:$0x1E200] =	vst v63  }
0x56: {  	v1 =	vld [tilespmem:$0x40];
	_ =	sdelay $0x4  }
0x57: {  	v1 =	vadd.s32 v0, v1;
	_ =	sdelay $0x3  }
0x58: {  	s14 =	simm.s32 $0x2200  }
0x59: {  	[tilespmem:s14], [sflag:$0x1] =	stream.indirect_vreg.gather [hbm4b:s18+s10], $0x80, v1, vm0, $0xb8;
	[tilespmem:$0x1E200] =	vst v63  }
0x5a: {  	v1 =	vld [tilespmem:$0x50];
	_ =	sdelay $0x4  }
0x5b: {  	v1 =	vadd.s32 v0, v1;
	_ =	sdelay $0x3  }
0x5c: {  	s16 =	simm.s32 $0x2A00  }
0x5d: {  	[tilespmem:s16], [sflag:$0x1] =	stream.indirect_vreg.gather [hbm4b:s18+s10], $0x80, v1, vm0, $0xb8;
	[tilespmem:$0x1E200] =	vst v63  }
0x5e: {  	v1 =	vld [tilespmem:$0x60];
	_ =	sdelay $0x4  }
0x5f: {  	v1 =	vadd.s32 v0, v1;
	_ =	sdelay $0x3  }
0x60: {  	s1 =	simm.s32 $0x3200  }
0x61: {  	[tilespmem:s1], [sflag:$0x1] =	stream.indirect_vreg.gather [hbm4b:s18+s10], $0x80, v1, vm0, $0xb8;
	[tilespmem:$0x1E200] =	vst v63  }
0x62: {  	v1 =	vld [tilespmem:$0x70];
	_ =	sdelay $0x4  }
0x63: {  	v1 =	vadd.s32 v0, v1;
	_ =	sdelay $0x3  }
0x64: {  	s0 =	smov.u32 s9;
	s11 =	simm.s32 $0x3A00;
	s12 =	rddreg [dreg:$0x10]  }
0x65: {  	[tilespmem:s11], [sflag:$0x1] =	stream.indirect_vreg.gather [hbm4b:s18+s10], $0x80, v1, vm0, $0xb8;
	[tilespmem:$0x1E200] =	vst v63  }
0x66: {  	s13 =	simm.s32 $0x80;
	s14 =	rddreg [dreg:$0x11];
	s16 =	simm.s32 $0x180  }
0x67: {  	[tilespmem:s13], [sflag:$0x3] =	stream.linear.gather [hbm4b:s12+s10], $0x80, $0x38;
	[tilespmem:$0x1E200] =	vst v63  }
0x68: {  	s1 =	smov.u32 s8;
	s11 =	simm.s32 $0x0;
	s12 =	simm.s32 $0x0  }
0x69: {  	[tilespmem:s16], [sflag:$0x3] =	stream.linear.gather [hbm4b:s14+s10], $0x80, $0x38;
	[tilespmem:$0x1E200] =	vst v63  }
.LBB2_2:
0x6a: {  	p0 =	seq.s32 s11, $0x0  }
0x6b: {  	s13 =	simm.s32 @!p0 $0x2  }
0x6c: {  	_ =	swait.ge @!p0 [sflag:s13], $0x4000  }
0x6d: {  	p1 =	seq.s32 @!p0 s11, $0x2780;
	[sflag:s13] =	ssyncset.done @!p0 $0x0  }
0x6e: {  	p1 =	por p0, !p1;
	[sflag:s13] =	ssyncadd.s32 @!p0 $0xFFFFC000  }
0x6f: {  	_ =	swait.ge @p1 [sflag:s6], $0x80  }
0x70: {  	[sflag:s6] =	ssyncset.done @p1 $0x0  }
0x71: {  	[sflag:s6] =	ssyncadd.s32 @p1 $0xFFFFFF80  }
0x72: {  	_ =	swait.ge @p1 [sflag:s6], $0x80  }
0x73: {  	s13 =	sxor.u32 @p1 $0xFFFFFFFF, s11;
	[sflag:s6] =	ssyncset.done @p1 $0x0  }
0x74: {  	s13 =	sand.u32 @p1 $0x80, s13;
	[sflag:s6] =	ssyncadd.s32 @p1 $0xFFFFFF80  }
0x75: {  	v1 =	vld @p1 [tilespmem:s13+$0x0];
	_ =	sdelay $0x4  }
0x76: {  	v1 =	vadd.s32 @p1 v0, v1;
	_ =	sdelay $0x2  }
0x77: {  	s14 =	sshll.u32 @p1 s13, $0x7  }
0x78: {  	s16 =	sor.u32 @p1 $0x200, s14  }
0x79: {  	[tilespmem:s16], [sflag:$0x1] =	stream.indirect_vreg.gather @p1 [hbm4b:s18+s10], $0x80, v1, vm0, $0xb8;
	[tilespmem:$0x1E200] =	vst v63  }
0x7a: {  	v1 =	vld @p1 [tilespmem:s13+$0x10];
	_ =	sdelay $0x4  }
0x7b: {  	v1 =	vadd.s32 @p1 v0, v1;
	_ =	sdelay $0x3  }
0x7c: {  	s16 =	sor.u32 @p1 $0xA00, s14  }
0x7d: {  	[tilespmem:s16], [sflag:$0x1] =	stream.indirect_vreg.gather @p1 [hbm4b:s18+s10], $0x80, v1, vm0, $0xb8;
	[tilespmem:$0x1E200] =	vst v63  }
0x7e: {  	v1 =	vld @p1 [tilespmem:s13+$0x20];
	_ =	sdelay $0x4  }
0x7f: {  	v1 =	vadd.s32 @p1 v0, v1;
	_ =	sdelay $0x3  }
0x80: {  	s16 =	sor.u32 @p1 $0x1200, s14  }
0x81: {  	[tilespmem:s16], [sflag:$0x1] =	stream.indirect_vreg.gather @p1 [hbm4b:s18+s10], $0x80, v1, vm0, $0xb8;
	[tilespmem:$0x1E200] =	vst v63  }
0x82: {  	v1 =	vld @p1 [tilespmem:s13+$0x30];
	_ =	sdelay $0x4  }
0x83: {  	v1 =	vadd.s32 @p1 v0, v1;
	_ =	sdelay $0x3  }
0x84: {  	s16 =	sor.u32 @p1 $0x1A00, s14  }
0x85: {  	[tilespmem:s16], [sflag:$0x1] =	stream.indirect_vreg.gather @p1 [hbm4b:s18+s10], $0x80, v1, vm0, $0xb8;
	[tilespmem:$0x1E200] =	vst v63  }
0x86: {  	v1 =	vld @p1 [tilespmem:s13+$0x40];
	_ =	sdelay $0x4  }
0x87: {  	v1 =	vadd.s32 @p1 v0, v1;
	_ =	sdelay $0x3  }
0x88: {  	s16 =	sor.u32 @p1 $0x2200, s14  }
0x89: {  	[tilespmem:s16], [sflag:$0x1] =	stream.indirect_vreg.gather @p1 [hbm4b:s18+s10], $0x80, v1, vm0, $0xb8;
	[tilespmem:$0x1E200] =	vst v63  }
0x8a: {  	v1 =	vld @p1 [tilespmem:s13+$0x50];
	_ =	sdelay $0x4  }
0x8b: {  	v1 =	vadd.s32 @p1 v0, v1;
	_ =	sdelay $0x3  }
0x8c: {  	s16 =	sor.u32 @p1 $0x2A00, s14  }
0x8d: {  	[tilespmem:s16], [sflag:$0x1] =	stream.indirect_vreg.gather @p1 [hbm4b:s18+s10], $0x80, v1, vm0, $0xb8;
	[tilespmem:$0x1E200] =	vst v63  }
0x8e: {  	v1 =	vld @p1 [tilespmem:s13+$0x60];
	_ =	sdelay $0x4  }
0x8f: {  	v1 =	vadd.s32 @p1 v0, v1;
	_ =	sdelay $0x3  }
0x90: {  	s16 =	sor.u32 @p1 $0x3200, s14  }
0x91: {  	[tilespmem:s16], [sflag:$0x1] =	stream.indirect_vreg.gather @p1 [hbm4b:s18+s10], $0x80, v1, vm0, $0xb8;
	[tilespmem:$0x1E200] =	vst v63  }
0x92: {  	v1 =	vld @p1 [tilespmem:s13+$0x70];
	_ =	sdelay $0x4  }
0x93: {  	v1 =	vadd.s32 @p1 v0, v1;
	_ =	sdelay $0x3  }
0x94: {  	s13 =	sor.u32 @p1 $0x3A00, s14  }
0x95: {  	[tilespmem:s13], [sflag:$0x1] =	stream.indirect_vreg.gather @p1 [hbm4b:s18+s10], $0x80, v1, vm0, $0xb8;
	[tilespmem:$0x1E200] =	vst v63  }
0x96: {  	_ =	swait.ge [sflag:s3], $0x4000  }
0x97: {  	[sflag:s3] =	ssyncset.done $0x0  }
0x98: {  	s13 =	sand.u32 $0x80, s11;
	[sflag:s3] =	ssyncadd.s32 $0xFFFFC000  }
0x99: {  	v1 =	vld [tilespmem:s13+$0x100];
	_ =	sdelay $0x5  }
0x9a: {  	s14 =	sshll.u32 s13, $0x7  }
0x9b: {  	s16 =	sor.u32 $0x200, s14  }
0x9c: {  	[spmem:s17] =	stream.indirect_vreg.scatter.add.f32 [tilespmem:s16], [sflag:$0x2], $0x80, v1, vm0, $0xb8;
	[tilespmem:$0x1E200] =	vst v63  }
0x9d: {  	v1 =	vld [tilespmem:s13+$0x110];
	_ =	sdelay $0x6  }
0x9e: {  	s16 =	sor.u32 $0xA00, s14  }
0x9f: {  	[spmem:s17] =	stream.indirect_vreg.scatter.add.f32 [tilespmem:s16], [sflag:$0x2], $0x80, v1, vm0, $0xb8;
	[tilespmem:$0x1E200] =	vst v63  }
0xa0: {  	v1 =	vld [tilespmem:s13+$0x120];
	_ =	sdelay $0x6  }
0xa1: {  	s16 =	sor.u32 $0x1200, s14  }
0xa2: {  	[spmem:s17] =	stream.indirect_vreg.scatter.add.f32 [tilespmem:s16], [sflag:$0x2], $0x80, v1, vm0, $0xb8;
	[tilespmem:$0x1E200] =	vst v63  }
0xa3: {  	v1 =	vld [tilespmem:s13+$0x130];
	_ =	sdelay $0x6  }
0xa4: {  	s16 =	sor.u32 $0x1A00, s14  }
0xa5: {  	[spmem:s17] =	stream.indirect_vreg.scatter.add.f32 [tilespmem:s16], [sflag:$0x2], $0x80, v1, vm0, $0xb8;
	[tilespmem:$0x1E200] =	vst v63  }
0xa6: {  	v1 =	vld [tilespmem:s13+$0x140];
	_ =	sdelay $0x6  }
0xa7: {  	s16 =	sor.u32 $0x2200, s14  }
0xa8: {  	[spmem:s17] =	stream.indirect_vreg.scatter.add.f32 [tilespmem:s16], [sflag:$0x2], $0x80, v1, vm0, $0xb8;
	[tilespmem:$0x1E200] =	vst v63  }
0xa9: {  	v1 =	vld [tilespmem:s13+$0x150];
	_ =	sdelay $0x6  }
0xaa: {  	s16 =	sor.u32 $0x2A00, s14  }
0xab: {  	[spmem:s17] =	stream.indirect_vreg.scatter.add.f32 [tilespmem:s16], [sflag:$0x2], $0x80, v1, vm0, $0xb8;
	[tilespmem:$0x1E200] =	vst v63  }
0xac: {  	v1 =	vld [tilespmem:s13+$0x160];
	_ =	sdelay $0x6  }
0xad: {  	s16 =	sor.u32 $0x3200, s14  }
0xae: {  	[spmem:s17] =	stream.indirect_vreg.scatter.add.f32 [tilespmem:s16], [sflag:$0x2], $0x80, v1, vm0, $0xb8;
	[tilespmem:$0x1E200] =	vst v63  }
0xaf: {  	v1 =	vld [tilespmem:s13+$0x170];
	_ =	sdelay $0x6  }
0xb0: {  	p0 =	sgt.u32 s12, $0x4D;
	s14 =	sor.u32 $0x3A00, s14  }
0xb1: {  	[spmem:s17] =	stream.indirect_vreg.scatter.add.f32 [tilespmem:s14], [sflag:$0x2], $0x80, v1, vm0, $0xb8;
	[tilespmem:$0x1E200] =	vst v63  }
0xb2: {  	s14 =	simm.s32 @!p0 $0x0  }
0xb3: {  	[tilespmem:s13], [sflag:$0x3] =	stream.linear.gather @!p0 [hbm4b:s1+s14], $0x80, $0x38;
	[tilespmem:$0x1E200] =	vst v63  }
0xb4: {  	s11 =	sadd.s32 $0x80, s11;
	s13 =	sor.u32 $0x100, s13  }
0xb5: {  	[tilespmem:s13], [sflag:$0x3] =	stream.linear.gather @!p0 [hbm4b:s0+s14], $0x80, $0x38;
	[tilespmem:$0x1E200] =	vst v63  }
0xb6: {  	p0 =	sne.s32 s11, $0x2800  }
.Ltmp0:
0xb7: {  	_ = 	snop;
	(pc) =	sbr.rel @p0 .LBB2_2-.Ltmp0, $2  }
0xb8: {  	_ =	sdelay $0x2  }
0xb9: {  	s12 =	sadd.s32 $0x1, s12;
	s1 =	sadd.s32 $0x10, s1;
	s0 =	sadd.s32 $0x10, s0  }
0xba: {  	_ =	swait.ge [sflag:s4], $0x4000  }
0xbb: {  	[sflag:s4] =	ssyncset.done $0x0  }
0xbc: {  	[sflag:s4] =	ssyncadd.s32 $0xFFFFC000  }
0xbd: {  	[bflag:$0x0] =	sbarrier.arrive $0xFFFF  }
0xbe: {  	[tilespmem:s5], [sflag:$0x4] =	stream.linear.gather [spmem:s20], $0x2000, $0x38;
	[tilespmem:$0x1E200] =	vst v63  }
0xbf: {  	_ =	swait.ge [sflag:s2], $0x2000  }
0xc0: {  	[sflag:s2] =	ssyncset.done $0x0  }
0xc1: {  	s0 =	rddreg [dreg:$0x4];
	[sflag:s2] =	ssyncadd.s32 $0xFFFFE000  }
0xc2: {  	[hbm4b:s0+s10] =	stream.linear.scatter [tilespmem:s5], [sflag:$0x4], $0x2000, $0x38;
	[tilespmem:$0x1E200] =	vst v63  }
0xc3: {  	_ =	swait.ge [sflag:s2], $0x2000  }
0xc4: {  	[sflag:s2] =	ssyncset.done $0x0  }
0xc5: {  	[sflag:s2] =	ssyncadd.s32 $0xFFFFE000  }
0xc6: {  	[tilespmem:s5], [sflag:$0x4] =	stream.linear.gather [spmem:s26], $0x2000, $0x38;
	[tilespmem:$0x1E200] =	vst v63  }
0xc7: {  	_ =	swait.ge [sflag:s2], $0x2000  }
0xc8: {  	[sflag:s2] =	ssyncset.done $0x0  }
0xc9: {  	s13 =	rddreg [dreg:$0x5];
	[sflag:s2] =	ssyncadd.s32 $0xFFFFE000  }
0xca: {  	[hbm4b:s13+s10] =	stream.linear.scatter [tilespmem:s5], [sflag:$0x4], $0x2000, $0x38;
	[tilespmem:$0x1E200] =	vst v63  }
0xcb: {  	_ =	swait.ge [sflag:s2], $0x2000  }
0xcc: {  	[sflag:s2] =	ssyncset.done $0x0  }
0xcd: {  	[sflag:s2] =	ssyncadd.s32 $0xFFFFE000  }
0xce: {  	[tilespmem:s5], [sflag:$0x4] =	stream.linear.gather [spmem:s22], $0x2000, $0x38;
	[tilespmem:$0x1E200] =	vst v63  }
0xcf: {  	_ =	swait.ge [sflag:s2], $0x2000  }
0xd0: {  	[sflag:s2] =	ssyncset.done $0x0  }
0xd1: {  	s14 =	rddreg [dreg:$0x6];
	[sflag:s2] =	ssyncadd.s32 $0xFFFFE000  }
0xd2: {  	[hbm4b:s14+s10] =	stream.linear.scatter [tilespmem:s5], [sflag:$0x4], $0x2000, $0x38;
	[tilespmem:$0x1E200] =	vst v63  }
0xd3: {  	_ =	swait.ge [sflag:s2], $0x2000  }
0xd4: {  	[sflag:s2] =	ssyncset.done $0x0  }
0xd5: {  	[sflag:s2] =	ssyncadd.s32 $0xFFFFE000  }
0xd6: {  	[tilespmem:s5], [sflag:$0x4] =	stream.linear.gather [spmem:s28], $0x2000, $0x38;
	[tilespmem:$0x1E200] =	vst v63  }
0xd7: {  	_ =	swait.ge [sflag:s2], $0x2000  }
0xd8: {  	[sflag:s2] =	ssyncset.done $0x0  }
0xd9: {  	s16 =	rddreg [dreg:$0x7];
	[sflag:s2] =	ssyncadd.s32 $0xFFFFE000  }
0xda: {  	[hbm4b:s16+s10] =	stream.linear.scatter [tilespmem:s5], [sflag:$0x4], $0x2000, $0x38;
	[tilespmem:$0x1E200] =	vst v63  }
0xdb: {  	_ =	swait.ge [sflag:s2], $0x2000  }
0xdc: {  	[sflag:s2] =	ssyncset.done $0x0  }
0xdd: {  	[sflag:s2] =	ssyncadd.s32 $0xFFFFE000  }
0xde: {  	[tilespmem:s5], [sflag:$0x4] =	stream.linear.gather [spmem:s23], $0x2000, $0x38;
	[tilespmem:$0x1E200] =	vst v63  }
0xdf: {  	_ =	swait.ge [sflag:s2], $0x2000  }
0xe0: {  	[sflag:s2] =	ssyncset.done $0x0  }
0xe1: {  	s1 =	rddreg [dreg:$0x8];
	[sflag:s2] =	ssyncadd.s32 $0xFFFFE000  }
0xe2: {  	[hbm4b:s1+s10] =	stream.linear.scatter [tilespmem:s5], [sflag:$0x4], $0x2000, $0x38;
	[tilespmem:$0x1E200] =	vst v63  }
0xe3: {  	_ =	swait.ge [sflag:s2], $0x2000  }
0xe4: {  	[sflag:s2] =	ssyncset.done $0x0  }
0xe5: {  	[sflag:s2] =	ssyncadd.s32 $0xFFFFE000  }
0xe6: {  	[tilespmem:s5], [sflag:$0x4] =	stream.linear.gather [spmem:s29], $0x2000, $0x38;
	[tilespmem:$0x1E200] =	vst v63  }
0xe7: {  	_ =	swait.ge [sflag:s2], $0x2000  }
0xe8: {  	[sflag:s2] =	ssyncset.done $0x0  }
0xe9: {  	s11 =	rddreg [dreg:$0x9];
	[sflag:s2] =	ssyncadd.s32 $0xFFFFE000  }
0xea: {  	[hbm4b:s11+s10] =	stream.linear.scatter [tilespmem:s5], [sflag:$0x4], $0x2000, $0x38;
	[tilespmem:$0x1E200] =	vst v63  }
0xeb: {  	_ =	swait.ge [sflag:s2], $0x2000  }
0xec: {  	[sflag:s2] =	ssyncset.done $0x0  }
0xed: {  	[sflag:s2] =	ssyncadd.s32 $0xFFFFE000  }
0xee: {  	[tilespmem:s5], [sflag:$0x4] =	stream.linear.gather [spmem:s24], $0x2000, $0x38;
	[tilespmem:$0x1E200] =	vst v63  }
0xef: {  	_ =	swait.ge [sflag:s2], $0x2000  }
0xf0: {  	[sflag:s2] =	ssyncset.done $0x0  }
0xf1: {  	s12 =	rddreg [dreg:$0xa];
	[sflag:s2] =	ssyncadd.s32 $0xFFFFE000  }
0xf2: {  	[hbm4b:s12+s10] =	stream.linear.scatter [tilespmem:s5], [sflag:$0x4], $0x2000, $0x38;
	[tilespmem:$0x1E200] =	vst v63  }
0xf3: {  	_ =	swait.ge [sflag:s2], $0x2000  }
0xf4: {  	[sflag:s2] =	ssyncset.done $0x0  }
0xf5: {  	[sflag:s2] =	ssyncadd.s32 $0xFFFFE000  }
0xf6: {  	[tilespmem:s5], [sflag:$0x4] =	stream.linear.gather [spmem:s30], $0x2000, $0x38;
	[tilespmem:$0x1E200] =	vst v63  }
0xf7: {  	_ =	swait.ge [sflag:s2], $0x2000  }
0xf8: {  	[sflag:s2] =	ssyncset.done $0x0  }
0xf9: {  	s13 =	rddreg [dreg:$0xb];
	[sflag:s2] =	ssyncadd.s32 $0xFFFFE000  }
0xfa: {  	[hbm4b:s13+s10] =	stream.linear.scatter [tilespmem:s5], [sflag:$0x4], $0x2000, $0x38;
	[tilespmem:$0x1E200] =	vst v63  }
0xfb: {  	_ =	swait.ge [sflag:s2], $0x2000  }
0xfc: {  	[sflag:s2] =	ssyncset.done $0x0  }
0xfd: {  	[sflag:s2] =	ssyncadd.s32 $0xFFFFE000  }
0xfe: {  	[tilespmem:s5], [sflag:$0x4] =	stream.linear.gather [spmem:s25], $0x2000, $0x38;
	[tilespmem:$0x1E200] =	vst v63  }
0xff: {  	_ =	swait.ge [sflag:s2], $0x2000  }
0x100: {  	[sflag:s2] =	ssyncset.done $0x0  }
0x101: {  	s14 =	rddreg [dreg:$0xc];
	[sflag:s2] =	ssyncadd.s32 $0xFFFFE000  }
0x102: {  	[hbm4b:s14+s10] =	stream.linear.scatter [tilespmem:s5], [sflag:$0x4], $0x2000, $0x38;
	[tilespmem:$0x1E200] =	vst v63  }
0x103: {  	_ =	swait.ge [sflag:s2], $0x2000  }
0x104: {  	[sflag:s2] =	ssyncset.done $0x0  }
0x105: {  	[sflag:s2] =	ssyncadd.s32 $0xFFFFE000  }
0x106: {  	[tilespmem:s5], [sflag:$0x4] =	stream.linear.gather [spmem:s31], $0x2000, $0x38;
	[tilespmem:$0x1E200] =	vst v63  }
0x107: {  	s7 =	sadd.s32 $0x1, s7;
	_ =	swait.ge [sflag:s2], $0x2000  }
0x108: {  	p0 =	sne.s32 s7, s15;
	[sflag:s2] =	ssyncset.done $0x0  }
.Ltmp1:
0x109: {  	s16 =	rddreg [dreg:$0xd];
	[sflag:s2] =	ssyncadd.s32 $0xFFFFE000;
	(pc) =	sbr.rel @p0 .LBB2_1-.Ltmp1, $4  }
0x10a: {  	[hbm4b:s16+s10] =	stream.linear.scatter [tilespmem:s5], [sflag:$0x4], $0x2000, $0x38;
	[tilespmem:$0x1E200] =	vst v63  }
0x10b: {  	_ =	swait.ge [sflag:s2], $0x2000  }
0x10c: {  	[sflag:s2] =	ssyncset.done $0x0  }
0x10d: {  	[sflag:s2] =	ssyncadd.s32 $0xFFFFE000  }
0x10e: {  	_ =	sfence.sel $0x180000  }
0x10f: {  	[bflag:$0x0] =	sbarrier.arrive $0xFFFF  }
0x110: {  	_ =	strace $0x9000004A  }
0x111: {  	s0 =	stileid.u32;
	[bflag:$0x2] =	sbarrier.arrive $0xFFFF  }
0x112: {  	p0 =	sne.s32 s0, $0x0;
	s0 =	rddreg [dreg:$0x3]  }
0x113: {  	s0 =	sadd.s32 @!p0 $0x100000, s0  }
0x114: {  	[sflag:s0] =	ssyncadd.tile.s32 @!p0 $0x1;
	_ =	shalt  }
.Lfunc_end2:
_tile_overlayer_lowered:
.L_overlay_start_2:
0x115: {  	(tag) =	ssettag $0x2  }
0x116: {  	s0 =	rddreg [dreg:$0x0];
	s2 =	stileid.u32  }
0x117: {  	s1 =	rddreg [dreg:$0x1];
	p0 =	sne.s32 s2, $0x0  }
0x118: {  	s3 =	rddreg [dreg:$0x2];
	[bflag:$0x3] =	sbarrier.arrive $0xFFFF;
	s2 =	simm.s32 @!p0 $0x1C04  }
0x119: {  	[timem:s3], [sflag:s2] =	dma.local @!p0 [hbm:s0], s1  }
0x11a: {  	s0 =	simm.s32 @!p0 $0x4  }
0x11b: {  	_ =	swait.ge @!p0 [sflag:s0], s1  }
0x11c: {  	s1 =	ssub.s32 @!p0 $0x0, s1;
	[sflag:s0] =	ssyncset.done @!p0 $0x0  }
0x11d: {  	[sflag:s0] =	ssyncadd.s32 @!p0 s1  }
0x11e: {  	[bflag:$0x3] =	sbarrier.arrive $0xFFFF  }
0x11f: {  	_ =	shalt  }

// kernel: kernel.14.cloned.1.call-start
scs
__scs_entry_jumppad:
0x0: {  	(pc) =	sbr.rel $0x88, $3  }
0x1: {  	(tag) =	ssettag $0x0;
	lr =	simm.s32 $0x1  }
0x2: {  	[smem:$0x3F9B] =	sst lr;
	_ =	strace $0xD0000000  }
0x3: {  	_ = 	snop  }
0x4: {  	_ = 	snop  }
0x5: {  	_ = 	snop  }
0x6: {  	_ = 	snop  }
0x7: {  	_ = 	snop  }
__scs_overlays_trampoline_lowered:
0x8: {  	[smem:$0x3FAA] =	sst s0  }
0x9: {  	[smem:$0x3FAB] =	sst s1  }
0xa: {  	[smem:$0x3FAC] =	sst s2  }
0xb: {  	[smem:$0x3FAD] =	sst s3  }
0xc: {  	[smem:$0x3FAE] =	sst s4  }
0xd: {  	[smem:$0x3FAF] =	sst s5  }
0xe: {  	[smem:$0x3FB0] =	sst s6  }
0xf: {  	[smem:$0x3FB1] =	sst s7  }
0x10: {  	[smem:$0x3FB2] =	sst s8  }
0x11: {  	[smem:$0x3FB3] =	sst s9;
	s0 =	simm.s32 @!p0 $0x0  }
0x12: {  	s1 =	sld [smem:$0x3F99];
	s0 =	simm.s32 @p0 $0x1  }
0x13: {  	[smem:$0x3FB4] =	sst s0;
	s0 =	simm.s32 @!p1 $0x0  }
0x14: {  	s2 =	sld [smem:$0x3F98];
	s0 =	simm.s32 @p1 $0x1  }
0x15: {  	[smem:$0x3FB5] =	sst s0;
	s0 =	simm.s32 @!p2 $0x0  }
0x16: {  	s3 =	sld [smem:$0x3FDB];
	s0 =	simm.s32 @p2 $0x1  }
0x17: {  	s4 =	simm.s32 $0x1BF5;
	[smem:$0x3FB7] =	sst s0  }
0x18: {  	s0 =	sld [smem:$0x3F9A];
	_ =	swait.ge [sflag:s4], $0x0  }
0x19: {  	s7 =	sld [smem:$0x3F9B]  }
0x1a: {  	s8 =	sadd.s32 $0xFFFFE003, lr  }
0x1b: {  	s9 =	sadd.s32 $0xFFFFFEF7, lr;
	s5 =	simm.s32 $0xFFFFFFFF;
	p2 =	slt.u32 s8, $0xFFFFF086  }
0x1c: {  	p1 =	slt.u32 s9, $0xF7A;
	s5 =	simm.s32 @!p2 $0x0  }
0x1d: {  	s5 =	simm.s32 @p1 $0x1;
	p0 =	seq.s32 s7, s2  }
0x1e: {  	s7 =	smul.u32 @!p0 $0xF7A, s2;
	p2 =	seq.s32 @!p0 s5, $0x0  }
0x1f: {  	s9 =	smul.u32 $0xF7A, s1;
	s8 =	simm.s32 @!p0 $0x1BF5;
	p2 =	por !p2, p0  }
0x20: {  	[sflag:s8] =	ssyncset.s32 @!p0 $0xFFFFF086;
	s6 =	sadd.s32 @!p0 s3, s7;
	s7 =	simm.s32 @!p0 $0x108  }
0x21: {  	s3 =	sadd.s32 s3, s9;
	s6 =	sadd.s32 @!p0 $0x88, s6;
	s7 =	simm.s32 @p2 $0x1082  }
0x22: {  	[simem:s7], [sflag:s8] =	dma.local @!p0 [hbm:s6], $0xF7A  }
0x23: {  	s9 =	sor.u32 $0xD0000000, s2;
	s6 =	simm.s32 $0x108;
	_ =	swait.ge @!p0 [sflag:s8], $0x0  }
0x24: {  	s3 =	sadd.s32 $0x88, s3;
	s6 =	simm.s32 @!p1 $0x1082;
	[sflag:s4] =	ssyncset.s32 $0xFFFFF086  }
0x25: {  	[simem:s6], [sflag:s4] =	dma.local [hbm:s3], $0xF7A  }
0x26: {  	[smem:$0x3F9B] =	sst s1;
	(tag) =	ssettag s2;
	_ =	strace s9  }
0x27: {  	s1 =	sld [smem:$0x3FAB]  }
0x28: {  	s2 =	sld [smem:$0x3FAC]  }
0x29: {  	s4 =	sld [smem:$0x3FAE]  }
0x2a: {  	p0 =	seq.s32 s5, $0x0;
	s5 =	sld [smem:$0x3FAF]  }
0x2b: {  	s6 =	sld [smem:$0x3FB0]  }
0x2c: {  	s7 =	sld [smem:$0x3FB1]  }
0x2d: {  	s3 =	simm.s32 $0x108;
	s8 =	sld [smem:$0x3FB2]  }
0x2e: {  	s3 =	simm.s32 @!p0 $0x1082;
	s9 =	sld [smem:$0x3FB3]  }
0x2f: {  	lr =	sadd.s32 s0, s3;
	s0 =	sld [smem:$0x3FAA]  }
0x30: {  	s3 =	sld [smem:$0x3FAD]  }
0x31: {  	[smem:$0x3FB6] =	sst s10  }
0x32: {  	s10 =	sld [smem:$0x3FB4];
	_ =	sdelay $0x3  }
0x33: {  	p0 =	seq.s32 s10, $0x1;
	s10 =	sld [smem:$0x3FB6];
	_ =	sdelay $0x3  }
0x34: {  	[smem:$0x3FB6] =	sst s10  }
0x35: {  	s10 =	sld [smem:$0x3FB5];
	_ =	sdelay $0x3  }
0x36: {  	p1 =	seq.s32 s10, $0x1;
	s10 =	sld [smem:$0x3FB6];
	_ =	sdelay $0x3  }
0x37: {  	[smem:$0x3FB6] =	sst s10  }
0x38: {  	s10 =	sld [smem:$0x3FB7]  }
0x39: {  	_ = 	snop;
	(pc) =	sbr.ind lr, $3  }
0x3a: {  	_ = 	snop  }
0x3b: {  	_ = 	snop  }
0x3c: {  	p2 =	seq.s32 s10, $0x1;
	s10 =	sld [smem:$0x3FB6]  }
0x3d: {  	_ =	shalt  }
0x3e: {  	_ =	shalt  }
0x3f: {  	_ =	shalt  }
0x40: {  	_ =	shalt  }
0x41: {  	_ =	shalt  }
0x42: {  	_ =	shalt  }
0x43: {  	_ =	shalt  }
0x44: {  	_ =	shalt  }
0x45: {  	_ =	shalt  }
0x46: {  	_ =	shalt  }
0x47: {  	_ =	shalt  }
0x48: {  	_ =	shalt  }
0x49: {  	_ =	shalt  }
0x4a: {  	_ =	shalt  }
0x4b: {  	_ =	shalt  }
0x4c: {  	_ =	shalt  }
0x4d: {  	_ =	shalt  }
0x4e: {  	_ =	shalt  }
0x4f: {  	_ =	shalt  }
0x50: {  	_ =	shalt  }
0x51: {  	_ =	shalt  }
0x52: {  	_ =	shalt  }
0x53: {  	_ =	shalt  }
0x54: {  	_ =	shalt  }
0x55: {  	_ =	shalt  }
0x56: {  	_ =	shalt  }
0x57: {  	_ =	shalt  }
0x58: {  	_ =	shalt  }
0x59: {  	_ =	shalt  }
0x5a: {  	_ =	shalt  }
0x5b: {  	_ =	shalt  }
0x5c: {  	_ =	shalt  }
0x5d: {  	_ =	shalt  }
0x5e: {  	_ =	shalt  }
0x5f: {  	_ =	shalt  }
0x60: {  	_ =	shalt  }
0x61: {  	_ =	shalt  }
0x62: {  	_ =	shalt  }
0x63: {  	_ =	shalt  }
0x64: {  	_ =	shalt  }
0x65: {  	_ =	shalt  }
0x66: {  	_ =	shalt  }
0x67: {  	_ =	shalt  }
0x68: {  	_ =	shalt  }
0x69: {  	_ =	shalt  }
0x6a: {  	_ =	shalt  }
0x6b: {  	_ =	shalt  }
0x6c: {  	_ =	shalt  }
0x6d: {  	_ =	shalt  }
0x6e: {  	_ =	shalt  }
0x6f: {  	_ =	shalt  }
0x70: {  	_ =	shalt  }
0x71: {  	_ =	shalt  }
0x72: {  	_ =	shalt  }
0x73: {  	_ =	shalt  }
0x74: {  	_ =	shalt  }
0x75: {  	_ =	shalt  }
0x76: {  	_ =	shalt  }
0x77: {  	_ =	shalt  }
0x78: {  	_ =	shalt  }
0x79: {  	_ =	shalt  }
0x7a: {  	_ =	shalt  }
0x7b: {  	_ =	shalt  }
0x7c: {  	_ =	shalt  }
0x7d: {  	_ =	shalt  }
0x7e: {  	_ =	shalt  }
0x7f: {  	_ =	shalt  }
0x80: {  	_ =	shalt  }
0x81: {  	_ =	shalt  }
0x82: {  	_ =	shalt  }
0x83: {  	_ =	shalt  }
0x84: {  	_ =	shalt  }
0x85: {  	_ =	shalt  }
0x86: {  	_ =	shalt  }
0x87: {  	_ =	shalt  }
.Lfunc_end0:
.L_simem_size_0:
called_computation.2_lowered:
.L_overlay_start_0:
0x88: {  	s2 =	sld [smem:$0x3FD9]  }
0x89: {  	s3 =	sld [smem:$0x3FFE];
	_ =	sdelay $0x1  }
0x8a: {  	s1 =	srdreg.scid  }
0x8b: {  	s0 =	sand.u32 $0x1, s1  }
0x8c: {  	s17 =	sshll.u32 s0, $0xA;
	s2 =	sadd.s32 s3, s2  }
0x8d: {  	s2 =	sadd.s32 s2, s17  }
0x8e: {  	[smem:$0x3FC2] =	sst s2  }
0x8f: {  	_ = 	snop  }
0x90: {  	s2 =	sld [smem:$0x3FD0];
	(tm) =	ssettm $0x1  }
0x91: {  	s18 =	sld [smem:$0x3FFB];
	_ =	sdelay $0x3  }
0x92: {  	_ =	strace s18  }
0x93: {  	s3 =	sld [smem:$0x3FFC];
	_ =	sdelay $0x3  }
0x94: {  	_ =	strace s3  }
0x95: {  	s3 =	sld [smem:$0x3FFD];
	_ =	sdelay $0x3  }
0x96: {  	_ =	strace s3  }
0x97: {  	_ =	strace $0x8FFFFFFF  }
0x98: {  	s19 =	sld [smem:$0x3FDB];
	_ =	sdelay $0x1  }
0x99: {  	s4 =	simm.s32 $_scs_section_size  }
0x9a: {  	s5 =	simm.s32 $_size__tile_overlayer_lowered;
	s6 =	simm.s32 $_tile_overlayer_lowered  }
0x9b: {  	s22 =	simm.s32 $0x1BFF;
	s21 =	sshll.u32 s6, $0x1;
	s3 =	sadd.s32 s4, s19  }
0x9c: {  	s7 =	simm.s32 $0x0;
	s20 =	sshll.u32 s5, $0x1;
	s5 =	sadd.s32 s21, s3  }
0x9d: {  	[timem:s7], [sflag:s22] =	dma.local [hbm:s5], s20  }
0x9e: {  	_ =	swait.ge [sflag:s22], s20  }
0x9f: {  	s4 =	ssub.s32 $0x0, s20;
	[sflag:s22] =	ssyncset.done $0x0  }
0xa0: {  	[sflag:s22] =	ssyncadd.s32 s4;
	_ =	sdelay $0x1  }
0xa1: {  	s23 =	simm.s32 $0x1B8B  }
0xa2: {  	_ =	swait.ge [sflag:s23], $0x1  }
0xa3: {  	[sflag:s23] =	ssyncset.done $0x0  }
0xa4: {  	s25 =	simm.s32 $0x1B8E;
	s24 =	sld [smem:$0x3FFE];
	[sflag:s23] =	ssyncadd.s32 $0xFFFFFFFF  }
0xa5: {  	s26 =	simm.s32 $execute0_lowered;
	[smem:$0x3FD2] =	sst s25  }
0xa6: {  	s5 =	sshll.u32 s26, $0x1;
	_ =	strace $0x8000004C;
	[dreg:$0x1] =	wrdreg $0xFFFFFFFF  }
0xa7: {  	s28 =	simm.s32 $_size_execute0_lowered;
	s3 =	sadd.s32 s3, s5;
	[dreg:$0x0] =	wrdreg $0x0  }
0xa8: {  	s5 =	sshll.u32 s28, $0x1;
	[dreg:$0x2] =	wrdreg s3  }
0xa9: {  	[dreg:$0x3] =	wrdreg s5  }
0xaa: {  	[dreg:$0x4] =	wrdreg $0xC0  }
0xab: {  	_ =	task [dreg:s7], $0x5FFFF  }
0xac: {  	[dreg:$0x1] =	wrdreg $0xFFFFFFFF  }
0xad: {  	[dreg:$0x0] =	wrdreg $0x60  }
0xae: {  	[dreg:$0x2] =	wrdreg s24  }
0xaf: {  	[dreg:$0x3] =	wrdreg s2  }
0xb0: {  	[dreg:$0x4] =	wrdreg $0xA2000  }
0xb1: {  	[dreg:$0x5] =	wrdreg $0x9  }
0xb2: {  	_ =	task.clear_ibuf [dreg:s7], $0x6FFFF;
	_ =	strace $0x9000004C  }
0xb3: {  	s29 =	simm.s32 $0x9;
	_ =	strace $0x8000004E  }
0xb4: {  	_ =	swait.ge [sflag:s29], $0x1  }
0xb5: {  	[sflag:s29] =	ssyncadd.s32 $0xFFFFFFFF  }
0xb6: {  	_ =	strace $0x9000004E  }
0xb7: {  	_ =	sfence  }
0xb8: {  	s30 =	sld [smem:$0x0];
	_ =	sdelay $0x2  }
0xb9: {  	s31 =	sshll.u32 s1, $0xD;
	s1 =	sshrl.u32 s1, $0x2  }
0xba: {  	s3 =	sand.u32 $0x4000, s31;
	s1 =	sadd.s32 s1, s30  }
0xbb: {  	s0 =	sor.u32 s3, s0;
	s1 =	sshll.u32 s1, $0x11  }
0xbc: {  	s0 =	sor.u32 s1, s0  }
0xbd: {  	s0 =	sadd.s32 $0x8F2B, s0  }
0xbe: {  	[sflag:s0] =	ssyncadd.remote.s32 $0x1  }
0xbf: {  	_ =	sfence.sel $0xFFFF  }
0xc0: {  	[dreg:$0x0] =	wrdreg $0xFFFFFFFF;
	(pc) =	sbr.abs _section_cstart, $3  }
0xc1: {  	[dreg:$0x1] =	wrdreg $0xFFFFFFFF  }
0xc2: {  	_ =	task.clear_ibuf [dreg:s7], $0x2FFFF;
	_ =	strace $0x9FFFFFFF  }
0xc3: {  	(tm) =	ssettm $0x7FFFFFFF  }
tec
execute0_lowered:
.L_overlay_start_1:
0x0: {  	(tag) =	ssettag $0x1  }
0x1: {  	s0 =	srdreg.scid;
	s14 =	stileid.u32  }
0x2: {  	s1 =	rddreg [dreg:$0x0];
	s0 =	sand.u32 $0x1, s0;
	s6 =	smul.u32 $0x280, s14  }
0x3: {  	s7 =	rddreg [dreg:$0x1];
	s12 =	smul.u32 $0x2800, s14;
	s2 =	ssub.s32 $0x2, s0  }
0x4: {  	s8 =	sadd.s32 $0x7A00, s1;
	s5 =	smul.u32 $0x2800, s0;
	s3 =	sshrl.u32 s2, $0x1  }
0x5: {  	s9 =	sadd.s32 $0x80, s6;
	s11 =	sadd.s32 $0x100, s6;
	s15 =	sadd.s32 $0xC0, s6  }
0x6: {  	s29 =	sadd.s32 $0x140, s6;
	s30 =	sadd.s32 $0x1C0, s6;
	s0 =	ssub.s32 s2, s3  }
0x7: {  	s2 =	sadd.s32 $0x180, s6;
	s4 =	sadd.s32 s6, s5;
	s3 =	sadd.s32 $0x200, s6  }
0x8: {  	s13 =	sadd.s32 s5, s9;
	s26 =	sadd.s32 s5, s15;
	s16 =	sadd.s32 s5, s11  }
0x9: {  	s18 =	sadd.s32 s5, s29;
	s21 =	sadd.s32 s5, s30;
	s10 =	sshll.u32 s4, $0x4  }
0xa: {  	s4 =	sor.u32 $0x40, s6;
	s25 =	sshll.u32 s13, $0x4;
	s13 =	sshll.u32 s26, $0x4  }
0xb: {  	s17 =	sshll.u32 s16, $0x4;
	s19 =	sadd.s32 s5, s2;
	s22 =	sadd.s32 s5, s3  }
0xc: {  	s6 =	sadd.s32 $0x240, s6;
	s10 =	sadd.s32 s8, s10;
	s24 =	sadd.s32 s5, s4  }
0xd: {  	s26 =	sadd.s32 $0x2000, s1;
	[dreg:$0x4] =	wrdreg s10;
	s10 =	sshll.u32 s24, $0x4  }
0xe: {  	s23 =	sshll.u32 s22, $0x4;
	s24 =	sadd.s32 s5, s6;
	s10 =	sadd.s32 s8, s10  }
0xf: {  	v0 =	vmov s5;
	s5 =	simm.s32 $0x8200;
	[dreg:$0x5] =	wrdreg s10;
	s10 =	sadd.s32 s8, s25  }
0x10: {  	s25 =	sshrl.u32 s12, $0x3;
	[dreg:$0x6] =	wrdreg s10;
	s10 =	sadd.s32 s8, s13  }
0x11: {  	s13 =	sshll.u32 s19, $0x4;
	s19 =	sadd.s32 s7, s25;
	[dreg:$0x7] =	wrdreg s10  }
0x12: {  	s16 =	sor.u32 $0x10, s25;
	s10 =	sadd.s32 s8, s17;
	[dreg:$0xe] =	wrdreg s19  }
0x13: {  	s20 =	sadd.s32 s8, s13;
	s13 =	sshll.u32 s24, $0x4;
	s17 =	rddreg [dreg:$0x2]  }
0x14: {  	s22 =	sadd.s32 s26, s16;
	s19 =	sadd.s32 $0x7200, s1;
	[dreg:$0x8] =	wrdreg s10  }
0x15: {  	s24 =	sshll.u32 s14, $0x6;
	s10 =	sshll.u32 s18, $0x4;
	[dreg:$0xa] =	wrdreg s20  }
0x16: {  	s20 =	sadd.s32 s7, s16;
	[dreg:$0x11] =	wrdreg s22;
	s18 =	smul.u32 $0x50000, s14  }
0x17: {  	s16 =	sshll.u32 s6, $0x7;
	s10 =	sadd.s32 s8, s10;
	[dreg:$0x10] =	wrdreg s20  }
0x18: {  	s6 =	simm.s32 $0x3;
	[dreg:$0x9] =	wrdreg s10;
	s10 =	sshll.u32 s21, $0x4  }
0x19: {  	s21 =	smul.u32 $0x500, s14;
	s14 =	sshll.u32 s29, $0x7;
	s10 =	sadd.s32 s8, s10  }
0x1a: {  	s31 =	sadd.s32 s16, s17;
	s29 =	sadd.s32 s14, s17;
	[dreg:$0xb] =	wrdreg s10  }
0x1b: {  	s10 =	sadd.s32 s8, s23;
	s8 =	sadd.s32 s8, s13;
	s12 =	sadd.s32 s21, s26  }
0x1c: {  	s7 =	sadd.s32 s21, s7;
	s23 =	sshrl.u32 s18, $0x2;
	s18 =	sadd.s32 $0x57A00, s1  }
0x1d: {  	s21 =	sor.u32 $0x1C04, s24;
	s13 =	sshll.u32 s15, $0x7;
	[dreg:$0xc] =	wrdreg s10  }
0x1e: {  	s15 =	sshll.u32 s30, $0x7;
	s10 =	simm.s32 $0x0;
	[dreg:$0xd] =	wrdreg s8  }
0x1f: {  	s8 =	sadd.s32 s26, s25;
	s20 =	sadd.s32 s23, s17;
	s25 =	sshll.u32 s9, $0x7  }
0x20: {  	s26 =	sshll.u32 s11, $0x7;
	s9 =	sshll.u32 s3, $0x7;
	s11 =	sshll.u32 s4, $0x7  }
0x21: {  	s28 =	sadd.s32 s13, s17;
	s30 =	sadd.s32 s15, s17;
	s15 =	smax.u32 s0, $0x1  }
0x22: {  	s3 =	simm.s32 $0x1;
	s4 =	simm.s32 $0x2;
	[smem:$0x7FF] =	sst s10  }
0x23: {  	[dreg:$0xf] =	wrdreg s8;
	s22 =	sadd.s32 s25, s17;
	s23 =	sadd.s32 s26, s17  }
0x24: {  	s8 =	sshll.u32 s2, $0x7;
	s25 =	sadd.s32 s9, s17;
	s26 =	sadd.s32 s11, s17  }
0x25: {  	s9 =	sadd.s32 $0x20, s12;
	s2 =	simm.s32 $0x4;
	_ =	strace $0x8000004D  }
0x26: {  	vm0 =	vmmov $0xffff;
	s24 =	sadd.s32 s8, s17;
	s8 =	sadd.s32 $0x20, s7;
	s7 =	simm.s32 $0x0  }
.LBB2_1:
0x27: {  	s0 =	sshrl.u32 s20, $0x3  }
0x28: {  	[spmem:s0], [sflag:s21] =	dma.local [hbm:s19], $0x800  }
0x29: {  	_ =	swait.ge [sflag:s2], $0x800  }
0x2a: {  	[sflag:s2] =	ssyncset.done $0x0  }
0x2b: {  	s1 =	sshrl.u32 s22, $0x3;
	[sflag:s2] =	ssyncadd.s32 $0xFFFFF800  }
0x2c: {  	[spmem:s1], [sflag:s21] =	dma.local [hbm:s19], $0x800  }
0x2d: {  	_ =	swait.ge [sflag:s2], $0x800  }
0x2e: {  	[sflag:s2] =	ssyncset.done $0x0  }
0x2f: {  	s11 =	sshrl.u32 s23, $0x3;
	[sflag:s2] =	ssyncadd.s32 $0xFFFFF800  }
0x30: {  	[spmem:s11], [sflag:s21] =	dma.local [hbm:s19], $0x800  }
0x31: {  	_ =	swait.ge [sflag:s2], $0x800  }
0x32: {  	[sflag:s2] =	ssyncset.done $0x0  }
0x33: {  	s12 =	sshrl.u32 s24, $0x3;
	[sflag:s2] =	ssyncadd.s32 $0xFFFFF800  }
0x34: {  	[spmem:s12], [sflag:s21] =	dma.local [hbm:s19], $0x800  }
0x35: {  	_ =	swait.ge [sflag:s2], $0x800  }
0x36: {  	[sflag:s2] =	ssyncset.done $0x0  }
0x37: {  	s13 =	sshrl.u32 s25, $0x3;
	[sflag:s2] =	ssyncadd.s32 $0xFFFFF800  }
0x38: {  	[spmem:s13], [sflag:s21] =	dma.local [hbm:s19], $0x800  }
0x39: {  	_ =	swait.ge [sflag:s2], $0x800  }
0x3a: {  	[sflag:s2] =	ssyncset.done $0x0  }
0x3b: {  	[sflag:s2] =	ssyncadd.s32 $0xFFFFF800  }
0x3c: {  	[bflag:$0x0] =	sbarrier.arrive $0xFFFF  }
0x3d: {  	s14 =	rddreg [dreg:$0xe]  }
0x3e: {  	[tilespmem:s10], [sflag:$0x4] =	stream.linear.gather [hbm4b:s14+s10], $0x80, $0x38;
	[tilespmem:$0x1E200] =	vst v63  }
0x3f: {  	_ =	swait.ge [sflag:s2], $0x80  }
0x40: {  	[sflag:s2] =	ssyncset.done $0x0  }
0x41: {  	s1 =	simm.s32 $0x100;
	s16 =	rddreg [dreg:$0xf];
	[sflag:s2] =	ssyncadd.s32 $0xFFFFFF80  }
0x42: {  	[tilespmem:s1], [sflag:$0x4] =	stream.linear.gather [hbm4b:s16+s10], $0x80, $0x38;
	[tilespmem:$0x1E200] =	vst v63  }
0x43: {  	_ =	swait.ge [sflag:s2], $0x80  }
0x44: {  	[sflag:s2] =	ssyncset.done $0x0  }
0x45: {  	[sflag:s2] =	ssyncadd.s32 $0xFFFFFF80  }
0x46: {  	v1 =	vld [tilespmem:$0x0];
	_ =	sdelay $0x4  }
0x47: {  	v1 =	vadd.s32 v0, v1;
	_ =	sdelay $0x3  }
0x48: {  	s1 =	simm.s32 $0x200  }
0x49: {  	[tilespmem:s1], [sflag:$0x1] =	stream.indirect_vreg.gather [hbm4b:s18+s10], $0x80, v1, vm0, $0xb8;
	[tilespmem:$0x1E200] =	vst v63  }
0x4a: {  	v1 =	vld [tilespmem:$0x10];
	_ =	sdelay $0x4  }
0x4b: {  	v1 =	vadd.s32 v0, v1;
	_ =	sdelay $0x3  }
0x4c: {  	s11 =	simm.s32 $0xA00  }
0x4d: {  	[tilespmem:s11], [sflag:$0x1] =	stream.indirect_vreg.gather [hbm4b:s18+s10], $0x80, v1, vm0, $0xb8;
	[tilespmem:$0x1E200] =	vst v63  }
0x4e: {  	v1 =	vld [tilespmem:$0x20];
	_ =	sdelay $0x4  }
0x4f: {  	v1 =	vadd.s32 v0, v1;
	_ =	sdelay $0x3  }
0x50: {  	s12 =	simm.s32 $0x1200  }
0x51: {  	[tilespmem:s12], [sflag:$0x1] =	stream.indirect_vreg.gather [hbm4b:s18+s10], $0x80, v1, vm0, $0xb8;
	[tilespmem:$0x1E200] =	vst v63  }
0x52: {  	v1 =	vld [tilespmem:$0x30];
	_ =	sdelay $0x4  }
0x53: {  	v1 =	vadd.s32 v0, v1;
	_ =	sdelay $0x3  }
0x54: {  	s13 =	simm.s32 $0x1A00  }
0x55: {  	[tilespmem:s13], [sflag:$0x1] =	stream.indirect_vreg.gather [hbm4b:s18+s10], $0x80, v1, vm0, $0xb8;
	[tilespmem:$0x1E200] =	vst v63  }
0x56: {  	v1 =	vld [tilespmem:$0x40];
	_ =	sdelay $0x4  }
0x57: {  	v1 =	vadd.s32 v0, v1;
	_ =	sdelay $0x3  }
0x58: {  	s14 =	simm.s32 $0x2200  }
0x59: {  	[tilespmem:s14], [sflag:$0x1] =	stream.indirect_vreg.gather [hbm4b:s18+s10], $0x80, v1, vm0, $0xb8;
	[tilespmem:$0x1E200] =	vst v63  }
0x5a: {  	v1 =	vld [tilespmem:$0x50];
	_ =	sdelay $0x4  }
0x5b: {  	v1 =	vadd.s32 v0, v1;
	_ =	sdelay $0x3  }
0x5c: {  	s16 =	simm.s32 $0x2A00  }
0x5d: {  	[tilespmem:s16], [sflag:$0x1] =	stream.indirect_vreg.gather [hbm4b:s18+s10], $0x80, v1, vm0, $0xb8;
	[tilespmem:$0x1E200] =	vst v63  }
0x5e: {  	v1 =	vld [tilespmem:$0x60];
	_ =	sdelay $0x4  }
0x5f: {  	v1 =	vadd.s32 v0, v1;
	_ =	sdelay $0x3  }
0x60: {  	s1 =	simm.s32 $0x3200  }
0x61: {  	[tilespmem:s1], [sflag:$0x1] =	stream.indirect_vreg.gather [hbm4b:s18+s10], $0x80, v1, vm0, $0xb8;
	[tilespmem:$0x1E200] =	vst v63  }
0x62: {  	v1 =	vld [tilespmem:$0x70];
	_ =	sdelay $0x4  }
0x63: {  	v1 =	vadd.s32 v0, v1;
	_ =	sdelay $0x3  }
0x64: {  	s0 =	smov.u32 s9;
	s11 =	simm.s32 $0x3A00;
	s12 =	rddreg [dreg:$0x10]  }
0x65: {  	[tilespmem:s11], [sflag:$0x1] =	stream.indirect_vreg.gather [hbm4b:s18+s10], $0x80, v1, vm0, $0xb8;
	[tilespmem:$0x1E200] =	vst v63  }
0x66: {  	s13 =	simm.s32 $0x80;
	s14 =	rddreg [dreg:$0x11];
	s16 =	simm.s32 $0x180  }
0x67: {  	[tilespmem:s13], [sflag:$0x3] =	stream.linear.gather [hbm4b:s12+s10], $0x80, $0x38;
	[tilespmem:$0x1E200] =	vst v63  }
0x68: {  	s1 =	smov.u32 s8;
	s11 =	simm.s32 $0x0;
	s12 =	simm.s32 $0x0  }
0x69: {  	[tilespmem:s16], [sflag:$0x3] =	stream.linear.gather [hbm4b:s14+s10], $0x80, $0x38;
	[tilespmem:$0x1E200] =	vst v63  }
.LBB2_2:
0x6a: {  	p0 =	seq.s32 s11, $0x0  }
0x6b: {  	s13 =	simm.s32 @!p0 $0x2  }
0x6c: {  	_ =	swait.ge @!p0 [sflag:s13], $0x4000  }
0x6d: {  	p1 =	seq.s32 @!p0 s11, $0x2780;
	[sflag:s13] =	ssyncset.done @!p0 $0x0  }
0x6e: {  	p1 =	por p0, !p1;
	[sflag:s13] =	ssyncadd.s32 @!p0 $0xFFFFC000  }
0x6f: {  	_ =	swait.ge @p1 [sflag:s6], $0x80  }
0x70: {  	[sflag:s6] =	ssyncset.done @p1 $0x0  }
0x71: {  	[sflag:s6] =	ssyncadd.s32 @p1 $0xFFFFFF80  }
0x72: {  	_ =	swait.ge @p1 [sflag:s6], $0x80  }
0x73: {  	s13 =	sxor.u32 @p1 $0xFFFFFFFF, s11;
	[sflag:s6] =	ssyncset.done @p1 $0x0  }
0x74: {  	s13 =	sand.u32 @p1 $0x80, s13;
	[sflag:s6] =	ssyncadd.s32 @p1 $0xFFFFFF80  }
0x75: {  	v1 =	vld @p1 [tilespmem:s13+$0x0];
	_ =	sdelay $0x4  }
0x76: {  	v1 =	vadd.s32 @p1 v0, v1;
	_ =	sdelay $0x2  }
0x77: {  	s14 =	sshll.u32 @p1 s13, $0x7  }
0x78: {  	s16 =	sor.u32 @p1 $0x200, s14  }
0x79: {  	[tilespmem:s16], [sflag:$0x1] =	stream.indirect_vreg.gather @p1 [hbm4b:s18+s10], $0x80, v1, vm0, $0xb8;
	[tilespmem:$0x1E200] =	vst v63  }
0x7a: {  	v1 =	vld @p1 [tilespmem:s13+$0x10];
	_ =	sdelay $0x4  }
0x7b: {  	v1 =	vadd.s32 @p1 v0, v1;
	_ =	sdelay $0x3  }
0x7c: {  	s16 =	sor.u32 @p1 $0xA00, s14  }
0x7d: {  	[tilespmem:s16], [sflag:$0x1] =	stream.indirect_vreg.gather @p1 [hbm4b:s18+s10], $0x80, v1, vm0, $0xb8;
	[tilespmem:$0x1E200] =	vst v63  }
0x7e: {  	v1 =	vld @p1 [tilespmem:s13+$0x20];
	_ =	sdelay $0x4  }
0x7f: {  	v1 =	vadd.s32 @p1 v0, v1;
	_ =	sdelay $0x3  }
0x80: {  	s16 =	sor.u32 @p1 $0x1200, s14  }
0x81: {  	[tilespmem:s16], [sflag:$0x1] =	stream.indirect_vreg.gather @p1 [hbm4b:s18+s10], $0x80, v1, vm0, $0xb8;
	[tilespmem:$0x1E200] =	vst v63  }
0x82: {  	v1 =	vld @p1 [tilespmem:s13+$0x30];
	_ =	sdelay $0x4  }
0x83: {  	v1 =	vadd.s32 @p1 v0, v1;
	_ =	sdelay $0x3  }
0x84: {  	s16 =	sor.u32 @p1 $0x1A00, s14  }
0x85: {  	[tilespmem:s16], [sflag:$0x1] =	stream.indirect_vreg.gather @p1 [hbm4b:s18+s10], $0x80, v1, vm0, $0xb8;
	[tilespmem:$0x1E200] =	vst v63  }
0x86: {  	v1 =	vld @p1 [tilespmem:s13+$0x40];
	_ =	sdelay $0x4  }
0x87: {  	v1 =	vadd.s32 @p1 v0, v1;
	_ =	sdelay $0x3  }
0x88: {  	s16 =	sor.u32 @p1 $0x2200, s14  }
0x89: {  	[tilespmem:s16], [sflag:$0x1] =	stream.indirect_vreg.gather @p1 [hbm4b:s18+s10], $0x80, v1, vm0, $0xb8;
	[tilespmem:$0x1E200] =	vst v63  }
0x8a: {  	v1 =	vld @p1 [tilespmem:s13+$0x50];
	_ =	sdelay $0x4  }
0x8b: {  	v1 =	vadd.s32 @p1 v0, v1;
	_ =	sdelay $0x3  }
0x8c: {  	s16 =	sor.u32 @p1 $0x2A00, s14  }
0x8d: {  	[tilespmem:s16], [sflag:$0x1] =	stream.indirect_vreg.gather @p1 [hbm4b:s18+s10], $0x80, v1, vm0, $0xb8;
	[tilespmem:$0x1E200] =	vst v63  }
0x8e: {  	v1 =	vld @p1 [tilespmem:s13+$0x60];
	_ =	sdelay $0x4  }
0x8f: {  	v1 =	vadd.s32 @p1 v0, v1;
	_ =	sdelay $0x3  }
0x90: {  	s16 =	sor.u32 @p1 $0x3200, s14  }
0x91: {  	[tilespmem:s16], [sflag:$0x1] =	stream.indirect_vreg.gather @p1 [hbm4b:s18+s10], $0x80, v1, vm0, $0xb8;
	[tilespmem:$0x1E200] =	vst v63  }
0x92: {  	v1 =	vld @p1 [tilespmem:s13+$0x70];
	_ =	sdelay $0x4  }
0x93: {  	v1 =	vadd.s32 @p1 v0, v1;
	_ =	sdelay $0x3  }
0x94: {  	s13 =	sor.u32 @p1 $0x3A00, s14  }
0x95: {  	[tilespmem:s13], [sflag:$0x1] =	stream.indirect_vreg.gather @p1 [hbm4b:s18+s10], $0x80, v1, vm0, $0xb8;
	[tilespmem:$0x1E200] =	vst v63  }
0x96: {  	_ =	swait.ge [sflag:s3], $0x4000  }
0x97: {  	[sflag:s3] =	ssyncset.done $0x0  }
0x98: {  	s13 =	sand.u32 $0x80, s11;
	[sflag:s3] =	ssyncadd.s32 $0xFFFFC000  }
0x99: {  	v1 =	vld [tilespmem:s13+$0x100];
	_ =	sdelay $0x5  }
0x9a: {  	s14 =	sshll.u32 s13, $0x7  }
0x9b: {  	s16 =	sor.u32 $0x200, s14  }
0x9c: {  	[spmem:s17] =	stream.indirect_vreg.scatter.add.f32 [tilespmem:s16], [sflag:$0x2], $0x80, v1, vm0, $0xb8;
	[tilespmem:$0x1E200] =	vst v63  }
0x9d: {  	v1 =	vld [tilespmem:s13+$0x110];
	_ =	sdelay $0x6  }
0x9e: {  	s16 =	sor.u32 $0xA00, s14  }
0x9f: {  	[spmem:s17] =	stream.indirect_vreg.scatter.add.f32 [tilespmem:s16], [sflag:$0x2], $0x80, v1, vm0, $0xb8;
	[tilespmem:$0x1E200] =	vst v63  }
0xa0: {  	v1 =	vld [tilespmem:s13+$0x120];
	_ =	sdelay $0x6  }
0xa1: {  	s16 =	sor.u32 $0x1200, s14  }
0xa2: {  	[spmem:s17] =	stream.indirect_vreg.scatter.add.f32 [tilespmem:s16], [sflag:$0x2], $0x80, v1, vm0, $0xb8;
	[tilespmem:$0x1E200] =	vst v63  }
0xa3: {  	v1 =	vld [tilespmem:s13+$0x130];
	_ =	sdelay $0x6  }
0xa4: {  	s16 =	sor.u32 $0x1A00, s14  }
0xa5: {  	[spmem:s17] =	stream.indirect_vreg.scatter.add.f32 [tilespmem:s16], [sflag:$0x2], $0x80, v1, vm0, $0xb8;
	[tilespmem:$0x1E200] =	vst v63  }
0xa6: {  	v1 =	vld [tilespmem:s13+$0x140];
	_ =	sdelay $0x6  }
0xa7: {  	s16 =	sor.u32 $0x2200, s14  }
0xa8: {  	[spmem:s17] =	stream.indirect_vreg.scatter.add.f32 [tilespmem:s16], [sflag:$0x2], $0x80, v1, vm0, $0xb8;
	[tilespmem:$0x1E200] =	vst v63  }
0xa9: {  	v1 =	vld [tilespmem:s13+$0x150];
	_ =	sdelay $0x6  }
0xaa: {  	s16 =	sor.u32 $0x2A00, s14  }
0xab: {  	[spmem:s17] =	stream.indirect_vreg.scatter.add.f32 [tilespmem:s16], [sflag:$0x2], $0x80, v1, vm0, $0xb8;
	[tilespmem:$0x1E200] =	vst v63  }
0xac: {  	v1 =	vld [tilespmem:s13+$0x160];
	_ =	sdelay $0x6  }
0xad: {  	s16 =	sor.u32 $0x3200, s14  }
0xae: {  	[spmem:s17] =	stream.indirect_vreg.scatter.add.f32 [tilespmem:s16], [sflag:$0x2], $0x80, v1, vm0, $0xb8;
	[tilespmem:$0x1E200] =	vst v63  }
0xaf: {  	v1 =	vld [tilespmem:s13+$0x170];
	_ =	sdelay $0x6  }
0xb0: {  	p0 =	sgt.u32 s12, $0x4D;
	s14 =	sor.u32 $0x3A00, s14  }
0xb1: {  	[spmem:s17] =	stream.indirect_vreg.scatter.add.f32 [tilespmem:s14], [sflag:$0x2], $0x80, v1, vm0, $0xb8;
	[tilespmem:$0x1E200] =	vst v63  }
0xb2: {  	s14 =	simm.s32 @!p0 $0x0  }
0xb3: {  	[tilespmem:s13], [sflag:$0x3] =	stream.linear.gather @!p0 [hbm4b:s1+s14], $0x80, $0x38;
	[tilespmem:$0x1E200] =	vst v63  }
0xb4: {  	s11 =	sadd.s32 $0x80, s11;
	s13 =	sor.u32 $0x100, s13  }
0xb5: {  	[tilespmem:s13], [sflag:$0x3] =	stream.linear.gather @!p0 [hbm4b:s0+s14], $0x80, $0x38;
	[tilespmem:$0x1E200] =	vst v63  }
0xb6: {  	p0 =	sne.s32 s11, $0x2800  }
.Ltmp0:
0xb7: {  	_ = 	snop;
	(pc) =	sbr.rel @p0 .LBB2_2-.Ltmp0, $2  }
0xb8: {  	_ =	sdelay $0x2  }
0xb9: {  	s12 =	sadd.s32 $0x1, s12;
	s1 =	sadd.s32 $0x10, s1;
	s0 =	sadd.s32 $0x10, s0  }
0xba: {  	_ =	swait.ge [sflag:s4], $0x4000  }
0xbb: {  	[sflag:s4] =	ssyncset.done $0x0  }
0xbc: {  	[sflag:s4] =	ssyncadd.s32 $0xFFFFC000  }
0xbd: {  	[bflag:$0x0] =	sbarrier.arrive $0xFFFF  }
0xbe: {  	[tilespmem:s5], [sflag:$0x4] =	stream.linear.gather [spmem:s20], $0x2000, $0x38;
	[tilespmem:$0x1E200] =	vst v63  }
0xbf: {  	_ =	swait.ge [sflag:s2], $0x2000  }
0xc0: {  	[sflag:s2] =	ssyncset.done $0x0  }
0xc1: {  	s0 =	rddreg [dreg:$0x4];
	[sflag:s2] =	ssyncadd.s32 $0xFFFFE000  }
0xc2: {  	[hbm4b:s0+s10] =	stream.linear.scatter [tilespmem:s5], [sflag:$0x4], $0x2000, $0x38;
	[tilespmem:$0x1E200] =	vst v63  }
0xc3: {  	_ =	swait.ge [sflag:s2], $0x2000  }
0xc4: {  	[sflag:s2] =	ssyncset.done $0x0  }
0xc5: {  	[sflag:s2] =	ssyncadd.s32 $0xFFFFE000  }
0xc6: {  	[tilespmem:s5], [sflag:$0x4] =	stream.linear.gather [spmem:s26], $0x2000, $0x38;
	[tilespmem:$0x1E200] =	vst v63  }
0xc7: {  	_ =	swait.ge [sflag:s2], $0x2000  }
0xc8: {  	[sflag:s2] =	ssyncset.done $0x0  }
0xc9: {  	s13 =	rddreg [dreg:$0x5];
	[sflag:s2] =	ssyncadd.s32 $0xFFFFE000  }
0xca: {  	[hbm4b:s13+s10] =	stream.linear.scatter [tilespmem:s5], [sflag:$0x4], $0x2000, $0x38;
	[tilespmem:$0x1E200] =	vst v63  }
0xcb: {  	_ =	swait.ge [sflag:s2], $0x2000  }
0xcc: {  	[sflag:s2] =	ssyncset.done $0x0  }
0xcd: {  	[sflag:s2] =	ssyncadd.s32 $0xFFFFE000  }
0xce: {  	[tilespmem:s5], [sflag:$0x4] =	stream.linear.gather [spmem:s22], $0x2000, $0x38;
	[tilespmem:$0x1E200] =	vst v63  }
0xcf: {  	_ =	swait.ge [sflag:s2], $0x2000  }
0xd0: {  	[sflag:s2] =	ssyncset.done $0x0  }
0xd1: {  	s14 =	rddreg [dreg:$0x6];
	[sflag:s2] =	ssyncadd.s32 $0xFFFFE000  }
0xd2: {  	[hbm4b:s14+s10] =	stream.linear.scatter [tilespmem:s5], [sflag:$0x4], $0x2000, $0x38;
	[tilespmem:$0x1E200] =	vst v63  }
0xd3: {  	_ =	swait.ge [sflag:s2], $0x2000  }
0xd4: {  	[sflag:s2] =	ssyncset.done $0x0  }
0xd5: {  	[sflag:s2] =	ssyncadd.s32 $0xFFFFE000  }
0xd6: {  	[tilespmem:s5], [sflag:$0x4] =	stream.linear.gather [spmem:s28], $0x2000, $0x38;
	[tilespmem:$0x1E200] =	vst v63  }
0xd7: {  	_ =	swait.ge [sflag:s2], $0x2000  }
0xd8: {  	[sflag:s2] =	ssyncset.done $0x0  }
0xd9: {  	s16 =	rddreg [dreg:$0x7];
	[sflag:s2] =	ssyncadd.s32 $0xFFFFE000  }
0xda: {  	[hbm4b:s16+s10] =	stream.linear.scatter [tilespmem:s5], [sflag:$0x4], $0x2000, $0x38;
	[tilespmem:$0x1E200] =	vst v63  }
0xdb: {  	_ =	swait.ge [sflag:s2], $0x2000  }
0xdc: {  	[sflag:s2] =	ssyncset.done $0x0  }
0xdd: {  	[sflag:s2] =	ssyncadd.s32 $0xFFFFE000  }
0xde: {  	[tilespmem:s5], [sflag:$0x4] =	stream.linear.gather [spmem:s23], $0x2000, $0x38;
	[tilespmem:$0x1E200] =	vst v63  }
0xdf: {  	_ =	swait.ge [sflag:s2], $0x2000  }
0xe0: {  	[sflag:s2] =	ssyncset.done $0x0  }
0xe1: {  	s1 =	rddreg [dreg:$0x8];
	[sflag:s2] =	ssyncadd.s32 $0xFFFFE000  }
0xe2: {  	[hbm4b:s1+s10] =	stream.linear.scatter [tilespmem:s5], [sflag:$0x4], $0x2000, $0x38;
	[tilespmem:$0x1E200] =	vst v63  }
0xe3: {  	_ =	swait.ge [sflag:s2], $0x2000  }
0xe4: {  	[sflag:s2] =	ssyncset.done $0x0  }
0xe5: {  	[sflag:s2] =	ssyncadd.s32 $0xFFFFE000  }
0xe6: {  	[tilespmem:s5], [sflag:$0x4] =	stream.linear.gather [spmem:s29], $0x2000, $0x38;
	[tilespmem:$0x1E200] =	vst v63  }
0xe7: {  	_ =	swait.ge [sflag:s2], $0x2000  }
0xe8: {  	[sflag:s2] =	ssyncset.done $0x0  }
0xe9: {  	s11 =	rddreg [dreg:$0x9];
	[sflag:s2] =	ssyncadd.s32 $0xFFFFE000  }
0xea: {  	[hbm4b:s11+s10] =	stream.linear.scatter [tilespmem:s5], [sflag:$0x4], $0x2000, $0x38;
	[tilespmem:$0x1E200] =	vst v63  }
0xeb: {  	_ =	swait.ge [sflag:s2], $0x2000  }
0xec: {  	[sflag:s2] =	ssyncset.done $0x0  }
0xed: {  	[sflag:s2] =	ssyncadd.s32 $0xFFFFE000  }
0xee: {  	[tilespmem:s5], [sflag:$0x4] =	stream.linear.gather [spmem:s24], $0x2000, $0x38;
	[tilespmem:$0x1E200] =	vst v63  }
0xef: {  	_ =	swait.ge [sflag:s2], $0x2000  }
0xf0: {  	[sflag:s2] =	ssyncset.done $0x0  }
0xf1: {  	s12 =	rddreg [dreg:$0xa];
	[sflag:s2] =	ssyncadd.s32 $0xFFFFE000  }
0xf2: {  	[hbm4b:s12+s10] =	stream.linear.scatter [tilespmem:s5], [sflag:$0x4], $0x2000, $0x38;
	[tilespmem:$0x1E200] =	vst v63  }
0xf3: {  	_ =	swait.ge [sflag:s2], $0x2000  }
0xf4: {  	[sflag:s2] =	ssyncset.done $0x0  }
0xf5: {  	[sflag:s2] =	ssyncadd.s32 $0xFFFFE000  }
0xf6: {  	[tilespmem:s5], [sflag:$0x4] =	stream.linear.gather [spmem:s30], $0x2000, $0x38;
	[tilespmem:$0x1E200] =	vst v63  }
0xf7: {  	_ =	swait.ge [sflag:s2], $0x2000  }
0xf8: {  	[sflag:s2] =	ssyncset.done $0x0  }
0xf9: {  	s13 =	rddreg [dreg:$0xb];
	[sflag:s2] =	ssyncadd.s32 $0xFFFFE000  }
0xfa: {  	[hbm4b:s13+s10] =	stream.linear.scatter [tilespmem:s5], [sflag:$0x4], $0x2000, $0x38;
	[tilespmem:$0x1E200] =	vst v63  }
0xfb: {  	_ =	swait.ge [sflag:s2], $0x2000  }
0xfc: {  	[sflag:s2] =	ssyncset.done $0x0  }
0xfd: {  	[sflag:s2] =	ssyncadd.s32 $0xFFFFE000  }
0xfe: {  	[tilespmem:s5], [sflag:$0x4] =	stream.linear.gather [spmem:s25], $0x2000, $0x38;
	[tilespmem:$0x1E200] =	vst v63  }
0xff: {  	_ =	swait.ge [sflag:s2], $0x2000  }
0x100: {  	[sflag:s2] =	ssyncset.done $0x0  }
0x101: {  	s14 =	rddreg [dreg:$0xc];
	[sflag:s2] =	ssyncadd.s32 $0xFFFFE000  }
0x102: {  	[hbm4b:s14+s10] =	stream.linear.scatter [tilespmem:s5], [sflag:$0x4], $0x2000, $0x38;
	[tilespmem:$0x1E200] =	vst v63  }
0x103: {  	_ =	swait.ge [sflag:s2], $0x2000  }
0x104: {  	[sflag:s2] =	ssyncset.done $0x0  }
0x105: {  	[sflag:s2] =	ssyncadd.s32 $0xFFFFE000  }
0x106: {  	[tilespmem:s5], [sflag:$0x4] =	stream.linear.gather [spmem:s31], $0x2000, $0x38;
	[tilespmem:$0x1E200] =	vst v63  }
0x107: {  	s7 =	sadd.s32 $0x1, s7;
	_ =	swait.ge [sflag:s2], $0x2000  }
0x108: {  	p0 =	sne.s32 s7, s15;
	[sflag:s2] =	ssyncset.done $0x0  }
.Ltmp1:
0x109: {  	s16 =	rddreg [dreg:$0xd];
	[sflag:s2] =	ssyncadd.s32 $0xFFFFE000;
	(pc) =	sbr.rel @p0 .LBB2_1-.Ltmp1, $4  }
0x10a: {  	[hbm4b:s16+s10] =	stream.linear.scatter [tilespmem:s5], [sflag:$0x4], $0x2000, $0x38;
	[tilespmem:$0x1E200] =	vst v63  }
0x10b: {  	_ =	swait.ge [sflag:s2], $0x2000  }
0x10c: {  	[sflag:s2] =	ssyncset.done $0x0  }
0x10d: {  	[sflag:s2] =	ssyncadd.s32 $0xFFFFE000  }
0x10e: {  	_ =	sfence.sel $0x180000  }
0x10f: {  	[bflag:$0x0] =	sbarrier.arrive $0xFFFF  }
0x110: {  	_ =	strace $0x9000004D  }
0x111: {  	s0 =	stileid.u32;
	[bflag:$0x2] =	sbarrier.arrive $0xFFFF  }
0x112: {  	p0 =	sne.s32 s0, $0x0;
	s0 =	rddreg [dreg:$0x3]  }
0x113: {  	s0 =	sadd.s32 @!p0 $0x100000, s0  }
0x114: {  	[sflag:s0] =	ssyncadd.tile.s32 @!p0 $0x1;
	_ =	shalt  }
.Lfunc_end2:
_tile_overlayer_lowered:
.L_overlay_start_2:
0x115: {  	(tag) =	ssettag $0x2  }
0x116: {  	s0 =	rddreg [dreg:$0x0];
	s2 =	stileid.u32  }
0x117: {  	s1 =	rddreg [dreg:$0x1];
	p0 =	sne.s32 s2, $0x0  }
0x118: {  	s3 =	rddreg [dreg:$0x2];
	[bflag:$0x3] =	sbarrier.arrive $0xFFFF;
	s2 =	simm.s32 @!p0 $0x1C04  }
0x119: {  	[timem:s3], [sflag:s2] =	dma.local @!p0 [hbm:s0], s1  }
0x11a: {  	s0 =	simm.s32 @!p0 $0x4  }
0x11b: {  	_ =	swait.ge @!p0 [sflag:s0], s1  }
0x11c: {  	s1 =	ssub.s32 @!p0 $0x0, s1;
	[sflag:s0] =	ssyncset.done @!p0 $0x0  }
0x11d: {  	[sflag:s0] =	ssyncadd.s32 @!p0 s1  }
0x11e: {  	[bflag:$0x3] =	sbarrier.arrive $0xFFFF  }
0x11f: {  	_ =	shalt  }

// kernel: kernel.8.cloned.1.call-start
scs
__scs_entry_jumppad:
0x0: {  	(pc) =	sbr.rel $0x88, $3  }
0x1: {  	(tag) =	ssettag $0x0;
	lr =	simm.s32 $0x1  }
0x2: {  	[smem:$0x3F9B] =	sst lr;
	_ =	strace $0xD0000000  }
0x3: {  	_ = 	snop  }
0x4: {  	_ = 	snop  }
0x5: {  	_ = 	snop  }
0x6: {  	_ = 	snop  }
0x7: {  	_ = 	snop  }
__scs_overlays_trampoline_lowered:
0x8: {  	[smem:$0x3FAA] =	sst s0  }
0x9: {  	[smem:$0x3FAB] =	sst s1  }
0xa: {  	[smem:$0x3FAC] =	sst s2  }
0xb: {  	[smem:$0x3FAD] =	sst s3  }
0xc: {  	[smem:$0x3FAE] =	sst s4  }
0xd: {  	[smem:$0x3FAF] =	sst s5  }
0xe: {  	[smem:$0x3FB0] =	sst s6  }
0xf: {  	[smem:$0x3FB1] =	sst s7  }
0x10: {  	[smem:$0x3FB2] =	sst s8  }
0x11: {  	[smem:$0x3FB3] =	sst s9;
	s0 =	simm.s32 @!p0 $0x0  }
0x12: {  	s1 =	sld [smem:$0x3F99];
	s0 =	simm.s32 @p0 $0x1  }
0x13: {  	[smem:$0x3FB4] =	sst s0;
	s0 =	simm.s32 @!p1 $0x0  }
0x14: {  	s2 =	sld [smem:$0x3F98];
	s0 =	simm.s32 @p1 $0x1  }
0x15: {  	[smem:$0x3FB5] =	sst s0;
	s0 =	simm.s32 @!p2 $0x0  }
0x16: {  	s3 =	sld [smem:$0x3FDB];
	s0 =	simm.s32 @p2 $0x1  }
0x17: {  	s4 =	simm.s32 $0x1BF5;
	[smem:$0x3FB7] =	sst s0  }
0x18: {  	s0 =	sld [smem:$0x3F9A];
	_ =	swait.ge [sflag:s4], $0x0  }
0x19: {  	s7 =	sld [smem:$0x3F9B]  }
0x1a: {  	s8 =	sadd.s32 $0xFFFFE003, lr  }
0x1b: {  	s9 =	sadd.s32 $0xFFFFFEF7, lr;
	s5 =	simm.s32 $0xFFFFFFFF;
	p2 =	slt.u32 s8, $0xFFFFF086  }
0x1c: {  	p1 =	slt.u32 s9, $0xF7A;
	s5 =	simm.s32 @!p2 $0x0  }
0x1d: {  	s5 =	simm.s32 @p1 $0x1;
	p0 =	seq.s32 s7, s2  }
0x1e: {  	s7 =	smul.u32 @!p0 $0xF7A, s2;
	p2 =	seq.s32 @!p0 s5, $0x0  }
0x1f: {  	s9 =	smul.u32 $0xF7A, s1;
	s8 =	simm.s32 @!p0 $0x1BF5;
	p2 =	por !p2, p0  }
0x20: {  	[sflag:s8] =	ssyncset.s32 @!p0 $0xFFFFF086;
	s6 =	sadd.s32 @!p0 s3, s7;
	s7 =	simm.s32 @!p0 $0x108  }
0x21: {  	s3 =	sadd.s32 s3, s9;
	s6 =	sadd.s32 @!p0 $0x88, s6;
	s7 =	simm.s32 @p2 $0x1082  }
0x22: {  	[simem:s7], [sflag:s8] =	dma.local @!p0 [hbm:s6], $0xF7A  }
0x23: {  	s9 =	sor.u32 $0xD0000000, s2;
	s6 =	simm.s32 $0x108;
	_ =	swait.ge @!p0 [sflag:s8], $0x0  }
0x24: {  	s3 =	sadd.s32 $0x88, s3;
	s6 =	simm.s32 @!p1 $0x1082;
	[sflag:s4] =	ssyncset.s32 $0xFFFFF086  }
0x25: {  	[simem:s6], [sflag:s4] =	dma.local [hbm:s3], $0xF7A  }
0x26: {  	[smem:$0x3F9B] =	sst s1;
	(tag) =	ssettag s2;
	_ =	strace s9  }
0x27: {  	s1 =	sld [smem:$0x3FAB]  }
0x28: {  	s2 =	sld [smem:$0x3FAC]  }
0x29: {  	s4 =	sld [smem:$0x3FAE]  }
0x2a: {  	p0 =	seq.s32 s5, $0x0;
	s5 =	sld [smem:$0x3FAF]  }
0x2b: {  	s6 =	sld [smem:$0x3FB0]  }
0x2c: {  	s7 =	sld [smem:$0x3FB1]  }
0x2d: {  	s3 =	simm.s32 $0x108;
	s8 =	sld [smem:$0x3FB2]  }
0x2e: {  	s3 =	simm.s32 @!p0 $0x1082;
	s9 =	sld [smem:$0x3FB3]  }
0x2f: {  	lr =	sadd.s32 s0, s3;
	s0 =	sld [smem:$0x3FAA]  }
0x30: {  	s3 =	sld [smem:$0x3FAD]  }
0x31: {  	[smem:$0x3FB6] =	sst s10  }
0x32: {  	s10 =	sld [smem:$0x3FB4];
	_ =	sdelay $0x3  }
0x33: {  	p0 =	seq.s32 s10, $0x1;
	s10 =	sld [smem:$0x3FB6];
	_ =	sdelay $0x3  }
0x34: {  	[smem:$0x3FB6] =	sst s10  }
0x35: {  	s10 =	sld [smem:$0x3FB5];
	_ =	sdelay $0x3  }
0x36: {  	p1 =	seq.s32 s10, $0x1;
	s10 =	sld [smem:$0x3FB6];
	_ =	sdelay $0x3  }
0x37: {  	[smem:$0x3FB6] =	sst s10  }
0x38: {  	s10 =	sld [smem:$0x3FB7]  }
0x39: {  	_ = 	snop;
	(pc) =	sbr.ind lr, $3  }
0x3a: {  	_ = 	snop  }
0x3b: {  	_ = 	snop  }
0x3c: {  	p2 =	seq.s32 s10, $0x1;
	s10 =	sld [smem:$0x3FB6]  }
0x3d: {  	_ =	shalt  }
0x3e: {  	_ =	shalt  }
0x3f: {  	_ =	shalt  }
0x40: {  	_ =	shalt  }
0x41: {  	_ =	shalt  }
0x42: {  	_ =	shalt  }
0x43: {  	_ =	shalt  }
0x44: {  	_ =	shalt  }
0x45: {  	_ =	shalt  }
0x46: {  	_ =	shalt  }
0x47: {  	_ =	shalt  }
0x48: {  	_ =	shalt  }
0x49: {  	_ =	shalt  }
0x4a: {  	_ =	shalt  }
0x4b: {  	_ =	shalt  }
0x4c: {  	_ =	shalt  }
0x4d: {  	_ =	shalt  }
0x4e: {  	_ =	shalt  }
0x4f: {  	_ =	shalt  }
0x50: {  	_ =	shalt  }
0x51: {  	_ =	shalt  }
0x52: {  	_ =	shalt  }
0x53: {  	_ =	shalt  }
0x54: {  	_ =	shalt  }
0x55: {  	_ =	shalt  }
0x56: {  	_ =	shalt  }
0x57: {  	_ =	shalt  }
0x58: {  	_ =	shalt  }
0x59: {  	_ =	shalt  }
0x5a: {  	_ =	shalt  }
0x5b: {  	_ =	shalt  }
0x5c: {  	_ =	shalt  }
0x5d: {  	_ =	shalt  }
0x5e: {  	_ =	shalt  }
0x5f: {  	_ =	shalt  }
0x60: {  	_ =	shalt  }
0x61: {  	_ =	shalt  }
0x62: {  	_ =	shalt  }
0x63: {  	_ =	shalt  }
0x64: {  	_ =	shalt  }
0x65: {  	_ =	shalt  }
0x66: {  	_ =	shalt  }
0x67: {  	_ =	shalt  }
0x68: {  	_ =	shalt  }
0x69: {  	_ =	shalt  }
0x6a: {  	_ =	shalt  }
0x6b: {  	_ =	shalt  }
0x6c: {  	_ =	shalt  }
0x6d: {  	_ =	shalt  }
0x6e: {  	_ =	shalt  }
0x6f: {  	_ =	shalt  }
0x70: {  	_ =	shalt  }
0x71: {  	_ =	shalt  }
0x72: {  	_ =	shalt  }
0x73: {  	_ =	shalt  }
0x74: {  	_ =	shalt  }
0x75: {  	_ =	shalt  }
0x76: {  	_ =	shalt  }
0x77: {  	_ =	shalt  }
0x78: {  	_ =	shalt  }
0x79: {  	_ =	shalt  }
0x7a: {  	_ =	shalt  }
0x7b: {  	_ =	shalt  }
0x7c: {  	_ =	shalt  }
0x7d: {  	_ =	shalt  }
0x7e: {  	_ =	shalt  }
0x7f: {  	_ =	shalt  }
0x80: {  	_ =	shalt  }
0x81: {  	_ =	shalt  }
0x82: {  	_ =	shalt  }
0x83: {  	_ =	shalt  }
0x84: {  	_ =	shalt  }
0x85: {  	_ =	shalt  }
0x86: {  	_ =	shalt  }
0x87: {  	_ =	shalt  }
.Lfunc_end0:
.L_simem_size_0:
called_computation_lowered:
.L_overlay_start_0:
0x88: {  	s2 =	sld [smem:$0x3FD9]  }
0x89: {  	s3 =	sld [smem:$0x3FFE];
	_ =	sdelay $0x1  }
0x8a: {  	s1 =	srdreg.scid  }
0x8b: {  	s0 =	sand.u32 $0x1, s1  }
0x8c: {  	s16 =	sshll.u32 s0, $0xA;
	s2 =	sadd.s32 s3, s2  }
0x8d: {  	s2 =	sadd.s32 s2, s16  }
0x8e: {  	[smem:$0x3FC2] =	sst s2  }
0x8f: {  	_ = 	snop  }
0x90: {  	(tm) =	ssettm $0x1  }
0x91: {  	s17 =	sld [smem:$0x3FFB];
	_ =	sdelay $0x3  }
0x92: {  	_ =	strace s17  }
0x93: {  	s2 =	sld [smem:$0x3FFC];
	_ =	sdelay $0x3  }
0x94: {  	_ =	strace s2  }
0x95: {  	s2 =	sld [smem:$0x3FFD];
	_ =	sdelay $0x3  }
0x96: {  	_ =	strace s2  }
0x97: {  	_ =	strace $0x8FFFFFFF  }
0x98: {  	s18 =	sld [smem:$0x3FDB];
	_ =	sdelay $0x1  }
0x99: {  	s19 =	simm.s32 $_scs_section_size  }
0x9a: {  	s4 =	simm.s32 $_size__tile_overlayer_lowered;
	s5 =	simm.s32 $_tile_overlayer_lowered  }
0x9b: {  	s22 =	simm.s32 $0x1BFF;
	s21 =	sshll.u32 s5, $0x1;
	s2 =	sadd.s32 s19, s18  }
0x9c: {  	s6 =	simm.s32 $0x0;
	s20 =	sshll.u32 s4, $0x1;
	s4 =	sadd.s32 s21, s2  }
0x9d: {  	[timem:s6], [sflag:s22] =	dma.local [hbm:s4], s20  }
0x9e: {  	_ =	swait.ge [sflag:s22], s20  }
0x9f: {  	s3 =	ssub.s32 $0x0, s20;
	[sflag:s22] =	ssyncset.done $0x0  }
0xa0: {  	[sflag:s22] =	ssyncadd.s32 s3;
	_ =	sdelay $0x1  }
0xa1: {  	s23 =	simm.s32 $0x1B8B  }
0xa2: {  	_ =	swait.ge [sflag:s23], $0x1  }
0xa3: {  	[sflag:s23] =	ssyncset.done $0x0  }
0xa4: {  	s25 =	simm.s32 $0x1B8E;
	s24 =	sld [smem:$0x3FFE];
	[sflag:s23] =	ssyncadd.s32 $0xFFFFFFFF  }
0xa5: {  	s26 =	simm.s32 $execute0_lowered;
	[smem:$0x3FD2] =	sst s25  }
0xa6: {  	s4 =	sshll.u32 s26, $0x1;
	_ =	strace $0x80000046;
	[dreg:$0x1] =	wrdreg $0xFFFFFFFF  }
0xa7: {  	s28 =	simm.s32 $_size_execute0_lowered;
	s2 =	sadd.s32 s2, s4;
	[dreg:$0x0] =	wrdreg $0x0  }
0xa8: {  	s4 =	sshll.u32 s28, $0x1;
	[dreg:$0x2] =	wrdreg s2  }
0xa9: {  	[dreg:$0x3] =	wrdreg s4  }
0xaa: {  	[dreg:$0x4] =	wrdreg $0xC0  }
0xab: {  	_ =	task [dreg:s6], $0x5FFFF  }
0xac: {  	[dreg:$0x1] =	wrdreg $0xFFFFFFFF  }
0xad: {  	[dreg:$0x0] =	wrdreg $0x60  }
0xae: {  	[dreg:$0x2] =	wrdreg s24  }
0xaf: {  	[dreg:$0x3] =	wrdreg $0x49000  }
0xb0: {  	[dreg:$0x4] =	wrdreg $0x9  }
0xb1: {  	_ =	task.clear_ibuf [dreg:s6], $0x5FFFF;
	_ =	strace $0x90000046  }
0xb2: {  	s29 =	simm.s32 $0x9;
	_ =	strace $0x80000048  }
0xb3: {  	_ =	swait.ge [sflag:s29], $0x1  }
0xb4: {  	[sflag:s29] =	ssyncadd.s32 $0xFFFFFFFF  }
0xb5: {  	_ =	strace $0x90000048  }
0xb6: {  	_ =	sfence  }
0xb7: {  	s30 =	sld [smem:$0x0];
	_ =	sdelay $0x2  }
0xb8: {  	s31 =	sshll.u32 s1, $0xD;
	s1 =	sshrl.u32 s1, $0x2  }
0xb9: {  	s3 =	sand.u32 $0x4000, s31;
	s1 =	sadd.s32 s1, s30  }
0xba: {  	s0 =	sor.u32 s3, s0;
	s1 =	sshll.u32 s1, $0x11  }
0xbb: {  	s0 =	sor.u32 s1, s0  }
0xbc: {  	s0 =	sadd.s32 $0x8F2B, s0  }
0xbd: {  	[sflag:s0] =	ssyncadd.remote.s32 $0x1  }
0xbe: {  	_ =	sfence.sel $0xFFFF  }
0xbf: {  	[dreg:$0x0] =	wrdreg $0xFFFFFFFF;
	(pc) =	sbr.abs _section_cstart, $3  }
0xc0: {  	[dreg:$0x1] =	wrdreg $0xFFFFFFFF  }
0xc1: {  	_ =	task.clear_ibuf [dreg:s6], $0x2FFFF;
	_ =	strace $0x9FFFFFFF  }
0xc2: {  	(tm) =	ssettm $0x7FFFFFFF  }
0xc3: {  	_ =	shalt  }
tec
execute0_lowered:
.L_overlay_start_1:
0x0: {  	(tag) =	ssettag $0x1  }
0x1: {  	s6 =	rddreg [dreg:$0x0]  }
0x2: {  	s1 =	rddreg [dreg:$0x1]  }
0x3: {  	s0 =	rddreg [dreg:$0x2]  }
0x4: {  	s3 =	simm.s32 $0x0;
	s4 =	srdreg.scid;
	s2 =	stileid.u32  }
0x5: {  	[smem:$0x7FF] =	sst s3;
	s10 =	smul.u32 $0x280, s2  }
0x6: {  	s19 =	sadd.s32 $0x2000, s6;
	s13 =	sand.u32 $0x1, s4;
	s8 =	smul.u32 $0x50000, s2  }
0x7: {  	s4 =	sadd.s32 $0x7000, s6;
	s5 =	sadd.s32 $0x7200, s6;
	s29 =	smul.u32 $0x1400, s2  }
0x8: {  	s16 =	sadd.s32 $0x7A00, s6;
	_ =	strace $0x80000047;
	s15 =	smul.u32 $0x2800, s13  }
0x9: {  	s7 =	ssub.s32 $0x2, s13;
	s23 =	sshll.u32 s13, $0x4;
	s25 =	smul.u32 $0x14000, s13  }
0xa: {  	s20 =	sshrl.u32 s7, $0x1;
	s21 =	sshrl.u32 s8, $0x2;
	s14 =	sadd.s32 $0x80, s10  }
0xb: {  	s18 =	sadd.s32 $0x100, s10;
	s11 =	sor.u32 s2, s23;
	s23 =	simm.s32 $0x1  }
0xc: {  	s17 =	ssub.s32 s7, s20;
	s6 =	sadd.s32 s21, s1;
	s22 =	sshll.u32 s14, $0x7  }
0xd: {  	s9 =	sshll.u32 s18, $0x7;
	s20 =	sadd.s32 $0x180, s10;
	s11 =	smul.u32 $0x1400, s11  }
0xe: {  	s21 =	sadd.s32 $0x200, s10;
	s10 =	sadd.s32 s10, s15;
	s14 =	sadd.s32 s15, s14  }
0xf: {  	s18 =	sadd.s32 s15, s18;
	s7 =	sadd.s32 s22, s1;
	s8 =	sadd.s32 s9, s1  }
0x10: {  	s24 =	sshll.u32 s20, $0x7;
	s12 =	sshll.u32 s21, $0x7;
	s22 =	sshll.u32 s10, $0x4  }
0x11: {  	s26 =	sshll.u32 s14, $0x4;
	s28 =	sshll.u32 s18, $0x4;
	s20 =	sadd.s32 s15, s20  }
0x12: {  	s21 =	sadd.s32 s15, s21;
	s18 =	sadd.s32 s29, s25;
	s17 =	smax.u32 s17, $0x1  }
0x13: {  	s25 =	simm.s32 $0x100;
	s9 =	sadd.s32 s24, s1;
	s11 =	sshrl.u32 s11, $0x3  }
0x14: {  	s10 =	sadd.s32 s12, s1;
	s12 =	sadd.s32 s16, s22;
	s13 =	sadd.s32 s16, s26  }
0x15: {  	s14 =	sadd.s32 s16, s28;
	s20 =	sshll.u32 s20, $0x4;
	s30 =	sshll.u32 s21, $0x4  }
0x16: {  	s18 =	sor.u32 $0x100, s18;
	s21 =	simm.s32 $0x900;
	s22 =	simm.s32 $0x80  }
0x17: {  	s24 =	simm.s32 $0x2;
	s26 =	simm.s32 $0x0;
	s11 =	sadd.s32 s19, s11  }
0x18: {  	s15 =	sadd.s32 s16, s20;
	s16 =	sadd.s32 s16, s30;
	s31 =	sshrl.u32 s18, $0x3  }
0x19: {  	vm0 =	vmmov $0xffff;
	s20 =	simm.s32 $0x3;
	s18 =	sadd.s32 $0x10, s11;
	s19 =	sadd.s32 s31, s19  }
.LBB2_1:
0x1a: {  	[tilespmem:s25], [sflag:$0x3] =	stream.linear.gather [hbm4b:s4+s3], $0x800, $0x38;
	[tilespmem:$0x18900] =	vst v63  }
0x1b: {  	_ =	swait.ge [sflag:s20], $0x800  }
0x1c: {  	[sflag:s20] =	ssyncset.done $0x0  }
0x1d: {  	[sflag:s20] =	ssyncadd.s32 $0xFFFFF800  }
0x1e: {  	[tilespmem:s21], [sflag:$0x3] =	stream.linear.gather [hbm4b:s5+s3], $0x4000, $0x38;
	[tilespmem:$0x18900] =	vst v63  }
0x1f: {  	_ =	swait.ge [sflag:s20], $0x4000  }
0x20: {  	[sflag:s20] =	ssyncset.done $0x0  }
0x21: {  	[sflag:s20] =	ssyncadd.s32 $0xFFFFC000  }
0x22: {  	[spmem:s6] =	stream.linear.scatter [tilespmem:s21], [sflag:$0x3], $0x4000, $0x38;
	[tilespmem:$0x18900] =	vst v63  }
0x23: {  	_ =	swait.ge [sflag:s20], $0x4000  }
0x24: {  	[sflag:s20] =	ssyncset.done $0x0  }
0x25: {  	[sflag:s20] =	ssyncadd.s32 $0xFFFFC000  }
0x26: {  	[spmem:s7] =	stream.linear.scatter [tilespmem:s21], [sflag:$0x3], $0x4000, $0x38;
	[tilespmem:$0x18900] =	vst v63  }
0x27: {  	_ =	swait.ge [sflag:s20], $0x4000  }
0x28: {  	[sflag:s20] =	ssyncset.done $0x0  }
0x29: {  	[sflag:s20] =	ssyncadd.s32 $0xFFFFC000  }
0x2a: {  	[spmem:s8] =	stream.linear.scatter [tilespmem:s21], [sflag:$0x3], $0x4000, $0x38;
	[tilespmem:$0x18900] =	vst v63  }
0x2b: {  	_ =	swait.ge [sflag:s20], $0x4000  }
0x2c: {  	[sflag:s20] =	ssyncset.done $0x0  }
0x2d: {  	[sflag:s20] =	ssyncadd.s32 $0xFFFFC000  }
0x2e: {  	[spmem:s9] =	stream.linear.scatter [tilespmem:s21], [sflag:$0x3], $0x4000, $0x38;
	[tilespmem:$0x18900] =	vst v63  }
0x2f: {  	_ =	swait.ge [sflag:s20], $0x4000  }
0x30: {  	[sflag:s20] =	ssyncset.done $0x0  }
0x31: {  	[sflag:s20] =	ssyncadd.s32 $0xFFFFC000  }
0x32: {  	[spmem:s10] =	stream.linear.scatter [tilespmem:s21], [sflag:$0x3], $0x4000, $0x38;
	[tilespmem:$0x18900] =	vst v63  }
0x33: {  	_ =	swait.ge [sflag:s20], $0x4000  }
0x34: {  	[sflag:s20] =	ssyncset.done $0x0  }
0x35: {  	[sflag:s20] =	ssyncadd.s32 $0xFFFFC000  }
0x36: {  	[bflag:$0x0] =	sbarrier.arrive $0xFFFF  }
0x37: {  	[tilespmem:s3], [sflag:$0x3] =	stream.linear.gather [hbm4b:s11+s3], $0x80, $0x38;
	[tilespmem:$0x18900] =	vst v63  }
0x38: {  	_ =	swait.ge [sflag:s20], $0x80  }
0x39: {  	[sflag:s20] =	ssyncset.done $0x0  }
0x3a: {  	[sflag:s20] =	ssyncadd.s32 $0xFFFFFF80  }
0x3b: {  	v0 =	vld [tilespmem:$0x0];
	_ =	sdelay $0x7  }
0x3c: {  	[spmem:s1] =	stream.indirect_vreg.scatter.add.f32 [tilespmem:s25], [sflag:$0x1], $0x80, v0, vm0, $0xb8;
	[tilespmem:$0x18900] =	vst v63  }
0x3d: {  	v0 =	vld [tilespmem:$0x10];
	_ =	sdelay $0x7  }
0x3e: {  	[spmem:s1] =	stream.indirect_vreg.scatter.add.f32 [tilespmem:s25], [sflag:$0x1], $0x80, v0, vm0, $0xb8;
	[tilespmem:$0x18900] =	vst v63  }
0x3f: {  	v0 =	vld [tilespmem:$0x20];
	_ =	sdelay $0x7  }
0x40: {  	[spmem:s1] =	stream.indirect_vreg.scatter.add.f32 [tilespmem:s25], [sflag:$0x1], $0x80, v0, vm0, $0xb8;
	[tilespmem:$0x18900] =	vst v63  }
0x41: {  	v0 =	vld [tilespmem:$0x30];
	_ =	sdelay $0x7  }
0x42: {  	[spmem:s1] =	stream.indirect_vreg.scatter.add.f32 [tilespmem:s25], [sflag:$0x1], $0x80, v0, vm0, $0xb8;
	[tilespmem:$0x18900] =	vst v63  }
0x43: {  	v0 =	vld [tilespmem:$0x40];
	_ =	sdelay $0x7  }
0x44: {  	[spmem:s1] =	stream.indirect_vreg.scatter.add.f32 [tilespmem:s25], [sflag:$0x1], $0x80, v0, vm0, $0xb8;
	[tilespmem:$0x18900] =	vst v63  }
0x45: {  	v0 =	vld [tilespmem:$0x50];
	_ =	sdelay $0x7  }
0x46: {  	[spmem:s1] =	stream.indirect_vreg.scatter.add.f32 [tilespmem:s25], [sflag:$0x1], $0x80, v0, vm0, $0xb8;
	[tilespmem:$0x18900] =	vst v63  }
0x47: {  	v0 =	vld [tilespmem:$0x60];
	_ =	sdelay $0x7  }
0x48: {  	[spmem:s1] =	stream.indirect_vreg.scatter.add.f32 [tilespmem:s25], [sflag:$0x1], $0x80, v0, vm0, $0xb8;
	[tilespmem:$0x18900] =	vst v63  }
0x49: {  	v0 =	vld [tilespmem:$0x70];
	_ =	sdelay $0x7  }
0x4a: {  	[spmem:s1] =	stream.indirect_vreg.scatter.add.f32 [tilespmem:s25], [sflag:$0x1], $0x80, v0, vm0, $0xb8;
	[tilespmem:$0x18900] =	vst v63  }
0x4b: {  	s28 =	smov.u32 s19;
	s29 =	simm.s32 $0x100  }
0x4c: {  	[tilespmem:s22], [sflag:$0x2] =	stream.linear.gather [hbm4b:s18+s3], $0x80, $0x38;
	[tilespmem:$0x18900] =	vst v63  }
.LBB2_2:
0x4d: {  	_ =	swait.ge [sflag:s23], $0x4000  }
0x4e: {  	[sflag:s23] =	ssyncset.done $0x0  }
0x4f: {  	[sflag:s23] =	ssyncadd.s32 $0xFFFFC000  }
0x50: {  	_ =	swait.ge [sflag:s24], $0x80  }
0x51: {  	s30 =	sadd.s32 $0xFFFFFF80, s29;
	[sflag:s24] =	ssyncset.done $0x0  }
0x52: {  	s30 =	sand.u32 $0x80, s30;
	[sflag:s24] =	ssyncadd.s32 $0xFFFFFF80  }
0x53: {  	v0 =	vld [tilespmem:s30+$0x0];
	_ =	sdelay $0x7  }
0x54: {  	[spmem:s1] =	stream.indirect_vreg.scatter.add.f32 [tilespmem:s25], [sflag:$0x1], $0x80, v0, vm0, $0xb8;
	[tilespmem:$0x18900] =	vst v63  }
0x55: {  	v0 =	vld [tilespmem:s30+$0x10];
	_ =	sdelay $0x7  }
0x56: {  	[spmem:s1] =	stream.indirect_vreg.scatter.add.f32 [tilespmem:s25], [sflag:$0x1], $0x80, v0, vm0, $0xb8;
	[tilespmem:$0x18900] =	vst v63  }
0x57: {  	v0 =	vld [tilespmem:s30+$0x20];
	_ =	sdelay $0x7  }
0x58: {  	[spmem:s1] =	stream.indirect_vreg.scatter.add.f32 [tilespmem:s25], [sflag:$0x1], $0x80, v0, vm0, $0xb8;
	[tilespmem:$0x18900] =	vst v63  }
0x59: {  	v0 =	vld [tilespmem:s30+$0x30];
	_ =	sdelay $0x7  }
0x5a: {  	[spmem:s1] =	stream.indirect_vreg.scatter.add.f32 [tilespmem:s25], [sflag:$0x1], $0x80, v0, vm0, $0xb8;
	[tilespmem:$0x18900] =	vst v63  }
0x5b: {  	v0 =	vld [tilespmem:s30+$0x40];
	_ =	sdelay $0x7  }
0x5c: {  	[spmem:s1] =	stream.indirect_vreg.scatter.add.f32 [tilespmem:s25], [sflag:$0x1], $0x80, v0, vm0, $0xb8;
	[tilespmem:$0x18900] =	vst v63  }
0x5d: {  	v0 =	vld [tilespmem:s30+$0x50];
	_ =	sdelay $0x7  }
0x5e: {  	[spmem:s1] =	stream.indirect_vreg.scatter.add.f32 [tilespmem:s25], [sflag:$0x1], $0x80, v0, vm0, $0xb8;
	[tilespmem:$0x18900] =	vst v63  }
0x5f: {  	v0 =	vld [tilespmem:s30+$0x60];
	_ =	sdelay $0x7  }
0x60: {  	[spmem:s1] =	stream.indirect_vreg.scatter.add.f32 [tilespmem:s25], [sflag:$0x1], $0x80, v0, vm0, $0xb8;
	[tilespmem:$0x18900] =	vst v63  }
0x61: {  	v0 =	vld [tilespmem:s30+$0x70];
	_ =	sdelay $0x2  }
0x62: {  	p0 =	seq.s32 s29, $0x1400  }
0x63: {  	s30 =	sand.u32 @!p0 $0x80, s29;
	s29 =	sadd.s32 @!p0 $0x80, s29  }
0x64: {  	p1 =	sne.s32 @!p0 s29, $0x1480  }
0x65: {  	p1 =	por p0, !p1  }
.Ltmp0:
0x66: {  	_ = 	snop;
	(pc) =	sbr.rel @!p1 .LBB2_2-.Ltmp0, $4  }
0x67: {  	[spmem:s1] =	stream.indirect_vreg.scatter.add.f32 [tilespmem:s25], [sflag:$0x1], $0x80, v0, vm0, $0xb8;
	[tilespmem:$0x18900] =	vst v63  }
0x68: {  	s31 =	simm.s32 @!p0 $0x0  }
0x69: {  	[tilespmem:s30], [sflag:$0x2] =	stream.linear.gather @!p0 [hbm4b:s28+s31], $0x80, $0x38;
	[tilespmem:$0x18900] =	vst v63  }
0x6a: {  	s28 =	sadd.s32 @!p0 $0x10, s28  }
0x6b: {  	_ =	swait.ge [sflag:s23], $0x4000  }
0x6c: {  	[sflag:s23] =	ssyncset.done $0x0  }
0x6d: {  	[sflag:s23] =	ssyncadd.s32 $0xFFFFC000  }
0x6e: {  	[bflag:$0x0] =	sbarrier.arrive $0xFFFF  }
0x6f: {  	[tilespmem:s21], [sflag:$0x3] =	stream.linear.gather [spmem:s6], $0x4000, $0x38;
	[tilespmem:$0x18900] =	vst v63  }
0x70: {  	_ =	swait.ge [sflag:s20], $0x4000  }
0x71: {  	[sflag:s20] =	ssyncset.done $0x0  }
0x72: {  	[sflag:s20] =	ssyncadd.s32 $0xFFFFC000  }
0x73: {  	[hbm4b:s12+s3] =	stream.linear.scatter [tilespmem:s21], [sflag:$0x3], $0x4000, $0x38;
	[tilespmem:$0x18900] =	vst v63  }
0x74: {  	_ =	swait.ge [sflag:s20], $0x4000  }
0x75: {  	[sflag:s20] =	ssyncset.done $0x0  }
0x76: {  	[sflag:s20] =	ssyncadd.s32 $0xFFFFC000  }
0x77: {  	[tilespmem:s21], [sflag:$0x3] =	stream.linear.gather [spmem:s7], $0x4000, $0x38;
	[tilespmem:$0x18900] =	vst v63  }
0x78: {  	_ =	swait.ge [sflag:s20], $0x4000  }
0x79: {  	[sflag:s20] =	ssyncset.done $0x0  }
0x7a: {  	[sflag:s20] =	ssyncadd.s32 $0xFFFFC000  }
0x7b: {  	[hbm4b:s13+s3] =	stream.linear.scatter [tilespmem:s21], [sflag:$0x3], $0x4000, $0x38;
	[tilespmem:$0x18900] =	vst v63  }
0x7c: {  	_ =	swait.ge [sflag:s20], $0x4000  }
0x7d: {  	[sflag:s20] =	ssyncset.done $0x0  }
0x7e: {  	[sflag:s20] =	ssyncadd.s32 $0xFFFFC000  }
0x7f: {  	[tilespmem:s21], [sflag:$0x3] =	stream.linear.gather [spmem:s8], $0x4000, $0x38;
	[tilespmem:$0x18900] =	vst v63  }
0x80: {  	_ =	swait.ge [sflag:s20], $0x4000  }
0x81: {  	[sflag:s20] =	ssyncset.done $0x0  }
0x82: {  	[sflag:s20] =	ssyncadd.s32 $0xFFFFC000  }
0x83: {  	[hbm4b:s14+s3] =	stream.linear.scatter [tilespmem:s21], [sflag:$0x3], $0x4000, $0x38;
	[tilespmem:$0x18900] =	vst v63  }
0x84: {  	_ =	swait.ge [sflag:s20], $0x4000  }
0x85: {  	[sflag:s20] =	ssyncset.done $0x0  }
0x86: {  	[sflag:s20] =	ssyncadd.s32 $0xFFFFC000  }
0x87: {  	[tilespmem:s21], [sflag:$0x3] =	stream.linear.gather [spmem:s9], $0x4000, $0x38;
	[tilespmem:$0x18900] =	vst v63  }
0x88: {  	_ =	swait.ge [sflag:s20], $0x4000  }
0x89: {  	[sflag:s20] =	ssyncset.done $0x0  }
0x8a: {  	[sflag:s20] =	ssyncadd.s32 $0xFFFFC000  }
0x8b: {  	[hbm4b:s15+s3] =	stream.linear.scatter [tilespmem:s21], [sflag:$0x3], $0x4000, $0x38;
	[tilespmem:$0x18900] =	vst v63  }
0x8c: {  	_ =	swait.ge [sflag:s20], $0x4000  }
0x8d: {  	[sflag:s20] =	ssyncset.done $0x0  }
0x8e: {  	[sflag:s20] =	ssyncadd.s32 $0xFFFFC000  }
0x8f: {  	[tilespmem:s21], [sflag:$0x3] =	stream.linear.gather [spmem:s10], $0x4000, $0x38;
	[tilespmem:$0x18900] =	vst v63  }
0x90: {  	s26 =	sadd.s32 $0x1, s26;
	_ =	swait.ge [sflag:s20], $0x4000  }
0x91: {  	p0 =	sne.s32 s26, s17;
	[sflag:s20] =	ssyncset.done $0x0  }
.Ltmp1:
0x92: {  	[sflag:s20] =	ssyncadd.s32 $0xFFFFC000;
	(pc) =	sbr.rel @p0 .LBB2_1-.Ltmp1, $4  }
0x93: {  	[hbm4b:s16+s3] =	stream.linear.scatter [tilespmem:s21], [sflag:$0x3], $0x4000, $0x38;
	[tilespmem:$0x18900] =	vst v63  }
0x94: {  	_ =	swait.ge [sflag:s20], $0x4000  }
0x95: {  	[sflag:s20] =	ssyncset.done $0x0  }
0x96: {  	[sflag:s20] =	ssyncadd.s32 $0xFFFFC000  }
0x97: {  	_ =	sfence.sel $0x180000  }
0x98: {  	[bflag:$0x0] =	sbarrier.arrive $0xFFFF  }
0x99: {  	p0 =	sne.s32 s2, $0x0;
	_ =	strace $0x90000047  }
0x9a: {  	s0 =	sadd.s32 @!p0 $0x100000, s0;
	[bflag:$0x2] =	sbarrier.arrive $0xFFFF  }
0x9b: {  	[sflag:s0] =	ssyncadd.tile.s32 @!p0 $0x1;
	_ =	shalt  }
.Lfunc_end2:
_tile_overlayer_lowered:
.L_overlay_start_2:
0x9c: {  	(tag) =	ssettag $0x2  }
0x9d: {  	s0 =	rddreg [dreg:$0x0];
	s2 =	stileid.u32  }
0x9e: {  	s1 =	rddreg [dreg:$0x1];
	p0 =	sne.s32 s2, $0x0  }
0x9f: {  	s3 =	rddreg [dreg:$0x2];
	[bflag:$0x3] =	sbarrier.arrive $0xFFFF;
	s2 =	simm.s32 @!p0 $0x1C03  }
0xa0: {  	[timem:s3], [sflag:s2] =	dma.local @!p0 [hbm:s0], s1  }
0xa1: {  	s0 =	simm.s32 @!p0 $0x3  }
0xa2: {  	_ =	swait.ge @!p0 [sflag:s0], s1  }
0xa3: {  	s1 =	ssub.s32 @!p0 $0x0, s1;
	[sflag:s0] =	ssyncset.done @!p0 $0x0  }
0xa4: {  	[sflag:s0] =	ssyncadd.s32 @!p0 s1  }
0xa5: {  	[bflag:$0x3] =	sbarrier.arrive $0xFFFF  }
0xa6: {  	_ =	shalt  }

</sc_bundles>
